<compile_context>
chip_gen: v7x
topology: tpu7x:2x2x1
jax: 0.10.2.dev20260603
libtpu: 0.0.44.dev20260713+nightly
codegen_flags: <defaults>
</compile_context>

<pallas_src>
import jax
import jax.numpy as jnp
from jax import lax
from jax.experimental import pallas as pl
from jax.experimental.pallas import tpu as pltpu
from jax.experimental.pallas import tpu_sc as plsc

T = 32768
D = 1024
E = 64
CAP = 640
L = 16
NC, NS = 2, 16
NW = NC * NS
EPW = E // NW
CHT = 2048
NCH = T // CHT
RB = 16
ZRB = 16
NBUF = 6
PAD = 688


def _mesh():
    return plsc.VectorSubcoreMesh(core_axis_name="c", subcore_axis_name="s")


def _dispatch_body(x_hbm, eid_hbm, w_hbm, z_hbm,
                   dx_hbm, cw_hbm, ti_hbm, cnt_hbm,
                   eid_a, eid_b, w_a, w_b, t0, c0, t1, c1, mg_i, mg_f,
                   idx_0, idx_1, idx_2, idx_3, idx_4, idx_5,
                   rbuf_0, rbuf_1, rbuf_2, rbuf_3, rbuf_4, rbuf_5, zb, st_v,
                   lea, leb, lwa, lwb, g0s, g1s, g2s, g3s, g4s, g5s,
                   w0s, w1s, w2s, w3s, w4s, w5s, zs):
    c = lax.axis_index("c")
    s = lax.axis_index("s")
    wid = s * NC + c
    e0 = wid * EPW
    iota = lax.iota(jnp.int32, L)
    e0v = jnp.broadcast_to(e0, (L,))
    e1v = e0v + 1

    pltpu.sync_copy(z_hbm, zb)

    def issue_load(ch, ebuf, wbuf, esem, wsem):
        pltpu.async_copy(eid_hbm.at[pl.ds(ch * CHT, CHT)], ebuf, esem)
        pltpu.async_copy(w_hbm.at[pl.ds(ch * CHT, CHT)], wbuf, wsem)

    def wait_load(ebuf, wbuf, esem, wsem):
        pltpu.make_async_copy(eid_hbm.at[pl.ds(0, CHT)], ebuf, esem).wait()
        pltpu.make_async_copy(w_hbm.at[pl.ds(0, CHT)], wbuf, wsem).wait()

    widv = jnp.broadcast_to(wid, (L,))

    def scan_chunk(ch, ebuf, wbuf, carry):
        base_tok = ch * CHT

        def vreg_body(i, cc):
            cnt0, cnt1 = cc
            ev = ebuf[pl.ds(i * L, L)]
            wv = wbuf[pl.ds(i * L, L)]
            tok = base_tok + i * L + iota
            m0 = ev == e0v
            m1 = ev == e1v
            b0 = jnp.minimum(cnt0, PAD - L)
            plsc.store_compressed(t0.at[pl.ds(b0, L)], tok, mask=m0)
            plsc.store_compressed(c0.at[pl.ds(b0, L)], wv, mask=m0)
            cnt0 = cnt0 + plsc.all_reduce_population_count(m0)[0]
            b1 = jnp.minimum(cnt1, PAD - L)
            plsc.store_compressed(t1.at[pl.ds(b1, L)], tok, mask=m1)
            plsc.store_compressed(c1.at[pl.ds(b1, L)], wv, mask=m1)
            cnt1 = cnt1 + plsc.all_reduce_population_count(m1)[0]
            return (cnt0, cnt1)

        return lax.fori_loop(0, CHT // L, vreg_body, carry)

    issue_load(0, eid_a, w_a, lea, lwa)

    def pair_body(i2, carry):
        ch0 = 2 * i2
        issue_load(ch0 + 1, eid_b, w_b, leb, lwb)
        wait_load(eid_a, w_a, lea, lwa)
        carry = scan_chunk(ch0, eid_a, w_a, carry)

        @pl.when(ch0 + 2 < NCH)
        def _():
            issue_load(ch0 + 2, eid_a, w_a, lea, lwa)

        wait_load(eid_b, w_b, leb, lwb)
        return scan_chunk(ch0 + 1, eid_b, w_b, carry)

    cnt0, cnt1 = lax.fori_loop(0, NCH // 2, pair_body,
                               (jnp.int32(0), jnp.int32(0)))

    st_v[...] = jnp.where(iota == 0, cnt0, jnp.where(iota == 1, cnt1, 0))
    pltpu.sync_copy(st_v, cnt_hbm.at[pl.ds(wid * L, L)])

    for j, (t_ref, c_ref, cnt) in enumerate(((t0, c0, cnt0), (t1, c1, cnt1))):
        e = e0 + j
        v = jnp.minimum(cnt, CAP)

        def mrow(k, _):
            sl = pl.ds(k * L, L)
            valid = (k * L + iota) < v
            mg_i[sl] = jnp.where(valid, t_ref[sl], -1)
            mg_f[sl] = jnp.where(valid, c_ref[sl], 0.0)
            return 0

        lax.fori_loop(0, CAP // L, mrow, 0)
        pltpu.sync_copy(mg_i, ti_hbm.at[pl.ds(pl.multiple_of(e * CAP, 8), CAP)])
        pltpu.sync_copy(mg_f, cw_hbm.at[pl.ds(pl.multiple_of(e * CAP, 8), CAP)])

        nfull = v // RB
        rem = v - nfull * RB
        fl = pl.multiple_of(nfull * RB, 8)
        fltot = fl + RB * jnp.minimum(rem, 1)

        nzz = (CAP - fltot) // ZRB

        def zchunk(i, _):
            z = pl.multiple_of(fltot + i * ZRB, 8)
            pltpu.async_copy(zb, dx_hbm.at[e, pl.ds(z, ZRB)], zs)
            return 0

        lax.fori_loop(0, nzz, zchunk, 0)

        slots = ((idx_0, rbuf_0, g0s, w0s), (idx_1, rbuf_1, g1s, w1s),
                 (idx_2, rbuf_2, g2s, w2s), (idx_3, rbuf_3, g3s, w3s),
                 (idx_4, rbuf_4, g4s, w4s), (idx_5, rbuf_5, g5s, w5s))

        def build_idx(w0, ibuf):
            for q in range(RB // L):
                tv = t_ref[pl.ds(w0 + q * L, L)]
                ibuf[pl.ds(q * L, L)] = jnp.maximum(jnp.minimum(tv, T - 1), 0)

        def issue_gather(ch, ibuf, rb_, gsem):
            build_idx(pl.multiple_of(ch * RB, 8), ibuf)
            pltpu.async_copy(x_hbm.at[ibuf], rb_, gsem)

        for b, (ibuf, rb_, gsem, wsem) in enumerate(slots):
            @pl.when(b < nfull)
            def _(b=b, ibuf=ibuf, rb_=rb_, gsem=gsem):
                issue_gather(b, ibuf, rb_, gsem)

        def ggroup(g, _):
            chb = g * NBUF
            for b, (ibuf, rb_, gsem, wsem) in enumerate(slots):
                @pl.when(chb + b < nfull)
                def _(b=b, ibuf=ibuf, rb_=rb_, gsem=gsem, wsem=wsem):
                    ch = chb + b
                    pltpu.make_async_copy(x_hbm.at[ibuf], rb_, gsem).wait()
                    pltpu.async_copy(
                        rb_, dx_hbm.at[e, pl.ds(
                            pl.multiple_of(ch * RB, 8), RB)], wsem)
            for b, (ibuf, rb_, gsem, wsem) in enumerate(slots):
                @pl.when(chb + b + NBUF < nfull)
                def _(b=b, ibuf=ibuf, rb_=rb_, gsem=gsem, wsem=wsem):
                    pltpu.make_async_copy(
                        rb_, dx_hbm.at[e, pl.ds(0, RB)], wsem).wait()
                    issue_gather(chb + b + NBUF, ibuf, rb_, gsem)
            return 0

        lax.fori_loop(0, (nfull + NBUF - 1) // NBUF, ggroup, 0)

        for b, (ibuf, rb_, gsem, wsem) in enumerate(slots):
            @pl.when(b < nfull)
            def _(rb_=rb_, wsem=wsem):
                pltpu.make_async_copy(
                    rb_, dx_hbm.at[e, pl.ds(0, RB)], wsem).wait()

        @pl.when(rem > 0)
        def _():
            for q in range(RB // L):
                pos = fl + q * L + iota
                tv = t_ref[pl.ds(fl + q * L, L)]
                tv = jnp.where(pos < v, tv, 0)
                idx_0[pl.ds(q * L, L)] = jnp.maximum(jnp.minimum(tv, T - 1), 0)
            pltpu.sync_copy(x_hbm.at[idx_0], rbuf_0)

            def zr(r, _):
                def zc(q2, _2):
                    rbuf_0[r, pl.ds(q2 * L, L)] = jnp.zeros((L,), jnp.float32)
                    return 0

                lax.fori_loop(0, D // L, zc, 0)
                return 0

            lax.fori_loop(rem, RB, zr, 0)
            pltpu.sync_copy(rbuf_0, dx_hbm.at[e, pl.ds(fl, RB)])

        def zdrain(i, _):
            pltpu.make_async_copy(zb, dx_hbm.at[e, pl.ds(0, ZRB)], zs).wait()
            return 0

        lax.fori_loop(0, nzz, zdrain, 0)


def _drops_body(cnt_hbm, out_hbm, cbuf, obuf):
    c = lax.axis_index("c")
    s = lax.axis_index("s")
    wid = s * NC + c

    @pl.when(wid == 0)
    def _():
        pltpu.sync_copy(cnt_hbm, cbuf)

        def body(i, acc):
            vv = cbuf[pl.ds(i * L, L)]
            return acc + jnp.maximum(vv - CAP, 0)

        acc = lax.fori_loop(0, NW, body, jnp.zeros((L,), jnp.int32))
        tot = jnp.sum(acc)
        obuf[...] = jnp.where(lax.iota(jnp.int32, L) == 0, tot, 0)
        pltpu.sync_copy(obuf, out_hbm)


def kernel(x, expert_ids, expert_weights):
    zeros = jnp.zeros((ZRB, D), jnp.float32)
    eid = expert_ids.astype(jnp.int32)

    k1 = pl.kernel(
        _dispatch_body,
        out_type=(
            jax.ShapeDtypeStruct((E, CAP, D), jnp.float32),
            jax.ShapeDtypeStruct((E * CAP,), jnp.float32),
            jax.ShapeDtypeStruct((E * CAP,), jnp.int32),
            jax.ShapeDtypeStruct((NW * L,), jnp.int32),
        ),
        mesh=_mesh(),
        compiler_params=pltpu.CompilerParams(needs_layout_passes=False),
        scratch_types=[
            pltpu.VMEM((CHT,), jnp.int32),
            pltpu.VMEM((CHT,), jnp.int32),
            pltpu.VMEM((CHT,), jnp.float32),
            pltpu.VMEM((CHT,), jnp.float32),
            pltpu.VMEM((PAD,), jnp.int32),
            pltpu.VMEM((PAD,), jnp.float32),
            pltpu.VMEM((PAD,), jnp.int32),
            pltpu.VMEM((PAD,), jnp.float32),
            pltpu.VMEM((CAP,), jnp.int32),
            pltpu.VMEM((CAP,), jnp.float32),
        pltpu.VMEM((RB,), jnp.int32),
            pltpu.VMEM((RB,), jnp.int32),
            pltpu.VMEM((RB,), jnp.int32),
            pltpu.VMEM((RB,), jnp.int32),
            pltpu.VMEM((RB,), jnp.int32),
            pltpu.VMEM((RB,), jnp.int32),
            pltpu.VMEM((RB, D), jnp.float32),
            pltpu.VMEM((RB, D), jnp.float32),
            pltpu.VMEM((RB, D), jnp.float32),
            pltpu.VMEM((RB, D), jnp.float32),
            pltpu.VMEM((RB, D), jnp.float32),
            pltpu.VMEM((RB, D), jnp.float32),
            pltpu.VMEM((ZRB, D), jnp.float32),
            pltpu.VMEM((L,), jnp.int32),
            pltpu.SemaphoreType.DMA,
            pltpu.SemaphoreType.DMA,
            pltpu.SemaphoreType.DMA,
            pltpu.SemaphoreType.DMA,
            pltpu.SemaphoreType.DMA,
            pltpu.SemaphoreType.DMA,
            pltpu.SemaphoreType.DMA,
            pltpu.SemaphoreType.DMA,
            pltpu.SemaphoreType.DMA,
            pltpu.SemaphoreType.DMA,
            pltpu.SemaphoreType.DMA,
            pltpu.SemaphoreType.DMA,
            pltpu.SemaphoreType.DMA,
            pltpu.SemaphoreType.DMA,
            pltpu.SemaphoreType.DMA,
            pltpu.SemaphoreType.DMA,
            pltpu.SemaphoreType.DMA,
        ],
    )
    dx, cw, ti, cnts = k1(x, eid, expert_weights, zeros)

    k2 = pl.kernel(
        _drops_body,
        out_type=jax.ShapeDtypeStruct((L,), jnp.int32),
        mesh=_mesh(),
        compiler_params=pltpu.CompilerParams(needs_layout_passes=False),
        scratch_types=[
            pltpu.VMEM((NW * L,), jnp.int32),
            pltpu.VMEM((L,), jnp.int32),
        ],
    )
    dropped = k2(cnts)[0]
    return dx, cw.reshape(E, CAP), ti.reshape(E, CAP), dropped

# --- scband reference (transcript-rebuilt; emitter-appended) ---
"""Pipeline reference for scband-triton-expert-dispatch-30554397344327 (READ-ONLY COPY).

The authoritative reference and input builder live on the scoring server;
editing this copy changes nothing except your own understanding.
"""

import math
import jax, jax.numpy as jnp
import numpy as np

NUM_EXPERTS = 64
CAPACITY_FACTOR = 1.25


def setup_inputs(seed: int = 0) -> dict:
    key = jax.random.key(seed)
    k1, k2, k3 = jax.random.split(key, 3)
    num_tokens = 32768
    embed_dim = 1024
    x = jax.random.normal(k1, (num_tokens, embed_dim), dtype=jnp.float32)
    expert_ids = jax.random.randint(k2, (num_tokens,), 0, NUM_EXPERTS)
    expert_weights = jax.random.uniform(k3, (num_tokens,), dtype=jnp.float32)
    return {"x": x, "expert_ids": expert_ids, "expert_weights": expert_weights}


def reference(x, expert_ids, expert_weights):
    num_tokens, embed_dim = x.shape
    capacity = max(int(math.ceil(num_tokens / NUM_EXPERTS * CAPACITY_FACTOR)), 1)
    eid = jnp.clip(expert_ids, 0, NUM_EXPERTS - 1)
    # stable argsort (jnp.argsort is stable by default)
    sort_indices = jnp.argsort(eid)
    sorted_eid = eid[sort_indices]
    boundaries = jnp.concatenate([jnp.array([True]), sorted_eid[1:] != sorted_eid[:-1]])
    raw_cumsum = jnp.cumsum(jnp.ones(num_tokens, dtype=jnp.int32))
    seg_start = jnp.where(boundaries, raw_cumsum, jnp.zeros_like(raw_cumsum))
    seg_base = jax.lax.cummax(seg_start, axis=0)
    sorted_positions = raw_cumsum - seg_base
    positions = jnp.zeros(num_tokens, dtype=jnp.int32).at[sort_indices].set(sorted_positions)
    valid_mask = positions < capacity
    tokens_dropped = jnp.sum(~valid_mask)
    # route dropped tokens to a dummy expert row (sliced off afterwards) so
    # shapes stay static while matching the masked-scatter semantics of torch
    safe_e = jnp.where(valid_mask, eid, NUM_EXPERTS)
    safe_p = jnp.where(valid_mask, jnp.clip(positions, 0, capacity - 1), 0)
    dispatched_x = jnp.zeros((NUM_EXPERTS + 1, capacity, embed_dim), dtype=x.dtype).at[safe_e, safe_p].set(x)[:NUM_EXPERTS]
    combine_weights = jnp.zeros((NUM_EXPERTS + 1, capacity), dtype=x.dtype).at[safe_e, safe_p].set(expert_weights)[:NUM_EXPERTS]
    token_indices = jnp.full((NUM_EXPERTS + 1, capacity), -1, dtype=jnp.int32).at[safe_e, safe_p].set(jnp.arange(num_tokens, dtype=jnp.int32))[:NUM_EXPERTS]
    return (dispatched_x, combine_weights, token_indices, tokens_dropped)

if __name__ == "__main__":
    import jax
    _d = setup_inputs()
    print(jax.jit(kernel)(*tuple(_d.values())))

</pallas_src>

<mosaic_0001>
#map = affine_map<(d0, d1) -> (0)>
module attributes {stable_mosaic.version = 14 : i64} {
  func.func @_drops_body(%arg0: i32, %arg1: i32, %arg2: memref<512xi32, #tpu.memory_space<hbm>>, %arg3: memref<16xi32, #tpu.memory_space<hbm>>, %arg4: memref<512xi32, #tpu.memory_space<vmem>>, %arg5: memref<16xi32, #tpu.memory_space<vmem>>) attributes {dimension_semantics = [#tpu.dimension_semantics<core_parallel>, #tpu.dimension_semantics<subcore_parallel>], iteration_bounds = array<i64: 2, 16>, scalar_prefetch = 0 : i64, scratch_operands = 2 : i64, tpu.core_type = #tpu.core_type<sc_vector_subcore>, window_params = [{transform_indices = #map}, {transform_indices = #map}]} {
    %mul3A = arith.constant 2 : i32
    %mul3A_0 = arith.muli %arg1, %mul3A : i32
    %add3A = arith.addi %mul3A_0, %arg0 : i32
    %eq3A = arith.constant 0 : i32
    %eq3A_1 = arith.cmpi eq, %add3A, %eq3A : i32
    %convert_element_type3A = arith.extui %eq3A_1 : i1 to i32
    %cond3A = arith.constant 0 : i32
    %cond3A_2 = arith.cmpi ne, %convert_element_type3A, %cond3A : i32
    scf.if %cond3A_2 {
      "tpu.region"() ({
        %run_scoped3A = tpu.sem_alloc : memref<!tpu.dma_semaphore, #tpu.memory_space<semaphore_mem>>
        tpu.enqueue_dma source(%arg2 : memref<512xi32, #tpu.memory_space<hbm>>) target(%arg4 : memref<512xi32, #tpu.memory_space<vmem>>) target_semaphore(%run_scoped3A : memref<!tpu.dma_semaphore, #tpu.memory_space<semaphore_mem>>)
        tpu.wait_dma2 semaphore(%run_scoped3A : memref<!tpu.dma_semaphore, #tpu.memory_space<semaphore_mem>>) src(%arg2 : memref<512xi32, #tpu.memory_space<hbm>>) dst(%arg4 : memref<512xi32, #tpu.memory_space<vmem>>)
        tpu.yield
      }) : () -> ()
      %broadcast_in_dim3A = arith.constant 0 : i32
      %broadcast_in_dim3A_3 = vector.broadcast %broadcast_in_dim3A : i32 to vector<16xi32>
      %scan3A = arith.constant 0 : i32
      %scan3A_4 = arith.constant 32 : i32
      %scan3A_5 = arith.addi %scan3A, %scan3A_4 : i32
      %scan3A_6 = arith.constant 1 : i32
      %scan3A_7 = scf.for %scan3A_18 = %scan3A to %scan3A_5 step %scan3A_6 iter_args(%scan3A_19 = %broadcast_in_dim3A_3) -> (vector<16xi32>)  : i32 {
        %mul3A_20 = arith.constant 16 : i32
        %mul3A_21 = arith.muli %scan3A_18, %mul3A_20 : i32
        %get3A = arith.index_cast %mul3A_21 : i32 to index
        %get3A_22 = tpu.vector_load %arg4[%get3A] {strides = array<i32>} : memref<512xi32, #tpu.memory_space<vmem>>, vector<16xi32>,
        %sub3A = arith.constant 640 : i32
        %sub3A_23 = vector.broadcast %sub3A : i32 to vector<16xi32>
        %sub3A_24 = arith.subi %get3A_22, %sub3A_23 : vector<16xi32>
        %max3A = arith.constant 0 : i32
        %max3A_25 = vector.broadcast %max3A : i32 to vector<16xi32>
        %max3A_26 = arith.maxsi %sub3A_24, %max3A_25 : vector<16xi32>
        %add3A_27 = arith.addi %scan3A_19, %max3A_26 : vector<16xi32>
        scf.yield %add3A_27 : vector<16xi32>
      }
      %scan3A_8 = arith.constant 32 : i32
      %reduce_sum3A = arith.constant true
      %reduce_sum3A_9 = vector.broadcast %reduce_sum3A : i1 to vector<16xi1>
      %reduce_sum3A_10 = tpu.scan <sum>, %scan3A_7 masked %reduce_sum3A_9 : vector<16xi32>, vector<16xi1> -> vector<16xi32>
      %reduce_sum3A_11 = vector.extract %reduce_sum3A_10[15] : i32 from vector<16xi32>
      %iota3A = tpu.iota {dimensions = array<i32: 0>} : vector<16xi32>
      %eq3A_12 = arith.constant 0 : i32
      %eq3A_13 = vector.broadcast %eq3A_12 : i32 to vector<16xi32>
      %eq3A_14 = arith.cmpi eq, %iota3A, %eq3A_13 : vector<16xi32>
      %jit3A = arith.constant 0 : i32
      %broadcast_in_dim3A_15 = vector.broadcast %reduce_sum3A_11 : i32 to vector<16xi32>
      %broadcast_in_dim3A_16 = vector.broadcast %jit3A : i32 to vector<16xi32>
      %select_n3A = arith.select %eq3A_14, %broadcast_in_dim3A_15, %broadcast_in_dim3A_16 : vector<16xi1>, vector<16xi32>
      %swap3A = arith.constant 0 : index
      %swap3A_17 = tpu.vector_load %arg5[%swap3A] {strides = array<i32>} : memref<16xi32, #tpu.memory_space<vmem>>, vector<16xi32>,
      tpu.vector_store %arg5[%swap3A], %select_n3A {strides = array<i32>} : memref<16xi32, #tpu.memory_space<vmem>>, vector<16xi32>,
      "tpu.region"() ({
        %run_scoped3A = tpu.sem_alloc : memref<!tpu.dma_semaphore, #tpu.memory_space<semaphore_mem>>
        tpu.enqueue_dma source(%arg5 : memref<16xi32, #tpu.memory_space<vmem>>) target(%arg3 : memref<16xi32, #tpu.memory_space<hbm>>) target_semaphore(%run_scoped3A : memref<!tpu.dma_semaphore, #tpu.memory_space<semaphore_mem>>)
        tpu.wait_dma2 semaphore(%run_scoped3A : memref<!tpu.dma_semaphore, #tpu.memory_space<semaphore_mem>>) src(%arg5 : memref<16xi32, #tpu.memory_space<vmem>>) dst(%arg3 : memref<16xi32, #tpu.memory_space<hbm>>)
        tpu.yield
      }) : () -> ()
    } else {
    }
    return
  }
}

#map = affine_map<(d0, d1) -> (0, 0)>
#map1 = affine_map<(d0, d1) -> (0)>
#map2 = affine_map<(d0, d1) -> (0, 0, 0)>
module attributes {stable_mosaic.version = 14 : i64} {
  func.func @_dispatch_body(%arg0: i32, %arg1: i32, %arg2: memref<32768x1024xf32, #tpu.memory_space<hbm>>, %arg3: memref<32768xi32, #tpu.memory_space<hbm>>, %arg4: memref<32768xf32, #tpu.memory_space<hbm>>, %arg5: memref<16x1024xf32, #tpu.memory_space<hbm>>, %arg6: memref<64x640x1024xf32, #tpu.memory_space<hbm>>, %arg7: memref<40960xf32, #tpu.memory_space<hbm>>, %arg8: memref<40960xi32, #tpu.memory_space<hbm>>, %arg9: memref<512xi32, #tpu.memory_space<hbm>>, %arg10: memref<2048xi32, #tpu.memory_space<vmem>>, %arg11: memref<2048xi32, #tpu.memory_space<vmem>>, %arg12: memref<2048xf32, #tpu.memory_space<vmem>>, %arg13: memref<2048xf32, #tpu.memory_space<vmem>>, %arg14: memref<688xi32, #tpu.memory_space<vmem>>, %arg15: memref<688xf32, #tpu.memory_space<vmem>>, %arg16: memref<688xi32, #tpu.memory_space<vmem>>, %arg17: memref<688xf32, #tpu.memory_space<vmem>>, %arg18: memref<640xi32, #tpu.memory_space<vmem>>, %arg19: memref<640xf32, #tpu.memory_space<vmem>>, %arg20: memref<16xi32, #tpu.memory_space<vmem>>, %arg21: memref<16xi32, #tpu.memory_space<vmem>>, %arg22: memref<16xi32, #tpu.memory_space<vmem>>, %arg23: memref<16xi32, #tpu.memory_space<vmem>>, %arg24: memref<16xi32, #tpu.memory_space<vmem>>, %arg25: memref<16xi32, #tpu.memory_space<vmem>>, %arg26: memref<16x1024xf32, #tpu.memory_space<vmem>>, %arg27: memref<16x1024xf32, #tpu.memory_space<vmem>>, %arg28: memref<16x1024xf32, #tpu.memory_space<vmem>>, %arg29: memref<16x1024xf32, #tpu.memory_space<vmem>>, %arg30: memref<16x1024xf32, #tpu.memory_space<vmem>>, %arg31: memref<16x1024xf32, #tpu.memory_space<vmem>>, %arg32: memref<16x1024xf32, #tpu.memory_space<vmem>>, %arg33: memref<16xi32, #tpu.memory_space<vmem>>, %arg34: memref<!tpu.dma_semaphore, #tpu.memory_space<semaphore_mem>>, %arg35: memref<!tpu.dma_semaphore, #tpu.memory_space<semaphore_mem>>, %arg36: memref<!tpu.dma_semaphore, #tpu.memory_space<semaphore_mem>>, %arg37: memref<!tpu.dma_semaphore, #tpu.memory_space<semaphore_mem>>, %arg38: memref<!tpu.dma_semaphore, #tpu.memory_space<semaphore_mem>>, %arg39: memref<!tpu.dma_semaphore, #tpu.memory_space<semaphore_mem>>, %arg40: memref<!tpu.dma_semaphore, #tpu.memory_space<semaphore_mem>>, %arg41: memref<!tpu.dma_semaphore, #tpu.memory_space<semaphore_mem>>, %arg42: memref<!tpu.dma_semaphore, #tpu.memory_space<semaphore_mem>>, %arg43: memref<!tpu.dma_semaphore, #tpu.memory_space<semaphore_mem>>, %arg44: memref<!tpu.dma_semaphore, #tpu.memory_space<semaphore_mem>>, %arg45: memref<!tpu.dma_semaphore, #tpu.memory_space<semaphore_mem>>, %arg46: memref<!tpu.dma_semaphore, #tpu.memory_space<semaphore_mem>>, %arg47: memref<!tpu.dma_semaphore, #tpu.memory_space<semaphore_mem>>, %arg48: memref<!tpu.dma_semaphore, #tpu.memory_space<semaphore_mem>>, %arg49: memref<!tpu.dma_semaphore, #tpu.memory_space<semaphore_mem>>, %arg50: memref<!tpu.dma_semaphore, #tpu.memory_space<semaphore_mem>>) attributes {dimension_semantics = [#tpu.dimension_semantics<core_parallel>, #tpu.dimension_semantics<subcore_parallel>], iteration_bounds = array<i64: 2, 16>, scalar_prefetch = 0 : i64, scratch_operands = 41 : i64, tpu.core_type = #tpu.core_type<sc_vector_subcore>, window_params = [{transform_indices = #map}, {transform_indices = #map1}, {transform_indices = #map1}, {transform_indices = #map}, {transform_indices = #map2}, {transform_indices = #map1}, {transform_indices = #map1}, {transform_indices = #map1}]} {
    %mul3A = arith.constant 2 : i32
    %mul3A_0 = arith.muli %arg1, %mul3A : i32
    %add3A = arith.addi %mul3A_0, %arg0 : i32
    %mul3A_1 = arith.constant 2 : i32
    %mul3A_2 = arith.muli %add3A, %mul3A_1 : i32
    %iota3A = tpu.iota {dimensions = array<i32: 0>} : vector<16xi32>
    %broadcast_in_dim3A = vector.broadcast %mul3A_2 : i32 to vector<16xi32>
    %add3A_3 = arith.constant 1 : i32
    %add3A_4 = vector.broadcast %add3A_3 : i32 to vector<16xi32>
    %add3A_5 = arith.addi %broadcast_in_dim3A, %add3A_4 : vector<16xi32>
    "tpu.region"() ({
      %run_scoped3A = tpu.sem_alloc : memref<!tpu.dma_semaphore, #tpu.memory_space<semaphore_mem>>
      tpu.enqueue_dma source(%arg5 : memref<16x1024xf32, #tpu.memory_space<hbm>>) target(%arg32 : memref<16x1024xf32, #tpu.memory_space<vmem>>) target_semaphore(%run_scoped3A : memref<!tpu.dma_semaphore, #tpu.memory_space<semaphore_mem>>)
      tpu.wait_dma2 semaphore(%run_scoped3A : memref<!tpu.dma_semaphore, #tpu.memory_space<semaphore_mem>>) src(%arg5 : memref<16x1024xf32, #tpu.memory_space<hbm>>) dst(%arg32 : memref<16x1024xf32, #tpu.memory_space<vmem>>)
      tpu.yield
    }) : () -> ()
    %broadcast_in_dim3A_6 = vector.broadcast %add3A : i32 to vector<16xi32>
    %dma_start3A = arith.constant 0 : i32
    %dma_start3A_7 = tpu.memref_slice %arg3[%dma_start3A] : memref<32768xi32, #tpu.memory_space<hbm>> -> memref<2048xi32, #tpu.memory_space<hbm>>
    %dma_start3A_8 = arith.constant 0 : i32
    %dma_start3A_9 = tpu.memref_slice %arg3[%dma_start3A_8] : memref<32768xi32, #tpu.memory_space<hbm>> -> memref<2048xi32, #tpu.memory_space<hbm>>
    tpu.enqueue_dma source(%dma_start3A_9 : memref<2048xi32, #tpu.memory_space<hbm>>) target(%arg10 : memref<2048xi32, #tpu.memory_space<vmem>>) target_semaphore(%arg34 : memref<!tpu.dma_semaphore, #tpu.memory_space<semaphore_mem>>)
    %dma_start3A_10 = arith.constant 0 : i32
    %dma_start3A_11 = tpu.memref_slice %arg4[%dma_start3A_10] : memref<32768xf32, #tpu.memory_space<hbm>> -> memref<2048xf32, #tpu.memory_space<hbm>>
    %dma_start3A_12 = arith.constant 0 : i32
    %dma_start3A_13 = tpu.memref_slice %arg4[%dma_start3A_12] : memref<32768xf32, #tpu.memory_space<hbm>> -> memref<2048xf32, #tpu.memory_space<hbm>>
    tpu.enqueue_dma source(%dma_start3A_13 : memref<2048xf32, #tpu.memory_space<hbm>>) target(%arg12 : memref<2048xf32, #tpu.memory_space<vmem>>) target_semaphore(%arg36 : memref<!tpu.dma_semaphore, #tpu.memory_space<semaphore_mem>>)
    %scan3A = arith.constant 0 : i32
    %scan3A_14 = arith.constant 0 : i32
    %scan3A_15 = arith.constant 0 : i32
    %scan3A_16 = arith.constant 8 : i32
    %scan3A_17 = arith.addi %scan3A_15, %scan3A_16 : i32
    %scan3A_18 = arith.constant 1 : i32
    %scan3A_19:2 = scf.for %scan3A_435 = %scan3A_15 to %scan3A_17 step %scan3A_18 iter_args(%scan3A_436 = %scan3A, %scan3A_437 = %scan3A_14) -> (i32, i32)  : i32 {
      %mul3A_438 = arith.constant 2 : i32
      %mul3A_439 = arith.muli %mul3A_438, %scan3A_435 : i32
      %add3A_440 = arith.constant 1 : i32
      %add3A_441 = arith.addi %mul3A_439, %add3A_440 : i32
      %mul3A_442 = arith.constant 2048 : i32
      %mul3A_443 = arith.muli %add3A_441, %mul3A_442 : i32
      %dma_start3A_444 = tpu.memref_slice %arg3[%mul3A_443] : memref<32768xi32, #tpu.memory_space<hbm>> -> memref<2048xi32, #tpu.memory_space<hbm>>
      %dma_start3A_445 = tpu.memref_slice %arg3[%mul3A_443] : memref<32768xi32, #tpu.memory_space<hbm>> -> memref<2048xi32, #tpu.memory_space<hbm>>
      tpu.enqueue_dma source(%dma_start3A_445 : memref<2048xi32, #tpu.memory_space<hbm>>) target(%arg11 : memref<2048xi32, #tpu.memory_space<vmem>>) target_semaphore(%arg35 : memref<!tpu.dma_semaphore, #tpu.memory_space<semaphore_mem>>)
      %mul3A_446 = arith.constant 2048 : i32
      %mul3A_447 = arith.muli %add3A_441, %mul3A_446 : i32
      %dma_start3A_448 = tpu.memref_slice %arg4[%mul3A_447] : memref<32768xf32, #tpu.memory_space<hbm>> -> memref<2048xf32, #tpu.memory_space<hbm>>
      %dma_start3A_449 = tpu.memref_slice %arg4[%mul3A_447] : memref<32768xf32, #tpu.memory_space<hbm>> -> memref<2048xf32, #tpu.memory_space<hbm>>
      tpu.enqueue_dma source(%dma_start3A_449 : memref<2048xf32, #tpu.memory_space<hbm>>) target(%arg13 : memref<2048xf32, #tpu.memory_space<vmem>>) target_semaphore(%arg37 : memref<!tpu.dma_semaphore, #tpu.memory_space<semaphore_mem>>)
      %dma_wait3A = arith.constant 0 : i32
      %dma_wait3A_450 = tpu.memref_slice %arg3[%dma_wait3A] : memref<32768xi32, #tpu.memory_space<hbm>> -> memref<2048xi32, #tpu.memory_space<hbm>>
      %dma_wait3A_451 = arith.constant 0 : i32
      %dma_wait3A_452 = tpu.memref_slice %arg3[%dma_wait3A_451] : memref<32768xi32, #tpu.memory_space<hbm>> -> memref<2048xi32, #tpu.memory_space<hbm>>
      tpu.wait_dma2 semaphore(%arg34 : memref<!tpu.dma_semaphore, #tpu.memory_space<semaphore_mem>>) src(%dma_wait3A_452 : memref<2048xi32, #tpu.memory_space<hbm>>) dst(%arg10 : memref<2048xi32, #tpu.memory_space<vmem>>)
      %dma_wait3A_453 = arith.constant 0 : i32
      %dma_wait3A_454 = tpu.memref_slice %arg4[%dma_wait3A_453] : memref<32768xf32, #tpu.memory_space<hbm>> -> memref<2048xf32, #tpu.memory_space<hbm>>
      %dma_wait3A_455 = arith.constant 0 : i32
      %dma_wait3A_456 = tpu.memref_slice %arg4[%dma_wait3A_455] : memref<32768xf32, #tpu.memory_space<hbm>> -> memref<2048xf32, #tpu.memory_space<hbm>>
      tpu.wait_dma2 semaphore(%arg36 : memref<!tpu.dma_semaphore, #tpu.memory_space<semaphore_mem>>) src(%dma_wait3A_456 : memref<2048xf32, #tpu.memory_space<hbm>>) dst(%arg12 : memref<2048xf32, #tpu.memory_space<vmem>>)
      %mul3A_457 = arith.constant 2048 : i32
      %mul3A_458 = arith.muli %mul3A_439, %mul3A_457 : i32
      %scan3A_459 = arith.constant 0 : i32
      %scan3A_460 = arith.constant 128 : i32
      %scan3A_461 = arith.addi %scan3A_459, %scan3A_460 : i32
      %scan3A_462 = arith.constant 1 : i32
      %scan3A_463:2 = scf.for %scan3A_489 = %scan3A_459 to %scan3A_461 step %scan3A_462 iter_args(%scan3A_490 = %scan3A_436, %scan3A_491 = %scan3A_437) -> (i32, i32)  : i32 {
        %mul3A_492 = arith.constant 16 : i32
        %mul3A_493 = arith.muli %scan3A_489, %mul3A_492 : i32
        %get3A = arith.index_cast %mul3A_493 : i32 to index
        %get3A_494 = tpu.vector_load %arg10[%get3A] {strides = array<i32>} : memref<2048xi32, #tpu.memory_space<vmem>>, vector<16xi32>,
        %mul3A_495 = arith.constant 16 : i32
        %mul3A_496 = arith.muli %scan3A_489, %mul3A_495 : i32
        %get3A_497 = arith.index_cast %mul3A_496 : i32 to index
        %get3A_498 = tpu.vector_load %arg12[%get3A_497] {strides = array<i32>} : memref<2048xf32, #tpu.memory_space<vmem>>, vector<16xf32>,
        %mul3A_499 = arith.constant 16 : i32
        %mul3A_500 = arith.muli %scan3A_489, %mul3A_499 : i32
        %add3A_501 = arith.addi %mul3A_458, %mul3A_500 : i32
        %add3A_502 = vector.broadcast %add3A_501 : i32 to vector<16xi32>
        %add3A_503 = arith.addi %add3A_502, %iota3A : vector<16xi32>
        %eq3A_504 = arith.cmpi eq, %get3A_494, %broadcast_in_dim3A : vector<16xi32>
        %eq3A_505 = arith.cmpi eq, %get3A_494, %add3A_5 : vector<16xi32>
        %min3A_506 = arith.constant 672 : i32
        %min3A_507 = arith.minsi %scan3A_490, %min3A_506 : i32
        %swap3A_508 = arith.index_cast %min3A_507 : i32 to index
        %swap3A_509 = tpu.vector_load %arg14[%swap3A_508] masked %eq3A_504 {strides = array<i32>} : memref<688xi32, #tpu.memory_space<vmem>>, vector<16xi32>, vector<16xi1>
        tpu.vector_store %arg14[%swap3A_508], %add3A_503 masked %eq3A_504 {strides = array<i32>} : memref<688xi32, #tpu.memory_space<vmem>>, vector<16xi32>, vector<16xi1>
        %swap3A_510 = arith.index_cast %min3A_507 : i32 to index
        %swap3A_511 = tpu.vector_load %arg15[%swap3A_510] masked %eq3A_504 {strides = array<i32>} : memref<688xf32, #tpu.memory_space<vmem>>, vector<16xf32>, vector<16xi1>
        tpu.vector_store %arg15[%swap3A_510], %get3A_498 masked %eq3A_504 {strides = array<i32>} : memref<688xf32, #tpu.memory_space<vmem>>, vector<16xf32>, vector<16xi1>
        %all_reduce_population_count3A = tpu.all_reduce %eq3A_504 {dim = 0 : i64, kind = #tpu.reduction_kind<sum>} : vector<16xi1> -> vector<16xi32>
        %slice3A = vector.extract_strided_slice %all_reduce_population_count3A {offsets = [0], sizes = [1], strides = [1]} : vector<16xi32> to vector<1xi32>
        %squeeze3A = vector.extract %slice3A[0] : i32 from vector<1xi32>
        %add3A_512 = arith.addi %scan3A_490, %squeeze3A : i32
        %min3A_513 = arith.constant 672 : i32
        %min3A_514 = arith.minsi %scan3A_491, %min3A_513 : i32
        %swap3A_515 = arith.index_cast %min3A_514 : i32 to index
        %swap3A_516 = tpu.vector_load %arg16[%swap3A_515] masked %eq3A_505 {strides = array<i32>} : memref<688xi32, #tpu.memory_space<vmem>>, vector<16xi32>, vector<16xi1>
        tpu.vector_store %arg16[%swap3A_515], %add3A_503 masked %eq3A_505 {strides = array<i32>} : memref<688xi32, #tpu.memory_space<vmem>>, vector<16xi32>, vector<16xi1>
        %swap3A_517 = arith.index_cast %min3A_514 : i32 to index
        %swap3A_518 = tpu.vector_load %arg17[%swap3A_517] masked %eq3A_505 {strides = array<i32>} : memref<688xf32, #tpu.memory_space<vmem>>, vector<16xf32>, vector<16xi1>
        tpu.vector_store %arg17[%swap3A_517], %get3A_498 masked %eq3A_505 {strides = array<i32>} : memref<688xf32, #tpu.memory_space<vmem>>, vector<16xf32>, vector<16xi1>
        %all_reduce_population_count3A_519 = tpu.all_reduce %eq3A_505 {dim = 0 : i64, kind = #tpu.reduction_kind<sum>} : vector<16xi1> -> vector<16xi32>
        %slice3A_520 = vector.extract_strided_slice %all_reduce_population_count3A_519 {offsets = [0], sizes = [1], strides = [1]} : vector<16xi32> to vector<1xi32>
        %squeeze3A_521 = vector.extract %slice3A_520[0] : i32 from vector<1xi32>
        %add3A_522 = arith.addi %scan3A_491, %squeeze3A_521 : i32
        scf.yield %add3A_512, %add3A_522 : i32, i32
      }
      %scan3A_464 = arith.constant 128 : i32
      %add3A_465 = arith.constant 2 : i32
      %add3A_466 = arith.addi %mul3A_439, %add3A_465 : i32
      %lt3A = arith.constant 16 : i32
      %lt3A_467 = arith.cmpi slt, %add3A_466, %lt3A : i32
      %convert_element_type3A_468 = arith.extui %lt3A_467 : i1 to i32
      %cond3A_469 = arith.constant 0 : i32
      %cond3A_470 = arith.cmpi ne, %convert_element_type3A_468, %cond3A_469 : i32
      scf.if %cond3A_470 {
        %add3A_489 = arith.constant 2 : i32
        %add3A_490 = arith.addi %mul3A_439, %add3A_489 : i32
        %mul3A_491 = arith.constant 2048 : i32
        %mul3A_492 = arith.muli %add3A_490, %mul3A_491 : i32
        %dma_start3A_493 = tpu.memref_slice %arg3[%mul3A_492] : memref<32768xi32, #tpu.memory_space<hbm>> -> memref<2048xi32, #tpu.memory_space<hbm>>
        %dma_start3A_494 = tpu.memref_slice %arg3[%mul3A_492] : memref<32768xi32, #tpu.memory_space<hbm>> -> memref<2048xi32, #tpu.memory_space<hbm>>
        tpu.enqueue_dma source(%dma_start3A_494 : memref<2048xi32, #tpu.memory_space<hbm>>) target(%arg10 : memref<2048xi32, #tpu.memory_space<vmem>>) target_semaphore(%arg34 : memref<!tpu.dma_semaphore, #tpu.memory_space<semaphore_mem>>)
        %mul3A_495 = arith.constant 2048 : i32
        %mul3A_496 = arith.muli %add3A_490, %mul3A_495 : i32
        %dma_start3A_497 = tpu.memref_slice %arg4[%mul3A_496] : memref<32768xf32, #tpu.memory_space<hbm>> -> memref<2048xf32, #tpu.memory_space<hbm>>
        %dma_start3A_498 = tpu.memref_slice %arg4[%mul3A_496] : memref<32768xf32, #tpu.memory_space<hbm>> -> memref<2048xf32, #tpu.memory_space<hbm>>
        tpu.enqueue_dma source(%dma_start3A_498 : memref<2048xf32, #tpu.memory_space<hbm>>) target(%arg12 : memref<2048xf32, #tpu.memory_space<vmem>>) target_semaphore(%arg36 : memref<!tpu.dma_semaphore, #tpu.memory_space<semaphore_mem>>)
      } else {
      }
      %dma_wait3A_471 = arith.constant 0 : i32
      %dma_wait3A_472 = tpu.memref_slice %arg3[%dma_wait3A_471] : memref<32768xi32, #tpu.memory_space<hbm>> -> memref<2048xi32, #tpu.memory_space<hbm>>
      %dma_wait3A_473 = arith.constant 0 : i32
      %dma_wait3A_474 = tpu.memref_slice %arg3[%dma_wait3A_473] : memref<32768xi32, #tpu.memory_space<hbm>> -> memref<2048xi32, #tpu.memory_space<hbm>>
      tpu.wait_dma2 semaphore(%arg35 : memref<!tpu.dma_semaphore, #tpu.memory_space<semaphore_mem>>) src(%dma_wait3A_474 : memref<2048xi32, #tpu.memory_space<hbm>>) dst(%arg11 : memref<2048xi32, #tpu.memory_space<vmem>>)
      %dma_wait3A_475 = arith.constant 0 : i32
      %dma_wait3A_476 = tpu.memref_slice %arg4[%dma_wait3A_475] : memref<32768xf32, #tpu.memory_space<hbm>> -> memref<2048xf32, #tpu.memory_space<hbm>>
      %dma_wait3A_477 = arith.constant 0 : i32
      %dma_wait3A_478 = tpu.memref_slice %arg4[%dma_wait3A_477] : memref<32768xf32, #tpu.memory_space<hbm>> -> memref<2048xf32, #tpu.memory_space<hbm>>
      tpu.wait_dma2 semaphore(%arg37 : memref<!tpu.dma_semaphore, #tpu.memory_space<semaphore_mem>>) src(%dma_wait3A_478 : memref<2048xf32, #tpu.memory_space<hbm>>) dst(%arg13 : memref<2048xf32, #tpu.memory_space<vmem>>)
      %add3A_479 = arith.constant 1 : i32
      %add3A_480 = arith.addi %mul3A_439, %add3A_479 : i32
      %mul3A_481 = arith.constant 2048 : i32
      %mul3A_482 = arith.muli %add3A_480, %mul3A_481 : i32
      %scan3A_483 = arith.constant 0 : i32
      %scan3A_484 = arith.constant 128 : i32
      %scan3A_485 = arith.addi %scan3A_483, %scan3A_484 : i32
      %scan3A_486 = arith.constant 1 : i32
      %scan3A_487:2 = scf.for %scan3A_489 = %scan3A_483 to %scan3A_485 step %scan3A_486 iter_args(%scan3A_490 = %scan3A_463#0, %scan3A_491 = %scan3A_463#1) -> (i32, i32)  : i32 {
        %mul3A_492 = arith.constant 16 : i32
        %mul3A_493 = arith.muli %scan3A_489, %mul3A_492 : i32
        %get3A = arith.index_cast %mul3A_493 : i32 to index
        %get3A_494 = tpu.vector_load %arg11[%get3A] {strides = array<i32>} : memref<2048xi32, #tpu.memory_space<vmem>>, vector<16xi32>,
        %mul3A_495 = arith.constant 16 : i32
        %mul3A_496 = arith.muli %scan3A_489, %mul3A_495 : i32
        %get3A_497 = arith.index_cast %mul3A_496 : i32 to index
        %get3A_498 = tpu.vector_load %arg13[%get3A_497] {strides = array<i32>} : memref<2048xf32, #tpu.memory_space<vmem>>, vector<16xf32>,
        %mul3A_499 = arith.constant 16 : i32
        %mul3A_500 = arith.muli %scan3A_489, %mul3A_499 : i32
        %add3A_501 = arith.addi %mul3A_482, %mul3A_500 : i32
        %add3A_502 = vector.broadcast %add3A_501 : i32 to vector<16xi32>
        %add3A_503 = arith.addi %add3A_502, %iota3A : vector<16xi32>
        %eq3A_504 = arith.cmpi eq, %get3A_494, %broadcast_in_dim3A : vector<16xi32>
        %eq3A_505 = arith.cmpi eq, %get3A_494, %add3A_5 : vector<16xi32>
        %min3A_506 = arith.constant 672 : i32
        %min3A_507 = arith.minsi %scan3A_490, %min3A_506 : i32
        %swap3A_508 = arith.index_cast %min3A_507 : i32 to index
        %swap3A_509 = tpu.vector_load %arg14[%swap3A_508] masked %eq3A_504 {strides = array<i32>} : memref<688xi32, #tpu.memory_space<vmem>>, vector<16xi32>, vector<16xi1>
        tpu.vector_store %arg14[%swap3A_508], %add3A_503 masked %eq3A_504 {strides = array<i32>} : memref<688xi32, #tpu.memory_space<vmem>>, vector<16xi32>, vector<16xi1>
        %swap3A_510 = arith.index_cast %min3A_507 : i32 to index
        %swap3A_511 = tpu.vector_load %arg15[%swap3A_510] masked %eq3A_504 {strides = array<i32>} : memref<688xf32, #tpu.memory_space<vmem>>, vector<16xf32>, vector<16xi1>
        tpu.vector_store %arg15[%swap3A_510], %get3A_498 masked %eq3A_504 {strides = array<i32>} : memref<688xf32, #tpu.memory_space<vmem>>, vector<16xf32>, vector<16xi1>
        %all_reduce_population_count3A = tpu.all_reduce %eq3A_504 {dim = 0 : i64, kind = #tpu.reduction_kind<sum>} : vector<16xi1> -> vector<16xi32>
        %slice3A = vector.extract_strided_slice %all_reduce_population_count3A {offsets = [0], sizes = [1], strides = [1]} : vector<16xi32> to vector<1xi32>
        %squeeze3A = vector.extract %slice3A[0] : i32 from vector<1xi32>
        %add3A_512 = arith.addi %scan3A_490, %squeeze3A : i32
        %min3A_513 = arith.constant 672 : i32
        %min3A_514 = arith.minsi %scan3A_491, %min3A_513 : i32
        %swap3A_515 = arith.index_cast %min3A_514 : i32 to index
        %swap3A_516 = tpu.vector_load %arg16[%swap3A_515] masked %eq3A_505 {strides = array<i32>} : memref<688xi32, #tpu.memory_space<vmem>>, vector<16xi32>, vector<16xi1>
        tpu.vector_store %arg16[%swap3A_515], %add3A_503 masked %eq3A_505 {strides = array<i32>} : memref<688xi32, #tpu.memory_space<vmem>>, vector<16xi32>, vector<16xi1>
        %swap3A_517 = arith.index_cast %min3A_514 : i32 to index
        %swap3A_518 = tpu.vector_load %arg17[%swap3A_517] masked %eq3A_505 {strides = array<i32>} : memref<688xf32, #tpu.memory_space<vmem>>, vector<16xf32>, vector<16xi1>
        tpu.vector_store %arg17[%swap3A_517], %get3A_498 masked %eq3A_505 {strides = array<i32>} : memref<688xf32, #tpu.memory_space<vmem>>, vector<16xf32>, vector<16xi1>
        %all_reduce_population_count3A_519 = tpu.all_reduce %eq3A_505 {dim = 0 : i64, kind = #tpu.reduction_kind<sum>} : vector<16xi1> -> vector<16xi32>
        %slice3A_520 = vector.extract_strided_slice %all_reduce_population_count3A_519 {offsets = [0], sizes = [1], strides = [1]} : vector<16xi32> to vector<1xi32>
        %squeeze3A_521 = vector.extract %slice3A_520[0] : i32 from vector<1xi32>
        %add3A_522 = arith.addi %scan3A_491, %squeeze3A_521 : i32
        scf.yield %add3A_512, %add3A_522 : i32, i32
      }
      %scan3A_488 = arith.constant 128 : i32
      scf.yield %scan3A_487#0, %scan3A_487#1 : i32, i32
    }
    %scan3A_20 = arith.constant 8 : i32
    %eq3A = arith.constant 0 : i32
    %eq3A_21 = vector.broadcast %eq3A : i32 to vector<16xi32>
    %eq3A_22 = arith.cmpi eq, %iota3A, %eq3A_21 : vector<16xi32>
    %eq3A_23 = arith.constant 1 : i32
    %eq3A_24 = vector.broadcast %eq3A_23 : i32 to vector<16xi32>
    %eq3A_25 = arith.cmpi eq, %iota3A, %eq3A_24 : vector<16xi32>
    %jit3A = arith.constant 0 : i32
    %broadcast_in_dim3A_26 = vector.broadcast %scan3A_19#1 : i32 to vector<16xi32>
    %broadcast_in_dim3A_27 = vector.broadcast %jit3A : i32 to vector<16xi32>
    %select_n3A = arith.select %eq3A_25, %broadcast_in_dim3A_26, %broadcast_in_dim3A_27 : vector<16xi1>, vector<16xi32>
    %broadcast_in_dim3A_28 = vector.broadcast %scan3A_19#0 : i32 to vector<16xi32>
    %select_n3A_29 = arith.select %eq3A_22, %broadcast_in_dim3A_28, %select_n3A : vector<16xi1>, vector<16xi32>
    %swap3A = arith.constant 0 : index
    %swap3A_30 = tpu.vector_load %arg33[%swap3A] {strides = array<i32>} : memref<16xi32, #tpu.memory_space<vmem>>, vector<16xi32>,
    tpu.vector_store %arg33[%swap3A], %select_n3A_29 {strides = array<i32>} : memref<16xi32, #tpu.memory_space<vmem>>, vector<16xi32>,
    %mul3A_31 = arith.constant 16 : i32
    %mul3A_32 = arith.muli %add3A, %mul3A_31 : i32
    "tpu.region"() ({
      %run_scoped3A = tpu.sem_alloc : memref<!tpu.dma_semaphore, #tpu.memory_space<semaphore_mem>>
      %dma_start3A_435 = tpu.memref_slice %arg9[%mul3A_32] : memref<512xi32, #tpu.memory_space<hbm>> -> memref<16xi32, #tpu.memory_space<hbm>>
      %dma_start3A_436 = tpu.memref_slice %arg9[%mul3A_32] : memref<512xi32, #tpu.memory_space<hbm>> -> memref<16xi32, #tpu.memory_space<hbm>>
      tpu.enqueue_dma source(%arg33 : memref<16xi32, #tpu.memory_space<vmem>>) target(%dma_start3A_436 : memref<16xi32, #tpu.memory_space<hbm>>) target_semaphore(%run_scoped3A : memref<!tpu.dma_semaphore, #tpu.memory_space<semaphore_mem>>)
      %dma_wait3A = tpu.memref_slice %arg9[%mul3A_32] : memref<512xi32, #tpu.memory_space<hbm>> -> memref<16xi32, #tpu.memory_space<hbm>>
      %dma_wait3A_437 = tpu.memref_slice %arg9[%mul3A_32] : memref<512xi32, #tpu.memory_space<hbm>> -> memref<16xi32, #tpu.memory_space<hbm>>
      tpu.wait_dma2 semaphore(%run_scoped3A : memref<!tpu.dma_semaphore, #tpu.memory_space<semaphore_mem>>) src(%arg33 : memref<16xi32, #tpu.memory_space<vmem>>) dst(%dma_wait3A_437 : memref<16xi32, #tpu.memory_space<hbm>>)
      tpu.yield
    }) : () -> ()
    %add3A_33 = arith.constant 0 : i32
    %add3A_34 = arith.addi %mul3A_2, %add3A_33 : i32
    %min3A = arith.constant 640 : i32
    %min3A_35 = arith.minsi %scan3A_19#0, %min3A : i32
    %scan3A_36 = arith.constant 0 : i32
    %scan3A_37 = arith.constant 0 : i32
    %scan3A_38 = arith.constant 40 : i32
    %scan3A_39 = arith.addi %scan3A_37, %scan3A_38 : i32
    %scan3A_40 = arith.constant 1 : i32
    %scan3A_41 = scf.for %scan3A_435 = %scan3A_37 to %scan3A_39 step %scan3A_40 iter_args(%scan3A_436 = %scan3A_36) -> (i32)  : i32 {
      %mul3A_437 = arith.constant 16 : i32
      %mul3A_438 = arith.muli %scan3A_435, %mul3A_437 : i32
      %mul3A_439 = arith.constant 16 : i32
      %mul3A_440 = arith.muli %scan3A_435, %mul3A_439 : i32
      %add3A_441 = vector.broadcast %mul3A_440 : i32 to vector<16xi32>
      %add3A_442 = arith.addi %add3A_441, %iota3A : vector<16xi32>
      %lt3A = vector.broadcast %min3A_35 : i32 to vector<16xi32>
      %lt3A_443 = arith.cmpi slt, %add3A_442, %lt3A : vector<16xi32>
      %get3A = arith.index_cast %mul3A_438 : i32 to index
      %get3A_444 = tpu.vector_load %arg14[%get3A] {strides = array<i32>} : memref<688xi32, #tpu.memory_space<vmem>>, vector<16xi32>,
      %jit3A_445 = arith.constant -1 : i32
      %broadcast_in_dim3A_446 = vector.broadcast %jit3A_445 : i32 to vector<16xi32>
      %select_n3A_447 = arith.select %lt3A_443, %get3A_444, %broadcast_in_dim3A_446 : vector<16xi1>, vector<16xi32>
      %swap3A_448 = arith.index_cast %mul3A_438 : i32 to index
      %swap3A_449 = tpu.vector_load %arg18[%swap3A_448] {strides = array<i32>} : memref<640xi32, #tpu.memory_space<vmem>>, vector<16xi32>,
      tpu.vector_store %arg18[%swap3A_448], %select_n3A_447 {strides = array<i32>} : memref<640xi32, #tpu.memory_space<vmem>>, vector<16xi32>,
      %get3A_450 = arith.index_cast %mul3A_438 : i32 to index
      %get3A_451 = tpu.vector_load %arg15[%get3A_450] {strides = array<i32>} : memref<688xf32, #tpu.memory_space<vmem>>, vector<16xf32>,
      %jit3A_452 = arith.constant 0.000000e+00 : f32
      %broadcast_in_dim3A_453 = vector.broadcast %jit3A_452 : f32 to vector<16xf32>
      %select_n3A_454 = arith.select %lt3A_443, %get3A_451, %broadcast_in_dim3A_453 : vector<16xi1>, vector<16xf32>
      %swap3A_455 = arith.index_cast %mul3A_438 : i32 to index
      %swap3A_456 = tpu.vector_load %arg19[%swap3A_455] {strides = array<i32>} : memref<640xf32, #tpu.memory_space<vmem>>, vector<16xf32>,
      tpu.vector_store %arg19[%swap3A_455], %select_n3A_454 {strides = array<i32>} : memref<640xf32, #tpu.memory_space<vmem>>, vector<16xf32>,
      %scan3A_457 = arith.constant 0 : i32
      scf.yield %scan3A_457 : i32
    }
    %scan3A_42 = arith.constant 40 : i32
    %mul3A_43 = arith.constant 640 : i32
    %mul3A_44 = arith.muli %add3A_34, %mul3A_43 : i32
    %multiple_of3A = tpu.assume_multiple %mul3A_44, 8 : i32
    "tpu.region"() ({
      %run_scoped3A = tpu.sem_alloc : memref<!tpu.dma_semaphore, #tpu.memory_space<semaphore_mem>>
      %dma_start3A_435 = tpu.memref_slice %arg8[%multiple_of3A] : memref<40960xi32, #tpu.memory_space<hbm>> -> memref<640xi32, #tpu.memory_space<hbm>>
      %dma_start3A_436 = tpu.memref_slice %arg8[%multiple_of3A] : memref<40960xi32, #tpu.memory_space<hbm>> -> memref<640xi32, #tpu.memory_space<hbm>>
      tpu.enqueue_dma source(%arg18 : memref<640xi32, #tpu.memory_space<vmem>>) target(%dma_start3A_436 : memref<640xi32, #tpu.memory_space<hbm>>) target_semaphore(%run_scoped3A : memref<!tpu.dma_semaphore, #tpu.memory_space<semaphore_mem>>)
      %dma_wait3A = tpu.memref_slice %arg8[%multiple_of3A] : memref<40960xi32, #tpu.memory_space<hbm>> -> memref<640xi32, #tpu.memory_space<hbm>>
      %dma_wait3A_437 = tpu.memref_slice %arg8[%multiple_of3A] : memref<40960xi32, #tpu.memory_space<hbm>> -> memref<640xi32, #tpu.memory_space<hbm>>
      tpu.wait_dma2 semaphore(%run_scoped3A : memref<!tpu.dma_semaphore, #tpu.memory_space<semaphore_mem>>) src(%arg18 : memref<640xi32, #tpu.memory_space<vmem>>) dst(%dma_wait3A_437 : memref<640xi32, #tpu.memory_space<hbm>>)
      tpu.yield
    }) : () -> ()
    %mul3A_45 = arith.constant 640 : i32
    %mul3A_46 = arith.muli %add3A_34, %mul3A_45 : i32
    %multiple_of3A_47 = tpu.assume_multiple %mul3A_46, 8 : i32
    "tpu.region"() ({
      %run_scoped3A = tpu.sem_alloc : memref<!tpu.dma_semaphore, #tpu.memory_space<semaphore_mem>>
      %dma_start3A_435 = tpu.memref_slice %arg7[%multiple_of3A_47] : memref<40960xf32, #tpu.memory_space<hbm>> -> memref<640xf32, #tpu.memory_space<hbm>>
      %dma_start3A_436 = tpu.memref_slice %arg7[%multiple_of3A_47] : memref<40960xf32, #tpu.memory_space<hbm>> -> memref<640xf32, #tpu.memory_space<hbm>>
      tpu.enqueue_dma source(%arg19 : memref<640xf32, #tpu.memory_space<vmem>>) target(%dma_start3A_436 : memref<640xf32, #tpu.memory_space<hbm>>) target_semaphore(%run_scoped3A : memref<!tpu.dma_semaphore, #tpu.memory_space<semaphore_mem>>)
      %dma_wait3A = tpu.memref_slice %arg7[%multiple_of3A_47] : memref<40960xf32, #tpu.memory_space<hbm>> -> memref<640xf32, #tpu.memory_space<hbm>>
      %dma_wait3A_437 = tpu.memref_slice %arg7[%multiple_of3A_47] : memref<40960xf32, #tpu.memory_space<hbm>> -> memref<640xf32, #tpu.memory_space<hbm>>
      tpu.wait_dma2 semaphore(%run_scoped3A : memref<!tpu.dma_semaphore, #tpu.memory_space<semaphore_mem>>) src(%arg19 : memref<640xf32, #tpu.memory_space<vmem>>) dst(%dma_wait3A_437 : memref<640xf32, #tpu.memory_space<hbm>>)
      tpu.yield
    }) : () -> ()
    %jit3A_48 = arith.constant 16 : i32
    %div3A = arith.divsi %min3A_35, %jit3A_48 : i32
    %sign3A = arith.constant 0 : i32
    %sign3A_49 = arith.cmpi sgt, %min3A_35, %sign3A : i32
    %sign3A_50 = arith.extui %sign3A_49 : i1 to i32
    %sign3A_51 = arith.constant 0 : i32
    %sign3A_52 = arith.cmpi slt, %min3A_35, %sign3A_51 : i32
    %sign3A_53 = arith.extui %sign3A_52 : i1 to i32
    %sign3A_54 = arith.subi %sign3A_50, %sign3A_53 : i32
    %sign3A_55 = arith.constant 0 : i32
    %sign3A_56 = arith.cmpi sgt, %jit3A_48, %sign3A_55 : i32
    %sign3A_57 = arith.extui %sign3A_56 : i1 to i32
    %sign3A_58 = arith.constant 0 : i32
    %sign3A_59 = arith.cmpi slt, %jit3A_48, %sign3A_58 : i32
    %sign3A_60 = arith.extui %sign3A_59 : i1 to i32
    %sign3A_61 = arith.subi %sign3A_57, %sign3A_60 : i32
    %ne3A = arith.cmpi ne, %sign3A_54, %sign3A_61 : i32
    %rem3A = arith.remsi %min3A_35, %jit3A_48 : i32
    %ne3A_62 = arith.constant 0 : i32
    %ne3A_63 = arith.cmpi ne, %rem3A, %ne3A_62 : i32
    %and3A = arith.andi %ne3A, %ne3A_63 : i1
    %sub3A = arith.constant 1 : i32
    %sub3A_64 = arith.subi %div3A, %sub3A : i32
    %select_n3A_65 = arith.select %and3A, %sub3A_64, %div3A : i32
    %mul3A_66 = arith.constant 16 : i32
    %mul3A_67 = arith.muli %select_n3A_65, %mul3A_66 : i32
    %sub3A_68 = arith.subi %min3A_35, %mul3A_67 : i32
    %mul3A_69 = arith.constant 16 : i32
    %mul3A_70 = arith.muli %select_n3A_65, %mul3A_69 : i32
    %multiple_of3A_71 = tpu.assume_multiple %mul3A_70, 8 : i32
    %min3A_72 = arith.constant 1 : i32
    %min3A_73 = arith.minsi %sub3A_68, %min3A_72 : i32
    %mul3A_74 = arith.constant 16 : i32
    %mul3A_75 = arith.muli %mul3A_74, %min3A_73 : i32
    %add3A_76 = arith.addi %multiple_of3A_71, %mul3A_75 : i32
    %sub3A_77 = arith.constant 640 : i32
    %sub3A_78 = arith.subi %sub3A_77, %add3A_76 : i32
    %jit3A_79 = arith.constant 16 : i32
    %div3A_80 = arith.divsi %sub3A_78, %jit3A_79 : i32
    %sign3A_81 = arith.constant 0 : i32
    %sign3A_82 = arith.cmpi sgt, %sub3A_78, %sign3A_81 : i32
    %sign3A_83 = arith.extui %sign3A_82 : i1 to i32
    %sign3A_84 = arith.constant 0 : i32
    %sign3A_85 = arith.cmpi slt, %sub3A_78, %sign3A_84 : i32
    %sign3A_86 = arith.extui %sign3A_85 : i1 to i32
    %sign3A_87 = arith.subi %sign3A_83, %sign3A_86 : i32
    %sign3A_88 = arith.constant 0 : i32
    %sign3A_89 = arith.cmpi sgt, %jit3A_79, %sign3A_88 : i32
    %sign3A_90 = arith.extui %sign3A_89 : i1 to i32
    %sign3A_91 = arith.constant 0 : i32
    %sign3A_92 = arith.cmpi slt, %jit3A_79, %sign3A_91 : i32
    %sign3A_93 = arith.extui %sign3A_92 : i1 to i32
    %sign3A_94 = arith.subi %sign3A_90, %sign3A_93 : i32
    %ne3A_95 = arith.cmpi ne, %sign3A_87, %sign3A_94 : i32
    %rem3A_96 = arith.remsi %sub3A_78, %jit3A_79 : i32
    %ne3A_97 = arith.constant 0 : i32
    %ne3A_98 = arith.cmpi ne, %rem3A_96, %ne3A_97 : i32
    %and3A_99 = arith.andi %ne3A_95, %ne3A_98 : i1
    %sub3A_100 = arith.constant 1 : i32
    %sub3A_101 = arith.subi %div3A_80, %sub3A_100 : i32
    %select_n3A_102 = arith.select %and3A_99, %sub3A_101, %div3A_80 : i32
    %while3A = arith.constant 0 : i32
    %while3A_103 = arith.constant 0 : i32
    %while3A_104 = arith.subi %select_n3A_102, %while3A : i32
    %while3A_105 = arith.addi %while3A, %while3A_104 : i32
    %while3A_106 = arith.constant 1 : i32
    %while3A_107 = arith.divsi %while3A_104, %while3A_106 : i32
    %while3A_108 = arith.muli %while3A_107, %while3A_106 : i32
    %while3A_109 = arith.addi %while3A, %while3A_108 : i32
    %while3A_110 = arith.constant 1 : i32
    %while3A_111 = scf.for %while3A_435 = %while3A to %while3A_109 step %while3A_110 iter_args(%while3A_436 = %while3A_103) -> (i32)  : i32 {
      %mul3A_437 = arith.constant 16 : i32
      %mul3A_438 = arith.muli %while3A_435, %mul3A_437 : i32
      %add3A_439 = arith.addi %add3A_76, %mul3A_438 : i32
      %multiple_of3A_440 = tpu.assume_multiple %add3A_439, 8 : i32
      %dma_start3A_441 = arith.constant 0 : i32
      %dma_start3A_442 = tpu.memref_slice %arg6[%add3A_34, %multiple_of3A_440, %dma_start3A_441] : memref<64x640x1024xf32, #tpu.memory_space<hbm>> -> memref<1x16x1024xf32, #tpu.memory_space<hbm>>
      %dma_start3A_443 = tpu.memref_squeeze %dma_start3A_442 : memref<1x16x1024xf32, #tpu.memory_space<hbm>> -> memref<16x1024xf32, #tpu.memory_space<hbm>>
      %dma_start3A_444 = arith.constant 0 : i32
      %dma_start3A_445 = tpu.memref_slice %arg6[%add3A_34, %multiple_of3A_440, %dma_start3A_444] : memref<64x640x1024xf32, #tpu.memory_space<hbm>> -> memref<1x16x1024xf32, #tpu.memory_space<hbm>>
      %dma_start3A_446 = tpu.memref_squeeze %dma_start3A_445 : memref<1x16x1024xf32, #tpu.memory_space<hbm>> -> memref<16x1024xf32, #tpu.memory_space<hbm>>
      tpu.enqueue_dma source(%arg32 : memref<16x1024xf32, #tpu.memory_space<vmem>>) target(%dma_start3A_446 : memref<16x1024xf32, #tpu.memory_space<hbm>>) target_semaphore(%arg50 : memref<!tpu.dma_semaphore, #tpu.memory_space<semaphore_mem>>)
      %while3A_447 = arith.constant 0 : i32
      scf.yield %while3A_447 : i32
    }
    %while3A_112 = arith.constant 1 : i32
    %while3A_113 = scf.for %while3A_435 = %while3A_109 to %while3A_105 step %while3A_112 iter_args(%while3A_436 = %while3A_111) -> (i32)  : i32 {
      %mul3A_437 = arith.constant 16 : i32
      %mul3A_438 = arith.muli %while3A_435, %mul3A_437 : i32
      %add3A_439 = arith.addi %add3A_76, %mul3A_438 : i32
      %multiple_of3A_440 = tpu.assume_multiple %add3A_439, 8 : i32
      %dma_start3A_441 = arith.constant 0 : i32
      %dma_start3A_442 = tpu.memref_slice %arg6[%add3A_34, %multiple_of3A_440, %dma_start3A_441] : memref<64x640x1024xf32, #tpu.memory_space<hbm>> -> memref<1x16x1024xf32, #tpu.memory_space<hbm>>
      %dma_start3A_443 = tpu.memref_squeeze %dma_start3A_442 : memref<1x16x1024xf32, #tpu.memory_space<hbm>> -> memref<16x1024xf32, #tpu.memory_space<hbm>>
      %dma_start3A_444 = arith.constant 0 : i32
      %dma_start3A_445 = tpu.memref_slice %arg6[%add3A_34, %multiple_of3A_440, %dma_start3A_444] : memref<64x640x1024xf32, #tpu.memory_space<hbm>> -> memref<1x16x1024xf32, #tpu.memory_space<hbm>>
      %dma_start3A_446 = tpu.memref_squeeze %dma_start3A_445 : memref<1x16x1024xf32, #tpu.memory_space<hbm>> -> memref<16x1024xf32, #tpu.memory_space<hbm>>
      tpu.enqueue_dma source(%arg32 : memref<16x1024xf32, #tpu.memory_space<vmem>>) target(%dma_start3A_446 : memref<16x1024xf32, #tpu.memory_space<hbm>>) target_semaphore(%arg50 : memref<!tpu.dma_semaphore, #tpu.memory_space<semaphore_mem>>)
      %while3A_447 = arith.constant 0 : i32
      scf.yield %while3A_447 : i32
    }
    %gt3A = arith.constant 0 : i32
    %gt3A_114 = arith.cmpi sgt, %select_n3A_65, %gt3A : i32
    %convert_element_type3A = arith.extui %gt3A_114 : i1 to i32
    %cond3A = arith.constant 0 : i32
    %cond3A_115 = arith.cmpi ne, %convert_element_type3A, %cond3A : i32
    scf.if %cond3A_115 {
      %multiple_of3A_435 = arith.constant 0 : i32
      %multiple_of3A_436 = tpu.assume_multiple %multiple_of3A_435, 8 : i32
      %add3A_437 = arith.constant 0 : i32
      %add3A_438 = arith.addi %multiple_of3A_436, %add3A_437 : i32
      %get3A = arith.index_cast %add3A_438 : i32 to index
      %get3A_439 = tpu.vector_load %arg14[%get3A] {strides = array<i32>} : memref<688xi32, #tpu.memory_space<vmem>>, vector<16xi32>,
      %min3A_440 = arith.constant 32767 : i32
      %min3A_441 = vector.broadcast %min3A_440 : i32 to vector<16xi32>
      %min3A_442 = arith.minsi %get3A_439, %min3A_441 : vector<16xi32>
      %max3A = arith.constant 0 : i32
      %max3A_443 = vector.broadcast %max3A : i32 to vector<16xi32>
      %max3A_444 = arith.maxsi %min3A_442, %max3A_443 : vector<16xi32>
      %swap3A_445 = arith.constant 0 : index
      %swap3A_446 = tpu.vector_load %arg20[%swap3A_445] {strides = array<i32>} : memref<16xi32, #tpu.memory_space<vmem>>, vector<16xi32>,
      tpu.vector_store %arg20[%swap3A_445], %max3A_444 {strides = array<i32>} : memref<16xi32, #tpu.memory_space<vmem>>, vector<16xi32>,
      %dma_start3A_447 = arith.constant 0 : i32
      %dma_start3A_448 = arith.constant 0 : i32
      %dma_start3A_449 = tpu.memref_slice %arg2[%dma_start3A_447, %dma_start3A_448] : memref<32768x1024xf32, #tpu.memory_space<hbm>> -> memref<32768x1024xf32, #tpu.memory_space<hbm>>
      tpu.enqueue_indirect_dma source(%dma_start3A_449 : memref<32768x1024xf32, #tpu.memory_space<hbm>>) target(%arg26 : memref<16x1024xf32, #tpu.memory_space<vmem>>) offsets(%arg20 : memref<16xi32, #tpu.memory_space<vmem>>) semaphore(%arg38 : memref<!tpu.dma_semaphore, #tpu.memory_space<semaphore_mem>>)
    } else {
    }
    %gt3A_116 = arith.constant 1 : i32
    %gt3A_117 = arith.cmpi sgt, %select_n3A_65, %gt3A_116 : i32
    %convert_element_type3A_118 = arith.extui %gt3A_117 : i1 to i32
    %cond3A_119 = arith.constant 0 : i32
    %cond3A_120 = arith.cmpi ne, %convert_element_type3A_118, %cond3A_119 : i32
    scf.if %cond3A_120 {
      %multiple_of3A_435 = arith.constant 16 : i32
      %multiple_of3A_436 = tpu.assume_multiple %multiple_of3A_435, 8 : i32
      %add3A_437 = arith.constant 0 : i32
      %add3A_438 = arith.addi %multiple_of3A_436, %add3A_437 : i32
      %get3A = arith.index_cast %add3A_438 : i32 to index
      %get3A_439 = tpu.vector_load %arg14[%get3A] {strides = array<i32>} : memref<688xi32, #tpu.memory_space<vmem>>, vector<16xi32>,
      %min3A_440 = arith.constant 32767 : i32
      %min3A_441 = vector.broadcast %min3A_440 : i32 to vector<16xi32>
      %min3A_442 = arith.minsi %get3A_439, %min3A_441 : vector<16xi32>
      %max3A = arith.constant 0 : i32
      %max3A_443 = vector.broadcast %max3A : i32 to vector<16xi32>
      %max3A_444 = arith.maxsi %min3A_442, %max3A_443 : vector<16xi32>
      %swap3A_445 = arith.constant 0 : index
      %swap3A_446 = tpu.vector_load %arg21[%swap3A_445] {strides = array<i32>} : memref<16xi32, #tpu.memory_space<vmem>>, vector<16xi32>,
      tpu.vector_store %arg21[%swap3A_445], %max3A_444 {strides = array<i32>} : memref<16xi32, #tpu.memory_space<vmem>>, vector<16xi32>,
      %dma_start3A_447 = arith.constant 0 : i32
      %dma_start3A_448 = arith.constant 0 : i32
      %dma_start3A_449 = tpu.memref_slice %arg2[%dma_start3A_447, %dma_start3A_448] : memref<32768x1024xf32, #tpu.memory_space<hbm>> -> memref<32768x1024xf32, #tpu.memory_space<hbm>>
      tpu.enqueue_indirect_dma source(%dma_start3A_449 : memref<32768x1024xf32, #tpu.memory_space<hbm>>) target(%arg27 : memref<16x1024xf32, #tpu.memory_space<vmem>>) offsets(%arg21 : memref<16xi32, #tpu.memory_space<vmem>>) semaphore(%arg39 : memref<!tpu.dma_semaphore, #tpu.memory_space<semaphore_mem>>)
    } else {
    }
    %gt3A_121 = arith.constant 2 : i32
    %gt3A_122 = arith.cmpi sgt, %select_n3A_65, %gt3A_121 : i32
    %convert_element_type3A_123 = arith.extui %gt3A_122 : i1 to i32
    %cond3A_124 = arith.constant 0 : i32
    %cond3A_125 = arith.cmpi ne, %convert_element_type3A_123, %cond3A_124 : i32
    scf.if %cond3A_125 {
      %multiple_of3A_435 = arith.constant 32 : i32
      %multiple_of3A_436 = tpu.assume_multiple %multiple_of3A_435, 8 : i32
      %add3A_437 = arith.constant 0 : i32
      %add3A_438 = arith.addi %multiple_of3A_436, %add3A_437 : i32
      %get3A = arith.index_cast %add3A_438 : i32 to index
      %get3A_439 = tpu.vector_load %arg14[%get3A] {strides = array<i32>} : memref<688xi32, #tpu.memory_space<vmem>>, vector<16xi32>,
      %min3A_440 = arith.constant 32767 : i32
      %min3A_441 = vector.broadcast %min3A_440 : i32 to vector<16xi32>
      %min3A_442 = arith.minsi %get3A_439, %min3A_441 : vector<16xi32>
      %max3A = arith.constant 0 : i32
      %max3A_443 = vector.broadcast %max3A : i32 to vector<16xi32>
      %max3A_444 = arith.maxsi %min3A_442, %max3A_443 : vector<16xi32>
      %swap3A_445 = arith.constant 0 : index
      %swap3A_446 = tpu.vector_load %arg22[%swap3A_445] {strides = array<i32>} : memref<16xi32, #tpu.memory_space<vmem>>, vector<16xi32>,
      tpu.vector_store %arg22[%swap3A_445], %max3A_444 {strides = array<i32>} : memref<16xi32, #tpu.memory_space<vmem>>, vector<16xi32>,
      %dma_start3A_447 = arith.constant 0 : i32
      %dma_start3A_448 = arith.constant 0 : i32
      %dma_start3A_449 = tpu.memref_slice %arg2[%dma_start3A_447, %dma_start3A_448] : memref<32768x1024xf32, #tpu.memory_space<hbm>> -> memref<32768x1024xf32, #tpu.memory_space<hbm>>
      tpu.enqueue_indirect_dma source(%dma_start3A_449 : memref<32768x1024xf32, #tpu.memory_space<hbm>>) target(%arg28 : memref<16x1024xf32, #tpu.memory_space<vmem>>) offsets(%arg22 : memref<16xi32, #tpu.memory_space<vmem>>) semaphore(%arg40 : memref<!tpu.dma_semaphore, #tpu.memory_space<semaphore_mem>>)
    } else {
    }
    %gt3A_126 = arith.constant 3 : i32
    %gt3A_127 = arith.cmpi sgt, %select_n3A_65, %gt3A_126 : i32
    %convert_element_type3A_128 = arith.extui %gt3A_127 : i1 to i32
    %cond3A_129 = arith.constant 0 : i32
    %cond3A_130 = arith.cmpi ne, %convert_element_type3A_128, %cond3A_129 : i32
    scf.if %cond3A_130 {
      %multiple_of3A_435 = arith.constant 48 : i32
      %multiple_of3A_436 = tpu.assume_multiple %multiple_of3A_435, 8 : i32
      %add3A_437 = arith.constant 0 : i32
      %add3A_438 = arith.addi %multiple_of3A_436, %add3A_437 : i32
      %get3A = arith.index_cast %add3A_438 : i32 to index
      %get3A_439 = tpu.vector_load %arg14[%get3A] {strides = array<i32>} : memref<688xi32, #tpu.memory_space<vmem>>, vector<16xi32>,
      %min3A_440 = arith.constant 32767 : i32
      %min3A_441 = vector.broadcast %min3A_440 : i32 to vector<16xi32>
      %min3A_442 = arith.minsi %get3A_439, %min3A_441 : vector<16xi32>
      %max3A = arith.constant 0 : i32
      %max3A_443 = vector.broadcast %max3A : i32 to vector<16xi32>
      %max3A_444 = arith.maxsi %min3A_442, %max3A_443 : vector<16xi32>
      %swap3A_445 = arith.constant 0 : index
      %swap3A_446 = tpu.vector_load %arg23[%swap3A_445] {strides = array<i32>} : memref<16xi32, #tpu.memory_space<vmem>>, vector<16xi32>,
      tpu.vector_store %arg23[%swap3A_445], %max3A_444 {strides = array<i32>} : memref<16xi32, #tpu.memory_space<vmem>>, vector<16xi32>,
      %dma_start3A_447 = arith.constant 0 : i32
      %dma_start3A_448 = arith.constant 0 : i32
      %dma_start3A_449 = tpu.memref_slice %arg2[%dma_start3A_447, %dma_start3A_448] : memref<32768x1024xf32, #tpu.memory_space<hbm>> -> memref<32768x1024xf32, #tpu.memory_space<hbm>>
      tpu.enqueue_indirect_dma source(%dma_start3A_449 : memref<32768x1024xf32, #tpu.memory_space<hbm>>) target(%arg29 : memref<16x1024xf32, #tpu.memory_space<vmem>>) offsets(%arg23 : memref<16xi32, #tpu.memory_space<vmem>>) semaphore(%arg41 : memref<!tpu.dma_semaphore, #tpu.memory_space<semaphore_mem>>)
    } else {
    }
    %gt3A_131 = arith.constant 4 : i32
    %gt3A_132 = arith.cmpi sgt, %select_n3A_65, %gt3A_131 : i32
    %convert_element_type3A_133 = arith.extui %gt3A_132 : i1 to i32
    %cond3A_134 = arith.constant 0 : i32
    %cond3A_135 = arith.cmpi ne, %convert_element_type3A_133, %cond3A_134 : i32
    scf.if %cond3A_135 {
      %multiple_of3A_435 = arith.constant 64 : i32
      %multiple_of3A_436 = tpu.assume_multiple %multiple_of3A_435, 8 : i32
      %add3A_437 = arith.constant 0 : i32
      %add3A_438 = arith.addi %multiple_of3A_436, %add3A_437 : i32
      %get3A = arith.index_cast %add3A_438 : i32 to index
      %get3A_439 = tpu.vector_load %arg14[%get3A] {strides = array<i32>} : memref<688xi32, #tpu.memory_space<vmem>>, vector<16xi32>,
      %min3A_440 = arith.constant 32767 : i32
      %min3A_441 = vector.broadcast %min3A_440 : i32 to vector<16xi32>
      %min3A_442 = arith.minsi %get3A_439, %min3A_441 : vector<16xi32>
      %max3A = arith.constant 0 : i32
      %max3A_443 = vector.broadcast %max3A : i32 to vector<16xi32>
      %max3A_444 = arith.maxsi %min3A_442, %max3A_443 : vector<16xi32>
      %swap3A_445 = arith.constant 0 : index
      %swap3A_446 = tpu.vector_load %arg24[%swap3A_445] {strides = array<i32>} : memref<16xi32, #tpu.memory_space<vmem>>, vector<16xi32>,
      tpu.vector_store %arg24[%swap3A_445], %max3A_444 {strides = array<i32>} : memref<16xi32, #tpu.memory_space<vmem>>, vector<16xi32>,
      %dma_start3A_447 = arith.constant 0 : i32
      %dma_start3A_448 = arith.constant 0 : i32
      %dma_start3A_449 = tpu.memref_slice %arg2[%dma_start3A_447, %dma_start3A_448] : memref<32768x1024xf32, #tpu.memory_space<hbm>> -> memref<32768x1024xf32, #tpu.memory_space<hbm>>
      tpu.enqueue_indirect_dma source(%dma_start3A_449 : memref<32768x1024xf32, #tpu.memory_space<hbm>>) target(%arg30 : memref<16x1024xf32, #tpu.memory_space<vmem>>) offsets(%arg24 : memref<16xi32, #tpu.memory_space<vmem>>) semaphore(%arg42 : memref<!tpu.dma_semaphore, #tpu.memory_space<semaphore_mem>>)
    } else {
    }
    %gt3A_136 = arith.constant 5 : i32
    %gt3A_137 = arith.cmpi sgt, %select_n3A_65, %gt3A_136 : i32
    %convert_element_type3A_138 = arith.extui %gt3A_137 : i1 to i32
    %cond3A_139 = arith.constant 0 : i32
    %cond3A_140 = arith.cmpi ne, %convert_element_type3A_138, %cond3A_139 : i32
    scf.if %cond3A_140 {
      %multiple_of3A_435 = arith.constant 80 : i32
      %multiple_of3A_436 = tpu.assume_multiple %multiple_of3A_435, 8 : i32
      %add3A_437 = arith.constant 0 : i32
      %add3A_438 = arith.addi %multiple_of3A_436, %add3A_437 : i32
      %get3A = arith.index_cast %add3A_438 : i32 to index
      %get3A_439 = tpu.vector_load %arg14[%get3A] {strides = array<i32>} : memref<688xi32, #tpu.memory_space<vmem>>, vector<16xi32>,
      %min3A_440 = arith.constant 32767 : i32
      %min3A_441 = vector.broadcast %min3A_440 : i32 to vector<16xi32>
      %min3A_442 = arith.minsi %get3A_439, %min3A_441 : vector<16xi32>
      %max3A = arith.constant 0 : i32
      %max3A_443 = vector.broadcast %max3A : i32 to vector<16xi32>
      %max3A_444 = arith.maxsi %min3A_442, %max3A_443 : vector<16xi32>
      %swap3A_445 = arith.constant 0 : index
      %swap3A_446 = tpu.vector_load %arg25[%swap3A_445] {strides = array<i32>} : memref<16xi32, #tpu.memory_space<vmem>>, vector<16xi32>,
      tpu.vector_store %arg25[%swap3A_445], %max3A_444 {strides = array<i32>} : memref<16xi32, #tpu.memory_space<vmem>>, vector<16xi32>,
      %dma_start3A_447 = arith.constant 0 : i32
      %dma_start3A_448 = arith.constant 0 : i32
      %dma_start3A_449 = tpu.memref_slice %arg2[%dma_start3A_447, %dma_start3A_448] : memref<32768x1024xf32, #tpu.memory_space<hbm>> -> memref<32768x1024xf32, #tpu.memory_space<hbm>>
      tpu.enqueue_indirect_dma source(%dma_start3A_449 : memref<32768x1024xf32, #tpu.memory_space<hbm>>) target(%arg31 : memref<16x1024xf32, #tpu.memory_space<vmem>>) offsets(%arg25 : memref<16xi32, #tpu.memory_space<vmem>>) semaphore(%arg43 : memref<!tpu.dma_semaphore, #tpu.memory_space<semaphore_mem>>)
    } else {
    }
    %add3A_141 = arith.constant 6 : i32
    %add3A_142 = arith.addi %select_n3A_65, %add3A_141 : i32
    %sub3A_143 = arith.constant 1 : i32
    %sub3A_144 = arith.subi %add3A_142, %sub3A_143 : i32
    %jit3A_145 = arith.constant 6 : i32
    %div3A_146 = arith.divsi %sub3A_144, %jit3A_145 : i32
    %sign3A_147 = arith.constant 0 : i32
    %sign3A_148 = arith.cmpi sgt, %sub3A_144, %sign3A_147 : i32
    %sign3A_149 = arith.extui %sign3A_148 : i1 to i32
    %sign3A_150 = arith.constant 0 : i32
    %sign3A_151 = arith.cmpi slt, %sub3A_144, %sign3A_150 : i32
    %sign3A_152 = arith.extui %sign3A_151 : i1 to i32
    %sign3A_153 = arith.subi %sign3A_149, %sign3A_152 : i32
    %sign3A_154 = arith.constant 0 : i32
    %sign3A_155 = arith.cmpi sgt, %jit3A_145, %sign3A_154 : i32
    %sign3A_156 = arith.extui %sign3A_155 : i1 to i32
    %sign3A_157 = arith.constant 0 : i32
    %sign3A_158 = arith.cmpi slt, %jit3A_145, %sign3A_157 : i32
    %sign3A_159 = arith.extui %sign3A_158 : i1 to i32
    %sign3A_160 = arith.subi %sign3A_156, %sign3A_159 : i32
    %ne3A_161 = arith.cmpi ne, %sign3A_153, %sign3A_160 : i32
    %rem3A_162 = arith.remsi %sub3A_144, %jit3A_145 : i32
    %ne3A_163 = arith.constant 0 : i32
    %ne3A_164 = arith.cmpi ne, %rem3A_162, %ne3A_163 : i32
    %and3A_165 = arith.andi %ne3A_161, %ne3A_164 : i1
    %sub3A_166 = arith.constant 1 : i32
    %sub3A_167 = arith.subi %div3A_146, %sub3A_166 : i32
    %select_n3A_168 = arith.select %and3A_165, %sub3A_167, %div3A_146 : i32
    %while3A_169 = arith.constant 0 : i32
    %while3A_170 = arith.constant 0 : i32
    %while3A_171 = arith.subi %select_n3A_168, %while3A_169 : i32
    %while3A_172 = arith.addi %while3A_169, %while3A_171 : i32
    %while3A_173 = arith.constant 1 : i32
    %while3A_174 = arith.divsi %while3A_171, %while3A_173 : i32
    %while3A_175 = arith.muli %while3A_174, %while3A_173 : i32
    %while3A_176 = arith.addi %while3A_169, %while3A_175 : i32
    %while3A_177 = arith.constant 1 : i32
    %while3A_178 = scf.for %while3A_435 = %while3A_169 to %while3A_176 step %while3A_177 iter_args(%while3A_436 = %while3A_170) -> (i32)  : i32 {
      %mul3A_437 = arith.constant 6 : i32
      %mul3A_438 = arith.muli %while3A_435, %mul3A_437 : i32
      %add3A_439 = arith.constant 0 : i32
      %add3A_440 = arith.addi %mul3A_438, %add3A_439 : i32
      %lt3A = arith.cmpi slt, %add3A_440, %select_n3A_65 : i32
      %convert_element_type3A_441 = arith.extui %lt3A : i1 to i32
      %cond3A_442 = arith.constant 0 : i32
      %cond3A_443 = arith.cmpi ne, %convert_element_type3A_441, %cond3A_442 : i32
      scf.if %cond3A_443 {
        %add3A_523 = arith.constant 0 : i32
        %add3A_524 = arith.addi %mul3A_438, %add3A_523 : i32
        %dma_wait3A = arith.constant 0 : i32
        %dma_wait3A_525 = arith.constant 0 : i32
        %dma_wait3A_526 = tpu.memref_slice %arg2[%dma_wait3A, %dma_wait3A_525] : memref<32768x1024xf32, #tpu.memory_space<hbm>> -> memref<32768x1024xf32, #tpu.memory_space<hbm>>
        tpu.wait_indirect_dma semaphore(%arg38 : memref<!tpu.dma_semaphore, #tpu.memory_space<semaphore_mem>>) src(%dma_wait3A_526 : memref<32768x1024xf32, #tpu.memory_space<hbm>>) dst(%arg26 : memref<16x1024xf32, #tpu.memory_space<vmem>>)
        %mul3A_527 = arith.constant 16 : i32
        %mul3A_528 = arith.muli %add3A_524, %mul3A_527 : i32
        %multiple_of3A_529 = tpu.assume_multiple %mul3A_528, 8 : i32
        %dma_start3A_530 = arith.constant 0 : i32
        %dma_start3A_531 = tpu.memref_slice %arg6[%add3A_34, %multiple_of3A_529, %dma_start3A_530] : memref<64x640x1024xf32, #tpu.memory_space<hbm>> -> memref<1x16x1024xf32, #tpu.memory_space<hbm>>
        %dma_start3A_532 = tpu.memref_squeeze %dma_start3A_531 : memref<1x16x1024xf32, #tpu.memory_space<hbm>> -> memref<16x1024xf32, #tpu.memory_space<hbm>>
        %dma_start3A_533 = arith.constant 0 : i32
        %dma_start3A_534 = tpu.memref_slice %arg6[%add3A_34, %multiple_of3A_529, %dma_start3A_533] : memref<64x640x1024xf32, #tpu.memory_space<hbm>> -> memref<1x16x1024xf32, #tpu.memory_space<hbm>>
        %dma_start3A_535 = tpu.memref_squeeze %dma_start3A_534 : memref<1x16x1024xf32, #tpu.memory_space<hbm>> -> memref<16x1024xf32, #tpu.memory_space<hbm>>
        tpu.enqueue_dma source(%arg26 : memref<16x1024xf32, #tpu.memory_space<vmem>>) target(%dma_start3A_535 : memref<16x1024xf32, #tpu.memory_space<hbm>>) target_semaphore(%arg44 : memref<!tpu.dma_semaphore, #tpu.memory_space<semaphore_mem>>)
      } else {
      }
      %add3A_444 = arith.constant 1 : i32
      %add3A_445 = arith.addi %mul3A_438, %add3A_444 : i32
      %lt3A_446 = arith.cmpi slt, %add3A_445, %select_n3A_65 : i32
      %convert_element_type3A_447 = arith.extui %lt3A_446 : i1 to i32
      %cond3A_448 = arith.constant 0 : i32
      %cond3A_449 = arith.cmpi ne, %convert_element_type3A_447, %cond3A_448 : i32
      scf.if %cond3A_449 {
        %add3A_523 = arith.constant 1 : i32
        %add3A_524 = arith.addi %mul3A_438, %add3A_523 : i32
        %dma_wait3A = arith.constant 0 : i32
        %dma_wait3A_525 = arith.constant 0 : i32
        %dma_wait3A_526 = tpu.memref_slice %arg2[%dma_wait3A, %dma_wait3A_525] : memref<32768x1024xf32, #tpu.memory_space<hbm>> -> memref<32768x1024xf32, #tpu.memory_space<hbm>>
        tpu.wait_indirect_dma semaphore(%arg39 : memref<!tpu.dma_semaphore, #tpu.memory_space<semaphore_mem>>) src(%dma_wait3A_526 : memref<32768x1024xf32, #tpu.memory_space<hbm>>) dst(%arg27 : memref<16x1024xf32, #tpu.memory_space<vmem>>)
        %mul3A_527 = arith.constant 16 : i32
        %mul3A_528 = arith.muli %add3A_524, %mul3A_527 : i32
        %multiple_of3A_529 = tpu.assume_multiple %mul3A_528, 8 : i32
        %dma_start3A_530 = arith.constant 0 : i32
        %dma_start3A_531 = tpu.memref_slice %arg6[%add3A_34, %multiple_of3A_529, %dma_start3A_530] : memref<64x640x1024xf32, #tpu.memory_space<hbm>> -> memref<1x16x1024xf32, #tpu.memory_space<hbm>>
        %dma_start3A_532 = tpu.memref_squeeze %dma_start3A_531 : memref<1x16x1024xf32, #tpu.memory_space<hbm>> -> memref<16x1024xf32, #tpu.memory_space<hbm>>
        %dma_start3A_533 = arith.constant 0 : i32
        %dma_start3A_534 = tpu.memref_slice %arg6[%add3A_34, %multiple_of3A_529, %dma_start3A_533] : memref<64x640x1024xf32, #tpu.memory_space<hbm>> -> memref<1x16x1024xf32, #tpu.memory_space<hbm>>
        %dma_start3A_535 = tpu.memref_squeeze %dma_start3A_534 : memref<1x16x1024xf32, #tpu.memory_space<hbm>> -> memref<16x1024xf32, #tpu.memory_space<hbm>>
        tpu.enqueue_dma source(%arg27 : memref<16x1024xf32, #tpu.memory_space<vmem>>) target(%dma_start3A_535 : memref<16x1024xf32, #tpu.memory_space<hbm>>) target_semaphore(%arg45 : memref<!tpu.dma_semaphore, #tpu.memory_space<semaphore_mem>>)
      } else {
      }
      %add3A_450 = arith.constant 2 : i32
      %add3A_451 = arith.addi %mul3A_438, %add3A_450 : i32
      %lt3A_452 = arith.cmpi slt, %add3A_451, %select_n3A_65 : i32
      %convert_element_type3A_453 = arith.extui %lt3A_452 : i1 to i32
      %cond3A_454 = arith.constant 0 : i32
      %cond3A_455 = arith.cmpi ne, %convert_element_type3A_453, %cond3A_454 : i32
      scf.if %cond3A_455 {
        %add3A_523 = arith.constant 2 : i32
        %add3A_524 = arith.addi %mul3A_438, %add3A_523 : i32
        %dma_wait3A = arith.constant 0 : i32
        %dma_wait3A_525 = arith.constant 0 : i32
        %dma_wait3A_526 = tpu.memref_slice %arg2[%dma_wait3A, %dma_wait3A_525] : memref<32768x1024xf32, #tpu.memory_space<hbm>> -> memref<32768x1024xf32, #tpu.memory_space<hbm>>
        tpu.wait_indirect_dma semaphore(%arg40 : memref<!tpu.dma_semaphore, #tpu.memory_space<semaphore_mem>>) src(%dma_wait3A_526 : memref<32768x1024xf32, #tpu.memory_space<hbm>>) dst(%arg28 : memref<16x1024xf32, #tpu.memory_space<vmem>>)
        %mul3A_527 = arith.constant 16 : i32
        %mul3A_528 = arith.muli %add3A_524, %mul3A_527 : i32
        %multiple_of3A_529 = tpu.assume_multiple %mul3A_528, 8 : i32
        %dma_start3A_530 = arith.constant 0 : i32
        %dma_start3A_531 = tpu.memref_slice %arg6[%add3A_34, %multiple_of3A_529, %dma_start3A_530] : memref<64x640x1024xf32, #tpu.memory_space<hbm>> -> memref<1x16x1024xf32, #tpu.memory_space<hbm>>
        %dma_start3A_532 = tpu.memref_squeeze %dma_start3A_531 : memref<1x16x1024xf32, #tpu.memory_space<hbm>> -> memref<16x1024xf32, #tpu.memory_space<hbm>>
        %dma_start3A_533 = arith.constant 0 : i32
        %dma_start3A_534 = tpu.memref_slice %arg6[%add3A_34, %multiple_of3A_529, %dma_start3A_533] : memref<64x640x1024xf32, #tpu.memory_space<hbm>> -> memref<1x16x1024xf32, #tpu.memory_space<hbm>>
        %dma_start3A_535 = tpu.memref_squeeze %dma_start3A_534 : memref<1x16x1024xf32, #tpu.memory_space<hbm>> -> memref<16x1024xf32, #tpu.memory_space<hbm>>
        tpu.enqueue_dma source(%arg28 : memref<16x1024xf32, #tpu.memory_space<vmem>>) target(%dma_start3A_535 : memref<16x1024xf32, #tpu.memory_space<hbm>>) target_semaphore(%arg46 : memref<!tpu.dma_semaphore, #tpu.memory_space<semaphore_mem>>)
      } else {
      }
      %add3A_456 = arith.constant 3 : i32
      %add3A_457 = arith.addi %mul3A_438, %add3A_456 : i32
      %lt3A_458 = arith.cmpi slt, %add3A_457, %select_n3A_65 : i32
      %convert_element_type3A_459 = arith.extui %lt3A_458 : i1 to i32
      %cond3A_460 = arith.constant 0 : i32
      %cond3A_461 = arith.cmpi ne, %convert_element_type3A_459, %cond3A_460 : i32
      scf.if %cond3A_461 {
        %add3A_523 = arith.constant 3 : i32
        %add3A_524 = arith.addi %mul3A_438, %add3A_523 : i32
        %dma_wait3A = arith.constant 0 : i32
        %dma_wait3A_525 = arith.constant 0 : i32
        %dma_wait3A_526 = tpu.memref_slice %arg2[%dma_wait3A, %dma_wait3A_525] : memref<32768x1024xf32, #tpu.memory_space<hbm>> -> memref<32768x1024xf32, #tpu.memory_space<hbm>>
        tpu.wait_indirect_dma semaphore(%arg41 : memref<!tpu.dma_semaphore, #tpu.memory_space<semaphore_mem>>) src(%dma_wait3A_526 : memref<32768x1024xf32, #tpu.memory_space<hbm>>) dst(%arg29 : memref<16x1024xf32, #tpu.memory_space<vmem>>)
        %mul3A_527 = arith.constant 16 : i32
        %mul3A_528 = arith.muli %add3A_524, %mul3A_527 : i32
        %multiple_of3A_529 = tpu.assume_multiple %mul3A_528, 8 : i32
        %dma_start3A_530 = arith.constant 0 : i32
        %dma_start3A_531 = tpu.memref_slice %arg6[%add3A_34, %multiple_of3A_529, %dma_start3A_530] : memref<64x640x1024xf32, #tpu.memory_space<hbm>> -> memref<1x16x1024xf32, #tpu.memory_space<hbm>>
        %dma_start3A_532 = tpu.memref_squeeze %dma_start3A_531 : memref<1x16x1024xf32, #tpu.memory_space<hbm>> -> memref<16x1024xf32, #tpu.memory_space<hbm>>
        %dma_start3A_533 = arith.constant 0 : i32
        %dma_start3A_534 = tpu.memref_slice %arg6[%add3A_34, %multiple_of3A_529, %dma_start3A_533] : memref<64x640x1024xf32, #tpu.memory_space<hbm>> -> memref<1x16x1024xf32, #tpu.memory_space<hbm>>
        %dma_start3A_535 = tpu.memref_squeeze %dma_start3A_534 : memref<1x16x1024xf32, #tpu.memory_space<hbm>> -> memref<16x1024xf32, #tpu.memory_space<hbm>>
        tpu.enqueue_dma source(%arg29 : memref<16x1024xf32, #tpu.memory_space<vmem>>) target(%dma_start3A_535 : memref<16x1024xf32, #tpu.memory_space<hbm>>) target_semaphore(%arg47 : memref<!tpu.dma_semaphore, #tpu.memory_space<semaphore_mem>>)
      } else {
      }
      %add3A_462 = arith.constant 4 : i32
      %add3A_463 = arith.addi %mul3A_438, %add3A_462 : i32
      %lt3A_464 = arith.cmpi slt, %add3A_463, %select_n3A_65 : i32
      %convert_element_type3A_465 = arith.extui %lt3A_464 : i1 to i32
      %cond3A_466 = arith.constant 0 : i32
      %cond3A_467 = arith.cmpi ne, %convert_element_type3A_465, %cond3A_466 : i32
      scf.if %cond3A_467 {
        %add3A_523 = arith.constant 4 : i32
        %add3A_524 = arith.addi %mul3A_438, %add3A_523 : i32
        %dma_wait3A = arith.constant 0 : i32
        %dma_wait3A_525 = arith.constant 0 : i32
        %dma_wait3A_526 = tpu.memref_slice %arg2[%dma_wait3A, %dma_wait3A_525] : memref<32768x1024xf32, #tpu.memory_space<hbm>> -> memref<32768x1024xf32, #tpu.memory_space<hbm>>
        tpu.wait_indirect_dma semaphore(%arg42 : memref<!tpu.dma_semaphore, #tpu.memory_space<semaphore_mem>>) src(%dma_wait3A_526 : memref<32768x1024xf32, #tpu.memory_space<hbm>>) dst(%arg30 : memref<16x1024xf32, #tpu.memory_space<vmem>>)
        %mul3A_527 = arith.constant 16 : i32
        %mul3A_528 = arith.muli %add3A_524, %mul3A_527 : i32
        %multiple_of3A_529 = tpu.assume_multiple %mul3A_528, 8 : i32
        %dma_start3A_530 = arith.constant 0 : i32
        %dma_start3A_531 = tpu.memref_slice %arg6[%add3A_34, %multiple_of3A_529, %dma_start3A_530] : memref<64x640x1024xf32, #tpu.memory_space<hbm>> -> memref<1x16x1024xf32, #tpu.memory_space<hbm>>
        %dma_start3A_532 = tpu.memref_squeeze %dma_start3A_531 : memref<1x16x1024xf32, #tpu.memory_space<hbm>> -> memref<16x1024xf32, #tpu.memory_space<hbm>>
        %dma_start3A_533 = arith.constant 0 : i32
        %dma_start3A_534 = tpu.memref_slice %arg6[%add3A_34, %multiple_of3A_529, %dma_start3A_533] : memref<64x640x1024xf32, #tpu.memory_space<hbm>> -> memref<1x16x1024xf32, #tpu.memory_space<hbm>>
        %dma_start3A_535 = tpu.memref_squeeze %dma_start3A_534 : memref<1x16x1024xf32, #tpu.memory_space<hbm>> -> memref<16x1024xf32, #tpu.memory_space<hbm>>
        tpu.enqueue_dma source(%arg30 : memref<16x1024xf32, #tpu.memory_space<vmem>>) target(%dma_start3A_535 : memref<16x1024xf32, #tpu.memory_space<hbm>>) target_semaphore(%arg48 : memref<!tpu.dma_semaphore, #tpu.memory_space<semaphore_mem>>)
      } else {
      }
      %add3A_468 = arith.constant 5 : i32
      %add3A_469 = arith.addi %mul3A_438, %add3A_468 : i32
      %lt3A_470 = arith.cmpi slt, %add3A_469, %select_n3A_65 : i32
      %convert_element_type3A_471 = arith.extui %lt3A_470 : i1 to i32
      %cond3A_472 = arith.constant 0 : i32
      %cond3A_473 = arith.cmpi ne, %convert_element_type3A_471, %cond3A_472 : i32
      scf.if %cond3A_473 {
        %add3A_523 = arith.constant 5 : i32
        %add3A_524 = arith.addi %mul3A_438, %add3A_523 : i32
        %dma_wait3A = arith.constant 0 : i32
        %dma_wait3A_525 = arith.constant 0 : i32
        %dma_wait3A_526 = tpu.memref_slice %arg2[%dma_wait3A, %dma_wait3A_525] : memref<32768x1024xf32, #tpu.memory_space<hbm>> -> memref<32768x1024xf32, #tpu.memory_space<hbm>>
        tpu.wait_indirect_dma semaphore(%arg43 : memref<!tpu.dma_semaphore, #tpu.memory_space<semaphore_mem>>) src(%dma_wait3A_526 : memref<32768x1024xf32, #tpu.memory_space<hbm>>) dst(%arg31 : memref<16x1024xf32, #tpu.memory_space<vmem>>)
        %mul3A_527 = arith.constant 16 : i32
        %mul3A_528 = arith.muli %add3A_524, %mul3A_527 : i32
        %multiple_of3A_529 = tpu.assume_multiple %mul3A_528, 8 : i32
        %dma_start3A_530 = arith.constant 0 : i32
        %dma_start3A_531 = tpu.memref_slice %arg6[%add3A_34, %multiple_of3A_529, %dma_start3A_530] : memref<64x640x1024xf32, #tpu.memory_space<hbm>> -> memref<1x16x1024xf32, #tpu.memory_space<hbm>>
        %dma_start3A_532 = tpu.memref_squeeze %dma_start3A_531 : memref<1x16x1024xf32, #tpu.memory_space<hbm>> -> memref<16x1024xf32, #tpu.memory_space<hbm>>
        %dma_start3A_533 = arith.constant 0 : i32
        %dma_start3A_534 = tpu.memref_slice %arg6[%add3A_34, %multiple_of3A_529, %dma_start3A_533] : memref<64x640x1024xf32, #tpu.memory_space<hbm>> -> memref<1x16x1024xf32, #tpu.memory_space<hbm>>
        %dma_start3A_535 = tpu.memref_squeeze %dma_start3A_534 : memref<1x16x1024xf32, #tpu.memory_space<hbm>> -> memref<16x1024xf32, #tpu.memory_space<hbm>>
        tpu.enqueue_dma source(%arg31 : memref<16x1024xf32, #tpu.memory_space<vmem>>) target(%dma_start3A_535 : memref<16x1024xf32, #tpu.memory_space<hbm>>) target_semaphore(%arg49 : memref<!tpu.dma_semaphore, #tpu.memory_space<semaphore_mem>>)
      } else {
      }
      %add3A_474 = arith.constant 0 : i32
      %add3A_475 = arith.addi %mul3A_438, %add3A_474 : i32
      %add3A_476 = arith.constant 6 : i32
      %add3A_477 = arith.addi %add3A_475, %add3A_476 : i32
      %lt3A_478 = arith.cmpi slt, %add3A_477, %select_n3A_65 : i32
      %convert_element_type3A_479 = arith.extui %lt3A_478 : i1 to i32
      %cond3A_480 = arith.constant 0 : i32
      %cond3A_481 = arith.cmpi ne, %convert_element_type3A_479, %cond3A_480 : i32
      scf.if %cond3A_481 {
        %dma_wait3A = arith.constant 0 : i32
        %dma_wait3A_523 = arith.constant 0 : i32
        %dma_wait3A_524 = tpu.memref_slice %arg6[%add3A_34, %dma_wait3A, %dma_wait3A_523] : memref<64x640x1024xf32, #tpu.memory_space<hbm>> -> memref<1x16x1024xf32, #tpu.memory_space<hbm>>
        %dma_wait3A_525 = tpu.memref_squeeze %dma_wait3A_524 : memref<1x16x1024xf32, #tpu.memory_space<hbm>> -> memref<16x1024xf32, #tpu.memory_space<hbm>>
        %dma_wait3A_526 = arith.constant 0 : i32
        %dma_wait3A_527 = arith.constant 0 : i32
        %dma_wait3A_528 = tpu.memref_slice %arg6[%add3A_34, %dma_wait3A_526, %dma_wait3A_527] : memref<64x640x1024xf32, #tpu.memory_space<hbm>> -> memref<1x16x1024xf32, #tpu.memory_space<hbm>>
        %dma_wait3A_529 = tpu.memref_squeeze %dma_wait3A_528 : memref<1x16x1024xf32, #tpu.memory_space<hbm>> -> memref<16x1024xf32, #tpu.memory_space<hbm>>
        tpu.wait_dma2 semaphore(%arg44 : memref<!tpu.dma_semaphore, #tpu.memory_space<semaphore_mem>>) src(%arg26 : memref<16x1024xf32, #tpu.memory_space<vmem>>) dst(%dma_wait3A_529 : memref<16x1024xf32, #tpu.memory_space<hbm>>)
        %add3A_530 = arith.constant 0 : i32
        %add3A_531 = arith.addi %mul3A_438, %add3A_530 : i32
        %add3A_532 = arith.constant 6 : i32
        %add3A_533 = arith.addi %add3A_531, %add3A_532 : i32
        %mul3A_534 = arith.constant 16 : i32
        %mul3A_535 = arith.muli %add3A_533, %mul3A_534 : i32
        %multiple_of3A_536 = tpu.assume_multiple %mul3A_535, 8 : i32
        %add3A_537 = arith.constant 0 : i32
        %add3A_538 = arith.addi %multiple_of3A_536, %add3A_537 : i32
        %get3A = arith.index_cast %add3A_538 : i32 to index
        %get3A_539 = tpu.vector_load %arg14[%get3A] {strides = array<i32>} : memref<688xi32, #tpu.memory_space<vmem>>, vector<16xi32>,
        %min3A_540 = arith.constant 32767 : i32
        %min3A_541 = vector.broadcast %min3A_540 : i32 to vector<16xi32>
        %min3A_542 = arith.minsi %get3A_539, %min3A_541 : vector<16xi32>
        %max3A = arith.constant 0 : i32
        %max3A_543 = vector.broadcast %max3A : i32 to vector<16xi32>
        %max3A_544 = arith.maxsi %min3A_542, %max3A_543 : vector<16xi32>
        %swap3A_545 = arith.constant 0 : index
        %swap3A_546 = tpu.vector_load %arg20[%swap3A_545] {strides = array<i32>} : memref<16xi32, #tpu.memory_space<vmem>>, vector<16xi32>,
        tpu.vector_store %arg20[%swap3A_545], %max3A_544 {strides = array<i32>} : memref<16xi32, #tpu.memory_space<vmem>>, vector<16xi32>,
        %dma_start3A_547 = arith.constant 0 : i32
        %dma_start3A_548 = arith.constant 0 : i32
        %dma_start3A_549 = tpu.memref_slice %arg2[%dma_start3A_547, %dma_start3A_548] : memref<32768x1024xf32, #tpu.memory_space<hbm>> -> memref<32768x1024xf32, #tpu.memory_space<hbm>>
        tpu.enqueue_indirect_dma source(%dma_start3A_549 : memref<32768x1024xf32, #tpu.memory_space<hbm>>) target(%arg26 : memref<16x1024xf32, #tpu.memory_space<vmem>>) offsets(%arg20 : memref<16xi32, #tpu.memory_space<vmem>>) semaphore(%arg38 : memref<!tpu.dma_semaphore, #tpu.memory_space<semaphore_mem>>)
      } else {
      }
      %add3A_482 = arith.constant 1 : i32
      %add3A_483 = arith.addi %mul3A_438, %add3A_482 : i32
      %add3A_484 = arith.constant 6 : i32
      %add3A_485 = arith.addi %add3A_483, %add3A_484 : i32
      %lt3A_486 = arith.cmpi slt, %add3A_485, %select_n3A_65 : i32
      %convert_element_type3A_487 = arith.extui %lt3A_486 : i1 to i32
      %cond3A_488 = arith.constant 0 : i32
      %cond3A_489 = arith.cmpi ne, %convert_element_type3A_487, %cond3A_488 : i32
      scf.if %cond3A_489 {
        %dma_wait3A = arith.constant 0 : i32
        %dma_wait3A_523 = arith.constant 0 : i32
        %dma_wait3A_524 = tpu.memref_slice %arg6[%add3A_34, %dma_wait3A, %dma_wait3A_523] : memref<64x640x1024xf32, #tpu.memory_space<hbm>> -> memref<1x16x1024xf32, #tpu.memory_space<hbm>>
        %dma_wait3A_525 = tpu.memref_squeeze %dma_wait3A_524 : memref<1x16x1024xf32, #tpu.memory_space<hbm>> -> memref<16x1024xf32, #tpu.memory_space<hbm>>
        %dma_wait3A_526 = arith.constant 0 : i32
        %dma_wait3A_527 = arith.constant 0 : i32
        %dma_wait3A_528 = tpu.memref_slice %arg6[%add3A_34, %dma_wait3A_526, %dma_wait3A_527] : memref<64x640x1024xf32, #tpu.memory_space<hbm>> -> memref<1x16x1024xf32, #tpu.memory_space<hbm>>
        %dma_wait3A_529 = tpu.memref_squeeze %dma_wait3A_528 : memref<1x16x1024xf32, #tpu.memory_space<hbm>> -> memref<16x1024xf32, #tpu.memory_space<hbm>>
        tpu.wait_dma2 semaphore(%arg45 : memref<!tpu.dma_semaphore, #tpu.memory_space<semaphore_mem>>) src(%arg27 : memref<16x1024xf32, #tpu.memory_space<vmem>>) dst(%dma_wait3A_529 : memref<16x1024xf32, #tpu.memory_space<hbm>>)
        %add3A_530 = arith.constant 1 : i32
        %add3A_531 = arith.addi %mul3A_438, %add3A_530 : i32
        %add3A_532 = arith.constant 6 : i32
        %add3A_533 = arith.addi %add3A_531, %add3A_532 : i32
        %mul3A_534 = arith.constant 16 : i32
        %mul3A_535 = arith.muli %add3A_533, %mul3A_534 : i32
        %multiple_of3A_536 = tpu.assume_multiple %mul3A_535, 8 : i32
        %add3A_537 = arith.constant 0 : i32
        %add3A_538 = arith.addi %multiple_of3A_536, %add3A_537 : i32
        %get3A = arith.index_cast %add3A_538 : i32 to index
        %get3A_539 = tpu.vector_load %arg14[%get3A] {strides = array<i32>} : memref<688xi32, #tpu.memory_space<vmem>>, vector<16xi32>,
        %min3A_540 = arith.constant 32767 : i32
        %min3A_541 = vector.broadcast %min3A_540 : i32 to vector<16xi32>
        %min3A_542 = arith.minsi %get3A_539, %min3A_541 : vector<16xi32>
        %max3A = arith.constant 0 : i32
        %max3A_543 = vector.broadcast %max3A : i32 to vector<16xi32>
        %max3A_544 = arith.maxsi %min3A_542, %max3A_543 : vector<16xi32>
        %swap3A_545 = arith.constant 0 : index
        %swap3A_546 = tpu.vector_load %arg21[%swap3A_545] {strides = array<i32>} : memref<16xi32, #tpu.memory_space<vmem>>, vector<16xi32>,
        tpu.vector_store %arg21[%swap3A_545], %max3A_544 {strides = array<i32>} : memref<16xi32, #tpu.memory_space<vmem>>, vector<16xi32>,
        %dma_start3A_547 = arith.constant 0 : i32
        %dma_start3A_548 = arith.constant 0 : i32
        %dma_start3A_549 = tpu.memref_slice %arg2[%dma_start3A_547, %dma_start3A_548] : memref<32768x1024xf32, #tpu.memory_space<hbm>> -> memref<32768x1024xf32, #tpu.memory_space<hbm>>
        tpu.enqueue_indirect_dma source(%dma_start3A_549 : memref<32768x1024xf32, #tpu.memory_space<hbm>>) target(%arg27 : memref<16x1024xf32, #tpu.memory_space<vmem>>) offsets(%arg21 : memref<16xi32, #tpu.memory_space<vmem>>) semaphore(%arg39 : memref<!tpu.dma_semaphore, #tpu.memory_space<semaphore_mem>>)
      } else {
      }
      %add3A_490 = arith.constant 2 : i32
      %add3A_491 = arith.addi %mul3A_438, %add3A_490 : i32
      %add3A_492 = arith.constant 6 : i32
      %add3A_493 = arith.addi %add3A_491, %add3A_492 : i32
      %lt3A_494 = arith.cmpi slt, %add3A_493, %select_n3A_65 : i32
      %convert_element_type3A_495 = arith.extui %lt3A_494 : i1 to i32
      %cond3A_496 = arith.constant 0 : i32
      %cond3A_497 = arith.cmpi ne, %convert_element_type3A_495, %cond3A_496 : i32
      scf.if %cond3A_497 {
        %dma_wait3A = arith.constant 0 : i32
        %dma_wait3A_523 = arith.constant 0 : i32
        %dma_wait3A_524 = tpu.memref_slice %arg6[%add3A_34, %dma_wait3A, %dma_wait3A_523] : memref<64x640x1024xf32, #tpu.memory_space<hbm>> -> memref<1x16x1024xf32, #tpu.memory_space<hbm>>
        %dma_wait3A_525 = tpu.memref_squeeze %dma_wait3A_524 : memref<1x16x1024xf32, #tpu.memory_space<hbm>> -> memref<16x1024xf32, #tpu.memory_space<hbm>>
        %dma_wait3A_526 = arith.constant 0 : i32
        %dma_wait3A_527 = arith.constant 0 : i32
        %dma_wait3A_528 = tpu.memref_slice %arg6[%add3A_34, %dma_wait3A_526, %dma_wait3A_527] : memref<64x640x1024xf32, #tpu.memory_space<hbm>> -> memref<1x16x1024xf32, #tpu.memory_space<hbm>>
        %dma_wait3A_529 = tpu.memref_squeeze %dma_wait3A_528 : memref<1x16x1024xf32, #tpu.memory_space<hbm>> -> memref<16x1024xf32, #tpu.memory_space<hbm>>
        tpu.wait_dma2 semaphore(%arg46 : memref<!tpu.dma_semaphore, #tpu.memory_space<semaphore_mem>>) src(%arg28 : memref<16x1024xf32, #tpu.memory_space<vmem>>) dst(%dma_wait3A_529 : memref<16x1024xf32, #tpu.memory_space<hbm>>)
        %add3A_530 = arith.constant 2 : i32
        %add3A_531 = arith.addi %mul3A_438, %add3A_530 : i32
        %add3A_532 = arith.constant 6 : i32
        %add3A_533 = arith.addi %add3A_531, %add3A_532 : i32
        %mul3A_534 = arith.constant 16 : i32
        %mul3A_535 = arith.muli %add3A_533, %mul3A_534 : i32
        %multiple_of3A_536 = tpu.assume_multiple %mul3A_535, 8 : i32
        %add3A_537 = arith.constant 0 : i32
        %add3A_538 = arith.addi %multiple_of3A_536, %add3A_537 : i32
        %get3A = arith.index_cast %add3A_538 : i32 to index
        %get3A_539 = tpu.vector_load %arg14[%get3A] {strides = array<i32>} : memref<688xi32, #tpu.memory_space<vmem>>, vector<16xi32>,
        %min3A_540 = arith.constant 32767 : i32
        %min3A_541 = vector.broadcast %min3A_540 : i32 to vector<16xi32>
        %min3A_542 = arith.minsi %get3A_539, %min3A_541 : vector<16xi32>
        %max3A = arith.constant 0 : i32
        %max3A_543 = vector.broadcast %max3A : i32 to vector<16xi32>
        %max3A_544 = arith.maxsi %min3A_542, %max3A_543 : vector<16xi32>
        %swap3A_545 = arith.constant 0 : index
        %swap3A_546 = tpu.vector_load %arg22[%swap3A_545] {strides = array<i32>} : memref<16xi32, #tpu.memory_space<vmem>>, vector<16xi32>,
        tpu.vector_store %arg22[%swap3A_545], %max3A_544 {strides = array<i32>} : memref<16xi32, #tpu.memory_space<vmem>>, vector<16xi32>,
        %dma_start3A_547 = arith.constant 0 : i32
        %dma_start3A_548 = arith.constant 0 : i32
        %dma_start3A_549 = tpu.memref_slice %arg2[%dma_start3A_547, %dma_start3A_548] : memref<32768x1024xf32, #tpu.memory_space<hbm>> -> memref<32768x1024xf32, #tpu.memory_space<hbm>>
        tpu.enqueue_indirect_dma source(%dma_start3A_549 : memref<32768x1024xf32, #tpu.memory_space<hbm>>) target(%arg28 : memref<16x1024xf32, #tpu.memory_space<vmem>>) offsets(%arg22 : memref<16xi32, #tpu.memory_space<vmem>>) semaphore(%arg40 : memref<!tpu.dma_semaphore, #tpu.memory_space<semaphore_mem>>)
      } else {
      }
      %add3A_498 = arith.constant 3 : i32
      %add3A_499 = arith.addi %mul3A_438, %add3A_498 : i32
      %add3A_500 = arith.constant 6 : i32
      %add3A_501 = arith.addi %add3A_499, %add3A_500 : i32
      %lt3A_502 = arith.cmpi slt, %add3A_501, %select_n3A_65 : i32
      %convert_element_type3A_503 = arith.extui %lt3A_502 : i1 to i32
      %cond3A_504 = arith.constant 0 : i32
      %cond3A_505 = arith.cmpi ne, %convert_element_type3A_503, %cond3A_504 : i32
      scf.if %cond3A_505 {
        %dma_wait3A = arith.constant 0 : i32
        %dma_wait3A_523 = arith.constant 0 : i32
        %dma_wait3A_524 = tpu.memref_slice %arg6[%add3A_34, %dma_wait3A, %dma_wait3A_523] : memref<64x640x1024xf32, #tpu.memory_space<hbm>> -> memref<1x16x1024xf32, #tpu.memory_space<hbm>>
        %dma_wait3A_525 = tpu.memref_squeeze %dma_wait3A_524 : memref<1x16x1024xf32, #tpu.memory_space<hbm>> -> memref<16x1024xf32, #tpu.memory_space<hbm>>
        %dma_wait3A_526 = arith.constant 0 : i32
        %dma_wait3A_527 = arith.constant 0 : i32
        %dma_wait3A_528 = tpu.memref_slice %arg6[%add3A_34, %dma_wait3A_526, %dma_wait3A_527] : memref<64x640x1024xf32, #tpu.memory_space<hbm>> -> memref<1x16x1024xf32, #tpu.memory_space<hbm>>
        %dma_wait3A_529 = tpu.memref_squeeze %dma_wait3A_528 : memref<1x16x1024xf32, #tpu.memory_space<hbm>> -> memref<16x1024xf32, #tpu.memory_space<hbm>>
        tpu.wait_dma2 semaphore(%arg47 : memref<!tpu.dma_semaphore, #tpu.memory_space<semaphore_mem>>) src(%arg29 : memref<16x1024xf32, #tpu.memory_space<vmem>>) dst(%dma_wait3A_529 : memref<16x1024xf32, #tpu.memory_space<hbm>>)
        %add3A_530 = arith.constant 3 : i32
        %add3A_531 = arith.addi %mul3A_438, %add3A_530 : i32
        %add3A_532 = arith.constant 6 : i32
        %add3A_533 = arith.addi %add3A_531, %add3A_532 : i32
        %mul3A_534 = arith.constant 16 : i32
        %mul3A_535 = arith.muli %add3A_533, %mul3A_534 : i32
        %multiple_of3A_536 = tpu.assume_multiple %mul3A_535, 8 : i32
        %add3A_537 = arith.constant 0 : i32
        %add3A_538 = arith.addi %multiple_of3A_536, %add3A_537 : i32
        %get3A = arith.index_cast %add3A_538 : i32 to index
        %get3A_539 = tpu.vector_load %arg14[%get3A] {strides = array<i32>} : memref<688xi32, #tpu.memory_space<vmem>>, vector<16xi32>,
        %min3A_540 = arith.constant 32767 : i32
        %min3A_541 = vector.broadcast %min3A_540 : i32 to vector<16xi32>
        %min3A_542 = arith.minsi %get3A_539, %min3A_541 : vector<16xi32>
        %max3A = arith.constant 0 : i32
        %max3A_543 = vector.broadcast %max3A : i32 to vector<16xi32>
        %max3A_544 = arith.maxsi %min3A_542, %max3A_543 : vector<16xi32>
        %swap3A_545 = arith.constant 0 : index
        %swap3A_546 = tpu.vector_load %arg23[%swap3A_545] {strides = array<i32>} : memref<16xi32, #tpu.memory_space<vmem>>, vector<16xi32>,
        tpu.vector_store %arg23[%swap3A_545], %max3A_544 {strides = array<i32>} : memref<16xi32, #tpu.memory_space<vmem>>, vector<16xi32>,
        %dma_start3A_547 = arith.constant 0 : i32
        %dma_start3A_548 = arith.constant 0 : i32
        %dma_start3A_549 = tpu.memref_slice %arg2[%dma_start3A_547, %dma_start3A_548] : memref<32768x1024xf32, #tpu.memory_space<hbm>> -> memref<32768x1024xf32, #tpu.memory_space<hbm>>
        tpu.enqueue_indirect_dma source(%dma_start3A_549 : memref<32768x1024xf32, #tpu.memory_space<hbm>>) target(%arg29 : memref<16x1024xf32, #tpu.memory_space<vmem>>) offsets(%arg23 : memref<16xi32, #tpu.memory_space<vmem>>) semaphore(%arg41 : memref<!tpu.dma_semaphore, #tpu.memory_space<semaphore_mem>>)
      } else {
      }
      %add3A_506 = arith.constant 4 : i32
      %add3A_507 = arith.addi %mul3A_438, %add3A_506 : i32
      %add3A_508 = arith.constant 6 : i32
      %add3A_509 = arith.addi %add3A_507, %add3A_508 : i32
      %lt3A_510 = arith.cmpi slt, %add3A_509, %select_n3A_65 : i32
      %convert_element_type3A_511 = arith.extui %lt3A_510 : i1 to i32
      %cond3A_512 = arith.constant 0 : i32
      %cond3A_513 = arith.cmpi ne, %convert_element_type3A_511, %cond3A_512 : i32
      scf.if %cond3A_513 {
        %dma_wait3A = arith.constant 0 : i32
        %dma_wait3A_523 = arith.constant 0 : i32
        %dma_wait3A_524 = tpu.memref_slice %arg6[%add3A_34, %dma_wait3A, %dma_wait3A_523] : memref<64x640x1024xf32, #tpu.memory_space<hbm>> -> memref<1x16x1024xf32, #tpu.memory_space<hbm>>
        %dma_wait3A_525 = tpu.memref_squeeze %dma_wait3A_524 : memref<1x16x1024xf32, #tpu.memory_space<hbm>> -> memref<16x1024xf32, #tpu.memory_space<hbm>>
        %dma_wait3A_526 = arith.constant 0 : i32
        %dma_wait3A_527 = arith.constant 0 : i32
        %dma_wait3A_528 = tpu.memref_slice %arg6[%add3A_34, %dma_wait3A_526, %dma_wait3A_527] : memref<64x640x1024xf32, #tpu.memory_space<hbm>> -> memref<1x16x1024xf32, #tpu.memory_space<hbm>>
        %dma_wait3A_529 = tpu.memref_squeeze %dma_wait3A_528 : memref<1x16x1024xf32, #tpu.memory_space<hbm>> -> memref<16x1024xf32, #tpu.memory_space<hbm>>
        tpu.wait_dma2 semaphore(%arg48 : memref<!tpu.dma_semaphore, #tpu.memory_space<semaphore_mem>>) src(%arg30 : memref<16x1024xf32, #tpu.memory_space<vmem>>) dst(%dma_wait3A_529 : memref<16x1024xf32, #tpu.memory_space<hbm>>)
        %add3A_530 = arith.constant 4 : i32
        %add3A_531 = arith.addi %mul3A_438, %add3A_530 : i32
        %add3A_532 = arith.constant 6 : i32
        %add3A_533 = arith.addi %add3A_531, %add3A_532 : i32
        %mul3A_534 = arith.constant 16 : i32
        %mul3A_535 = arith.muli %add3A_533, %mul3A_534 : i32
        %multiple_of3A_536 = tpu.assume_multiple %mul3A_535, 8 : i32
        %add3A_537 = arith.constant 0 : i32
        %add3A_538 = arith.addi %multiple_of3A_536, %add3A_537 : i32
        %get3A = arith.index_cast %add3A_538 : i32 to index
        %get3A_539 = tpu.vector_load %arg14[%get3A] {strides = array<i32>} : memref<688xi32, #tpu.memory_space<vmem>>, vector<16xi32>,
        %min3A_540 = arith.constant 32767 : i32
        %min3A_541 = vector.broadcast %min3A_540 : i32 to vector<16xi32>
        %min3A_542 = arith.minsi %get3A_539, %min3A_541 : vector<16xi32>
        %max3A = arith.constant 0 : i32
        %max3A_543 = vector.broadcast %max3A : i32 to vector<16xi32>
        %max3A_544 = arith.maxsi %min3A_542, %max3A_543 : vector<16xi32>
        %swap3A_545 = arith.constant 0 : index
        %swap3A_546 = tpu.vector_load %arg24[%swap3A_545] {strides = array<i32>} : memref<16xi32, #tpu.memory_space<vmem>>, vector<16xi32>,
        tpu.vector_store %arg24[%swap3A_545], %max3A_544 {strides = array<i32>} : memref<16xi32, #tpu.memory_space<vmem>>, vector<16xi32>,
        %dma_start3A_547 = arith.constant 0 : i32
        %dma_start3A_548 = arith.constant 0 : i32
        %dma_start3A_549 = tpu.memref_slice %arg2[%dma_start3A_547, %dma_start3A_548] : memref<32768x1024xf32, #tpu.memory_space<hbm>> -> memref<32768x1024xf32, #tpu.memory_space<hbm>>
        tpu.enqueue_indirect_dma source(%dma_start3A_549 : memref<32768x1024xf32, #tpu.memory_space<hbm>>) target(%arg30 : memref<16x1024xf32, #tpu.memory_space<vmem>>) offsets(%arg24 : memref<16xi32, #tpu.memory_space<vmem>>) semaphore(%arg42 : memref<!tpu.dma_semaphore, #tpu.memory_space<semaphore_mem>>)
      } else {
      }
      %add3A_514 = arith.constant 5 : i32
      %add3A_515 = arith.addi %mul3A_438, %add3A_514 : i32
      %add3A_516 = arith.constant 6 : i32
      %add3A_517 = arith.addi %add3A_515, %add3A_516 : i32
      %lt3A_518 = arith.cmpi slt, %add3A_517, %select_n3A_65 : i32
      %convert_element_type3A_519 = arith.extui %lt3A_518 : i1 to i32
      %cond3A_520 = arith.constant 0 : i32
      %cond3A_521 = arith.cmpi ne, %convert_element_type3A_519, %cond3A_520 : i32
      scf.if %cond3A_521 {
        %dma_wait3A = arith.constant 0 : i32
        %dma_wait3A_523 = arith.constant 0 : i32
        %dma_wait3A_524 = tpu.memref_slice %arg6[%add3A_34, %dma_wait3A, %dma_wait3A_523] : memref<64x640x1024xf32, #tpu.memory_space<hbm>> -> memref<1x16x1024xf32, #tpu.memory_space<hbm>>
        %dma_wait3A_525 = tpu.memref_squeeze %dma_wait3A_524 : memref<1x16x1024xf32, #tpu.memory_space<hbm>> -> memref<16x1024xf32, #tpu.memory_space<hbm>>
        %dma_wait3A_526 = arith.constant 0 : i32
        %dma_wait3A_527 = arith.constant 0 : i32
        %dma_wait3A_528 = tpu.memref_slice %arg6[%add3A_34, %dma_wait3A_526, %dma_wait3A_527] : memref<64x640x1024xf32, #tpu.memory_space<hbm>> -> memref<1x16x1024xf32, #tpu.memory_space<hbm>>
        %dma_wait3A_529 = tpu.memref_squeeze %dma_wait3A_528 : memref<1x16x1024xf32, #tpu.memory_space<hbm>> -> memref<16x1024xf32, #tpu.memory_space<hbm>>
        tpu.wait_dma2 semaphore(%arg49 : memref<!tpu.dma_semaphore, #tpu.memory_space<semaphore_mem>>) src(%arg31 : memref<16x1024xf32, #tpu.memory_space<vmem>>) dst(%dma_wait3A_529 : memref<16x1024xf32, #tpu.memory_space<hbm>>)
        %add3A_530 = arith.constant 5 : i32
        %add3A_531 = arith.addi %mul3A_438, %add3A_530 : i32
        %add3A_532 = arith.constant 6 : i32
        %add3A_533 = arith.addi %add3A_531, %add3A_532 : i32
        %mul3A_534 = arith.constant 16 : i32
        %mul3A_535 = arith.muli %add3A_533, %mul3A_534 : i32
        %multiple_of3A_536 = tpu.assume_multiple %mul3A_535, 8 : i32
        %add3A_537 = arith.constant 0 : i32
        %add3A_538 = arith.addi %multiple_of3A_536, %add3A_537 : i32
        %get3A = arith.index_cast %add3A_538 : i32 to index
        %get3A_539 = tpu.vector_load %arg14[%get3A] {strides = array<i32>} : memref<688xi32, #tpu.memory_space<vmem>>, vector<16xi32>,
        %min3A_540 = arith.constant 32767 : i32
        %min3A_541 = vector.broadcast %min3A_540 : i32 to vector<16xi32>
        %min3A_542 = arith.minsi %get3A_539, %min3A_541 : vector<16xi32>
        %max3A = arith.constant 0 : i32
        %max3A_543 = vector.broadcast %max3A : i32 to vector<16xi32>
        %max3A_544 = arith.maxsi %min3A_542, %max3A_543 : vector<16xi32>
        %swap3A_545 = arith.constant 0 : index
        %swap3A_546 = tpu.vector_load %arg25[%swap3A_545] {strides = array<i32>} : memref<16xi32, #tpu.memory_space<vmem>>, vector<16xi32>,
        tpu.vector_store %arg25[%swap3A_545], %max3A_544 {strides = array<i32>} : memref<16xi32, #tpu.memory_space<vmem>>, vector<16xi32>,
        %dma_start3A_547 = arith.constant 0 : i32
        %dma_start3A_548 = arith.constant 0 : i32
        %dma_start3A_549 = tpu.memref_slice %arg2[%dma_start3A_547, %dma_start3A_548] : memref<32768x1024xf32, #tpu.memory_space<hbm>> -> memref<32768x1024xf32, #tpu.memory_space<hbm>>
        tpu.enqueue_indirect_dma source(%dma_start3A_549 : memref<32768x1024xf32, #tpu.memory_space<hbm>>) target(%arg31 : memref<16x1024xf32, #tpu.memory_space<vmem>>) offsets(%arg25 : memref<16xi32, #tpu.memory_space<vmem>>) semaphore(%arg43 : memref<!tpu.dma_semaphore, #tpu.memory_space<semaphore_mem>>)
      } else {
      }
      %while3A_522 = arith.constant 0 : i32
      scf.yield %while3A_522 : i32
    }
    %while3A_179 = arith.constant 1 : i32
    %while3A_180 = scf.for %while3A_435 = %while3A_176 to %while3A_172 step %while3A_179 iter_args(%while3A_436 = %while3A_178) -> (i32)  : i32 {
      %mul3A_437 = arith.constant 6 : i32
      %mul3A_438 = arith.muli %while3A_435, %mul3A_437 : i32
      %add3A_439 = arith.constant 0 : i32
      %add3A_440 = arith.addi %mul3A_438, %add3A_439 : i32
      %lt3A = arith.cmpi slt, %add3A_440, %select_n3A_65 : i32
      %convert_element_type3A_441 = arith.extui %lt3A : i1 to i32
      %cond3A_442 = arith.constant 0 : i32
      %cond3A_443 = arith.cmpi ne, %convert_element_type3A_441, %cond3A_442 : i32
      scf.if %cond3A_443 {
        %add3A_523 = arith.constant 0 : i32
        %add3A_524 = arith.addi %mul3A_438, %add3A_523 : i32
        %dma_wait3A = arith.constant 0 : i32
        %dma_wait3A_525 = arith.constant 0 : i32
        %dma_wait3A_526 = tpu.memref_slice %arg2[%dma_wait3A, %dma_wait3A_525] : memref<32768x1024xf32, #tpu.memory_space<hbm>> -> memref<32768x1024xf32, #tpu.memory_space<hbm>>
        tpu.wait_indirect_dma semaphore(%arg38 : memref<!tpu.dma_semaphore, #tpu.memory_space<semaphore_mem>>) src(%dma_wait3A_526 : memref<32768x1024xf32, #tpu.memory_space<hbm>>) dst(%arg26 : memref<16x1024xf32, #tpu.memory_space<vmem>>)
        %mul3A_527 = arith.constant 16 : i32
        %mul3A_528 = arith.muli %add3A_524, %mul3A_527 : i32
        %multiple_of3A_529 = tpu.assume_multiple %mul3A_528, 8 : i32
        %dma_start3A_530 = arith.constant 0 : i32
        %dma_start3A_531 = tpu.memref_slice %arg6[%add3A_34, %multiple_of3A_529, %dma_start3A_530] : memref<64x640x1024xf32, #tpu.memory_space<hbm>> -> memref<1x16x1024xf32, #tpu.memory_space<hbm>>
        %dma_start3A_532 = tpu.memref_squeeze %dma_start3A_531 : memref<1x16x1024xf32, #tpu.memory_space<hbm>> -> memref<16x1024xf32, #tpu.memory_space<hbm>>
        %dma_start3A_533 = arith.constant 0 : i32
        %dma_start3A_534 = tpu.memref_slice %arg6[%add3A_34, %multiple_of3A_529, %dma_start3A_533] : memref<64x640x1024xf32, #tpu.memory_space<hbm>> -> memref<1x16x1024xf32, #tpu.memory_space<hbm>>
        %dma_start3A_535 = tpu.memref_squeeze %dma_start3A_534 : memref<1x16x1024xf32, #tpu.memory_space<hbm>> -> memref<16x1024xf32, #tpu.memory_space<hbm>>
        tpu.enqueue_dma source(%arg26 : memref<16x1024xf32, #tpu.memory_space<vmem>>) target(%dma_start3A_535 : memref<16x1024xf32, #tpu.memory_space<hbm>>) target_semaphore(%arg44 : memref<!tpu.dma_semaphore, #tpu.memory_space<semaphore_mem>>)
      } else {
      }
      %add3A_444 = arith.constant 1 : i32
      %add3A_445 = arith.addi %mul3A_438, %add3A_444 : i32
      %lt3A_446 = arith.cmpi slt, %add3A_445, %select_n3A_65 : i32
      %convert_element_type3A_447 = arith.extui %lt3A_446 : i1 to i32
      %cond3A_448 = arith.constant 0 : i32
      %cond3A_449 = arith.cmpi ne, %convert_element_type3A_447, %cond3A_448 : i32
      scf.if %cond3A_449 {
        %add3A_523 = arith.constant 1 : i32
        %add3A_524 = arith.addi %mul3A_438, %add3A_523 : i32
        %dma_wait3A = arith.constant 0 : i32
        %dma_wait3A_525 = arith.constant 0 : i32
        %dma_wait3A_526 = tpu.memref_slice %arg2[%dma_wait3A, %dma_wait3A_525] : memref<32768x1024xf32, #tpu.memory_space<hbm>> -> memref<32768x1024xf32, #tpu.memory_space<hbm>>
        tpu.wait_indirect_dma semaphore(%arg39 : memref<!tpu.dma_semaphore, #tpu.memory_space<semaphore_mem>>) src(%dma_wait3A_526 : memref<32768x1024xf32, #tpu.memory_space<hbm>>) dst(%arg27 : memref<16x1024xf32, #tpu.memory_space<vmem>>)
        %mul3A_527 = arith.constant 16 : i32
        %mul3A_528 = arith.muli %add3A_524, %mul3A_527 : i32
        %multiple_of3A_529 = tpu.assume_multiple %mul3A_528, 8 : i32
        %dma_start3A_530 = arith.constant 0 : i32
        %dma_start3A_531 = tpu.memref_slice %arg6[%add3A_34, %multiple_of3A_529, %dma_start3A_530] : memref<64x640x1024xf32, #tpu.memory_space<hbm>> -> memref<1x16x1024xf32, #tpu.memory_space<hbm>>
        %dma_start3A_532 = tpu.memref_squeeze %dma_start3A_531 : memref<1x16x1024xf32, #tpu.memory_space<hbm>> -> memref<16x1024xf32, #tpu.memory_space<hbm>>
        %dma_start3A_533 = arith.constant 0 : i32
        %dma_start3A_534 = tpu.memref_slice %arg6[%add3A_34, %multiple_of3A_529, %dma_start3A_533] : memref<64x640x1024xf32, #tpu.memory_space<hbm>> -> memref<1x16x1024xf32, #tpu.memory_space<hbm>>
        %dma_start3A_535 = tpu.memref_squeeze %dma_start3A_534 : memref<1x16x1024xf32, #tpu.memory_space<hbm>> -> memref<16x1024xf32, #tpu.memory_space<hbm>>
        tpu.enqueue_dma source(%arg27 : memref<16x1024xf32, #tpu.memory_space<vmem>>) target(%dma_start3A_535 : memref<16x1024xf32, #tpu.memory_space<hbm>>) target_semaphore(%arg45 : memref<!tpu.dma_semaphore, #tpu.memory_space<semaphore_mem>>)
      } else {
      }
      %add3A_450 = arith.constant 2 : i32
      %add3A_451 = arith.addi %mul3A_438, %add3A_450 : i32
      %lt3A_452 = arith.cmpi slt, %add3A_451, %select_n3A_65 : i32
      %convert_element_type3A_453 = arith.extui %lt3A_452 : i1 to i32
      %cond3A_454 = arith.constant 0 : i32
      %cond3A_455 = arith.cmpi ne, %convert_element_type3A_453, %cond3A_454 : i32
      scf.if %cond3A_455 {
        %add3A_523 = arith.constant 2 : i32
        %add3A_524 = arith.addi %mul3A_438, %add3A_523 : i32
        %dma_wait3A = arith.constant 0 : i32
        %dma_wait3A_525 = arith.constant 0 : i32
        %dma_wait3A_526 = tpu.memref_slice %arg2[%dma_wait3A, %dma_wait3A_525] : memref<32768x1024xf32, #tpu.memory_space<hbm>> -> memref<32768x1024xf32, #tpu.memory_space<hbm>>
        tpu.wait_indirect_dma semaphore(%arg40 : memref<!tpu.dma_semaphore, #tpu.memory_space<semaphore_mem>>) src(%dma_wait3A_526 : memref<32768x1024xf32, #tpu.memory_space<hbm>>) dst(%arg28 : memref<16x1024xf32, #tpu.memory_space<vmem>>)
        %mul3A_527 = arith.constant 16 : i32
        %mul3A_528 = arith.muli %add3A_524, %mul3A_527 : i32
        %multiple_of3A_529 = tpu.assume_multiple %mul3A_528, 8 : i32
        %dma_start3A_530 = arith.constant 0 : i32
        %dma_start3A_531 = tpu.memref_slice %arg6[%add3A_34, %multiple_of3A_529, %dma_start3A_530] : memref<64x640x1024xf32, #tpu.memory_space<hbm>> -> memref<1x16x1024xf32, #tpu.memory_space<hbm>>
        %dma_start3A_532 = tpu.memref_squeeze %dma_start3A_531 : memref<1x16x1024xf32, #tpu.memory_space<hbm>> -> memref<16x1024xf32, #tpu.memory_space<hbm>>
        %dma_start3A_533 = arith.constant 0 : i32
        %dma_start3A_534 = tpu.memref_slice %arg6[%add3A_34, %multiple_of3A_529, %dma_start3A_533] : memref<64x640x1024xf32, #tpu.memory_space<hbm>> -> memref<1x16x1024xf32, #tpu.memory_space<hbm>>
        %dma_start3A_535 = tpu.memref_squeeze %dma_start3A_534 : memref<1x16x1024xf32, #tpu.memory_space<hbm>> -> memref<16x1024xf32, #tpu.memory_space<hbm>>
        tpu.enqueue_dma source(%arg28 : memref<16x1024xf32, #tpu.memory_space<vmem>>) target(%dma_start3A_535 : memref<16x1024xf32, #tpu.memory_space<hbm>>) target_semaphore(%arg46 : memref<!tpu.dma_semaphore, #tpu.memory_space<semaphore_mem>>)
      } else {
      }
      %add3A_456 = arith.constant 3 : i32
      %add3A_457 = arith.addi %mul3A_438, %add3A_456 : i32
      %lt3A_458 = arith.cmpi slt, %add3A_457, %select_n3A_65 : i32
      %convert_element_type3A_459 = arith.extui %lt3A_458 : i1 to i32
      %cond3A_460 = arith.constant 0 : i32
      %cond3A_461 = arith.cmpi ne, %convert_element_type3A_459, %cond3A_460 : i32
      scf.if %cond3A_461 {
        %add3A_523 = arith.constant 3 : i32
        %add3A_524 = arith.addi %mul3A_438, %add3A_523 : i32
        %dma_wait3A = arith.constant 0 : i32
        %dma_wait3A_525 = arith.constant 0 : i32
        %dma_wait3A_526 = tpu.memref_slice %arg2[%dma_wait3A, %dma_wait3A_525] : memref<32768x1024xf32, #tpu.memory_space<hbm>> -> memref<32768x1024xf32, #tpu.memory_space<hbm>>
        tpu.wait_indirect_dma semaphore(%arg41 : memref<!tpu.dma_semaphore, #tpu.memory_space<semaphore_mem>>) src(%dma_wait3A_526 : memref<32768x1024xf32, #tpu.memory_space<hbm>>) dst(%arg29 : memref<16x1024xf32, #tpu.memory_space<vmem>>)
        %mul3A_527 = arith.constant 16 : i32
        %mul3A_528 = arith.muli %add3A_524, %mul3A_527 : i32
        %multiple_of3A_529 = tpu.assume_multiple %mul3A_528, 8 : i32
        %dma_start3A_530 = arith.constant 0 : i32
        %dma_start3A_531 = tpu.memref_slice %arg6[%add3A_34, %multiple_of3A_529, %dma_start3A_530] : memref<64x640x1024xf32, #tpu.memory_space<hbm>> -> memref<1x16x1024xf32, #tpu.memory_space<hbm>>
        %dma_start3A_532 = tpu.memref_squeeze %dma_start3A_531 : memref<1x16x1024xf32, #tpu.memory_space<hbm>> -> memref<16x1024xf32, #tpu.memory_space<hbm>>
        %dma_start3A_533 = arith.constant 0 : i32
        %dma_start3A_534 = tpu.memref_slice %arg6[%add3A_34, %multiple_of3A_529, %dma_start3A_533] : memref<64x640x1024xf32, #tpu.memory_space<hbm>> -> memref<1x16x1024xf32, #tpu.memory_space<hbm>>
        %dma_start3A_535 = tpu.memref_squeeze %dma_start3A_534 : memref<1x16x1024xf32, #tpu.memory_space<hbm>> -> memref<16x1024xf32, #tpu.memory_space<hbm>>
        tpu.enqueue_dma source(%arg29 : memref<16x1024xf32, #tpu.memory_space<vmem>>) target(%dma_start3A_535 : memref<16x1024xf32, #tpu.memory_space<hbm>>) target_semaphore(%arg47 : memref<!tpu.dma_semaphore, #tpu.memory_space<semaphore_mem>>)
      } else {
      }
      %add3A_462 = arith.constant 4 : i32
      %add3A_463 = arith.addi %mul3A_438, %add3A_462 : i32
      %lt3A_464 = arith.cmpi slt, %add3A_463, %select_n3A_65 : i32
      %convert_element_type3A_465 = arith.extui %lt3A_464 : i1 to i32
      %cond3A_466 = arith.constant 0 : i32
      %cond3A_467 = arith.cmpi ne, %convert_element_type3A_465, %cond3A_466 : i32
      scf.if %cond3A_467 {
        %add3A_523 = arith.constant 4 : i32
        %add3A_524 = arith.addi %mul3A_438, %add3A_523 : i32
        %dma_wait3A = arith.constant 0 : i32
        %dma_wait3A_525 = arith.constant 0 : i32
        %dma_wait3A_526 = tpu.memref_slice %arg2[%dma_wait3A, %dma_wait3A_525] : memref<32768x1024xf32, #tpu.memory_space<hbm>> -> memref<32768x1024xf32, #tpu.memory_space<hbm>>
        tpu.wait_indirect_dma semaphore(%arg42 : memref<!tpu.dma_semaphore, #tpu.memory_space<semaphore_mem>>) src(%dma_wait3A_526 : memref<32768x1024xf32, #tpu.memory_space<hbm>>) dst(%arg30 : memref<16x1024xf32, #tpu.memory_space<vmem>>)
        %mul3A_527 = arith.constant 16 : i32
        %mul3A_528 = arith.muli %add3A_524, %mul3A_527 : i32
        %multiple_of3A_529 = tpu.assume_multiple %mul3A_528, 8 : i32
        %dma_start3A_530 = arith.constant 0 : i32
        %dma_start3A_531 = tpu.memref_slice %arg6[%add3A_34, %multiple_of3A_529, %dma_start3A_530] : memref<64x640x1024xf32, #tpu.memory_space<hbm>> -> memref<1x16x1024xf32, #tpu.memory_space<hbm>>
        %dma_start3A_532 = tpu.memref_squeeze %dma_start3A_531 : memref<1x16x1024xf32, #tpu.memory_space<hbm>> -> memref<16x1024xf32, #tpu.memory_space<hbm>>
        %dma_start3A_533 = arith.constant 0 : i32
        %dma_start3A_534 = tpu.memref_slice %arg6[%add3A_34, %multiple_of3A_529, %dma_start3A_533] : memref<64x640x1024xf32, #tpu.memory_space<hbm>> -> memref<1x16x1024xf32, #tpu.memory_space<hbm>>
        %dma_start3A_535 = tpu.memref_squeeze %dma_start3A_534 : memref<1x16x1024xf32, #tpu.memory_space<hbm>> -> memref<16x1024xf32, #tpu.memory_space<hbm>>
        tpu.enqueue_dma source(%arg30 : memref<16x1024xf32, #tpu.memory_space<vmem>>) target(%dma_start3A_535 : memref<16x1024xf32, #tpu.memory_space<hbm>>) target_semaphore(%arg48 : memref<!tpu.dma_semaphore, #tpu.memory_space<semaphore_mem>>)
      } else {
      }
      %add3A_468 = arith.constant 5 : i32
      %add3A_469 = arith.addi %mul3A_438, %add3A_468 : i32
      %lt3A_470 = arith.cmpi slt, %add3A_469, %select_n3A_65 : i32
      %convert_element_type3A_471 = arith.extui %lt3A_470 : i1 to i32
      %cond3A_472 = arith.constant 0 : i32
      %cond3A_473 = arith.cmpi ne, %convert_element_type3A_471, %cond3A_472 : i32
      scf.if %cond3A_473 {
        %add3A_523 = arith.constant 5 : i32
        %add3A_524 = arith.addi %mul3A_438, %add3A_523 : i32
        %dma_wait3A = arith.constant 0 : i32
        %dma_wait3A_525 = arith.constant 0 : i32
        %dma_wait3A_526 = tpu.memref_slice %arg2[%dma_wait3A, %dma_wait3A_525] : memref<32768x1024xf32, #tpu.memory_space<hbm>> -> memref<32768x1024xf32, #tpu.memory_space<hbm>>
        tpu.wait_indirect_dma semaphore(%arg43 : memref<!tpu.dma_semaphore, #tpu.memory_space<semaphore_mem>>) src(%dma_wait3A_526 : memref<32768x1024xf32, #tpu.memory_space<hbm>>) dst(%arg31 : memref<16x1024xf32, #tpu.memory_space<vmem>>)
        %mul3A_527 = arith.constant 16 : i32
        %mul3A_528 = arith.muli %add3A_524, %mul3A_527 : i32
        %multiple_of3A_529 = tpu.assume_multiple %mul3A_528, 8 : i32
        %dma_start3A_530 = arith.constant 0 : i32
        %dma_start3A_531 = tpu.memref_slice %arg6[%add3A_34, %multiple_of3A_529, %dma_start3A_530] : memref<64x640x1024xf32, #tpu.memory_space<hbm>> -> memref<1x16x1024xf32, #tpu.memory_space<hbm>>
        %dma_start3A_532 = tpu.memref_squeeze %dma_start3A_531 : memref<1x16x1024xf32, #tpu.memory_space<hbm>> -> memref<16x1024xf32, #tpu.memory_space<hbm>>
        %dma_start3A_533 = arith.constant 0 : i32
        %dma_start3A_534 = tpu.memref_slice %arg6[%add3A_34, %multiple_of3A_529, %dma_start3A_533] : memref<64x640x1024xf32, #tpu.memory_space<hbm>> -> memref<1x16x1024xf32, #tpu.memory_space<hbm>>
        %dma_start3A_535 = tpu.memref_squeeze %dma_start3A_534 : memref<1x16x1024xf32, #tpu.memory_space<hbm>> -> memref<16x1024xf32, #tpu.memory_space<hbm>>
        tpu.enqueue_dma source(%arg31 : memref<16x1024xf32, #tpu.memory_space<vmem>>) target(%dma_start3A_535 : memref<16x1024xf32, #tpu.memory_space<hbm>>) target_semaphore(%arg49 : memref<!tpu.dma_semaphore, #tpu.memory_space<semaphore_mem>>)
      } else {
      }
      %add3A_474 = arith.constant 0 : i32
      %add3A_475 = arith.addi %mul3A_438, %add3A_474 : i32
      %add3A_476 = arith.constant 6 : i32
      %add3A_477 = arith.addi %add3A_475, %add3A_476 : i32
      %lt3A_478 = arith.cmpi slt, %add3A_477, %select_n3A_65 : i32
      %convert_element_type3A_479 = arith.extui %lt3A_478 : i1 to i32
      %cond3A_480 = arith.constant 0 : i32
      %cond3A_481 = arith.cmpi ne, %convert_element_type3A_479, %cond3A_480 : i32
      scf.if %cond3A_481 {
        %dma_wait3A = arith.constant 0 : i32
        %dma_wait3A_523 = arith.constant 0 : i32
        %dma_wait3A_524 = tpu.memref_slice %arg6[%add3A_34, %dma_wait3A, %dma_wait3A_523] : memref<64x640x1024xf32, #tpu.memory_space<hbm>> -> memref<1x16x1024xf32, #tpu.memory_space<hbm>>
        %dma_wait3A_525 = tpu.memref_squeeze %dma_wait3A_524 : memref<1x16x1024xf32, #tpu.memory_space<hbm>> -> memref<16x1024xf32, #tpu.memory_space<hbm>>
        %dma_wait3A_526 = arith.constant 0 : i32
        %dma_wait3A_527 = arith.constant 0 : i32
        %dma_wait3A_528 = tpu.memref_slice %arg6[%add3A_34, %dma_wait3A_526, %dma_wait3A_527] : memref<64x640x1024xf32, #tpu.memory_space<hbm>> -> memref<1x16x1024xf32, #tpu.memory_space<hbm>>
        %dma_wait3A_529 = tpu.memref_squeeze %dma_wait3A_528 : memref<1x16x1024xf32, #tpu.memory_space<hbm>> -> memref<16x1024xf32, #tpu.memory_space<hbm>>
        tpu.wait_dma2 semaphore(%arg44 : memref<!tpu.dma_semaphore, #tpu.memory_space<semaphore_mem>>) src(%arg26 : memref<16x1024xf32, #tpu.memory_space<vmem>>) dst(%dma_wait3A_529 : memref<16x1024xf32, #tpu.memory_space<hbm>>)
        %add3A_530 = arith.constant 0 : i32
        %add3A_531 = arith.addi %mul3A_438, %add3A_530 : i32
        %add3A_532 = arith.constant 6 : i32
        %add3A_533 = arith.addi %add3A_531, %add3A_532 : i32
        %mul3A_534 = arith.constant 16 : i32
        %mul3A_535 = arith.muli %add3A_533, %mul3A_534 : i32
        %multiple_of3A_536 = tpu.assume_multiple %mul3A_535, 8 : i32
        %add3A_537 = arith.constant 0 : i32
        %add3A_538 = arith.addi %multiple_of3A_536, %add3A_537 : i32
        %get3A = arith.index_cast %add3A_538 : i32 to index
        %get3A_539 = tpu.vector_load %arg14[%get3A] {strides = array<i32>} : memref<688xi32, #tpu.memory_space<vmem>>, vector<16xi32>,
        %min3A_540 = arith.constant 32767 : i32
        %min3A_541 = vector.broadcast %min3A_540 : i32 to vector<16xi32>
        %min3A_542 = arith.minsi %get3A_539, %min3A_541 : vector<16xi32>
        %max3A = arith.constant 0 : i32
        %max3A_543 = vector.broadcast %max3A : i32 to vector<16xi32>
        %max3A_544 = arith.maxsi %min3A_542, %max3A_543 : vector<16xi32>
        %swap3A_545 = arith.constant 0 : index
        %swap3A_546 = tpu.vector_load %arg20[%swap3A_545] {strides = array<i32>} : memref<16xi32, #tpu.memory_space<vmem>>, vector<16xi32>,
        tpu.vector_store %arg20[%swap3A_545], %max3A_544 {strides = array<i32>} : memref<16xi32, #tpu.memory_space<vmem>>, vector<16xi32>,
        %dma_start3A_547 = arith.constant 0 : i32
        %dma_start3A_548 = arith.constant 0 : i32
        %dma_start3A_549 = tpu.memref_slice %arg2[%dma_start3A_547, %dma_start3A_548] : memref<32768x1024xf32, #tpu.memory_space<hbm>> -> memref<32768x1024xf32, #tpu.memory_space<hbm>>
        tpu.enqueue_indirect_dma source(%dma_start3A_549 : memref<32768x1024xf32, #tpu.memory_space<hbm>>) target(%arg26 : memref<16x1024xf32, #tpu.memory_space<vmem>>) offsets(%arg20 : memref<16xi32, #tpu.memory_space<vmem>>) semaphore(%arg38 : memref<!tpu.dma_semaphore, #tpu.memory_space<semaphore_mem>>)
      } else {
      }
      %add3A_482 = arith.constant 1 : i32
      %add3A_483 = arith.addi %mul3A_438, %add3A_482 : i32
      %add3A_484 = arith.constant 6 : i32
      %add3A_485 = arith.addi %add3A_483, %add3A_484 : i32
      %lt3A_486 = arith.cmpi slt, %add3A_485, %select_n3A_65 : i32
      %convert_element_type3A_487 = arith.extui %lt3A_486 : i1 to i32
      %cond3A_488 = arith.constant 0 : i32
      %cond3A_489 = arith.cmpi ne, %convert_element_type3A_487, %cond3A_488 : i32
      scf.if %cond3A_489 {
        %dma_wait3A = arith.constant 0 : i32
        %dma_wait3A_523 = arith.constant 0 : i32
        %dma_wait3A_524 = tpu.memref_slice %arg6[%add3A_34, %dma_wait3A, %dma_wait3A_523] : memref<64x640x1024xf32, #tpu.memory_space<hbm>> -> memref<1x16x1024xf32, #tpu.memory_space<hbm>>
        %dma_wait3A_525 = tpu.memref_squeeze %dma_wait3A_524 : memref<1x16x1024xf32, #tpu.memory_space<hbm>> -> memref<16x1024xf32, #tpu.memory_space<hbm>>
        %dma_wait3A_526 = arith.constant 0 : i32
        %dma_wait3A_527 = arith.constant 0 : i32
        %dma_wait3A_528 = tpu.memref_slice %arg6[%add3A_34, %dma_wait3A_526, %dma_wait3A_527] : memref<64x640x1024xf32, #tpu.memory_space<hbm>> -> memref<1x16x1024xf32, #tpu.memory_space<hbm>>
        %dma_wait3A_529 = tpu.memref_squeeze %dma_wait3A_528 : memref<1x16x1024xf32, #tpu.memory_space<hbm>> -> memref<16x1024xf32, #tpu.memory_space<hbm>>
        tpu.wait_dma2 semaphore(%arg45 : memref<!tpu.dma_semaphore, #tpu.memory_space<semaphore_mem>>) src(%arg27 : memref<16x1024xf32, #tpu.memory_space<vmem>>) dst(%dma_wait3A_529 : memref<16x1024xf32, #tpu.memory_space<hbm>>)
        %add3A_530 = arith.constant 1 : i32
        %add3A_531 = arith.addi %mul3A_438, %add3A_530 : i32
        %add3A_532 = arith.constant 6 : i32
        %add3A_533 = arith.addi %add3A_531, %add3A_532 : i32
        %mul3A_534 = arith.constant 16 : i32
        %mul3A_535 = arith.muli %add3A_533, %mul3A_534 : i32
        %multiple_of3A_536 = tpu.assume_multiple %mul3A_535, 8 : i32
        %add3A_537 = arith.constant 0 : i32
        %add3A_538 = arith.addi %multiple_of3A_536, %add3A_537 : i32
        %get3A = arith.index_cast %add3A_538 : i32 to index
        %get3A_539 = tpu.vector_load %arg14[%get3A] {strides = array<i32>} : memref<688xi32, #tpu.memory_space<vmem>>, vector<16xi32>,
        %min3A_540 = arith.constant 32767 : i32
        %min3A_541 = vector.broadcast %min3A_540 : i32 to vector<16xi32>
        %min3A_542 = arith.minsi %get3A_539, %min3A_541 : vector<16xi32>
        %max3A = arith.constant 0 : i32
        %max3A_543 = vector.broadcast %max3A : i32 to vector<16xi32>
        %max3A_544 = arith.maxsi %min3A_542, %max3A_543 : vector<16xi32>
        %swap3A_545 = arith.constant 0 : index
        %swap3A_546 = tpu.vector_load %arg21[%swap3A_545] {strides = array<i32>} : memref<16xi32, #tpu.memory_space<vmem>>, vector<16xi32>,
        tpu.vector_store %arg21[%swap3A_545], %max3A_544 {strides = array<i32>} : memref<16xi32, #tpu.memory_space<vmem>>, vector<16xi32>,
        %dma_start3A_547 = arith.constant 0 : i32
        %dma_start3A_548 = arith.constant 0 : i32
        %dma_start3A_549 = tpu.memref_slice %arg2[%dma_start3A_547, %dma_start3A_548] : memref<32768x1024xf32, #tpu.memory_space<hbm>> -> memref<32768x1024xf32, #tpu.memory_space<hbm>>
        tpu.enqueue_indirect_dma source(%dma_start3A_549 : memref<32768x1024xf32, #tpu.memory_space<hbm>>) target(%arg27 : memref<16x1024xf32, #tpu.memory_space<vmem>>) offsets(%arg21 : memref<16xi32, #tpu.memory_space<vmem>>) semaphore(%arg39 : memref<!tpu.dma_semaphore, #tpu.memory_space<semaphore_mem>>)
      } else {
      }
      %add3A_490 = arith.constant 2 : i32
      %add3A_491 = arith.addi %mul3A_438, %add3A_490 : i32
      %add3A_492 = arith.constant 6 : i32
      %add3A_493 = arith.addi %add3A_491, %add3A_492 : i32
      %lt3A_494 = arith.cmpi slt, %add3A_493, %select_n3A_65 : i32
      %convert_element_type3A_495 = arith.extui %lt3A_494 : i1 to i32
      %cond3A_496 = arith.constant 0 : i32
      %cond3A_497 = arith.cmpi ne, %convert_element_type3A_495, %cond3A_496 : i32
      scf.if %cond3A_497 {
        %dma_wait3A = arith.constant 0 : i32
        %dma_wait3A_523 = arith.constant 0 : i32
        %dma_wait3A_524 = tpu.memref_slice %arg6[%add3A_34, %dma_wait3A, %dma_wait3A_523] : memref<64x640x1024xf32, #tpu.memory_space<hbm>> -> memref<1x16x1024xf32, #tpu.memory_space<hbm>>
        %dma_wait3A_525 = tpu.memref_squeeze %dma_wait3A_524 : memref<1x16x1024xf32, #tpu.memory_space<hbm>> -> memref<16x1024xf32, #tpu.memory_space<hbm>>
        %dma_wait3A_526 = arith.constant 0 : i32
        %dma_wait3A_527 = arith.constant 0 : i32
        %dma_wait3A_528 = tpu.memref_slice %arg6[%add3A_34, %dma_wait3A_526, %dma_wait3A_527] : memref<64x640x1024xf32, #tpu.memory_space<hbm>> -> memref<1x16x1024xf32, #tpu.memory_space<hbm>>
        %dma_wait3A_529 = tpu.memref_squeeze %dma_wait3A_528 : memref<1x16x1024xf32, #tpu.memory_space<hbm>> -> memref<16x1024xf32, #tpu.memory_space<hbm>>
        tpu.wait_dma2 semaphore(%arg46 : memref<!tpu.dma_semaphore, #tpu.memory_space<semaphore_mem>>) src(%arg28 : memref<16x1024xf32, #tpu.memory_space<vmem>>) dst(%dma_wait3A_529 : memref<16x1024xf32, #tpu.memory_space<hbm>>)
        %add3A_530 = arith.constant 2 : i32
        %add3A_531 = arith.addi %mul3A_438, %add3A_530 : i32
        %add3A_532 = arith.constant 6 : i32
        %add3A_533 = arith.addi %add3A_531, %add3A_532 : i32
        %mul3A_534 = arith.constant 16 : i32
        %mul3A_535 = arith.muli %add3A_533, %mul3A_534 : i32
        %multiple_of3A_536 = tpu.assume_multiple %mul3A_535, 8 : i32
        %add3A_537 = arith.constant 0 : i32
        %add3A_538 = arith.addi %multiple_of3A_536, %add3A_537 : i32
        %get3A = arith.index_cast %add3A_538 : i32 to index
        %get3A_539 = tpu.vector_load %arg14[%get3A] {strides = array<i32>} : memref<688xi32, #tpu.memory_space<vmem>>, vector<16xi32>,
        %min3A_540 = arith.constant 32767 : i32
        %min3A_541 = vector.broadcast %min3A_540 : i32 to vector<16xi32>
        %min3A_542 = arith.minsi %get3A_539, %min3A_541 : vector<16xi32>
        %max3A = arith.constant 0 : i32
        %max3A_543 = vector.broadcast %max3A : i32 to vector<16xi32>
        %max3A_544 = arith.maxsi %min3A_542, %max3A_543 : vector<16xi32>
        %swap3A_545 = arith.constant 0 : index
        %swap3A_546 = tpu.vector_load %arg22[%swap3A_545] {strides = array<i32>} : memref<16xi32, #tpu.memory_space<vmem>>, vector<16xi32>,
        tpu.vector_store %arg22[%swap3A_545], %max3A_544 {strides = array<i32>} : memref<16xi32, #tpu.memory_space<vmem>>, vector<16xi32>,
        %dma_start3A_547 = arith.constant 0 : i32
        %dma_start3A_548 = arith.constant 0 : i32
        %dma_start3A_549 = tpu.memref_slice %arg2[%dma_start3A_547, %dma_start3A_548] : memref<32768x1024xf32, #tpu.memory_space<hbm>> -> memref<32768x1024xf32, #tpu.memory_space<hbm>>
        tpu.enqueue_indirect_dma source(%dma_start3A_549 : memref<32768x1024xf32, #tpu.memory_space<hbm>>) target(%arg28 : memref<16x1024xf32, #tpu.memory_space<vmem>>) offsets(%arg22 : memref<16xi32, #tpu.memory_space<vmem>>) semaphore(%arg40 : memref<!tpu.dma_semaphore, #tpu.memory_space<semaphore_mem>>)
      } else {
      }
      %add3A_498 = arith.constant 3 : i32
      %add3A_499 = arith.addi %mul3A_438, %add3A_498 : i32
      %add3A_500 = arith.constant 6 : i32
      %add3A_501 = arith.addi %add3A_499, %add3A_500 : i32
      %lt3A_502 = arith.cmpi slt, %add3A_501, %select_n3A_65 : i32
      %convert_element_type3A_503 = arith.extui %lt3A_502 : i1 to i32
      %cond3A_504 = arith.constant 0 : i32
      %cond3A_505 = arith.cmpi ne, %convert_element_type3A_503, %cond3A_504 : i32
      scf.if %cond3A_505 {
        %dma_wait3A = arith.constant 0 : i32
        %dma_wait3A_523 = arith.constant 0 : i32
        %dma_wait3A_524 = tpu.memref_slice %arg6[%add3A_34, %dma_wait3A, %dma_wait3A_523] : memref<64x640x1024xf32, #tpu.memory_space<hbm>> -> memref<1x16x1024xf32, #tpu.memory_space<hbm>>
        %dma_wait3A_525 = tpu.memref_squeeze %dma_wait3A_524 : memref<1x16x1024xf32, #tpu.memory_space<hbm>> -> memref<16x1024xf32, #tpu.memory_space<hbm>>
        %dma_wait3A_526 = arith.constant 0 : i32
        %dma_wait3A_527 = arith.constant 0 : i32
        %dma_wait3A_528 = tpu.memref_slice %arg6[%add3A_34, %dma_wait3A_526, %dma_wait3A_527] : memref<64x640x1024xf32, #tpu.memory_space<hbm>> -> memref<1x16x1024xf32, #tpu.memory_space<hbm>>
        %dma_wait3A_529 = tpu.memref_squeeze %dma_wait3A_528 : memref<1x16x1024xf32, #tpu.memory_space<hbm>> -> memref<16x1024xf32, #tpu.memory_space<hbm>>
        tpu.wait_dma2 semaphore(%arg47 : memref<!tpu.dma_semaphore, #tpu.memory_space<semaphore_mem>>) src(%arg29 : memref<16x1024xf32, #tpu.memory_space<vmem>>) dst(%dma_wait3A_529 : memref<16x1024xf32, #tpu.memory_space<hbm>>)
        %add3A_530 = arith.constant 3 : i32
        %add3A_531 = arith.addi %mul3A_438, %add3A_530 : i32
        %add3A_532 = arith.constant 6 : i32
        %add3A_533 = arith.addi %add3A_531, %add3A_532 : i32
        %mul3A_534 = arith.constant 16 : i32
        %mul3A_535 = arith.muli %add3A_533, %mul3A_534 : i32
        %multiple_of3A_536 = tpu.assume_multiple %mul3A_535, 8 : i32
        %add3A_537 = arith.constant 0 : i32
        %add3A_538 = arith.addi %multiple_of3A_536, %add3A_537 : i32
        %get3A = arith.index_cast %add3A_538 : i32 to index
        %get3A_539 = tpu.vector_load %arg14[%get3A] {strides = array<i32>} : memref<688xi32, #tpu.memory_space<vmem>>, vector<16xi32>,
        %min3A_540 = arith.constant 32767 : i32
        %min3A_541 = vector.broadcast %min3A_540 : i32 to vector<16xi32>
        %min3A_542 = arith.minsi %get3A_539, %min3A_541 : vector<16xi32>
        %max3A = arith.constant 0 : i32
        %max3A_543 = vector.broadcast %max3A : i32 to vector<16xi32>
        %max3A_544 = arith.maxsi %min3A_542, %max3A_543 : vector<16xi32>
        %swap3A_545 = arith.constant 0 : index
        %swap3A_546 = tpu.vector_load %arg23[%swap3A_545] {strides = array<i32>} : memref<16xi32, #tpu.memory_space<vmem>>, vector<16xi32>,
        tpu.vector_store %arg23[%swap3A_545], %max3A_544 {strides = array<i32>} : memref<16xi32, #tpu.memory_space<vmem>>, vector<16xi32>,
        %dma_start3A_547 = arith.constant 0 : i32
        %dma_start3A_548 = arith.constant 0 : i32
        %dma_start3A_549 = tpu.memref_slice %arg2[%dma_start3A_547, %dma_start3A_548] : memref<32768x1024xf32, #tpu.memory_space<hbm>> -> memref<32768x1024xf32, #tpu.memory_space<hbm>>
        tpu.enqueue_indirect_dma source(%dma_start3A_549 : memref<32768x1024xf32, #tpu.memory_space<hbm>>) target(%arg29 : memref<16x1024xf32, #tpu.memory_space<vmem>>) offsets(%arg23 : memref<16xi32, #tpu.memory_space<vmem>>) semaphore(%arg41 : memref<!tpu.dma_semaphore, #tpu.memory_space<semaphore_mem>>)
      } else {
      }
      %add3A_506 = arith.constant 4 : i32
      %add3A_507 = arith.addi %mul3A_438, %add3A_506 : i32
      %add3A_508 = arith.constant 6 : i32
      %add3A_509 = arith.addi %add3A_507, %add3A_508 : i32
      %lt3A_510 = arith.cmpi slt, %add3A_509, %select_n3A_65 : i32
      %convert_element_type3A_511 = arith.extui %lt3A_510 : i1 to i32
      %cond3A_512 = arith.constant 0 : i32
      %cond3A_513 = arith.cmpi ne, %convert_element_type3A_511, %cond3A_512 : i32
      scf.if %cond3A_513 {
        %dma_wait3A = arith.constant 0 : i32
        %dma_wait3A_523 = arith.constant 0 : i32
        %dma_wait3A_524 = tpu.memref_slice %arg6[%add3A_34, %dma_wait3A, %dma_wait3A_523] : memref<64x640x1024xf32, #tpu.memory_space<hbm>> -> memref<1x16x1024xf32, #tpu.memory_space<hbm>>
        %dma_wait3A_525 = tpu.memref_squeeze %dma_wait3A_524 : memref<1x16x1024xf32, #tpu.memory_space<hbm>> -> memref<16x1024xf32, #tpu.memory_space<hbm>>
        %dma_wait3A_526 = arith.constant 0 : i32
        %dma_wait3A_527 = arith.constant 0 : i32
        %dma_wait3A_528 = tpu.memref_slice %arg6[%add3A_34, %dma_wait3A_526, %dma_wait3A_527] : memref<64x640x1024xf32, #tpu.memory_space<hbm>> -> memref<1x16x1024xf32, #tpu.memory_space<hbm>>
        %dma_wait3A_529 = tpu.memref_squeeze %dma_wait3A_528 : memref<1x16x1024xf32, #tpu.memory_space<hbm>> -> memref<16x1024xf32, #tpu.memory_space<hbm>>
        tpu.wait_dma2 semaphore(%arg48 : memref<!tpu.dma_semaphore, #tpu.memory_space<semaphore_mem>>) src(%arg30 : memref<16x1024xf32, #tpu.memory_space<vmem>>) dst(%dma_wait3A_529 : memref<16x1024xf32, #tpu.memory_space<hbm>>)
        %add3A_530 = arith.constant 4 : i32
        %add3A_531 = arith.addi %mul3A_438, %add3A_530 : i32
        %add3A_532 = arith.constant 6 : i32
        %add3A_533 = arith.addi %add3A_531, %add3A_532 : i32
        %mul3A_534 = arith.constant 16 : i32
        %mul3A_535 = arith.muli %add3A_533, %mul3A_534 : i32
        %multiple_of3A_536 = tpu.assume_multiple %mul3A_535, 8 : i32
        %add3A_537 = arith.constant 0 : i32
        %add3A_538 = arith.addi %multiple_of3A_536, %add3A_537 : i32
        %get3A = arith.index_cast %add3A_538 : i32 to index
        %get3A_539 = tpu.vector_load %arg14[%get3A] {strides = array<i32>} : memref<688xi32, #tpu.memory_space<vmem>>, vector<16xi32>,
        %min3A_540 = arith.constant 32767 : i32
        %min3A_541 = vector.broadcast %min3A_540 : i32 to vector<16xi32>
        %min3A_542 = arith.minsi %get3A_539, %min3A_541 : vector<16xi32>
        %max3A = arith.constant 0 : i32
        %max3A_543 = vector.broadcast %max3A : i32 to vector<16xi32>
        %max3A_544 = arith.maxsi %min3A_542, %max3A_543 : vector<16xi32>
        %swap3A_545 = arith.constant 0 : index
        %swap3A_546 = tpu.vector_load %arg24[%swap3A_545] {strides = array<i32>} : memref<16xi32, #tpu.memory_space<vmem>>, vector<16xi32>,
        tpu.vector_store %arg24[%swap3A_545], %max3A_544 {strides = array<i32>} : memref<16xi32, #tpu.memory_space<vmem>>, vector<16xi32>,
        %dma_start3A_547 = arith.constant 0 : i32
        %dma_start3A_548 = arith.constant 0 : i32
        %dma_start3A_549 = tpu.memref_slice %arg2[%dma_start3A_547, %dma_start3A_548] : memref<32768x1024xf32, #tpu.memory_space<hbm>> -> memref<32768x1024xf32, #tpu.memory_space<hbm>>
        tpu.enqueue_indirect_dma source(%dma_start3A_549 : memref<32768x1024xf32, #tpu.memory_space<hbm>>) target(%arg30 : memref<16x1024xf32, #tpu.memory_space<vmem>>) offsets(%arg24 : memref<16xi32, #tpu.memory_space<vmem>>) semaphore(%arg42 : memref<!tpu.dma_semaphore, #tpu.memory_space<semaphore_mem>>)
      } else {
      }
      %add3A_514 = arith.constant 5 : i32
      %add3A_515 = arith.addi %mul3A_438, %add3A_514 : i32
      %add3A_516 = arith.constant 6 : i32
      %add3A_517 = arith.addi %add3A_515, %add3A_516 : i32
      %lt3A_518 = arith.cmpi slt, %add3A_517, %select_n3A_65 : i32
      %convert_element_type3A_519 = arith.extui %lt3A_518 : i1 to i32
      %cond3A_520 = arith.constant 0 : i32
      %cond3A_521 = arith.cmpi ne, %convert_element_type3A_519, %cond3A_520 : i32
      scf.if %cond3A_521 {
        %dma_wait3A = arith.constant 0 : i32
        %dma_wait3A_523 = arith.constant 0 : i32
        %dma_wait3A_524 = tpu.memref_slice %arg6[%add3A_34, %dma_wait3A, %dma_wait3A_523] : memref<64x640x1024xf32, #tpu.memory_space<hbm>> -> memref<1x16x1024xf32, #tpu.memory_space<hbm>>
        %dma_wait3A_525 = tpu.memref_squeeze %dma_wait3A_524 : memref<1x16x1024xf32, #tpu.memory_space<hbm>> -> memref<16x1024xf32, #tpu.memory_space<hbm>>
        %dma_wait3A_526 = arith.constant 0 : i32
        %dma_wait3A_527 = arith.constant 0 : i32
        %dma_wait3A_528 = tpu.memref_slice %arg6[%add3A_34, %dma_wait3A_526, %dma_wait3A_527] : memref<64x640x1024xf32, #tpu.memory_space<hbm>> -> memref<1x16x1024xf32, #tpu.memory_space<hbm>>
        %dma_wait3A_529 = tpu.memref_squeeze %dma_wait3A_528 : memref<1x16x1024xf32, #tpu.memory_space<hbm>> -> memref<16x1024xf32, #tpu.memory_space<hbm>>
        tpu.wait_dma2 semaphore(%arg49 : memref<!tpu.dma_semaphore, #tpu.memory_space<semaphore_mem>>) src(%arg31 : memref<16x1024xf32, #tpu.memory_space<vmem>>) dst(%dma_wait3A_529 : memref<16x1024xf32, #tpu.memory_space<hbm>>)
        %add3A_530 = arith.constant 5 : i32
        %add3A_531 = arith.addi %mul3A_438, %add3A_530 : i32
        %add3A_532 = arith.constant 6 : i32
        %add3A_533 = arith.addi %add3A_531, %add3A_532 : i32
        %mul3A_534 = arith.constant 16 : i32
        %mul3A_535 = arith.muli %add3A_533, %mul3A_534 : i32
        %multiple_of3A_536 = tpu.assume_multiple %mul3A_535, 8 : i32
        %add3A_537 = arith.constant 0 : i32
        %add3A_538 = arith.addi %multiple_of3A_536, %add3A_537 : i32
        %get3A = arith.index_cast %add3A_538 : i32 to index
        %get3A_539 = tpu.vector_load %arg14[%get3A] {strides = array<i32>} : memref<688xi32, #tpu.memory_space<vmem>>, vector<16xi32>,
        %min3A_540 = arith.constant 32767 : i32
        %min3A_541 = vector.broadcast %min3A_540 : i32 to vector<16xi32>
        %min3A_542 = arith.minsi %get3A_539, %min3A_541 : vector<16xi32>
        %max3A = arith.constant 0 : i32
        %max3A_543 = vector.broadcast %max3A : i32 to vector<16xi32>
        %max3A_544 = arith.maxsi %min3A_542, %max3A_543 : vector<16xi32>
        %swap3A_545 = arith.constant 0 : index
        %swap3A_546 = tpu.vector_load %arg25[%swap3A_545] {strides = array<i32>} : memref<16xi32, #tpu.memory_space<vmem>>, vector<16xi32>,
        tpu.vector_store %arg25[%swap3A_545], %max3A_544 {strides = array<i32>} : memref<16xi32, #tpu.memory_space<vmem>>, vector<16xi32>,
        %dma_start3A_547 = arith.constant 0 : i32
        %dma_start3A_548 = arith.constant 0 : i32
        %dma_start3A_549 = tpu.memref_slice %arg2[%dma_start3A_547, %dma_start3A_548] : memref<32768x1024xf32, #tpu.memory_space<hbm>> -> memref<32768x1024xf32, #tpu.memory_space<hbm>>
        tpu.enqueue_indirect_dma source(%dma_start3A_549 : memref<32768x1024xf32, #tpu.memory_space<hbm>>) target(%arg31 : memref<16x1024xf32, #tpu.memory_space<vmem>>) offsets(%arg25 : memref<16xi32, #tpu.memory_space<vmem>>) semaphore(%arg43 : memref<!tpu.dma_semaphore, #tpu.memory_space<semaphore_mem>>)
      } else {
      }
      %while3A_522 = arith.constant 0 : i32
      scf.yield %while3A_522 : i32
    }
    %gt3A_181 = arith.constant 0 : i32
    %gt3A_182 = arith.cmpi sgt, %select_n3A_65, %gt3A_181 : i32
    %convert_element_type3A_183 = arith.extui %gt3A_182 : i1 to i32
    %cond3A_184 = arith.constant 0 : i32
    %cond3A_185 = arith.cmpi ne, %convert_element_type3A_183, %cond3A_184 : i32
    scf.if %cond3A_185 {
      %dma_wait3A = arith.constant 0 : i32
      %dma_wait3A_435 = arith.constant 0 : i32
      %dma_wait3A_436 = tpu.memref_slice %arg6[%add3A_34, %dma_wait3A, %dma_wait3A_435] : memref<64x640x1024xf32, #tpu.memory_space<hbm>> -> memref<1x16x1024xf32, #tpu.memory_space<hbm>>
      %dma_wait3A_437 = tpu.memref_squeeze %dma_wait3A_436 : memref<1x16x1024xf32, #tpu.memory_space<hbm>> -> memref<16x1024xf32, #tpu.memory_space<hbm>>
      %dma_wait3A_438 = arith.constant 0 : i32
      %dma_wait3A_439 = arith.constant 0 : i32
      %dma_wait3A_440 = tpu.memref_slice %arg6[%add3A_34, %dma_wait3A_438, %dma_wait3A_439] : memref<64x640x1024xf32, #tpu.memory_space<hbm>> -> memref<1x16x1024xf32, #tpu.memory_space<hbm>>
      %dma_wait3A_441 = tpu.memref_squeeze %dma_wait3A_440 : memref<1x16x1024xf32, #tpu.memory_space<hbm>> -> memref<16x1024xf32, #tpu.memory_space<hbm>>
      tpu.wait_dma2 semaphore(%arg44 : memref<!tpu.dma_semaphore, #tpu.memory_space<semaphore_mem>>) src(%arg26 : memref<16x1024xf32, #tpu.memory_space<vmem>>) dst(%dma_wait3A_441 : memref<16x1024xf32, #tpu.memory_space<hbm>>)
    } else {
    }
    %gt3A_186 = arith.constant 1 : i32
    %gt3A_187 = arith.cmpi sgt, %select_n3A_65, %gt3A_186 : i32
    %convert_element_type3A_188 = arith.extui %gt3A_187 : i1 to i32
    %cond3A_189 = arith.constant 0 : i32
    %cond3A_190 = arith.cmpi ne, %convert_element_type3A_188, %cond3A_189 : i32
    scf.if %cond3A_190 {
      %dma_wait3A = arith.constant 0 : i32
      %dma_wait3A_435 = arith.constant 0 : i32
      %dma_wait3A_436 = tpu.memref_slice %arg6[%add3A_34, %dma_wait3A, %dma_wait3A_435] : memref<64x640x1024xf32, #tpu.memory_space<hbm>> -> memref<1x16x1024xf32, #tpu.memory_space<hbm>>
      %dma_wait3A_437 = tpu.memref_squeeze %dma_wait3A_436 : memref<1x16x1024xf32, #tpu.memory_space<hbm>> -> memref<16x1024xf32, #tpu.memory_space<hbm>>
      %dma_wait3A_438 = arith.constant 0 : i32
      %dma_wait3A_439 = arith.constant 0 : i32
      %dma_wait3A_440 = tpu.memref_slice %arg6[%add3A_34, %dma_wait3A_438, %dma_wait3A_439] : memref<64x640x1024xf32, #tpu.memory_space<hbm>> -> memref<1x16x1024xf32, #tpu.memory_space<hbm>>
      %dma_wait3A_441 = tpu.memref_squeeze %dma_wait3A_440 : memref<1x16x1024xf32, #tpu.memory_space<hbm>> -> memref<16x1024xf32, #tpu.memory_space<hbm>>
      tpu.wait_dma2 semaphore(%arg45 : memref<!tpu.dma_semaphore, #tpu.memory_space<semaphore_mem>>) src(%arg27 : memref<16x1024xf32, #tpu.memory_space<vmem>>) dst(%dma_wait3A_441 : memref<16x1024xf32, #tpu.memory_space<hbm>>)
    } else {
    }
    %gt3A_191 = arith.constant 2 : i32
    %gt3A_192 = arith.cmpi sgt, %select_n3A_65, %gt3A_191 : i32
    %convert_element_type3A_193 = arith.extui %gt3A_192 : i1 to i32
    %cond3A_194 = arith.constant 0 : i32
    %cond3A_195 = arith.cmpi ne, %convert_element_type3A_193, %cond3A_194 : i32
    scf.if %cond3A_195 {
      %dma_wait3A = arith.constant 0 : i32
      %dma_wait3A_435 = arith.constant 0 : i32
      %dma_wait3A_436 = tpu.memref_slice %arg6[%add3A_34, %dma_wait3A, %dma_wait3A_435] : memref<64x640x1024xf32, #tpu.memory_space<hbm>> -> memref<1x16x1024xf32, #tpu.memory_space<hbm>>
      %dma_wait3A_437 = tpu.memref_squeeze %dma_wait3A_436 : memref<1x16x1024xf32, #tpu.memory_space<hbm>> -> memref<16x1024xf32, #tpu.memory_space<hbm>>
      %dma_wait3A_438 = arith.constant 0 : i32
      %dma_wait3A_439 = arith.constant 0 : i32
      %dma_wait3A_440 = tpu.memref_slice %arg6[%add3A_34, %dma_wait3A_438, %dma_wait3A_439] : memref<64x640x1024xf32, #tpu.memory_space<hbm>> -> memref<1x16x1024xf32, #tpu.memory_space<hbm>>
      %dma_wait3A_441 = tpu.memref_squeeze %dma_wait3A_440 : memref<1x16x1024xf32, #tpu.memory_space<hbm>> -> memref<16x1024xf32, #tpu.memory_space<hbm>>
      tpu.wait_dma2 semaphore(%arg46 : memref<!tpu.dma_semaphore, #tpu.memory_space<semaphore_mem>>) src(%arg28 : memref<16x1024xf32, #tpu.memory_space<vmem>>) dst(%dma_wait3A_441 : memref<16x1024xf32, #tpu.memory_space<hbm>>)
    } else {
    }
    %gt3A_196 = arith.constant 3 : i32
    %gt3A_197 = arith.cmpi sgt, %select_n3A_65, %gt3A_196 : i32
    %convert_element_type3A_198 = arith.extui %gt3A_197 : i1 to i32
    %cond3A_199 = arith.constant 0 : i32
    %cond3A_200 = arith.cmpi ne, %convert_element_type3A_198, %cond3A_199 : i32
    scf.if %cond3A_200 {
      %dma_wait3A = arith.constant 0 : i32
      %dma_wait3A_435 = arith.constant 0 : i32
      %dma_wait3A_436 = tpu.memref_slice %arg6[%add3A_34, %dma_wait3A, %dma_wait3A_435] : memref<64x640x1024xf32, #tpu.memory_space<hbm>> -> memref<1x16x1024xf32, #tpu.memory_space<hbm>>
      %dma_wait3A_437 = tpu.memref_squeeze %dma_wait3A_436 : memref<1x16x1024xf32, #tpu.memory_space<hbm>> -> memref<16x1024xf32, #tpu.memory_space<hbm>>
      %dma_wait3A_438 = arith.constant 0 : i32
      %dma_wait3A_439 = arith.constant 0 : i32
      %dma_wait3A_440 = tpu.memref_slice %arg6[%add3A_34, %dma_wait3A_438, %dma_wait3A_439] : memref<64x640x1024xf32, #tpu.memory_space<hbm>> -> memref<1x16x1024xf32, #tpu.memory_space<hbm>>
      %dma_wait3A_441 = tpu.memref_squeeze %dma_wait3A_440 : memref<1x16x1024xf32, #tpu.memory_space<hbm>> -> memref<16x1024xf32, #tpu.memory_space<hbm>>
      tpu.wait_dma2 semaphore(%arg47 : memref<!tpu.dma_semaphore, #tpu.memory_space<semaphore_mem>>) src(%arg29 : memref<16x1024xf32, #tpu.memory_space<vmem>>) dst(%dma_wait3A_441 : memref<16x1024xf32, #tpu.memory_space<hbm>>)
    } else {
    }
    %gt3A_201 = arith.constant 4 : i32
    %gt3A_202 = arith.cmpi sgt, %select_n3A_65, %gt3A_201 : i32
    %convert_element_type3A_203 = arith.extui %gt3A_202 : i1 to i32
    %cond3A_204 = arith.constant 0 : i32
    %cond3A_205 = arith.cmpi ne, %convert_element_type3A_203, %cond3A_204 : i32
    scf.if %cond3A_205 {
      %dma_wait3A = arith.constant 0 : i32
      %dma_wait3A_435 = arith.constant 0 : i32
      %dma_wait3A_436 = tpu.memref_slice %arg6[%add3A_34, %dma_wait3A, %dma_wait3A_435] : memref<64x640x1024xf32, #tpu.memory_space<hbm>> -> memref<1x16x1024xf32, #tpu.memory_space<hbm>>
      %dma_wait3A_437 = tpu.memref_squeeze %dma_wait3A_436 : memref<1x16x1024xf32, #tpu.memory_space<hbm>> -> memref<16x1024xf32, #tpu.memory_space<hbm>>
      %dma_wait3A_438 = arith.constant 0 : i32
      %dma_wait3A_439 = arith.constant 0 : i32
      %dma_wait3A_440 = tpu.memref_slice %arg6[%add3A_34, %dma_wait3A_438, %dma_wait3A_439] : memref<64x640x1024xf32, #tpu.memory_space<hbm>> -> memref<1x16x1024xf32, #tpu.memory_space<hbm>>
      %dma_wait3A_441 = tpu.memref_squeeze %dma_wait3A_440 : memref<1x16x1024xf32, #tpu.memory_space<hbm>> -> memref<16x1024xf32, #tpu.memory_space<hbm>>
      tpu.wait_dma2 semaphore(%arg48 : memref<!tpu.dma_semaphore, #tpu.memory_space<semaphore_mem>>) src(%arg30 : memref<16x1024xf32, #tpu.memory_space<vmem>>) dst(%dma_wait3A_441 : memref<16x1024xf32, #tpu.memory_space<hbm>>)
    } else {
    }
    %gt3A_206 = arith.constant 5 : i32
    %gt3A_207 = arith.cmpi sgt, %select_n3A_65, %gt3A_206 : i32
    %convert_element_type3A_208 = arith.extui %gt3A_207 : i1 to i32
    %cond3A_209 = arith.constant 0 : i32
    %cond3A_210 = arith.cmpi ne, %convert_element_type3A_208, %cond3A_209 : i32
    scf.if %cond3A_210 {
      %dma_wait3A = arith.constant 0 : i32
      %dma_wait3A_435 = arith.constant 0 : i32
      %dma_wait3A_436 = tpu.memref_slice %arg6[%add3A_34, %dma_wait3A, %dma_wait3A_435] : memref<64x640x1024xf32, #tpu.memory_space<hbm>> -> memref<1x16x1024xf32, #tpu.memory_space<hbm>>
      %dma_wait3A_437 = tpu.memref_squeeze %dma_wait3A_436 : memref<1x16x1024xf32, #tpu.memory_space<hbm>> -> memref<16x1024xf32, #tpu.memory_space<hbm>>
      %dma_wait3A_438 = arith.constant 0 : i32
      %dma_wait3A_439 = arith.constant 0 : i32
      %dma_wait3A_440 = tpu.memref_slice %arg6[%add3A_34, %dma_wait3A_438, %dma_wait3A_439] : memref<64x640x1024xf32, #tpu.memory_space<hbm>> -> memref<1x16x1024xf32, #tpu.memory_space<hbm>>
      %dma_wait3A_441 = tpu.memref_squeeze %dma_wait3A_440 : memref<1x16x1024xf32, #tpu.memory_space<hbm>> -> memref<16x1024xf32, #tpu.memory_space<hbm>>
      tpu.wait_dma2 semaphore(%arg49 : memref<!tpu.dma_semaphore, #tpu.memory_space<semaphore_mem>>) src(%arg31 : memref<16x1024xf32, #tpu.memory_space<vmem>>) dst(%dma_wait3A_441 : memref<16x1024xf32, #tpu.memory_space<hbm>>)
    } else {
    }
    %gt3A_211 = arith.constant 0 : i32
    %gt3A_212 = arith.cmpi sgt, %sub3A_68, %gt3A_211 : i32
    %convert_element_type3A_213 = arith.extui %gt3A_212 : i1 to i32
    %cond3A_214 = arith.constant 0 : i32
    %cond3A_215 = arith.cmpi ne, %convert_element_type3A_213, %cond3A_214 : i32
    scf.if %cond3A_215 {
      %add3A_435 = arith.constant 0 : i32
      %add3A_436 = arith.addi %multiple_of3A_71, %add3A_435 : i32
      %add3A_437 = vector.broadcast %add3A_436 : i32 to vector<16xi32>
      %add3A_438 = arith.addi %add3A_437, %iota3A : vector<16xi32>
      %add3A_439 = arith.constant 0 : i32
      %add3A_440 = arith.addi %multiple_of3A_71, %add3A_439 : i32
      %get3A = arith.index_cast %add3A_440 : i32 to index
      %get3A_441 = tpu.vector_load %arg14[%get3A] {strides = array<i32>} : memref<688xi32, #tpu.memory_space<vmem>>, vector<16xi32>,
      %lt3A = vector.broadcast %min3A_35 : i32 to vector<16xi32>
      %lt3A_442 = arith.cmpi slt, %add3A_438, %lt3A : vector<16xi32>
      %jit3A_443 = arith.constant 0 : i32
      %broadcast_in_dim3A_444 = vector.broadcast %jit3A_443 : i32 to vector<16xi32>
      %select_n3A_445 = arith.select %lt3A_442, %get3A_441, %broadcast_in_dim3A_444 : vector<16xi1>, vector<16xi32>
      %min3A_446 = arith.constant 32767 : i32
      %min3A_447 = vector.broadcast %min3A_446 : i32 to vector<16xi32>
      %min3A_448 = arith.minsi %select_n3A_445, %min3A_447 : vector<16xi32>
      %max3A = arith.constant 0 : i32
      %max3A_449 = vector.broadcast %max3A : i32 to vector<16xi32>
      %max3A_450 = arith.maxsi %min3A_448, %max3A_449 : vector<16xi32>
      %swap3A_451 = arith.constant 0 : index
      %swap3A_452 = tpu.vector_load %arg20[%swap3A_451] {strides = array<i32>} : memref<16xi32, #tpu.memory_space<vmem>>, vector<16xi32>,
      tpu.vector_store %arg20[%swap3A_451], %max3A_450 {strides = array<i32>} : memref<16xi32, #tpu.memory_space<vmem>>, vector<16xi32>,
      "tpu.region"() ({
        %run_scoped3A = tpu.sem_alloc : memref<!tpu.dma_semaphore, #tpu.memory_space<semaphore_mem>>
        %dma_start3A_465 = arith.constant 0 : i32
        %dma_start3A_466 = arith.constant 0 : i32
        %dma_start3A_467 = tpu.memref_slice %arg2[%dma_start3A_465, %dma_start3A_466] : memref<32768x1024xf32, #tpu.memory_space<hbm>> -> memref<32768x1024xf32, #tpu.memory_space<hbm>>
        tpu.enqueue_indirect_dma source(%dma_start3A_467 : memref<32768x1024xf32, #tpu.memory_space<hbm>>) target(%arg26 : memref<16x1024xf32, #tpu.memory_space<vmem>>) offsets(%arg20 : memref<16xi32, #tpu.memory_space<vmem>>) semaphore(%run_scoped3A : memref<!tpu.dma_semaphore, #tpu.memory_space<semaphore_mem>>)
        %dma_wait3A = arith.constant 0 : i32
        %dma_wait3A_468 = arith.constant 0 : i32
        %dma_wait3A_469 = tpu.memref_slice %arg2[%dma_wait3A, %dma_wait3A_468] : memref<32768x1024xf32, #tpu.memory_space<hbm>> -> memref<32768x1024xf32, #tpu.memory_space<hbm>>
        tpu.wait_indirect_dma semaphore(%run_scoped3A : memref<!tpu.dma_semaphore, #tpu.memory_space<semaphore_mem>>) src(%dma_wait3A_469 : memref<32768x1024xf32, #tpu.memory_space<hbm>>) dst(%arg26 : memref<16x1024xf32, #tpu.memory_space<vmem>>)
        tpu.yield
      }) : () -> ()
      %while3A_453 = arith.constant 16 : i32
      %while3A_454 = arith.constant 0 : i32
      %while3A_455 = arith.subi %while3A_453, %sub3A_68 : i32
      %while3A_456 = arith.addi %sub3A_68, %while3A_455 : i32
      %while3A_457 = arith.constant 1 : i32
      %while3A_458 = arith.divsi %while3A_455, %while3A_457 : i32
      %while3A_459 = arith.muli %while3A_458, %while3A_457 : i32
      %while3A_460 = arith.addi %sub3A_68, %while3A_459 : i32
      %while3A_461 = arith.constant 1 : i32
      %while3A_462 = scf.for %while3A_465 = %sub3A_68 to %while3A_460 step %while3A_461 iter_args(%while3A_466 = %while3A_454) -> (i32)  : i32 {
        %scan3A_467 = arith.constant 0 : i32
        %scan3A_468 = arith.constant 0 : i32
        %scan3A_469 = arith.constant 64 : i32
        %scan3A_470 = arith.addi %scan3A_468, %scan3A_469 : i32
        %scan3A_471 = arith.constant 1 : i32
        %scan3A_472 = scf.for %scan3A_475 = %scan3A_468 to %scan3A_470 step %scan3A_471 iter_args(%scan3A_476 = %scan3A_467) -> (i32)  : i32 {
          %broadcast_in_dim3A_477 = arith.constant 0.000000e+00 : f32
          %broadcast_in_dim3A_478 = vector.broadcast %broadcast_in_dim3A_477 : f32 to vector<16xf32>
          %mul3A_479 = arith.constant 16 : i32
          %mul3A_480 = arith.muli %scan3A_475, %mul3A_479 : i32
          %swap3A_481 = arith.index_cast %while3A_465 : i32 to index
          %swap3A_482 = arith.index_cast %mul3A_480 : i32 to index
          %swap3A_483 = tpu.vector_load %arg26[%swap3A_481, %swap3A_482] {strides = array<i32>} : memref<16x1024xf32, #tpu.memory_space<vmem>>, vector<16xf32>,
          tpu.vector_store %arg26[%swap3A_481, %swap3A_482], %broadcast_in_dim3A_478 {strides = array<i32>} : memref<16x1024xf32, #tpu.memory_space<vmem>>, vector<16xf32>,
          %scan3A_484 = arith.constant 0 : i32
          scf.yield %scan3A_484 : i32
        }
        %scan3A_473 = arith.constant 64 : i32
        %while3A_474 = arith.constant 0 : i32
        scf.yield %while3A_474 : i32
      }
      %while3A_463 = arith.constant 1 : i32
      %while3A_464 = scf.for %while3A_465 = %while3A_460 to %while3A_456 step %while3A_463 iter_args(%while3A_466 = %while3A_462) -> (i32)  : i32 {
        %scan3A_467 = arith.constant 0 : i32
        %scan3A_468 = arith.constant 0 : i32
        %scan3A_469 = arith.constant 64 : i32
        %scan3A_470 = arith.addi %scan3A_468, %scan3A_469 : i32
        %scan3A_471 = arith.constant 1 : i32
        %scan3A_472 = scf.for %scan3A_475 = %scan3A_468 to %scan3A_470 step %scan3A_471 iter_args(%scan3A_476 = %scan3A_467) -> (i32)  : i32 {
          %broadcast_in_dim3A_477 = arith.constant 0.000000e+00 : f32
          %broadcast_in_dim3A_478 = vector.broadcast %broadcast_in_dim3A_477 : f32 to vector<16xf32>
          %mul3A_479 = arith.constant 16 : i32
          %mul3A_480 = arith.muli %scan3A_475, %mul3A_479 : i32
          %swap3A_481 = arith.index_cast %while3A_465 : i32 to index
          %swap3A_482 = arith.index_cast %mul3A_480 : i32 to index
          %swap3A_483 = tpu.vector_load %arg26[%swap3A_481, %swap3A_482] {strides = array<i32>} : memref<16x1024xf32, #tpu.memory_space<vmem>>, vector<16xf32>,
          tpu.vector_store %arg26[%swap3A_481, %swap3A_482], %broadcast_in_dim3A_478 {strides = array<i32>} : memref<16x1024xf32, #tpu.memory_space<vmem>>, vector<16xf32>,
          %scan3A_484 = arith.constant 0 : i32
          scf.yield %scan3A_484 : i32
        }
        %scan3A_473 = arith.constant 64 : i32
        %while3A_474 = arith.constant 0 : i32
        scf.yield %while3A_474 : i32
      }
      "tpu.region"() ({
        %run_scoped3A = tpu.sem_alloc : memref<!tpu.dma_semaphore, #tpu.memory_space<semaphore_mem>>
        %dma_start3A_465 = arith.constant 0 : i32
        %dma_start3A_466 = tpu.memref_slice %arg6[%add3A_34, %multiple_of3A_71, %dma_start3A_465] : memref<64x640x1024xf32, #tpu.memory_space<hbm>> -> memref<1x16x1024xf32, #tpu.memory_space<hbm>>
        %dma_start3A_467 = tpu.memref_squeeze %dma_start3A_466 : memref<1x16x1024xf32, #tpu.memory_space<hbm>> -> memref<16x1024xf32, #tpu.memory_space<hbm>>
        %dma_start3A_468 = arith.constant 0 : i32
        %dma_start3A_469 = tpu.memref_slice %arg6[%add3A_34, %multiple_of3A_71, %dma_start3A_468] : memref<64x640x1024xf32, #tpu.memory_space<hbm>> -> memref<1x16x1024xf32, #tpu.memory_space<hbm>>
        %dma_start3A_470 = tpu.memref_squeeze %dma_start3A_469 : memref<1x16x1024xf32, #tpu.memory_space<hbm>> -> memref<16x1024xf32, #tpu.memory_space<hbm>>
        tpu.enqueue_dma source(%arg26 : memref<16x1024xf32, #tpu.memory_space<vmem>>) target(%dma_start3A_470 : memref<16x1024xf32, #tpu.memory_space<hbm>>) target_semaphore(%run_scoped3A : memref<!tpu.dma_semaphore, #tpu.memory_space<semaphore_mem>>)
        %dma_wait3A = arith.constant 0 : i32
        %dma_wait3A_471 = tpu.memref_slice %arg6[%add3A_34, %multiple_of3A_71, %dma_wait3A] : memref<64x640x1024xf32, #tpu.memory_space<hbm>> -> memref<1x16x1024xf32, #tpu.memory_space<hbm>>
        %dma_wait3A_472 = tpu.memref_squeeze %dma_wait3A_471 : memref<1x16x1024xf32, #tpu.memory_space<hbm>> -> memref<16x1024xf32, #tpu.memory_space<hbm>>
        %dma_wait3A_473 = arith.constant 0 : i32
        %dma_wait3A_474 = tpu.memref_slice %arg6[%add3A_34, %multiple_of3A_71, %dma_wait3A_473] : memref<64x640x1024xf32, #tpu.memory_space<hbm>> -> memref<1x16x1024xf32, #tpu.memory_space<hbm>>
        %dma_wait3A_475 = tpu.memref_squeeze %dma_wait3A_474 : memref<1x16x1024xf32, #tpu.memory_space<hbm>> -> memref<16x1024xf32, #tpu.memory_space<hbm>>
        tpu.wait_dma2 semaphore(%run_scoped3A : memref<!tpu.dma_semaphore, #tpu.memory_space<semaphore_mem>>) src(%arg26 : memref<16x1024xf32, #tpu.memory_space<vmem>>) dst(%dma_wait3A_475 : memref<16x1024xf32, #tpu.memory_space<hbm>>)
        tpu.yield
      }) : () -> ()
    } else {
    }
    %while3A_216 = arith.constant 0 : i32
    %while3A_217 = arith.constant 0 : i32
    %while3A_218 = arith.subi %select_n3A_102, %while3A_216 : i32
    %while3A_219 = arith.addi %while3A_216, %while3A_218 : i32
    %while3A_220 = arith.constant 1 : i32
    %while3A_221 = arith.divsi %while3A_218, %while3A_220 : i32
    %while3A_222 = arith.muli %while3A_221, %while3A_220 : i32
    %while3A_223 = arith.addi %while3A_216, %while3A_222 : i32
    %while3A_224 = arith.constant 1 : i32
    %while3A_225 = scf.for %while3A_435 = %while3A_216 to %while3A_223 step %while3A_224 iter_args(%while3A_436 = %while3A_217) -> (i32)  : i32 {
      %dma_wait3A = arith.constant 0 : i32
      %dma_wait3A_437 = arith.constant 0 : i32
      %dma_wait3A_438 = tpu.memref_slice %arg6[%add3A_34, %dma_wait3A, %dma_wait3A_437] : memref<64x640x1024xf32, #tpu.memory_space<hbm>> -> memref<1x16x1024xf32, #tpu.memory_space<hbm>>
      %dma_wait3A_439 = tpu.memref_squeeze %dma_wait3A_438 : memref<1x16x1024xf32, #tpu.memory_space<hbm>> -> memref<16x1024xf32, #tpu.memory_space<hbm>>
      %dma_wait3A_440 = arith.constant 0 : i32
      %dma_wait3A_441 = arith.constant 0 : i32
      %dma_wait3A_442 = tpu.memref_slice %arg6[%add3A_34, %dma_wait3A_440, %dma_wait3A_441] : memref<64x640x1024xf32, #tpu.memory_space<hbm>> -> memref<1x16x1024xf32, #tpu.memory_space<hbm>>
      %dma_wait3A_443 = tpu.memref_squeeze %dma_wait3A_442 : memref<1x16x1024xf32, #tpu.memory_space<hbm>> -> memref<16x1024xf32, #tpu.memory_space<hbm>>
      tpu.wait_dma2 semaphore(%arg50 : memref<!tpu.dma_semaphore, #tpu.memory_space<semaphore_mem>>) src(%arg32 : memref<16x1024xf32, #tpu.memory_space<vmem>>) dst(%dma_wait3A_443 : memref<16x1024xf32, #tpu.memory_space<hbm>>)
      %while3A_444 = arith.constant 0 : i32
      scf.yield %while3A_444 : i32
    }
    %while3A_226 = arith.constant 1 : i32
    %while3A_227 = scf.for %while3A_435 = %while3A_223 to %while3A_219 step %while3A_226 iter_args(%while3A_436 = %while3A_225) -> (i32)  : i32 {
      %dma_wait3A = arith.constant 0 : i32
      %dma_wait3A_437 = arith.constant 0 : i32
      %dma_wait3A_438 = tpu.memref_slice %arg6[%add3A_34, %dma_wait3A, %dma_wait3A_437] : memref<64x640x1024xf32, #tpu.memory_space<hbm>> -> memref<1x16x1024xf32, #tpu.memory_space<hbm>>
      %dma_wait3A_439 = tpu.memref_squeeze %dma_wait3A_438 : memref<1x16x1024xf32, #tpu.memory_space<hbm>> -> memref<16x1024xf32, #tpu.memory_space<hbm>>
      %dma_wait3A_440 = arith.constant 0 : i32
      %dma_wait3A_441 = arith.constant 0 : i32
      %dma_wait3A_442 = tpu.memref_slice %arg6[%add3A_34, %dma_wait3A_440, %dma_wait3A_441] : memref<64x640x1024xf32, #tpu.memory_space<hbm>> -> memref<1x16x1024xf32, #tpu.memory_space<hbm>>
      %dma_wait3A_443 = tpu.memref_squeeze %dma_wait3A_442 : memref<1x16x1024xf32, #tpu.memory_space<hbm>> -> memref<16x1024xf32, #tpu.memory_space<hbm>>
      tpu.wait_dma2 semaphore(%arg50 : memref<!tpu.dma_semaphore, #tpu.memory_space<semaphore_mem>>) src(%arg32 : memref<16x1024xf32, #tpu.memory_space<vmem>>) dst(%dma_wait3A_443 : memref<16x1024xf32, #tpu.memory_space<hbm>>)
      %while3A_444 = arith.constant 0 : i32
      scf.yield %while3A_444 : i32
    }
    %add3A_228 = arith.constant 1 : i32
    %add3A_229 = arith.addi %mul3A_2, %add3A_228 : i32
    %min3A_230 = arith.constant 640 : i32
    %min3A_231 = arith.minsi %scan3A_19#1, %min3A_230 : i32
    %scan3A_232 = arith.constant 0 : i32
    %scan3A_233 = arith.constant 0 : i32
    %scan3A_234 = arith.constant 40 : i32
    %scan3A_235 = arith.addi %scan3A_233, %scan3A_234 : i32
    %scan3A_236 = arith.constant 1 : i32
    %scan3A_237 = scf.for %scan3A_435 = %scan3A_233 to %scan3A_235 step %scan3A_236 iter_args(%scan3A_436 = %scan3A_232) -> (i32)  : i32 {
      %mul3A_437 = arith.constant 16 : i32
      %mul3A_438 = arith.muli %scan3A_435, %mul3A_437 : i32
      %mul3A_439 = arith.constant 16 : i32
      %mul3A_440 = arith.muli %scan3A_435, %mul3A_439 : i32
      %add3A_441 = vector.broadcast %mul3A_440 : i32 to vector<16xi32>
      %add3A_442 = arith.addi %add3A_441, %iota3A : vector<16xi32>
      %lt3A = vector.broadcast %min3A_231 : i32 to vector<16xi32>
      %lt3A_443 = arith.cmpi slt, %add3A_442, %lt3A : vector<16xi32>
      %get3A = arith.index_cast %mul3A_438 : i32 to index
      %get3A_444 = tpu.vector_load %arg16[%get3A] {strides = array<i32>} : memref<688xi32, #tpu.memory_space<vmem>>, vector<16xi32>,
      %jit3A_445 = arith.constant -1 : i32
      %broadcast_in_dim3A_446 = vector.broadcast %jit3A_445 : i32 to vector<16xi32>
      %select_n3A_447 = arith.select %lt3A_443, %get3A_444, %broadcast_in_dim3A_446 : vector<16xi1>, vector<16xi32>
      %swap3A_448 = arith.index_cast %mul3A_438 : i32 to index
      %swap3A_449 = tpu.vector_load %arg18[%swap3A_448] {strides = array<i32>} : memref<640xi32, #tpu.memory_space<vmem>>, vector<16xi32>,
      tpu.vector_store %arg18[%swap3A_448], %select_n3A_447 {strides = array<i32>} : memref<640xi32, #tpu.memory_space<vmem>>, vector<16xi32>,
      %get3A_450 = arith.index_cast %mul3A_438 : i32 to index
      %get3A_451 = tpu.vector_load %arg17[%get3A_450] {strides = array<i32>} : memref<688xf32, #tpu.memory_space<vmem>>, vector<16xf32>,
      %jit3A_452 = arith.constant 0.000000e+00 : f32
      %broadcast_in_dim3A_453 = vector.broadcast %jit3A_452 : f32 to vector<16xf32>
      %select_n3A_454 = arith.select %lt3A_443, %get3A_451, %broadcast_in_dim3A_453 : vector<16xi1>, vector<16xf32>
      %swap3A_455 = arith.index_cast %mul3A_438 : i32 to index
      %swap3A_456 = tpu.vector_load %arg19[%swap3A_455] {strides = array<i32>} : memref<640xf32, #tpu.memory_space<vmem>>, vector<16xf32>,
      tpu.vector_store %arg19[%swap3A_455], %select_n3A_454 {strides = array<i32>} : memref<640xf32, #tpu.memory_space<vmem>>, vector<16xf32>,
      %scan3A_457 = arith.constant 0 : i32
      scf.yield %scan3A_457 : i32
    }
    %scan3A_238 = arith.constant 40 : i32
    %mul3A_239 = arith.constant 640 : i32
    %mul3A_240 = arith.muli %add3A_229, %mul3A_239 : i32
    %multiple_of3A_241 = tpu.assume_multiple %mul3A_240, 8 : i32
    "tpu.region"() ({
      %run_scoped3A = tpu.sem_alloc : memref<!tpu.dma_semaphore, #tpu.memory_space<semaphore_mem>>
      %dma_start3A_435 = tpu.memref_slice %arg8[%multiple_of3A_241] : memref<40960xi32, #tpu.memory_space<hbm>> -> memref<640xi32, #tpu.memory_space<hbm>>
      %dma_start3A_436 = tpu.memref_slice %arg8[%multiple_of3A_241] : memref<40960xi32, #tpu.memory_space<hbm>> -> memref<640xi32, #tpu.memory_space<hbm>>
      tpu.enqueue_dma source(%arg18 : memref<640xi32, #tpu.memory_space<vmem>>) target(%dma_start3A_436 : memref<640xi32, #tpu.memory_space<hbm>>) target_semaphore(%run_scoped3A : memref<!tpu.dma_semaphore, #tpu.memory_space<semaphore_mem>>)
      %dma_wait3A = tpu.memref_slice %arg8[%multiple_of3A_241] : memref<40960xi32, #tpu.memory_space<hbm>> -> memref<640xi32, #tpu.memory_space<hbm>>
      %dma_wait3A_437 = tpu.memref_slice %arg8[%multiple_of3A_241] : memref<40960xi32, #tpu.memory_space<hbm>> -> memref<640xi32, #tpu.memory_space<hbm>>
      tpu.wait_dma2 semaphore(%run_scoped3A : memref<!tpu.dma_semaphore, #tpu.memory_space<semaphore_mem>>) src(%arg18 : memref<640xi32, #tpu.memory_space<vmem>>) dst(%dma_wait3A_437 : memref<640xi32, #tpu.memory_space<hbm>>)
      tpu.yield
    }) : () -> ()
    %mul3A_242 = arith.constant 640 : i32
    %mul3A_243 = arith.muli %add3A_229, %mul3A_242 : i32
    %multiple_of3A_244 = tpu.assume_multiple %mul3A_243, 8 : i32
    "tpu.region"() ({
      %run_scoped3A = tpu.sem_alloc : memref<!tpu.dma_semaphore, #tpu.memory_space<semaphore_mem>>
      %dma_start3A_435 = tpu.memref_slice %arg7[%multiple_of3A_244] : memref<40960xf32, #tpu.memory_space<hbm>> -> memref<640xf32, #tpu.memory_space<hbm>>
      %dma_start3A_436 = tpu.memref_slice %arg7[%multiple_of3A_244] : memref<40960xf32, #tpu.memory_space<hbm>> -> memref<640xf32, #tpu.memory_space<hbm>>
      tpu.enqueue_dma source(%arg19 : memref<640xf32, #tpu.memory_space<vmem>>) target(%dma_start3A_436 : memref<640xf32, #tpu.memory_space<hbm>>) target_semaphore(%run_scoped3A : memref<!tpu.dma_semaphore, #tpu.memory_space<semaphore_mem>>)
      %dma_wait3A = tpu.memref_slice %arg7[%multiple_of3A_244] : memref<40960xf32, #tpu.memory_space<hbm>> -> memref<640xf32, #tpu.memory_space<hbm>>
      %dma_wait3A_437 = tpu.memref_slice %arg7[%multiple_of3A_244] : memref<40960xf32, #tpu.memory_space<hbm>> -> memref<640xf32, #tpu.memory_space<hbm>>
      tpu.wait_dma2 semaphore(%run_scoped3A : memref<!tpu.dma_semaphore, #tpu.memory_space<semaphore_mem>>) src(%arg19 : memref<640xf32, #tpu.memory_space<vmem>>) dst(%dma_wait3A_437 : memref<640xf32, #tpu.memory_space<hbm>>)
      tpu.yield
    }) : () -> ()
    %jit3A_245 = arith.constant 16 : i32
    %div3A_246 = arith.divsi %min3A_231, %jit3A_245 : i32
    %sign3A_247 = arith.constant 0 : i32
    %sign3A_248 = arith.cmpi sgt, %min3A_231, %sign3A_247 : i32
    %sign3A_249 = arith.extui %sign3A_248 : i1 to i32
    %sign3A_250 = arith.constant 0 : i32
    %sign3A_251 = arith.cmpi slt, %min3A_231, %sign3A_250 : i32
    %sign3A_252 = arith.extui %sign3A_251 : i1 to i32
    %sign3A_253 = arith.subi %sign3A_249, %sign3A_252 : i32
    %sign3A_254 = arith.constant 0 : i32
    %sign3A_255 = arith.cmpi sgt, %jit3A_245, %sign3A_254 : i32
    %sign3A_256 = arith.extui %sign3A_255 : i1 to i32
    %sign3A_257 = arith.constant 0 : i32
    %sign3A_258 = arith.cmpi slt, %jit3A_245, %sign3A_257 : i32
    %sign3A_259 = arith.extui %sign3A_258 : i1 to i32
    %sign3A_260 = arith.subi %sign3A_256, %sign3A_259 : i32
    %ne3A_261 = arith.cmpi ne, %sign3A_253, %sign3A_260 : i32
    %rem3A_262 = arith.remsi %min3A_231, %jit3A_245 : i32
    %ne3A_263 = arith.constant 0 : i32
    %ne3A_264 = arith.cmpi ne, %rem3A_262, %ne3A_263 : i32
    %and3A_265 = arith.andi %ne3A_261, %ne3A_264 : i1
    %sub3A_266 = arith.constant 1 : i32
    %sub3A_267 = arith.subi %div3A_246, %sub3A_266 : i32
    %select_n3A_268 = arith.select %and3A_265, %sub3A_267, %div3A_246 : i32
    %mul3A_269 = arith.constant 16 : i32
    %mul3A_270 = arith.muli %select_n3A_268, %mul3A_269 : i32
    %sub3A_271 = arith.subi %min3A_231, %mul3A_270 : i32
    %mul3A_272 = arith.constant 16 : i32
    %mul3A_273 = arith.muli %select_n3A_268, %mul3A_272 : i32
    %multiple_of3A_274 = tpu.assume_multiple %mul3A_273, 8 : i32
    %min3A_275 = arith.constant 1 : i32
    %min3A_276 = arith.minsi %sub3A_271, %min3A_275 : i32
    %mul3A_277 = arith.constant 16 : i32
    %mul3A_278 = arith.muli %mul3A_277, %min3A_276 : i32
    %add3A_279 = arith.addi %multiple_of3A_274, %mul3A_278 : i32
    %sub3A_280 = arith.constant 640 : i32
    %sub3A_281 = arith.subi %sub3A_280, %add3A_279 : i32
    %jit3A_282 = arith.constant 16 : i32
    %div3A_283 = arith.divsi %sub3A_281, %jit3A_282 : i32
    %sign3A_284 = arith.constant 0 : i32
    %sign3A_285 = arith.cmpi sgt, %sub3A_281, %sign3A_284 : i32
    %sign3A_286 = arith.extui %sign3A_285 : i1 to i32
    %sign3A_287 = arith.constant 0 : i32
    %sign3A_288 = arith.cmpi slt, %sub3A_281, %sign3A_287 : i32
    %sign3A_289 = arith.extui %sign3A_288 : i1 to i32
    %sign3A_290 = arith.subi %sign3A_286, %sign3A_289 : i32
    %sign3A_291 = arith.constant 0 : i32
    %sign3A_292 = arith.cmpi sgt, %jit3A_282, %sign3A_291 : i32
    %sign3A_293 = arith.extui %sign3A_292 : i1 to i32
    %sign3A_294 = arith.constant 0 : i32
    %sign3A_295 = arith.cmpi slt, %jit3A_282, %sign3A_294 : i32
    %sign3A_296 = arith.extui %sign3A_295 : i1 to i32
    %sign3A_297 = arith.subi %sign3A_293, %sign3A_296 : i32
    %ne3A_298 = arith.cmpi ne, %sign3A_290, %sign3A_297 : i32
    %rem3A_299 = arith.remsi %sub3A_281, %jit3A_282 : i32
    %ne3A_300 = arith.constant 0 : i32
    %ne3A_301 = arith.cmpi ne, %rem3A_299, %ne3A_300 : i32
    %and3A_302 = arith.andi %ne3A_298, %ne3A_301 : i1
    %sub3A_303 = arith.constant 1 : i32
    %sub3A_304 = arith.subi %div3A_283, %sub3A_303 : i32
    %select_n3A_305 = arith.select %and3A_302, %sub3A_304, %div3A_283 : i32
    %while3A_306 = arith.constant 0 : i32
    %while3A_307 = arith.constant 0 : i32
    %while3A_308 = arith.subi %select_n3A_305, %while3A_306 : i32
    %while3A_309 = arith.addi %while3A_306, %while3A_308 : i32
    %while3A_310 = arith.constant 1 : i32
    %while3A_311 = arith.divsi %while3A_308, %while3A_310 : i32
    %while3A_312 = arith.muli %while3A_311, %while3A_310 : i32
    %while3A_313 = arith.addi %while3A_306, %while3A_312 : i32
    %while3A_314 = arith.constant 1 : i32
    %while3A_315 = scf.for %while3A_435 = %while3A_306 to %while3A_313 step %while3A_314 iter_args(%while3A_436 = %while3A_307) -> (i32)  : i32 {
      %mul3A_437 = arith.constant 16 : i32
      %mul3A_438 = arith.muli %while3A_435, %mul3A_437 : i32
      %add3A_439 = arith.addi %add3A_279, %mul3A_438 : i32
      %multiple_of3A_440 = tpu.assume_multiple %add3A_439, 8 : i32
      %dma_start3A_441 = arith.constant 0 : i32
      %dma_start3A_442 = tpu.memref_slice %arg6[%add3A_229, %multiple_of3A_440, %dma_start3A_441] : memref<64x640x1024xf32, #tpu.memory_space<hbm>> -> memref<1x16x1024xf32, #tpu.memory_space<hbm>>
      %dma_start3A_443 = tpu.memref_squeeze %dma_start3A_442 : memref<1x16x1024xf32, #tpu.memory_space<hbm>> -> memref<16x1024xf32, #tpu.memory_space<hbm>>
      %dma_start3A_444 = arith.constant 0 : i32
      %dma_start3A_445 = tpu.memref_slice %arg6[%add3A_229, %multiple_of3A_440, %dma_start3A_444] : memref<64x640x1024xf32, #tpu.memory_space<hbm>> -> memref<1x16x1024xf32, #tpu.memory_space<hbm>>
      %dma_start3A_446 = tpu.memref_squeeze %dma_start3A_445 : memref<1x16x1024xf32, #tpu.memory_space<hbm>> -> memref<16x1024xf32, #tpu.memory_space<hbm>>
      tpu.enqueue_dma source(%arg32 : memref<16x1024xf32, #tpu.memory_space<vmem>>) target(%dma_start3A_446 : memref<16x1024xf32, #tpu.memory_space<hbm>>) target_semaphore(%arg50 : memref<!tpu.dma_semaphore, #tpu.memory_space<semaphore_mem>>)
      %while3A_447 = arith.constant 0 : i32
      scf.yield %while3A_447 : i32
    }
    %while3A_316 = arith.constant 1 : i32
    %while3A_317 = scf.for %while3A_435 = %while3A_313 to %while3A_309 step %while3A_316 iter_args(%while3A_436 = %while3A_315) -> (i32)  : i32 {
      %mul3A_437 = arith.constant 16 : i32
      %mul3A_438 = arith.muli %while3A_435, %mul3A_437 : i32
      %add3A_439 = arith.addi %add3A_279, %mul3A_438 : i32
      %multiple_of3A_440 = tpu.assume_multiple %add3A_439, 8 : i32
      %dma_start3A_441 = arith.constant 0 : i32
      %dma_start3A_442 = tpu.memref_slice %arg6[%add3A_229, %multiple_of3A_440, %dma_start3A_441] : memref<64x640x1024xf32, #tpu.memory_space<hbm>> -> memref<1x16x1024xf32, #tpu.memory_space<hbm>>
      %dma_start3A_443 = tpu.memref_squeeze %dma_start3A_442 : memref<1x16x1024xf32, #tpu.memory_space<hbm>> -> memref<16x1024xf32, #tpu.memory_space<hbm>>
      %dma_start3A_444 = arith.constant 0 : i32
      %dma_start3A_445 = tpu.memref_slice %arg6[%add3A_229, %multiple_of3A_440, %dma_start3A_444] : memref<64x640x1024xf32, #tpu.memory_space<hbm>> -> memref<1x16x1024xf32, #tpu.memory_space<hbm>>
      %dma_start3A_446 = tpu.memref_squeeze %dma_start3A_445 : memref<1x16x1024xf32, #tpu.memory_space<hbm>> -> memref<16x1024xf32, #tpu.memory_space<hbm>>
      tpu.enqueue_dma source(%arg32 : memref<16x1024xf32, #tpu.memory_space<vmem>>) target(%dma_start3A_446 : memref<16x1024xf32, #tpu.memory_space<hbm>>) target_semaphore(%arg50 : memref<!tpu.dma_semaphore, #tpu.memory_space<semaphore_mem>>)
      %while3A_447 = arith.constant 0 : i32
      scf.yield %while3A_447 : i32
    }
    %gt3A_318 = arith.constant 0 : i32
    %gt3A_319 = arith.cmpi sgt, %select_n3A_268, %gt3A_318 : i32
    %convert_element_type3A_320 = arith.extui %gt3A_319 : i1 to i32
    %cond3A_321 = arith.constant 0 : i32
    %cond3A_322 = arith.cmpi ne, %convert_element_type3A_320, %cond3A_321 : i32
    scf.if %cond3A_322 {
      %multiple_of3A_435 = arith.constant 0 : i32
      %multiple_of3A_436 = tpu.assume_multiple %multiple_of3A_435, 8 : i32
      %add3A_437 = arith.constant 0 : i32
      %add3A_438 = arith.addi %multiple_of3A_436, %add3A_437 : i32
      %get3A = arith.index_cast %add3A_438 : i32 to index
      %get3A_439 = tpu.vector_load %arg16[%get3A] {strides = array<i32>} : memref<688xi32, #tpu.memory_space<vmem>>, vector<16xi32>,
      %min3A_440 = arith.constant 32767 : i32
      %min3A_441 = vector.broadcast %min3A_440 : i32 to vector<16xi32>
      %min3A_442 = arith.minsi %get3A_439, %min3A_441 : vector<16xi32>
      %max3A = arith.constant 0 : i32
      %max3A_443 = vector.broadcast %max3A : i32 to vector<16xi32>
      %max3A_444 = arith.maxsi %min3A_442, %max3A_443 : vector<16xi32>
      %swap3A_445 = arith.constant 0 : index
      %swap3A_446 = tpu.vector_load %arg20[%swap3A_445] {strides = array<i32>} : memref<16xi32, #tpu.memory_space<vmem>>, vector<16xi32>,
      tpu.vector_store %arg20[%swap3A_445], %max3A_444 {strides = array<i32>} : memref<16xi32, #tpu.memory_space<vmem>>, vector<16xi32>,
      %dma_start3A_447 = arith.constant 0 : i32
      %dma_start3A_448 = arith.constant 0 : i32
      %dma_start3A_449 = tpu.memref_slice %arg2[%dma_start3A_447, %dma_start3A_448] : memref<32768x1024xf32, #tpu.memory_space<hbm>> -> memref<32768x1024xf32, #tpu.memory_space<hbm>>
      tpu.enqueue_indirect_dma source(%dma_start3A_449 : memref<32768x1024xf32, #tpu.memory_space<hbm>>) target(%arg26 : memref<16x1024xf32, #tpu.memory_space<vmem>>) offsets(%arg20 : memref<16xi32, #tpu.memory_space<vmem>>) semaphore(%arg38 : memref<!tpu.dma_semaphore, #tpu.memory_space<semaphore_mem>>)
    } else {
    }
    %gt3A_323 = arith.constant 1 : i32
    %gt3A_324 = arith.cmpi sgt, %select_n3A_268, %gt3A_323 : i32
    %convert_element_type3A_325 = arith.extui %gt3A_324 : i1 to i32
    %cond3A_326 = arith.constant 0 : i32
    %cond3A_327 = arith.cmpi ne, %convert_element_type3A_325, %cond3A_326 : i32
    scf.if %cond3A_327 {
      %multiple_of3A_435 = arith.constant 16 : i32
      %multiple_of3A_436 = tpu.assume_multiple %multiple_of3A_435, 8 : i32
      %add3A_437 = arith.constant 0 : i32
      %add3A_438 = arith.addi %multiple_of3A_436, %add3A_437 : i32
      %get3A = arith.index_cast %add3A_438 : i32 to index
      %get3A_439 = tpu.vector_load %arg16[%get3A] {strides = array<i32>} : memref<688xi32, #tpu.memory_space<vmem>>, vector<16xi32>,
      %min3A_440 = arith.constant 32767 : i32
      %min3A_441 = vector.broadcast %min3A_440 : i32 to vector<16xi32>
      %min3A_442 = arith.minsi %get3A_439, %min3A_441 : vector<16xi32>
      %max3A = arith.constant 0 : i32
      %max3A_443 = vector.broadcast %max3A : i32 to vector<16xi32>
      %max3A_444 = arith.maxsi %min3A_442, %max3A_443 : vector<16xi32>
      %swap3A_445 = arith.constant 0 : index
      %swap3A_446 = tpu.vector_load %arg21[%swap3A_445] {strides = array<i32>} : memref<16xi32, #tpu.memory_space<vmem>>, vector<16xi32>,
      tpu.vector_store %arg21[%swap3A_445], %max3A_444 {strides = array<i32>} : memref<16xi32, #tpu.memory_space<vmem>>, vector<16xi32>,
      %dma_start3A_447 = arith.constant 0 : i32
      %dma_start3A_448 = arith.constant 0 : i32
      %dma_start3A_449 = tpu.memref_slice %arg2[%dma_start3A_447, %dma_start3A_448] : memref<32768x1024xf32, #tpu.memory_space<hbm>> -> memref<32768x1024xf32, #tpu.memory_space<hbm>>
      tpu.enqueue_indirect_dma source(%dma_start3A_449 : memref<32768x1024xf32, #tpu.memory_space<hbm>>) target(%arg27 : memref<16x1024xf32, #tpu.memory_space<vmem>>) offsets(%arg21 : memref<16xi32, #tpu.memory_space<vmem>>) semaphore(%arg39 : memref<!tpu.dma_semaphore, #tpu.memory_space<semaphore_mem>>)
    } else {
    }
    %gt3A_328 = arith.constant 2 : i32
    %gt3A_329 = arith.cmpi sgt, %select_n3A_268, %gt3A_328 : i32
    %convert_element_type3A_330 = arith.extui %gt3A_329 : i1 to i32
    %cond3A_331 = arith.constant 0 : i32
    %cond3A_332 = arith.cmpi ne, %convert_element_type3A_330, %cond3A_331 : i32
    scf.if %cond3A_332 {
      %multiple_of3A_435 = arith.constant 32 : i32
      %multiple_of3A_436 = tpu.assume_multiple %multiple_of3A_435, 8 : i32
      %add3A_437 = arith.constant 0 : i32
      %add3A_438 = arith.addi %multiple_of3A_436, %add3A_437 : i32
      %get3A = arith.index_cast %add3A_438 : i32 to index
      %get3A_439 = tpu.vector_load %arg16[%get3A] {strides = array<i32>} : memref<688xi32, #tpu.memory_space<vmem>>, vector<16xi32>,
      %min3A_440 = arith.constant 32767 : i32
      %min3A_441 = vector.broadcast %min3A_440 : i32 to vector<16xi32>
      %min3A_442 = arith.minsi %get3A_439, %min3A_441 : vector<16xi32>
      %max3A = arith.constant 0 : i32
      %max3A_443 = vector.broadcast %max3A : i32 to vector<16xi32>
      %max3A_444 = arith.maxsi %min3A_442, %max3A_443 : vector<16xi32>
      %swap3A_445 = arith.constant 0 : index
      %swap3A_446 = tpu.vector_load %arg22[%swap3A_445] {strides = array<i32>} : memref<16xi32, #tpu.memory_space<vmem>>, vector<16xi32>,
      tpu.vector_store %arg22[%swap3A_445], %max3A_444 {strides = array<i32>} : memref<16xi32, #tpu.memory_space<vmem>>, vector<16xi32>,
      %dma_start3A_447 = arith.constant 0 : i32
      %dma_start3A_448 = arith.constant 0 : i32
      %dma_start3A_449 = tpu.memref_slice %arg2[%dma_start3A_447, %dma_start3A_448] : memref<32768x1024xf32, #tpu.memory_space<hbm>> -> memref<32768x1024xf32, #tpu.memory_space<hbm>>
      tpu.enqueue_indirect_dma source(%dma_start3A_449 : memref<32768x1024xf32, #tpu.memory_space<hbm>>) target(%arg28 : memref<16x1024xf32, #tpu.memory_space<vmem>>) offsets(%arg22 : memref<16xi32, #tpu.memory_space<vmem>>) semaphore(%arg40 : memref<!tpu.dma_semaphore, #tpu.memory_space<semaphore_mem>>)
    } else {
    }
    %gt3A_333 = arith.constant 3 : i32
    %gt3A_334 = arith.cmpi sgt, %select_n3A_268, %gt3A_333 : i32
    %convert_element_type3A_335 = arith.extui %gt3A_334 : i1 to i32
    %cond3A_336 = arith.constant 0 : i32
    %cond3A_337 = arith.cmpi ne, %convert_element_type3A_335, %cond3A_336 : i32
    scf.if %cond3A_337 {
      %multiple_of3A_435 = arith.constant 48 : i32
      %multiple_of3A_436 = tpu.assume_multiple %multiple_of3A_435, 8 : i32
      %add3A_437 = arith.constant 0 : i32
      %add3A_438 = arith.addi %multiple_of3A_436, %add3A_437 : i32
      %get3A = arith.index_cast %add3A_438 : i32 to index
      %get3A_439 = tpu.vector_load %arg16[%get3A] {strides = array<i32>} : memref<688xi32, #tpu.memory_space<vmem>>, vector<16xi32>,
      %min3A_440 = arith.constant 32767 : i32
      %min3A_441 = vector.broadcast %min3A_440 : i32 to vector<16xi32>
      %min3A_442 = arith.minsi %get3A_439, %min3A_441 : vector<16xi32>
      %max3A = arith.constant 0 : i32
      %max3A_443 = vector.broadcast %max3A : i32 to vector<16xi32>
      %max3A_444 = arith.maxsi %min3A_442, %max3A_443 : vector<16xi32>
      %swap3A_445 = arith.constant 0 : index
      %swap3A_446 = tpu.vector_load %arg23[%swap3A_445] {strides = array<i32>} : memref<16xi32, #tpu.memory_space<vmem>>, vector<16xi32>,
      tpu.vector_store %arg23[%swap3A_445], %max3A_444 {strides = array<i32>} : memref<16xi32, #tpu.memory_space<vmem>>, vector<16xi32>,
      %dma_start3A_447 = arith.constant 0 : i32
      %dma_start3A_448 = arith.constant 0 : i32
      %dma_start3A_449 = tpu.memref_slice %arg2[%dma_start3A_447, %dma_start3A_448] : memref<32768x1024xf32, #tpu.memory_space<hbm>> -> memref<32768x1024xf32, #tpu.memory_space<hbm>>
      tpu.enqueue_indirect_dma source(%dma_start3A_449 : memref<32768x1024xf32, #tpu.memory_space<hbm>>) target(%arg29 : memref<16x1024xf32, #tpu.memory_space<vmem>>) offsets(%arg23 : memref<16xi32, #tpu.memory_space<vmem>>) semaphore(%arg41 : memref<!tpu.dma_semaphore, #tpu.memory_space<semaphore_mem>>)
    } else {
    }
    %gt3A_338 = arith.constant 4 : i32
    %gt3A_339 = arith.cmpi sgt, %select_n3A_268, %gt3A_338 : i32
    %convert_element_type3A_340 = arith.extui %gt3A_339 : i1 to i32
    %cond3A_341 = arith.constant 0 : i32
    %cond3A_342 = arith.cmpi ne, %convert_element_type3A_340, %cond3A_341 : i32
    scf.if %cond3A_342 {
      %multiple_of3A_435 = arith.constant 64 : i32
      %multiple_of3A_436 = tpu.assume_multiple %multiple_of3A_435, 8 : i32
      %add3A_437 = arith.constant 0 : i32
      %add3A_438 = arith.addi %multiple_of3A_436, %add3A_437 : i32
      %get3A = arith.index_cast %add3A_438 : i32 to index
      %get3A_439 = tpu.vector_load %arg16[%get3A] {strides = array<i32>} : memref<688xi32, #tpu.memory_space<vmem>>, vector<16xi32>,
      %min3A_440 = arith.constant 32767 : i32
      %min3A_441 = vector.broadcast %min3A_440 : i32 to vector<16xi32>
      %min3A_442 = arith.minsi %get3A_439, %min3A_441 : vector<16xi32>
      %max3A = arith.constant 0 : i32
      %max3A_443 = vector.broadcast %max3A : i32 to vector<16xi32>
      %max3A_444 = arith.maxsi %min3A_442, %max3A_443 : vector<16xi32>
      %swap3A_445 = arith.constant 0 : index
      %swap3A_446 = tpu.vector_load %arg24[%swap3A_445] {strides = array<i32>} : memref<16xi32, #tpu.memory_space<vmem>>, vector<16xi32>,
      tpu.vector_store %arg24[%swap3A_445], %max3A_444 {strides = array<i32>} : memref<16xi32, #tpu.memory_space<vmem>>, vector<16xi32>,
      %dma_start3A_447 = arith.constant 0 : i32
      %dma_start3A_448 = arith.constant 0 : i32
      %dma_start3A_449 = tpu.memref_slice %arg2[%dma_start3A_447, %dma_start3A_448] : memref<32768x1024xf32, #tpu.memory_space<hbm>> -> memref<32768x1024xf32, #tpu.memory_space<hbm>>
      tpu.enqueue_indirect_dma source(%dma_start3A_449 : memref<32768x1024xf32, #tpu.memory_space<hbm>>) target(%arg30 : memref<16x1024xf32, #tpu.memory_space<vmem>>) offsets(%arg24 : memref<16xi32, #tpu.memory_space<vmem>>) semaphore(%arg42 : memref<!tpu.dma_semaphore, #tpu.memory_space<semaphore_mem>>)
    } else {
    }
    %gt3A_343 = arith.constant 5 : i32
    %gt3A_344 = arith.cmpi sgt, %select_n3A_268, %gt3A_343 : i32
    %convert_element_type3A_345 = arith.extui %gt3A_344 : i1 to i32
    %cond3A_346 = arith.constant 0 : i32
    %cond3A_347 = arith.cmpi ne, %convert_element_type3A_345, %cond3A_346 : i32
    scf.if %cond3A_347 {
      %multiple_of3A_435 = arith.constant 80 : i32
      %multiple_of3A_436 = tpu.assume_multiple %multiple_of3A_435, 8 : i32
      %add3A_437 = arith.constant 0 : i32
      %add3A_438 = arith.addi %multiple_of3A_436, %add3A_437 : i32
      %get3A = arith.index_cast %add3A_438 : i32 to index
      %get3A_439 = tpu.vector_load %arg16[%get3A] {strides = array<i32>} : memref<688xi32, #tpu.memory_space<vmem>>, vector<16xi32>,
      %min3A_440 = arith.constant 32767 : i32
      %min3A_441 = vector.broadcast %min3A_440 : i32 to vector<16xi32>
      %min3A_442 = arith.minsi %get3A_439, %min3A_441 : vector<16xi32>
      %max3A = arith.constant 0 : i32
      %max3A_443 = vector.broadcast %max3A : i32 to vector<16xi32>
      %max3A_444 = arith.maxsi %min3A_442, %max3A_443 : vector<16xi32>
      %swap3A_445 = arith.constant 0 : index
      %swap3A_446 = tpu.vector_load %arg25[%swap3A_445] {strides = array<i32>} : memref<16xi32, #tpu.memory_space<vmem>>, vector<16xi32>,
      tpu.vector_store %arg25[%swap3A_445], %max3A_444 {strides = array<i32>} : memref<16xi32, #tpu.memory_space<vmem>>, vector<16xi32>,
      %dma_start3A_447 = arith.constant 0 : i32
      %dma_start3A_448 = arith.constant 0 : i32
      %dma_start3A_449 = tpu.memref_slice %arg2[%dma_start3A_447, %dma_start3A_448] : memref<32768x1024xf32, #tpu.memory_space<hbm>> -> memref<32768x1024xf32, #tpu.memory_space<hbm>>
      tpu.enqueue_indirect_dma source(%dma_start3A_449 : memref<32768x1024xf32, #tpu.memory_space<hbm>>) target(%arg31 : memref<16x1024xf32, #tpu.memory_space<vmem>>) offsets(%arg25 : memref<16xi32, #tpu.memory_space<vmem>>) semaphore(%arg43 : memref<!tpu.dma_semaphore, #tpu.memory_space<semaphore_mem>>)
    } else {
    }
    %add3A_348 = arith.constant 6 : i32
    %add3A_349 = arith.addi %select_n3A_268, %add3A_348 : i32
    %sub3A_350 = arith.constant 1 : i32
    %sub3A_351 = arith.subi %add3A_349, %sub3A_350 : i32
    %jit3A_352 = arith.constant 6 : i32
    %div3A_353 = arith.divsi %sub3A_351, %jit3A_352 : i32
    %sign3A_354 = arith.constant 0 : i32
    %sign3A_355 = arith.cmpi sgt, %sub3A_351, %sign3A_354 : i32
    %sign3A_356 = arith.extui %sign3A_355 : i1 to i32
    %sign3A_357 = arith.constant 0 : i32
    %sign3A_358 = arith.cmpi slt, %sub3A_351, %sign3A_357 : i32
    %sign3A_359 = arith.extui %sign3A_358 : i1 to i32
    %sign3A_360 = arith.subi %sign3A_356, %sign3A_359 : i32
    %sign3A_361 = arith.constant 0 : i32
    %sign3A_362 = arith.cmpi sgt, %jit3A_352, %sign3A_361 : i32
    %sign3A_363 = arith.extui %sign3A_362 : i1 to i32
    %sign3A_364 = arith.constant 0 : i32
    %sign3A_365 = arith.cmpi slt, %jit3A_352, %sign3A_364 : i32
    %sign3A_366 = arith.extui %sign3A_365 : i1 to i32
    %sign3A_367 = arith.subi %sign3A_363, %sign3A_366 : i32
    %ne3A_368 = arith.cmpi ne, %sign3A_360, %sign3A_367 : i32
    %rem3A_369 = arith.remsi %sub3A_351, %jit3A_352 : i32
    %ne3A_370 = arith.constant 0 : i32
    %ne3A_371 = arith.cmpi ne, %rem3A_369, %ne3A_370 : i32
    %and3A_372 = arith.andi %ne3A_368, %ne3A_371 : i1
    %sub3A_373 = arith.constant 1 : i32
    %sub3A_374 = arith.subi %div3A_353, %sub3A_373 : i32
    %select_n3A_375 = arith.select %and3A_372, %sub3A_374, %div3A_353 : i32
    %while3A_376 = arith.constant 0 : i32
    %while3A_377 = arith.constant 0 : i32
    %while3A_378 = arith.subi %select_n3A_375, %while3A_376 : i32
    %while3A_379 = arith.addi %while3A_376, %while3A_378 : i32
    %while3A_380 = arith.constant 1 : i32
    %while3A_381 = arith.divsi %while3A_378, %while3A_380 : i32
    %while3A_382 = arith.muli %while3A_381, %while3A_380 : i32
    %while3A_383 = arith.addi %while3A_376, %while3A_382 : i32
    %while3A_384 = arith.constant 1 : i32
    %while3A_385 = scf.for %while3A_435 = %while3A_376 to %while3A_383 step %while3A_384 iter_args(%while3A_436 = %while3A_377) -> (i32)  : i32 {
      %mul3A_437 = arith.constant 6 : i32
      %mul3A_438 = arith.muli %while3A_435, %mul3A_437 : i32
      %add3A_439 = arith.constant 0 : i32
      %add3A_440 = arith.addi %mul3A_438, %add3A_439 : i32
      %lt3A = arith.cmpi slt, %add3A_440, %select_n3A_268 : i32
      %convert_element_type3A_441 = arith.extui %lt3A : i1 to i32
      %cond3A_442 = arith.constant 0 : i32
      %cond3A_443 = arith.cmpi ne, %convert_element_type3A_441, %cond3A_442 : i32
      scf.if %cond3A_443 {
        %add3A_523 = arith.constant 0 : i32
        %add3A_524 = arith.addi %mul3A_438, %add3A_523 : i32
        %dma_wait3A = arith.constant 0 : i32
        %dma_wait3A_525 = arith.constant 0 : i32
        %dma_wait3A_526 = tpu.memref_slice %arg2[%dma_wait3A, %dma_wait3A_525] : memref<32768x1024xf32, #tpu.memory_space<hbm>> -> memref<32768x1024xf32, #tpu.memory_space<hbm>>
        tpu.wait_indirect_dma semaphore(%arg38 : memref<!tpu.dma_semaphore, #tpu.memory_space<semaphore_mem>>) src(%dma_wait3A_526 : memref<32768x1024xf32, #tpu.memory_space<hbm>>) dst(%arg26 : memref<16x1024xf32, #tpu.memory_space<vmem>>)
        %mul3A_527 = arith.constant 16 : i32
        %mul3A_528 = arith.muli %add3A_524, %mul3A_527 : i32
        %multiple_of3A_529 = tpu.assume_multiple %mul3A_528, 8 : i32
        %dma_start3A_530 = arith.constant 0 : i32
        %dma_start3A_531 = tpu.memref_slice %arg6[%add3A_229, %multiple_of3A_529, %dma_start3A_530] : memref<64x640x1024xf32, #tpu.memory_space<hbm>> -> memref<1x16x1024xf32, #tpu.memory_space<hbm>>
        %dma_start3A_532 = tpu.memref_squeeze %dma_start3A_531 : memref<1x16x1024xf32, #tpu.memory_space<hbm>> -> memref<16x1024xf32, #tpu.memory_space<hbm>>
        %dma_start3A_533 = arith.constant 0 : i32
        %dma_start3A_534 = tpu.memref_slice %arg6[%add3A_229, %multiple_of3A_529, %dma_start3A_533] : memref<64x640x1024xf32, #tpu.memory_space<hbm>> -> memref<1x16x1024xf32, #tpu.memory_space<hbm>>
        %dma_start3A_535 = tpu.memref_squeeze %dma_start3A_534 : memref<1x16x1024xf32, #tpu.memory_space<hbm>> -> memref<16x1024xf32, #tpu.memory_space<hbm>>
        tpu.enqueue_dma source(%arg26 : memref<16x1024xf32, #tpu.memory_space<vmem>>) target(%dma_start3A_535 : memref<16x1024xf32, #tpu.memory_space<hbm>>) target_semaphore(%arg44 : memref<!tpu.dma_semaphore, #tpu.memory_space<semaphore_mem>>)
      } else {
      }
      %add3A_444 = arith.constant 1 : i32
      %add3A_445 = arith.addi %mul3A_438, %add3A_444 : i32
      %lt3A_446 = arith.cmpi slt, %add3A_445, %select_n3A_268 : i32
      %convert_element_type3A_447 = arith.extui %lt3A_446 : i1 to i32
      %cond3A_448 = arith.constant 0 : i32
      %cond3A_449 = arith.cmpi ne, %convert_element_type3A_447, %cond3A_448 : i32
      scf.if %cond3A_449 {
        %add3A_523 = arith.constant 1 : i32
        %add3A_524 = arith.addi %mul3A_438, %add3A_523 : i32
        %dma_wait3A = arith.constant 0 : i32
        %dma_wait3A_525 = arith.constant 0 : i32
        %dma_wait3A_526 = tpu.memref_slice %arg2[%dma_wait3A, %dma_wait3A_525] : memref<32768x1024xf32, #tpu.memory_space<hbm>> -> memref<32768x1024xf32, #tpu.memory_space<hbm>>
        tpu.wait_indirect_dma semaphore(%arg39 : memref<!tpu.dma_semaphore, #tpu.memory_space<semaphore_mem>>) src(%dma_wait3A_526 : memref<32768x1024xf32, #tpu.memory_space<hbm>>) dst(%arg27 : memref<16x1024xf32, #tpu.memory_space<vmem>>)
        %mul3A_527 = arith.constant 16 : i32
        %mul3A_528 = arith.muli %add3A_524, %mul3A_527 : i32
        %multiple_of3A_529 = tpu.assume_multiple %mul3A_528, 8 : i32
        %dma_start3A_530 = arith.constant 0 : i32
        %dma_start3A_531 = tpu.memref_slice %arg6[%add3A_229, %multiple_of3A_529, %dma_start3A_530] : memref<64x640x1024xf32, #tpu.memory_space<hbm>> -> memref<1x16x1024xf32, #tpu.memory_space<hbm>>
        %dma_start3A_532 = tpu.memref_squeeze %dma_start3A_531 : memref<1x16x1024xf32, #tpu.memory_space<hbm>> -> memref<16x1024xf32, #tpu.memory_space<hbm>>
        %dma_start3A_533 = arith.constant 0 : i32
        %dma_start3A_534 = tpu.memref_slice %arg6[%add3A_229, %multiple_of3A_529, %dma_start3A_533] : memref<64x640x1024xf32, #tpu.memory_space<hbm>> -> memref<1x16x1024xf32, #tpu.memory_space<hbm>>
        %dma_start3A_535 = tpu.memref_squeeze %dma_start3A_534 : memref<1x16x1024xf32, #tpu.memory_space<hbm>> -> memref<16x1024xf32, #tpu.memory_space<hbm>>
        tpu.enqueue_dma source(%arg27 : memref<16x1024xf32, #tpu.memory_space<vmem>>) target(%dma_start3A_535 : memref<16x1024xf32, #tpu.memory_space<hbm>>) target_semaphore(%arg45 : memref<!tpu.dma_semaphore, #tpu.memory_space<semaphore_mem>>)
      } else {
      }
      %add3A_450 = arith.constant 2 : i32
      %add3A_451 = arith.addi %mul3A_438, %add3A_450 : i32
      %lt3A_452 = arith.cmpi slt, %add3A_451, %select_n3A_268 : i32
      %convert_element_type3A_453 = arith.extui %lt3A_452 : i1 to i32
      %cond3A_454 = arith.constant 0 : i32
      %cond3A_455 = arith.cmpi ne, %convert_element_type3A_453, %cond3A_454 : i32
      scf.if %cond3A_455 {
        %add3A_523 = arith.constant 2 : i32
        %add3A_524 = arith.addi %mul3A_438, %add3A_523 : i32
        %dma_wait3A = arith.constant 0 : i32
        %dma_wait3A_525 = arith.constant 0 : i32
        %dma_wait3A_526 = tpu.memref_slice %arg2[%dma_wait3A, %dma_wait3A_525] : memref<32768x1024xf32, #tpu.memory_space<hbm>> -> memref<32768x1024xf32, #tpu.memory_space<hbm>>
        tpu.wait_indirect_dma semaphore(%arg40 : memref<!tpu.dma_semaphore, #tpu.memory_space<semaphore_mem>>) src(%dma_wait3A_526 : memref<32768x1024xf32, #tpu.memory_space<hbm>>) dst(%arg28 : memref<16x1024xf32, #tpu.memory_space<vmem>>)
        %mul3A_527 = arith.constant 16 : i32
        %mul3A_528 = arith.muli %add3A_524, %mul3A_527 : i32
        %multiple_of3A_529 = tpu.assume_multiple %mul3A_528, 8 : i32
        %dma_start3A_530 = arith.constant 0 : i32
        %dma_start3A_531 = tpu.memref_slice %arg6[%add3A_229, %multiple_of3A_529, %dma_start3A_530] : memref<64x640x1024xf32, #tpu.memory_space<hbm>> -> memref<1x16x1024xf32, #tpu.memory_space<hbm>>
        %dma_start3A_532 = tpu.memref_squeeze %dma_start3A_531 : memref<1x16x1024xf32, #tpu.memory_space<hbm>> -> memref<16x1024xf32, #tpu.memory_space<hbm>>
        %dma_start3A_533 = arith.constant 0 : i32
        %dma_start3A_534 = tpu.memref_slice %arg6[%add3A_229, %multiple_of3A_529, %dma_start3A_533] : memref<64x640x1024xf32, #tpu.memory_space<hbm>> -> memref<1x16x1024xf32, #tpu.memory_space<hbm>>
        %dma_start3A_535 = tpu.memref_squeeze %dma_start3A_534 : memref<1x16x1024xf32, #tpu.memory_space<hbm>> -> memref<16x1024xf32, #tpu.memory_space<hbm>>
        tpu.enqueue_dma source(%arg28 : memref<16x1024xf32, #tpu.memory_space<vmem>>) target(%dma_start3A_535 : memref<16x1024xf32, #tpu.memory_space<hbm>>) target_semaphore(%arg46 : memref<!tpu.dma_semaphore, #tpu.memory_space<semaphore_mem>>)
      } else {
      }
      %add3A_456 = arith.constant 3 : i32
      %add3A_457 = arith.addi %mul3A_438, %add3A_456 : i32
      %lt3A_458 = arith.cmpi slt, %add3A_457, %select_n3A_268 : i32
      %convert_element_type3A_459 = arith.extui %lt3A_458 : i1 to i32
      %cond3A_460 = arith.constant 0 : i32
      %cond3A_461 = arith.cmpi ne, %convert_element_type3A_459, %cond3A_460 : i32
      scf.if %cond3A_461 {
        %add3A_523 = arith.constant 3 : i32
        %add3A_524 = arith.addi %mul3A_438, %add3A_523 : i32
        %dma_wait3A = arith.constant 0 : i32
        %dma_wait3A_525 = arith.constant 0 : i32
        %dma_wait3A_526 = tpu.memref_slice %arg2[%dma_wait3A, %dma_wait3A_525] : memref<32768x1024xf32, #tpu.memory_space<hbm>> -> memref<32768x1024xf32, #tpu.memory_space<hbm>>
        tpu.wait_indirect_dma semaphore(%arg41 : memref<!tpu.dma_semaphore, #tpu.memory_space<semaphore_mem>>) src(%dma_wait3A_526 : memref<32768x1024xf32, #tpu.memory_space<hbm>>) dst(%arg29 : memref<16x1024xf32, #tpu.memory_space<vmem>>)
        %mul3A_527 = arith.constant 16 : i32
        %mul3A_528 = arith.muli %add3A_524, %mul3A_527 : i32
        %multiple_of3A_529 = tpu.assume_multiple %mul3A_528, 8 : i32
        %dma_start3A_530 = arith.constant 0 : i32
        %dma_start3A_531 = tpu.memref_slice %arg6[%add3A_229, %multiple_of3A_529, %dma_start3A_530] : memref<64x640x1024xf32, #tpu.memory_space<hbm>> -> memref<1x16x1024xf32, #tpu.memory_space<hbm>>
        %dma_start3A_532 = tpu.memref_squeeze %dma_start3A_531 : memref<1x16x1024xf32, #tpu.memory_space<hbm>> -> memref<16x1024xf32, #tpu.memory_space<hbm>>
        %dma_start3A_533 = arith.constant 0 : i32
        %dma_start3A_534 = tpu.memref_slice %arg6[%add3A_229, %multiple_of3A_529, %dma_start3A_533] : memref<64x640x1024xf32, #tpu.memory_space<hbm>> -> memref<1x16x1024xf32, #tpu.memory_space<hbm>>
        %dma_start3A_535 = tpu.memref_squeeze %dma_start3A_534 : memref<1x16x1024xf32, #tpu.memory_space<hbm>> -> memref<16x1024xf32, #tpu.memory_space<hbm>>
        tpu.enqueue_dma source(%arg29 : memref<16x1024xf32, #tpu.memory_space<vmem>>) target(%dma_start3A_535 : memref<16x1024xf32, #tpu.memory_space<hbm>>) target_semaphore(%arg47 : memref<!tpu.dma_semaphore, #tpu.memory_space<semaphore_mem>>)
      } else {
      }
      %add3A_462 = arith.constant 4 : i32
      %add3A_463 = arith.addi %mul3A_438, %add3A_462 : i32
      %lt3A_464 = arith.cmpi slt, %add3A_463, %select_n3A_268 : i32
      %convert_element_type3A_465 = arith.extui %lt3A_464 : i1 to i32
      %cond3A_466 = arith.constant 0 : i32
      %cond3A_467 = arith.cmpi ne, %convert_element_type3A_465, %cond3A_466 : i32
      scf.if %cond3A_467 {
        %add3A_523 = arith.constant 4 : i32
        %add3A_524 = arith.addi %mul3A_438, %add3A_523 : i32
        %dma_wait3A = arith.constant 0 : i32
        %dma_wait3A_525 = arith.constant 0 : i32
        %dma_wait3A_526 = tpu.memref_slice %arg2[%dma_wait3A, %dma_wait3A_525] : memref<32768x1024xf32, #tpu.memory_space<hbm>> -> memref<32768x1024xf32, #tpu.memory_space<hbm>>
        tpu.wait_indirect_dma semaphore(%arg42 : memref<!tpu.dma_semaphore, #tpu.memory_space<semaphore_mem>>) src(%dma_wait3A_526 : memref<32768x1024xf32, #tpu.memory_space<hbm>>) dst(%arg30 : memref<16x1024xf32, #tpu.memory_space<vmem>>)
        %mul3A_527 = arith.constant 16 : i32
        %mul3A_528 = arith.muli %add3A_524, %mul3A_527 : i32
        %multiple_of3A_529 = tpu.assume_multiple %mul3A_528, 8 : i32
        %dma_start3A_530 = arith.constant 0 : i32
        %dma_start3A_531 = tpu.memref_slice %arg6[%add3A_229, %multiple_of3A_529, %dma_start3A_530] : memref<64x640x1024xf32, #tpu.memory_space<hbm>> -> memref<1x16x1024xf32, #tpu.memory_space<hbm>>
        %dma_start3A_532 = tpu.memref_squeeze %dma_start3A_531 : memref<1x16x1024xf32, #tpu.memory_space<hbm>> -> memref<16x1024xf32, #tpu.memory_space<hbm>>
        %dma_start3A_533 = arith.constant 0 : i32
        %dma_start3A_534 = tpu.memref_slice %arg6[%add3A_229, %multiple_of3A_529, %dma_start3A_533] : memref<64x640x1024xf32, #tpu.memory_space<hbm>> -> memref<1x16x1024xf32, #tpu.memory_space<hbm>>
        %dma_start3A_535 = tpu.memref_squeeze %dma_start3A_534 : memref<1x16x1024xf32, #tpu.memory_space<hbm>> -> memref<16x1024xf32, #tpu.memory_space<hbm>>
        tpu.enqueue_dma source(%arg30 : memref<16x1024xf32, #tpu.memory_space<vmem>>) target(%dma_start3A_535 : memref<16x1024xf32, #tpu.memory_space<hbm>>) target_semaphore(%arg48 : memref<!tpu.dma_semaphore, #tpu.memory_space<semaphore_mem>>)
      } else {
      }
      %add3A_468 = arith.constant 5 : i32
      %add3A_469 = arith.addi %mul3A_438, %add3A_468 : i32
      %lt3A_470 = arith.cmpi slt, %add3A_469, %select_n3A_268 : i32
      %convert_element_type3A_471 = arith.extui %lt3A_470 : i1 to i32
      %cond3A_472 = arith.constant 0 : i32
      %cond3A_473 = arith.cmpi ne, %convert_element_type3A_471, %cond3A_472 : i32
      scf.if %cond3A_473 {
        %add3A_523 = arith.constant 5 : i32
        %add3A_524 = arith.addi %mul3A_438, %add3A_523 : i32
        %dma_wait3A = arith.constant 0 : i32
        %dma_wait3A_525 = arith.constant 0 : i32
        %dma_wait3A_526 = tpu.memref_slice %arg2[%dma_wait3A, %dma_wait3A_525] : memref<32768x1024xf32, #tpu.memory_space<hbm>> -> memref<32768x1024xf32, #tpu.memory_space<hbm>>
        tpu.wait_indirect_dma semaphore(%arg43 : memref<!tpu.dma_semaphore, #tpu.memory_space<semaphore_mem>>) src(%dma_wait3A_526 : memref<32768x1024xf32, #tpu.memory_space<hbm>>) dst(%arg31 : memref<16x1024xf32, #tpu.memory_space<vmem>>)
        %mul3A_527 = arith.constant 16 : i32
        %mul3A_528 = arith.muli %add3A_524, %mul3A_527 : i32
        %multiple_of3A_529 = tpu.assume_multiple %mul3A_528, 8 : i32
        %dma_start3A_530 = arith.constant 0 : i32
        %dma_start3A_531 = tpu.memref_slice %arg6[%add3A_229, %multiple_of3A_529, %dma_start3A_530] : memref<64x640x1024xf32, #tpu.memory_space<hbm>> -> memref<1x16x1024xf32, #tpu.memory_space<hbm>>
        %dma_start3A_532 = tpu.memref_squeeze %dma_start3A_531 : memref<1x16x1024xf32, #tpu.memory_space<hbm>> -> memref<16x1024xf32, #tpu.memory_space<hbm>>
        %dma_start3A_533 = arith.constant 0 : i32
        %dma_start3A_534 = tpu.memref_slice %arg6[%add3A_229, %multiple_of3A_529, %dma_start3A_533] : memref<64x640x1024xf32, #tpu.memory_space<hbm>> -> memref<1x16x1024xf32, #tpu.memory_space<hbm>>
        %dma_start3A_535 = tpu.memref_squeeze %dma_start3A_534 : memref<1x16x1024xf32, #tpu.memory_space<hbm>> -> memref<16x1024xf32, #tpu.memory_space<hbm>>
        tpu.enqueue_dma source(%arg31 : memref<16x1024xf32, #tpu.memory_space<vmem>>) target(%dma_start3A_535 : memref<16x1024xf32, #tpu.memory_space<hbm>>) target_semaphore(%arg49 : memref<!tpu.dma_semaphore, #tpu.memory_space<semaphore_mem>>)
      } else {
      }
      %add3A_474 = arith.constant 0 : i32
      %add3A_475 = arith.addi %mul3A_438, %add3A_474 : i32
      %add3A_476 = arith.constant 6 : i32
      %add3A_477 = arith.addi %add3A_475, %add3A_476 : i32
      %lt3A_478 = arith.cmpi slt, %add3A_477, %select_n3A_268 : i32
      %convert_element_type3A_479 = arith.extui %lt3A_478 : i1 to i32
      %cond3A_480 = arith.constant 0 : i32
      %cond3A_481 = arith.cmpi ne, %convert_element_type3A_479, %cond3A_480 : i32
      scf.if %cond3A_481 {
        %dma_wait3A = arith.constant 0 : i32
        %dma_wait3A_523 = arith.constant 0 : i32
        %dma_wait3A_524 = tpu.memref_slice %arg6[%add3A_229, %dma_wait3A, %dma_wait3A_523] : memref<64x640x1024xf32, #tpu.memory_space<hbm>> -> memref<1x16x1024xf32, #tpu.memory_space<hbm>>
        %dma_wait3A_525 = tpu.memref_squeeze %dma_wait3A_524 : memref<1x16x1024xf32, #tpu.memory_space<hbm>> -> memref<16x1024xf32, #tpu.memory_space<hbm>>
        %dma_wait3A_526 = arith.constant 0 : i32
        %dma_wait3A_527 = arith.constant 0 : i32
        %dma_wait3A_528 = tpu.memref_slice %arg6[%add3A_229, %dma_wait3A_526, %dma_wait3A_527] : memref<64x640x1024xf32, #tpu.memory_space<hbm>> -> memref<1x16x1024xf32, #tpu.memory_space<hbm>>
        %dma_wait3A_529 = tpu.memref_squeeze %dma_wait3A_528 : memref<1x16x1024xf32, #tpu.memory_space<hbm>> -> memref<16x1024xf32, #tpu.memory_space<hbm>>
        tpu.wait_dma2 semaphore(%arg44 : memref<!tpu.dma_semaphore, #tpu.memory_space<semaphore_mem>>) src(%arg26 : memref<16x1024xf32, #tpu.memory_space<vmem>>) dst(%dma_wait3A_529 : memref<16x1024xf32, #tpu.memory_space<hbm>>)
        %add3A_530 = arith.constant 0 : i32
        %add3A_531 = arith.addi %mul3A_438, %add3A_530 : i32
        %add3A_532 = arith.constant 6 : i32
        %add3A_533 = arith.addi %add3A_531, %add3A_532 : i32
        %mul3A_534 = arith.constant 16 : i32
        %mul3A_535 = arith.muli %add3A_533, %mul3A_534 : i32
        %multiple_of3A_536 = tpu.assume_multiple %mul3A_535, 8 : i32
        %add3A_537 = arith.constant 0 : i32
        %add3A_538 = arith.addi %multiple_of3A_536, %add3A_537 : i32
        %get3A = arith.index_cast %add3A_538 : i32 to index
        %get3A_539 = tpu.vector_load %arg16[%get3A] {strides = array<i32>} : memref<688xi32, #tpu.memory_space<vmem>>, vector<16xi32>,
        %min3A_540 = arith.constant 32767 : i32
        %min3A_541 = vector.broadcast %min3A_540 : i32 to vector<16xi32>
        %min3A_542 = arith.minsi %get3A_539, %min3A_541 : vector<16xi32>
        %max3A = arith.constant 0 : i32
        %max3A_543 = vector.broadcast %max3A : i32 to vector<16xi32>
        %max3A_544 = arith.maxsi %min3A_542, %max3A_543 : vector<16xi32>
        %swap3A_545 = arith.constant 0 : index
        %swap3A_546 = tpu.vector_load %arg20[%swap3A_545] {strides = array<i32>} : memref<16xi32, #tpu.memory_space<vmem>>, vector<16xi32>,
        tpu.vector_store %arg20[%swap3A_545], %max3A_544 {strides = array<i32>} : memref<16xi32, #tpu.memory_space<vmem>>, vector<16xi32>,
        %dma_start3A_547 = arith.constant 0 : i32
        %dma_start3A_548 = arith.constant 0 : i32
        %dma_start3A_549 = tpu.memref_slice %arg2[%dma_start3A_547, %dma_start3A_548] : memref<32768x1024xf32, #tpu.memory_space<hbm>> -> memref<32768x1024xf32, #tpu.memory_space<hbm>>
        tpu.enqueue_indirect_dma source(%dma_start3A_549 : memref<32768x1024xf32, #tpu.memory_space<hbm>>) target(%arg26 : memref<16x1024xf32, #tpu.memory_space<vmem>>) offsets(%arg20 : memref<16xi32, #tpu.memory_space<vmem>>) semaphore(%arg38 : memref<!tpu.dma_semaphore, #tpu.memory_space<semaphore_mem>>)
      } else {
      }
      %add3A_482 = arith.constant 1 : i32
      %add3A_483 = arith.addi %mul3A_438, %add3A_482 : i32
      %add3A_484 = arith.constant 6 : i32
      %add3A_485 = arith.addi %add3A_483, %add3A_484 : i32
      %lt3A_486 = arith.cmpi slt, %add3A_485, %select_n3A_268 : i32
      %convert_element_type3A_487 = arith.extui %lt3A_486 : i1 to i32
      %cond3A_488 = arith.constant 0 : i32
      %cond3A_489 = arith.cmpi ne, %convert_element_type3A_487, %cond3A_488 : i32
      scf.if %cond3A_489 {
        %dma_wait3A = arith.constant 0 : i32
        %dma_wait3A_523 = arith.constant 0 : i32
        %dma_wait3A_524 = tpu.memref_slice %arg6[%add3A_229, %dma_wait3A, %dma_wait3A_523] : memref<64x640x1024xf32, #tpu.memory_space<hbm>> -> memref<1x16x1024xf32, #tpu.memory_space<hbm>>
        %dma_wait3A_525 = tpu.memref_squeeze %dma_wait3A_524 : memref<1x16x1024xf32, #tpu.memory_space<hbm>> -> memref<16x1024xf32, #tpu.memory_space<hbm>>
        %dma_wait3A_526 = arith.constant 0 : i32
        %dma_wait3A_527 = arith.constant 0 : i32
        %dma_wait3A_528 = tpu.memref_slice %arg6[%add3A_229, %dma_wait3A_526, %dma_wait3A_527] : memref<64x640x1024xf32, #tpu.memory_space<hbm>> -> memref<1x16x1024xf32, #tpu.memory_space<hbm>>
        %dma_wait3A_529 = tpu.memref_squeeze %dma_wait3A_528 : memref<1x16x1024xf32, #tpu.memory_space<hbm>> -> memref<16x1024xf32, #tpu.memory_space<hbm>>
        tpu.wait_dma2 semaphore(%arg45 : memref<!tpu.dma_semaphore, #tpu.memory_space<semaphore_mem>>) src(%arg27 : memref<16x1024xf32, #tpu.memory_space<vmem>>) dst(%dma_wait3A_529 : memref<16x1024xf32, #tpu.memory_space<hbm>>)
        %add3A_530 = arith.constant 1 : i32
        %add3A_531 = arith.addi %mul3A_438, %add3A_530 : i32
        %add3A_532 = arith.constant 6 : i32
        %add3A_533 = arith.addi %add3A_531, %add3A_532 : i32
        %mul3A_534 = arith.constant 16 : i32
        %mul3A_535 = arith.muli %add3A_533, %mul3A_534 : i32
        %multiple_of3A_536 = tpu.assume_multiple %mul3A_535, 8 : i32
        %add3A_537 = arith.constant 0 : i32
        %add3A_538 = arith.addi %multiple_of3A_536, %add3A_537 : i32
        %get3A = arith.index_cast %add3A_538 : i32 to index
        %get3A_539 = tpu.vector_load %arg16[%get3A] {strides = array<i32>} : memref<688xi32, #tpu.memory_space<vmem>>, vector<16xi32>,
        %min3A_540 = arith.constant 32767 : i32
        %min3A_541 = vector.broadcast %min3A_540 : i32 to vector<16xi32>
        %min3A_542 = arith.minsi %get3A_539, %min3A_541 : vector<16xi32>
        %max3A = arith.constant 0 : i32
        %max3A_543 = vector.broadcast %max3A : i32 to vector<16xi32>
        %max3A_544 = arith.maxsi %min3A_542, %max3A_543 : vector<16xi32>
        %swap3A_545 = arith.constant 0 : index
        %swap3A_546 = tpu.vector_load %arg21[%swap3A_545] {strides = array<i32>} : memref<16xi32, #tpu.memory_space<vmem>>, vector<16xi32>,
        tpu.vector_store %arg21[%swap3A_545], %max3A_544 {strides = array<i32>} : memref<16xi32, #tpu.memory_space<vmem>>, vector<16xi32>,
        %dma_start3A_547 = arith.constant 0 : i32
        %dma_start3A_548 = arith.constant 0 : i32
        %dma_start3A_549 = tpu.memref_slice %arg2[%dma_start3A_547, %dma_start3A_548] : memref<32768x1024xf32, #tpu.memory_space<hbm>> -> memref<32768x1024xf32, #tpu.memory_space<hbm>>
        tpu.enqueue_indirect_dma source(%dma_start3A_549 : memref<32768x1024xf32, #tpu.memory_space<hbm>>) target(%arg27 : memref<16x1024xf32, #tpu.memory_space<vmem>>) offsets(%arg21 : memref<16xi32, #tpu.memory_space<vmem>>) semaphore(%arg39 : memref<!tpu.dma_semaphore, #tpu.memory_space<semaphore_mem>>)
      } else {
      }
      %add3A_490 = arith.constant 2 : i32
      %add3A_491 = arith.addi %mul3A_438, %add3A_490 : i32
      %add3A_492 = arith.constant 6 : i32
      %add3A_493 = arith.addi %add3A_491, %add3A_492 : i32
      %lt3A_494 = arith.cmpi slt, %add3A_493, %select_n3A_268 : i32
      %convert_element_type3A_495 = arith.extui %lt3A_494 : i1 to i32
      %cond3A_496 = arith.constant 0 : i32
      %cond3A_497 = arith.cmpi ne, %convert_element_type3A_495, %cond3A_496 : i32
      scf.if %cond3A_497 {
        %dma_wait3A = arith.constant 0 : i32
        %dma_wait3A_523 = arith.constant 0 : i32
        %dma_wait3A_524 = tpu.memref_slice %arg6[%add3A_229, %dma_wait3A, %dma_wait3A_523] : memref<64x640x1024xf32, #tpu.memory_space<hbm>> -> memref<1x16x1024xf32, #tpu.memory_space<hbm>>
        %dma_wait3A_525 = tpu.memref_squeeze %dma_wait3A_524 : memref<1x16x1024xf32, #tpu.memory_space<hbm>> -> memref<16x1024xf32, #tpu.memory_space<hbm>>
        %dma_wait3A_526 = arith.constant 0 : i32
        %dma_wait3A_527 = arith.constant 0 : i32
        %dma_wait3A_528 = tpu.memref_slice %arg6[%add3A_229, %dma_wait3A_526, %dma_wait3A_527] : memref<64x640x1024xf32, #tpu.memory_space<hbm>> -> memref<1x16x1024xf32, #tpu.memory_space<hbm>>
        %dma_wait3A_529 = tpu.memref_squeeze %dma_wait3A_528 : memref<1x16x1024xf32, #tpu.memory_space<hbm>> -> memref<16x1024xf32, #tpu.memory_space<hbm>>
        tpu.wait_dma2 semaphore(%arg46 : memref<!tpu.dma_semaphore, #tpu.memory_space<semaphore_mem>>) src(%arg28 : memref<16x1024xf32, #tpu.memory_space<vmem>>) dst(%dma_wait3A_529 : memref<16x1024xf32, #tpu.memory_space<hbm>>)
        %add3A_530 = arith.constant 2 : i32
        %add3A_531 = arith.addi %mul3A_438, %add3A_530 : i32
        %add3A_532 = arith.constant 6 : i32
        %add3A_533 = arith.addi %add3A_531, %add3A_532 : i32
        %mul3A_534 = arith.constant 16 : i32
        %mul3A_535 = arith.muli %add3A_533, %mul3A_534 : i32
        %multiple_of3A_536 = tpu.assume_multiple %mul3A_535, 8 : i32
        %add3A_537 = arith.constant 0 : i32
        %add3A_538 = arith.addi %multiple_of3A_536, %add3A_537 : i32
        %get3A = arith.index_cast %add3A_538 : i32 to index
        %get3A_539 = tpu.vector_load %arg16[%get3A] {strides = array<i32>} : memref<688xi32, #tpu.memory_space<vmem>>, vector<16xi32>,
        %min3A_540 = arith.constant 32767 : i32
        %min3A_541 = vector.broadcast %min3A_540 : i32 to vector<16xi32>
        %min3A_542 = arith.minsi %get3A_539, %min3A_541 : vector<16xi32>
        %max3A = arith.constant 0 : i32
        %max3A_543 = vector.broadcast %max3A : i32 to vector<16xi32>
        %max3A_544 = arith.maxsi %min3A_542, %max3A_543 : vector<16xi32>
        %swap3A_545 = arith.constant 0 : index
        %swap3A_546 = tpu.vector_load %arg22[%swap3A_545] {strides = array<i32>} : memref<16xi32, #tpu.memory_space<vmem>>, vector<16xi32>,
        tpu.vector_store %arg22[%swap3A_545], %max3A_544 {strides = array<i32>} : memref<16xi32, #tpu.memory_space<vmem>>, vector<16xi32>,
        %dma_start3A_547 = arith.constant 0 : i32
        %dma_start3A_548 = arith.constant 0 : i32
        %dma_start3A_549 = tpu.memref_slice %arg2[%dma_start3A_547, %dma_start3A_548] : memref<32768x1024xf32, #tpu.memory_space<hbm>> -> memref<32768x1024xf32, #tpu.memory_space<hbm>>
        tpu.enqueue_indirect_dma source(%dma_start3A_549 : memref<32768x1024xf32, #tpu.memory_space<hbm>>) target(%arg28 : memref<16x1024xf32, #tpu.memory_space<vmem>>) offsets(%arg22 : memref<16xi32, #tpu.memory_space<vmem>>) semaphore(%arg40 : memref<!tpu.dma_semaphore, #tpu.memory_space<semaphore_mem>>)
      } else {
      }
      %add3A_498 = arith.constant 3 : i32
      %add3A_499 = arith.addi %mul3A_438, %add3A_498 : i32
      %add3A_500 = arith.constant 6 : i32
      %add3A_501 = arith.addi %add3A_499, %add3A_500 : i32
      %lt3A_502 = arith.cmpi slt, %add3A_501, %select_n3A_268 : i32
      %convert_element_type3A_503 = arith.extui %lt3A_502 : i1 to i32
      %cond3A_504 = arith.constant 0 : i32
      %cond3A_505 = arith.cmpi ne, %convert_element_type3A_503, %cond3A_504 : i32
      scf.if %cond3A_505 {
        %dma_wait3A = arith.constant 0 : i32
        %dma_wait3A_523 = arith.constant 0 : i32
        %dma_wait3A_524 = tpu.memref_slice %arg6[%add3A_229, %dma_wait3A, %dma_wait3A_523] : memref<64x640x1024xf32, #tpu.memory_space<hbm>> -> memref<1x16x1024xf32, #tpu.memory_space<hbm>>
        %dma_wait3A_525 = tpu.memref_squeeze %dma_wait3A_524 : memref<1x16x1024xf32, #tpu.memory_space<hbm>> -> memref<16x1024xf32, #tpu.memory_space<hbm>>
        %dma_wait3A_526 = arith.constant 0 : i32
        %dma_wait3A_527 = arith.constant 0 : i32
        %dma_wait3A_528 = tpu.memref_slice %arg6[%add3A_229, %dma_wait3A_526, %dma_wait3A_527] : memref<64x640x1024xf32, #tpu.memory_space<hbm>> -> memref<1x16x1024xf32, #tpu.memory_space<hbm>>
        %dma_wait3A_529 = tpu.memref_squeeze %dma_wait3A_528 : memref<1x16x1024xf32, #tpu.memory_space<hbm>> -> memref<16x1024xf32, #tpu.memory_space<hbm>>
        tpu.wait_dma2 semaphore(%arg47 : memref<!tpu.dma_semaphore, #tpu.memory_space<semaphore_mem>>) src(%arg29 : memref<16x1024xf32, #tpu.memory_space<vmem>>) dst(%dma_wait3A_529 : memref<16x1024xf32, #tpu.memory_space<hbm>>)
        %add3A_530 = arith.constant 3 : i32
        %add3A_531 = arith.addi %mul3A_438, %add3A_530 : i32
        %add3A_532 = arith.constant 6 : i32
        %add3A_533 = arith.addi %add3A_531, %add3A_532 : i32
        %mul3A_534 = arith.constant 16 : i32
        %mul3A_535 = arith.muli %add3A_533, %mul3A_534 : i32
        %multiple_of3A_536 = tpu.assume_multiple %mul3A_535, 8 : i32
        %add3A_537 = arith.constant 0 : i32
        %add3A_538 = arith.addi %multiple_of3A_536, %add3A_537 : i32
        %get3A = arith.index_cast %add3A_538 : i32 to index
        %get3A_539 = tpu.vector_load %arg16[%get3A] {strides = array<i32>} : memref<688xi32, #tpu.memory_space<vmem>>, vector<16xi32>,
        %min3A_540 = arith.constant 32767 : i32
        %min3A_541 = vector.broadcast %min3A_540 : i32 to vector<16xi32>
        %min3A_542 = arith.minsi %get3A_539, %min3A_541 : vector<16xi32>
        %max3A = arith.constant 0 : i32
        %max3A_543 = vector.broadcast %max3A : i32 to vector<16xi32>
        %max3A_544 = arith.maxsi %min3A_542, %max3A_543 : vector<16xi32>
        %swap3A_545 = arith.constant 0 : index
        %swap3A_546 = tpu.vector_load %arg23[%swap3A_545] {strides = array<i32>} : memref<16xi32, #tpu.memory_space<vmem>>, vector<16xi32>,
        tpu.vector_store %arg23[%swap3A_545], %max3A_544 {strides = array<i32>} : memref<16xi32, #tpu.memory_space<vmem>>, vector<16xi32>,
        %dma_start3A_547 = arith.constant 0 : i32
        %dma_start3A_548 = arith.constant 0 : i32
        %dma_start3A_549 = tpu.memref_slice %arg2[%dma_start3A_547, %dma_start3A_548] : memref<32768x1024xf32, #tpu.memory_space<hbm>> -> memref<32768x1024xf32, #tpu.memory_space<hbm>>
        tpu.enqueue_indirect_dma source(%dma_start3A_549 : memref<32768x1024xf32, #tpu.memory_space<hbm>>) target(%arg29 : memref<16x1024xf32, #tpu.memory_space<vmem>>) offsets(%arg23 : memref<16xi32, #tpu.memory_space<vmem>>) semaphore(%arg41 : memref<!tpu.dma_semaphore, #tpu.memory_space<semaphore_mem>>)
      } else {
      }
      %add3A_506 = arith.constant 4 : i32
      %add3A_507 = arith.addi %mul3A_438, %add3A_506 : i32
      %add3A_508 = arith.constant 6 : i32
      %add3A_509 = arith.addi %add3A_507, %add3A_508 : i32
      %lt3A_510 = arith.cmpi slt, %add3A_509, %select_n3A_268 : i32
      %convert_element_type3A_511 = arith.extui %lt3A_510 : i1 to i32
      %cond3A_512 = arith.constant 0 : i32
      %cond3A_513 = arith.cmpi ne, %convert_element_type3A_511, %cond3A_512 : i32
      scf.if %cond3A_513 {
        %dma_wait3A = arith.constant 0 : i32
        %dma_wait3A_523 = arith.constant 0 : i32
        %dma_wait3A_524 = tpu.memref_slice %arg6[%add3A_229, %dma_wait3A, %dma_wait3A_523] : memref<64x640x1024xf32, #tpu.memory_space<hbm>> -> memref<1x16x1024xf32, #tpu.memory_space<hbm>>
        %dma_wait3A_525 = tpu.memref_squeeze %dma_wait3A_524 : memref<1x16x1024xf32, #tpu.memory_space<hbm>> -> memref<16x1024xf32, #tpu.memory_space<hbm>>
        %dma_wait3A_526 = arith.constant 0 : i32
        %dma_wait3A_527 = arith.constant 0 : i32
        %dma_wait3A_528 = tpu.memref_slice %arg6[%add3A_229, %dma_wait3A_526, %dma_wait3A_527] : memref<64x640x1024xf32, #tpu.memory_space<hbm>> -> memref<1x16x1024xf32, #tpu.memory_space<hbm>>
        %dma_wait3A_529 = tpu.memref_squeeze %dma_wait3A_528 : memref<1x16x1024xf32, #tpu.memory_space<hbm>> -> memref<16x1024xf32, #tpu.memory_space<hbm>>
        tpu.wait_dma2 semaphore(%arg48 : memref<!tpu.dma_semaphore, #tpu.memory_space<semaphore_mem>>) src(%arg30 : memref<16x1024xf32, #tpu.memory_space<vmem>>) dst(%dma_wait3A_529 : memref<16x1024xf32, #tpu.memory_space<hbm>>)
        %add3A_530 = arith.constant 4 : i32
        %add3A_531 = arith.addi %mul3A_438, %add3A_530 : i32
        %add3A_532 = arith.constant 6 : i32
        %add3A_533 = arith.addi %add3A_531, %add3A_532 : i32
        %mul3A_534 = arith.constant 16 : i32
        %mul3A_535 = arith.muli %add3A_533, %mul3A_534 : i32
        %multiple_of3A_536 = tpu.assume_multiple %mul3A_535, 8 : i32
        %add3A_537 = arith.constant 0 : i32
        %add3A_538 = arith.addi %multiple_of3A_536, %add3A_537 : i32
        %get3A = arith.index_cast %add3A_538 : i32 to index
        %get3A_539 = tpu.vector_load %arg16[%get3A] {strides = array<i32>} : memref<688xi32, #tpu.memory_space<vmem>>, vector<16xi32>,
        %min3A_540 = arith.constant 32767 : i32
        %min3A_541 = vector.broadcast %min3A_540 : i32 to vector<16xi32>
        %min3A_542 = arith.minsi %get3A_539, %min3A_541 : vector<16xi32>
        %max3A = arith.constant 0 : i32
        %max3A_543 = vector.broadcast %max3A : i32 to vector<16xi32>
        %max3A_544 = arith.maxsi %min3A_542, %max3A_543 : vector<16xi32>
        %swap3A_545 = arith.constant 0 : index
        %swap3A_546 = tpu.vector_load %arg24[%swap3A_545] {strides = array<i32>} : memref<16xi32, #tpu.memory_space<vmem>>, vector<16xi32>,
        tpu.vector_store %arg24[%swap3A_545], %max3A_544 {strides = array<i32>} : memref<16xi32, #tpu.memory_space<vmem>>, vector<16xi32>,
        %dma_start3A_547 = arith.constant 0 : i32
        %dma_start3A_548 = arith.constant 0 : i32
        %dma_start3A_549 = tpu.memref_slice %arg2[%dma_start3A_547, %dma_start3A_548] : memref<32768x1024xf32, #tpu.memory_space<hbm>> -> memref<32768x1024xf32, #tpu.memory_space<hbm>>
        tpu.enqueue_indirect_dma source(%dma_start3A_549 : memref<32768x1024xf32, #tpu.memory_space<hbm>>) target(%arg30 : memref<16x1024xf32, #tpu.memory_space<vmem>>) offsets(%arg24 : memref<16xi32, #tpu.memory_space<vmem>>) semaphore(%arg42 : memref<!tpu.dma_semaphore, #tpu.memory_space<semaphore_mem>>)
      } else {
      }
      %add3A_514 = arith.constant 5 : i32
      %add3A_515 = arith.addi %mul3A_438, %add3A_514 : i32
      %add3A_516 = arith.constant 6 : i32
      %add3A_517 = arith.addi %add3A_515, %add3A_516 : i32
      %lt3A_518 = arith.cmpi slt, %add3A_517, %select_n3A_268 : i32
      %convert_element_type3A_519 = arith.extui %lt3A_518 : i1 to i32
      %cond3A_520 = arith.constant 0 : i32
      %cond3A_521 = arith.cmpi ne, %convert_element_type3A_519, %cond3A_520 : i32
      scf.if %cond3A_521 {
        %dma_wait3A = arith.constant 0 : i32
        %dma_wait3A_523 = arith.constant 0 : i32
        %dma_wait3A_524 = tpu.memref_slice %arg6[%add3A_229, %dma_wait3A, %dma_wait3A_523] : memref<64x640x1024xf32, #tpu.memory_space<hbm>> -> memref<1x16x1024xf32, #tpu.memory_space<hbm>>
        %dma_wait3A_525 = tpu.memref_squeeze %dma_wait3A_524 : memref<1x16x1024xf32, #tpu.memory_space<hbm>> -> memref<16x1024xf32, #tpu.memory_space<hbm>>
        %dma_wait3A_526 = arith.constant 0 : i32
        %dma_wait3A_527 = arith.constant 0 : i32
        %dma_wait3A_528 = tpu.memref_slice %arg6[%add3A_229, %dma_wait3A_526, %dma_wait3A_527] : memref<64x640x1024xf32, #tpu.memory_space<hbm>> -> memref<1x16x1024xf32, #tpu.memory_space<hbm>>
        %dma_wait3A_529 = tpu.memref_squeeze %dma_wait3A_528 : memref<1x16x1024xf32, #tpu.memory_space<hbm>> -> memref<16x1024xf32, #tpu.memory_space<hbm>>
        tpu.wait_dma2 semaphore(%arg49 : memref<!tpu.dma_semaphore, #tpu.memory_space<semaphore_mem>>) src(%arg31 : memref<16x1024xf32, #tpu.memory_space<vmem>>) dst(%dma_wait3A_529 : memref<16x1024xf32, #tpu.memory_space<hbm>>)
        %add3A_530 = arith.constant 5 : i32
        %add3A_531 = arith.addi %mul3A_438, %add3A_530 : i32
        %add3A_532 = arith.constant 6 : i32
        %add3A_533 = arith.addi %add3A_531, %add3A_532 : i32
        %mul3A_534 = arith.constant 16 : i32
        %mul3A_535 = arith.muli %add3A_533, %mul3A_534 : i32
        %multiple_of3A_536 = tpu.assume_multiple %mul3A_535, 8 : i32
        %add3A_537 = arith.constant 0 : i32
        %add3A_538 = arith.addi %multiple_of3A_536, %add3A_537 : i32
        %get3A = arith.index_cast %add3A_538 : i32 to index
        %get3A_539 = tpu.vector_load %arg16[%get3A] {strides = array<i32>} : memref<688xi32, #tpu.memory_space<vmem>>, vector<16xi32>,
        %min3A_540 = arith.constant 32767 : i32
        %min3A_541 = vector.broadcast %min3A_540 : i32 to vector<16xi32>
        %min3A_542 = arith.minsi %get3A_539, %min3A_541 : vector<16xi32>
        %max3A = arith.constant 0 : i32
        %max3A_543 = vector.broadcast %max3A : i32 to vector<16xi32>
        %max3A_544 = arith.maxsi %min3A_542, %max3A_543 : vector<16xi32>
        %swap3A_545 = arith.constant 0 : index
        %swap3A_546 = tpu.vector_load %arg25[%swap3A_545] {strides = array<i32>} : memref<16xi32, #tpu.memory_space<vmem>>, vector<16xi32>,
        tpu.vector_store %arg25[%swap3A_545], %max3A_544 {strides = array<i32>} : memref<16xi32, #tpu.memory_space<vmem>>, vector<16xi32>,
        %dma_start3A_547 = arith.constant 0 : i32
        %dma_start3A_548 = arith.constant 0 : i32
        %dma_start3A_549 = tpu.memref_slice %arg2[%dma_start3A_547, %dma_start3A_548] : memref<32768x1024xf32, #tpu.memory_space<hbm>> -> memref<32768x1024xf32, #tpu.memory_space<hbm>>
        tpu.enqueue_indirect_dma source(%dma_start3A_549 : memref<32768x1024xf32, #tpu.memory_space<hbm>>) target(%arg31 : memref<16x1024xf32, #tpu.memory_space<vmem>>) offsets(%arg25 : memref<16xi32, #tpu.memory_space<vmem>>) semaphore(%arg43 : memref<!tpu.dma_semaphore, #tpu.memory_space<semaphore_mem>>)
      } else {
      }
      %while3A_522 = arith.constant 0 : i32
      scf.yield %while3A_522 : i32
    }
    %while3A_386 = arith.constant 1 : i32
    %while3A_387 = scf.for %while3A_435 = %while3A_383 to %while3A_379 step %while3A_386 iter_args(%while3A_436 = %while3A_385) -> (i32)  : i32 {
      %mul3A_437 = arith.constant 6 : i32
      %mul3A_438 = arith.muli %while3A_435, %mul3A_437 : i32
      %add3A_439 = arith.constant 0 : i32
      %add3A_440 = arith.addi %mul3A_438, %add3A_439 : i32
      %lt3A = arith.cmpi slt, %add3A_440, %select_n3A_268 : i32
      %convert_element_type3A_441 = arith.extui %lt3A : i1 to i32
      %cond3A_442 = arith.constant 0 : i32
      %cond3A_443 = arith.cmpi ne, %convert_element_type3A_441, %cond3A_442 : i32
      scf.if %cond3A_443 {
        %add3A_523 = arith.constant 0 : i32
        %add3A_524 = arith.addi %mul3A_438, %add3A_523 : i32
        %dma_wait3A = arith.constant 0 : i32
        %dma_wait3A_525 = arith.constant 0 : i32
        %dma_wait3A_526 = tpu.memref_slice %arg2[%dma_wait3A, %dma_wait3A_525] : memref<32768x1024xf32, #tpu.memory_space<hbm>> -> memref<32768x1024xf32, #tpu.memory_space<hbm>>
        tpu.wait_indirect_dma semaphore(%arg38 : memref<!tpu.dma_semaphore, #tpu.memory_space<semaphore_mem>>) src(%dma_wait3A_526 : memref<32768x1024xf32, #tpu.memory_space<hbm>>) dst(%arg26 : memref<16x1024xf32, #tpu.memory_space<vmem>>)
        %mul3A_527 = arith.constant 16 : i32
        %mul3A_528 = arith.muli %add3A_524, %mul3A_527 : i32
        %multiple_of3A_529 = tpu.assume_multiple %mul3A_528, 8 : i32
        %dma_start3A_530 = arith.constant 0 : i32
        %dma_start3A_531 = tpu.memref_slice %arg6[%add3A_229, %multiple_of3A_529, %dma_start3A_530] : memref<64x640x1024xf32, #tpu.memory_space<hbm>> -> memref<1x16x1024xf32, #tpu.memory_space<hbm>>
        %dma_start3A_532 = tpu.memref_squeeze %dma_start3A_531 : memref<1x16x1024xf32, #tpu.memory_space<hbm>> -> memref<16x1024xf32, #tpu.memory_space<hbm>>
        %dma_start3A_533 = arith.constant 0 : i32
        %dma_start3A_534 = tpu.memref_slice %arg6[%add3A_229, %multiple_of3A_529, %dma_start3A_533] : memref<64x640x1024xf32, #tpu.memory_space<hbm>> -> memref<1x16x1024xf32, #tpu.memory_space<hbm>>
        %dma_start3A_535 = tpu.memref_squeeze %dma_start3A_534 : memref<1x16x1024xf32, #tpu.memory_space<hbm>> -> memref<16x1024xf32, #tpu.memory_space<hbm>>
        tpu.enqueue_dma source(%arg26 : memref<16x1024xf32, #tpu.memory_space<vmem>>) target(%dma_start3A_535 : memref<16x1024xf32, #tpu.memory_space<hbm>>) target_semaphore(%arg44 : memref<!tpu.dma_semaphore, #tpu.memory_space<semaphore_mem>>)
      } else {
      }
      %add3A_444 = arith.constant 1 : i32
      %add3A_445 = arith.addi %mul3A_438, %add3A_444 : i32
      %lt3A_446 = arith.cmpi slt, %add3A_445, %select_n3A_268 : i32
      %convert_element_type3A_447 = arith.extui %lt3A_446 : i1 to i32
      %cond3A_448 = arith.constant 0 : i32
      %cond3A_449 = arith.cmpi ne, %convert_element_type3A_447, %cond3A_448 : i32
      scf.if %cond3A_449 {
        %add3A_523 = arith.constant 1 : i32
        %add3A_524 = arith.addi %mul3A_438, %add3A_523 : i32
        %dma_wait3A = arith.constant 0 : i32
        %dma_wait3A_525 = arith.constant 0 : i32
        %dma_wait3A_526 = tpu.memref_slice %arg2[%dma_wait3A, %dma_wait3A_525] : memref<32768x1024xf32, #tpu.memory_space<hbm>> -> memref<32768x1024xf32, #tpu.memory_space<hbm>>
        tpu.wait_indirect_dma semaphore(%arg39 : memref<!tpu.dma_semaphore, #tpu.memory_space<semaphore_mem>>) src(%dma_wait3A_526 : memref<32768x1024xf32, #tpu.memory_space<hbm>>) dst(%arg27 : memref<16x1024xf32, #tpu.memory_space<vmem>>)
        %mul3A_527 = arith.constant 16 : i32
        %mul3A_528 = arith.muli %add3A_524, %mul3A_527 : i32
        %multiple_of3A_529 = tpu.assume_multiple %mul3A_528, 8 : i32
        %dma_start3A_530 = arith.constant 0 : i32
        %dma_start3A_531 = tpu.memref_slice %arg6[%add3A_229, %multiple_of3A_529, %dma_start3A_530] : memref<64x640x1024xf32, #tpu.memory_space<hbm>> -> memref<1x16x1024xf32, #tpu.memory_space<hbm>>
        %dma_start3A_532 = tpu.memref_squeeze %dma_start3A_531 : memref<1x16x1024xf32, #tpu.memory_space<hbm>> -> memref<16x1024xf32, #tpu.memory_space<hbm>>
        %dma_start3A_533 = arith.constant 0 : i32
        %dma_start3A_534 = tpu.memref_slice %arg6[%add3A_229, %multiple_of3A_529, %dma_start3A_533] : memref<64x640x1024xf32, #tpu.memory_space<hbm>> -> memref<1x16x1024xf32, #tpu.memory_space<hbm>>
        %dma_start3A_535 = tpu.memref_squeeze %dma_start3A_534 : memref<1x16x1024xf32, #tpu.memory_space<hbm>> -> memref<16x1024xf32, #tpu.memory_space<hbm>>
        tpu.enqueue_dma source(%arg27 : memref<16x1024xf32, #tpu.memory_space<vmem>>) target(%dma_start3A_535 : memref<16x1024xf32, #tpu.memory_space<hbm>>) target_semaphore(%arg45 : memref<!tpu.dma_semaphore, #tpu.memory_space<semaphore_mem>>)
      } else {
      }
      %add3A_450 = arith.constant 2 : i32
      %add3A_451 = arith.addi %mul3A_438, %add3A_450 : i32
      %lt3A_452 = arith.cmpi slt, %add3A_451, %select_n3A_268 : i32
      %convert_element_type3A_453 = arith.extui %lt3A_452 : i1 to i32
      %cond3A_454 = arith.constant 0 : i32
      %cond3A_455 = arith.cmpi ne, %convert_element_type3A_453, %cond3A_454 : i32
      scf.if %cond3A_455 {
        %add3A_523 = arith.constant 2 : i32
        %add3A_524 = arith.addi %mul3A_438, %add3A_523 : i32
        %dma_wait3A = arith.constant 0 : i32
        %dma_wait3A_525 = arith.constant 0 : i32
        %dma_wait3A_526 = tpu.memref_slice %arg2[%dma_wait3A, %dma_wait3A_525] : memref<32768x1024xf32, #tpu.memory_space<hbm>> -> memref<32768x1024xf32, #tpu.memory_space<hbm>>
        tpu.wait_indirect_dma semaphore(%arg40 : memref<!tpu.dma_semaphore, #tpu.memory_space<semaphore_mem>>) src(%dma_wait3A_526 : memref<32768x1024xf32, #tpu.memory_space<hbm>>) dst(%arg28 : memref<16x1024xf32, #tpu.memory_space<vmem>>)
        %mul3A_527 = arith.constant 16 : i32
        %mul3A_528 = arith.muli %add3A_524, %mul3A_527 : i32
        %multiple_of3A_529 = tpu.assume_multiple %mul3A_528, 8 : i32
        %dma_start3A_530 = arith.constant 0 : i32
        %dma_start3A_531 = tpu.memref_slice %arg6[%add3A_229, %multiple_of3A_529, %dma_start3A_530] : memref<64x640x1024xf32, #tpu.memory_space<hbm>> -> memref<1x16x1024xf32, #tpu.memory_space<hbm>>
        %dma_start3A_532 = tpu.memref_squeeze %dma_start3A_531 : memref<1x16x1024xf32, #tpu.memory_space<hbm>> -> memref<16x1024xf32, #tpu.memory_space<hbm>>
        %dma_start3A_533 = arith.constant 0 : i32
        %dma_start3A_534 = tpu.memref_slice %arg6[%add3A_229, %multiple_of3A_529, %dma_start3A_533] : memref<64x640x1024xf32, #tpu.memory_space<hbm>> -> memref<1x16x1024xf32, #tpu.memory_space<hbm>>
        %dma_start3A_535 = tpu.memref_squeeze %dma_start3A_534 : memref<1x16x1024xf32, #tpu.memory_space<hbm>> -> memref<16x1024xf32, #tpu.memory_space<hbm>>
        tpu.enqueue_dma source(%arg28 : memref<16x1024xf32, #tpu.memory_space<vmem>>) target(%dma_start3A_535 : memref<16x1024xf32, #tpu.memory_space<hbm>>) target_semaphore(%arg46 : memref<!tpu.dma_semaphore, #tpu.memory_space<semaphore_mem>>)
      } else {
      }
      %add3A_456 = arith.constant 3 : i32
      %add3A_457 = arith.addi %mul3A_438, %add3A_456 : i32
      %lt3A_458 = arith.cmpi slt, %add3A_457, %select_n3A_268 : i32
      %convert_element_type3A_459 = arith.extui %lt3A_458 : i1 to i32
      %cond3A_460 = arith.constant 0 : i32
      %cond3A_461 = arith.cmpi ne, %convert_element_type3A_459, %cond3A_460 : i32
      scf.if %cond3A_461 {
        %add3A_523 = arith.constant 3 : i32
        %add3A_524 = arith.addi %mul3A_438, %add3A_523 : i32
        %dma_wait3A = arith.constant 0 : i32
        %dma_wait3A_525 = arith.constant 0 : i32
        %dma_wait3A_526 = tpu.memref_slice %arg2[%dma_wait3A, %dma_wait3A_525] : memref<32768x1024xf32, #tpu.memory_space<hbm>> -> memref<32768x1024xf32, #tpu.memory_space<hbm>>
        tpu.wait_indirect_dma semaphore(%arg41 : memref<!tpu.dma_semaphore, #tpu.memory_space<semaphore_mem>>) src(%dma_wait3A_526 : memref<32768x1024xf32, #tpu.memory_space<hbm>>) dst(%arg29 : memref<16x1024xf32, #tpu.memory_space<vmem>>)
        %mul3A_527 = arith.constant 16 : i32
        %mul3A_528 = arith.muli %add3A_524, %mul3A_527 : i32
        %multiple_of3A_529 = tpu.assume_multiple %mul3A_528, 8 : i32
        %dma_start3A_530 = arith.constant 0 : i32
        %dma_start3A_531 = tpu.memref_slice %arg6[%add3A_229, %multiple_of3A_529, %dma_start3A_530] : memref<64x640x1024xf32, #tpu.memory_space<hbm>> -> memref<1x16x1024xf32, #tpu.memory_space<hbm>>
        %dma_start3A_532 = tpu.memref_squeeze %dma_start3A_531 : memref<1x16x1024xf32, #tpu.memory_space<hbm>> -> memref<16x1024xf32, #tpu.memory_space<hbm>>
        %dma_start3A_533 = arith.constant 0 : i32
        %dma_start3A_534 = tpu.memref_slice %arg6[%add3A_229, %multiple_of3A_529, %dma_start3A_533] : memref<64x640x1024xf32, #tpu.memory_space<hbm>> -> memref<1x16x1024xf32, #tpu.memory_space<hbm>>
        %dma_start3A_535 = tpu.memref_squeeze %dma_start3A_534 : memref<1x16x1024xf32, #tpu.memory_space<hbm>> -> memref<16x1024xf32, #tpu.memory_space<hbm>>
        tpu.enqueue_dma source(%arg29 : memref<16x1024xf32, #tpu.memory_space<vmem>>) target(%dma_start3A_535 : memref<16x1024xf32, #tpu.memory_space<hbm>>) target_semaphore(%arg47 : memref<!tpu.dma_semaphore, #tpu.memory_space<semaphore_mem>>)
      } else {
      }
      %add3A_462 = arith.constant 4 : i32
      %add3A_463 = arith.addi %mul3A_438, %add3A_462 : i32
      %lt3A_464 = arith.cmpi slt, %add3A_463, %select_n3A_268 : i32
      %convert_element_type3A_465 = arith.extui %lt3A_464 : i1 to i32
      %cond3A_466 = arith.constant 0 : i32
      %cond3A_467 = arith.cmpi ne, %convert_element_type3A_465, %cond3A_466 : i32
      scf.if %cond3A_467 {
        %add3A_523 = arith.constant 4 : i32
        %add3A_524 = arith.addi %mul3A_438, %add3A_523 : i32
        %dma_wait3A = arith.constant 0 : i32
        %dma_wait3A_525 = arith.constant 0 : i32
        %dma_wait3A_526 = tpu.memref_slice %arg2[%dma_wait3A, %dma_wait3A_525] : memref<32768x1024xf32, #tpu.memory_space<hbm>> -> memref<32768x1024xf32, #tpu.memory_space<hbm>>
        tpu.wait_indirect_dma semaphore(%arg42 : memref<!tpu.dma_semaphore, #tpu.memory_space<semaphore_mem>>) src(%dma_wait3A_526 : memref<32768x1024xf32, #tpu.memory_space<hbm>>) dst(%arg30 : memref<16x1024xf32, #tpu.memory_space<vmem>>)
        %mul3A_527 = arith.constant 16 : i32
        %mul3A_528 = arith.muli %add3A_524, %mul3A_527 : i32
        %multiple_of3A_529 = tpu.assume_multiple %mul3A_528, 8 : i32
        %dma_start3A_530 = arith.constant 0 : i32
        %dma_start3A_531 = tpu.memref_slice %arg6[%add3A_229, %multiple_of3A_529, %dma_start3A_530] : memref<64x640x1024xf32, #tpu.memory_space<hbm>> -> memref<1x16x1024xf32, #tpu.memory_space<hbm>>
        %dma_start3A_532 = tpu.memref_squeeze %dma_start3A_531 : memref<1x16x1024xf32, #tpu.memory_space<hbm>> -> memref<16x1024xf32, #tpu.memory_space<hbm>>
        %dma_start3A_533 = arith.constant 0 : i32
        %dma_start3A_534 = tpu.memref_slice %arg6[%add3A_229, %multiple_of3A_529, %dma_start3A_533] : memref<64x640x1024xf32, #tpu.memory_space<hbm>> -> memref<1x16x1024xf32, #tpu.memory_space<hbm>>
        %dma_start3A_535 = tpu.memref_squeeze %dma_start3A_534 : memref<1x16x1024xf32, #tpu.memory_space<hbm>> -> memref<16x1024xf32, #tpu.memory_space<hbm>>
        tpu.enqueue_dma source(%arg30 : memref<16x1024xf32, #tpu.memory_space<vmem>>) target(%dma_start3A_535 : memref<16x1024xf32, #tpu.memory_space<hbm>>) target_semaphore(%arg48 : memref<!tpu.dma_semaphore, #tpu.memory_space<semaphore_mem>>)
      } else {
      }
      %add3A_468 = arith.constant 5 : i32
      %add3A_469 = arith.addi %mul3A_438, %add3A_468 : i32
      %lt3A_470 = arith.cmpi slt, %add3A_469, %select_n3A_268 : i32
      %convert_element_type3A_471 = arith.extui %lt3A_470 : i1 to i32
      %cond3A_472 = arith.constant 0 : i32
      %cond3A_473 = arith.cmpi ne, %convert_element_type3A_471, %cond3A_472 : i32
      scf.if %cond3A_473 {
        %add3A_523 = arith.constant 5 : i32
        %add3A_524 = arith.addi %mul3A_438, %add3A_523 : i32
        %dma_wait3A = arith.constant 0 : i32
        %dma_wait3A_525 = arith.constant 0 : i32
        %dma_wait3A_526 = tpu.memref_slice %arg2[%dma_wait3A, %dma_wait3A_525] : memref<32768x1024xf32, #tpu.memory_space<hbm>> -> memref<32768x1024xf32, #tpu.memory_space<hbm>>
        tpu.wait_indirect_dma semaphore(%arg43 : memref<!tpu.dma_semaphore, #tpu.memory_space<semaphore_mem>>) src(%dma_wait3A_526 : memref<32768x1024xf32, #tpu.memory_space<hbm>>) dst(%arg31 : memref<16x1024xf32, #tpu.memory_space<vmem>>)
        %mul3A_527 = arith.constant 16 : i32
        %mul3A_528 = arith.muli %add3A_524, %mul3A_527 : i32
        %multiple_of3A_529 = tpu.assume_multiple %mul3A_528, 8 : i32
        %dma_start3A_530 = arith.constant 0 : i32
        %dma_start3A_531 = tpu.memref_slice %arg6[%add3A_229, %multiple_of3A_529, %dma_start3A_530] : memref<64x640x1024xf32, #tpu.memory_space<hbm>> -> memref<1x16x1024xf32, #tpu.memory_space<hbm>>
        %dma_start3A_532 = tpu.memref_squeeze %dma_start3A_531 : memref<1x16x1024xf32, #tpu.memory_space<hbm>> -> memref<16x1024xf32, #tpu.memory_space<hbm>>
        %dma_start3A_533 = arith.constant 0 : i32
        %dma_start3A_534 = tpu.memref_slice %arg6[%add3A_229, %multiple_of3A_529, %dma_start3A_533] : memref<64x640x1024xf32, #tpu.memory_space<hbm>> -> memref<1x16x1024xf32, #tpu.memory_space<hbm>>
        %dma_start3A_535 = tpu.memref_squeeze %dma_start3A_534 : memref<1x16x1024xf32, #tpu.memory_space<hbm>> -> memref<16x1024xf32, #tpu.memory_space<hbm>>
        tpu.enqueue_dma source(%arg31 : memref<16x1024xf32, #tpu.memory_space<vmem>>) target(%dma_start3A_535 : memref<16x1024xf32, #tpu.memory_space<hbm>>) target_semaphore(%arg49 : memref<!tpu.dma_semaphore, #tpu.memory_space<semaphore_mem>>)
      } else {
      }
      %add3A_474 = arith.constant 0 : i32
      %add3A_475 = arith.addi %mul3A_438, %add3A_474 : i32
      %add3A_476 = arith.constant 6 : i32
      %add3A_477 = arith.addi %add3A_475, %add3A_476 : i32
      %lt3A_478 = arith.cmpi slt, %add3A_477, %select_n3A_268 : i32
      %convert_element_type3A_479 = arith.extui %lt3A_478 : i1 to i32
      %cond3A_480 = arith.constant 0 : i32
      %cond3A_481 = arith.cmpi ne, %convert_element_type3A_479, %cond3A_480 : i32
      scf.if %cond3A_481 {
        %dma_wait3A = arith.constant 0 : i32
        %dma_wait3A_523 = arith.constant 0 : i32
        %dma_wait3A_524 = tpu.memref_slice %arg6[%add3A_229, %dma_wait3A, %dma_wait3A_523] : memref<64x640x1024xf32, #tpu.memory_space<hbm>> -> memref<1x16x1024xf32, #tpu.memory_space<hbm>>
        %dma_wait3A_525 = tpu.memref_squeeze %dma_wait3A_524 : memref<1x16x1024xf32, #tpu.memory_space<hbm>> -> memref<16x1024xf32, #tpu.memory_space<hbm>>
        %dma_wait3A_526 = arith.constant 0 : i32
        %dma_wait3A_527 = arith.constant 0 : i32
        %dma_wait3A_528 = tpu.memref_slice %arg6[%add3A_229, %dma_wait3A_526, %dma_wait3A_527] : memref<64x640x1024xf32, #tpu.memory_space<hbm>> -> memref<1x16x1024xf32, #tpu.memory_space<hbm>>
        %dma_wait3A_529 = tpu.memref_squeeze %dma_wait3A_528 : memref<1x16x1024xf32, #tpu.memory_space<hbm>> -> memref<16x1024xf32, #tpu.memory_space<hbm>>
        tpu.wait_dma2 semaphore(%arg44 : memref<!tpu.dma_semaphore, #tpu.memory_space<semaphore_mem>>) src(%arg26 : memref<16x1024xf32, #tpu.memory_space<vmem>>) dst(%dma_wait3A_529 : memref<16x1024xf32, #tpu.memory_space<hbm>>)
        %add3A_530 = arith.constant 0 : i32
        %add3A_531 = arith.addi %mul3A_438, %add3A_530 : i32
        %add3A_532 = arith.constant 6 : i32
        %add3A_533 = arith.addi %add3A_531, %add3A_532 : i32
        %mul3A_534 = arith.constant 16 : i32
        %mul3A_535 = arith.muli %add3A_533, %mul3A_534 : i32
        %multiple_of3A_536 = tpu.assume_multiple %mul3A_535, 8 : i32
        %add3A_537 = arith.constant 0 : i32
        %add3A_538 = arith.addi %multiple_of3A_536, %add3A_537 : i32
        %get3A = arith.index_cast %add3A_538 : i32 to index
        %get3A_539 = tpu.vector_load %arg16[%get3A] {strides = array<i32>} : memref<688xi32, #tpu.memory_space<vmem>>, vector<16xi32>,
        %min3A_540 = arith.constant 32767 : i32
        %min3A_541 = vector.broadcast %min3A_540 : i32 to vector<16xi32>
        %min3A_542 = arith.minsi %get3A_539, %min3A_541 : vector<16xi32>
        %max3A = arith.constant 0 : i32
        %max3A_543 = vector.broadcast %max3A : i32 to vector<16xi32>
        %max3A_544 = arith.maxsi %min3A_542, %max3A_543 : vector<16xi32>
        %swap3A_545 = arith.constant 0 : index
        %swap3A_546 = tpu.vector_load %arg20[%swap3A_545] {strides = array<i32>} : memref<16xi32, #tpu.memory_space<vmem>>, vector<16xi32>,
        tpu.vector_store %arg20[%swap3A_545], %max3A_544 {strides = array<i32>} : memref<16xi32, #tpu.memory_space<vmem>>, vector<16xi32>,
        %dma_start3A_547 = arith.constant 0 : i32
        %dma_start3A_548 = arith.constant 0 : i32
        %dma_start3A_549 = tpu.memref_slice %arg2[%dma_start3A_547, %dma_start3A_548] : memref<32768x1024xf32, #tpu.memory_space<hbm>> -> memref<32768x1024xf32, #tpu.memory_space<hbm>>
        tpu.enqueue_indirect_dma source(%dma_start3A_549 : memref<32768x1024xf32, #tpu.memory_space<hbm>>) target(%arg26 : memref<16x1024xf32, #tpu.memory_space<vmem>>) offsets(%arg20 : memref<16xi32, #tpu.memory_space<vmem>>) semaphore(%arg38 : memref<!tpu.dma_semaphore, #tpu.memory_space<semaphore_mem>>)
      } else {
      }
      %add3A_482 = arith.constant 1 : i32
      %add3A_483 = arith.addi %mul3A_438, %add3A_482 : i32
      %add3A_484 = arith.constant 6 : i32
      %add3A_485 = arith.addi %add3A_483, %add3A_484 : i32
      %lt3A_486 = arith.cmpi slt, %add3A_485, %select_n3A_268 : i32
      %convert_element_type3A_487 = arith.extui %lt3A_486 : i1 to i32
      %cond3A_488 = arith.constant 0 : i32
      %cond3A_489 = arith.cmpi ne, %convert_element_type3A_487, %cond3A_488 : i32
      scf.if %cond3A_489 {
        %dma_wait3A = arith.constant 0 : i32
        %dma_wait3A_523 = arith.constant 0 : i32
        %dma_wait3A_524 = tpu.memref_slice %arg6[%add3A_229, %dma_wait3A, %dma_wait3A_523] : memref<64x640x1024xf32, #tpu.memory_space<hbm>> -> memref<1x16x1024xf32, #tpu.memory_space<hbm>>
        %dma_wait3A_525 = tpu.memref_squeeze %dma_wait3A_524 : memref<1x16x1024xf32, #tpu.memory_space<hbm>> -> memref<16x1024xf32, #tpu.memory_space<hbm>>
        %dma_wait3A_526 = arith.constant 0 : i32
        %dma_wait3A_527 = arith.constant 0 : i32
        %dma_wait3A_528 = tpu.memref_slice %arg6[%add3A_229, %dma_wait3A_526, %dma_wait3A_527] : memref<64x640x1024xf32, #tpu.memory_space<hbm>> -> memref<1x16x1024xf32, #tpu.memory_space<hbm>>
        %dma_wait3A_529 = tpu.memref_squeeze %dma_wait3A_528 : memref<1x16x1024xf32, #tpu.memory_space<hbm>> -> memref<16x1024xf32, #tpu.memory_space<hbm>>
        tpu.wait_dma2 semaphore(%arg45 : memref<!tpu.dma_semaphore, #tpu.memory_space<semaphore_mem>>) src(%arg27 : memref<16x1024xf32, #tpu.memory_space<vmem>>) dst(%dma_wait3A_529 : memref<16x1024xf32, #tpu.memory_space<hbm>>)
        %add3A_530 = arith.constant 1 : i32
        %add3A_531 = arith.addi %mul3A_438, %add3A_530 : i32
        %add3A_532 = arith.constant 6 : i32
        %add3A_533 = arith.addi %add3A_531, %add3A_532 : i32
        %mul3A_534 = arith.constant 16 : i32
        %mul3A_535 = arith.muli %add3A_533, %mul3A_534 : i32
        %multiple_of3A_536 = tpu.assume_multiple %mul3A_535, 8 : i32
        %add3A_537 = arith.constant 0 : i32
        %add3A_538 = arith.addi %multiple_of3A_536, %add3A_537 : i32
        %get3A = arith.index_cast %add3A_538 : i32 to index
        %get3A_539 = tpu.vector_load %arg16[%get3A] {strides = array<i32>} : memref<688xi32, #tpu.memory_space<vmem>>, vector<16xi32>,
        %min3A_540 = arith.constant 32767 : i32
        %min3A_541 = vector.broadcast %min3A_540 : i32 to vector<16xi32>
        %min3A_542 = arith.minsi %get3A_539, %min3A_541 : vector<16xi32>
        %max3A = arith.constant 0 : i32
        %max3A_543 = vector.broadcast %max3A : i32 to vector<16xi32>
        %max3A_544 = arith.maxsi %min3A_542, %max3A_543 : vector<16xi32>
        %swap3A_545 = arith.constant 0 : index
        %swap3A_546 = tpu.vector_load %arg21[%swap3A_545] {strides = array<i32>} : memref<16xi32, #tpu.memory_space<vmem>>, vector<16xi32>,
        tpu.vector_store %arg21[%swap3A_545], %max3A_544 {strides = array<i32>} : memref<16xi32, #tpu.memory_space<vmem>>, vector<16xi32>,
        %dma_start3A_547 = arith.constant 0 : i32
        %dma_start3A_548 = arith.constant 0 : i32
        %dma_start3A_549 = tpu.memref_slice %arg2[%dma_start3A_547, %dma_start3A_548] : memref<32768x1024xf32, #tpu.memory_space<hbm>> -> memref<32768x1024xf32, #tpu.memory_space<hbm>>
        tpu.enqueue_indirect_dma source(%dma_start3A_549 : memref<32768x1024xf32, #tpu.memory_space<hbm>>) target(%arg27 : memref<16x1024xf32, #tpu.memory_space<vmem>>) offsets(%arg21 : memref<16xi32, #tpu.memory_space<vmem>>) semaphore(%arg39 : memref<!tpu.dma_semaphore, #tpu.memory_space<semaphore_mem>>)
      } else {
      }
      %add3A_490 = arith.constant 2 : i32
      %add3A_491 = arith.addi %mul3A_438, %add3A_490 : i32
      %add3A_492 = arith.constant 6 : i32
      %add3A_493 = arith.addi %add3A_491, %add3A_492 : i32
      %lt3A_494 = arith.cmpi slt, %add3A_493, %select_n3A_268 : i32
      %convert_element_type3A_495 = arith.extui %lt3A_494 : i1 to i32
      %cond3A_496 = arith.constant 0 : i32
      %cond3A_497 = arith.cmpi ne, %convert_element_type3A_495, %cond3A_496 : i32
      scf.if %cond3A_497 {
        %dma_wait3A = arith.constant 0 : i32
        %dma_wait3A_523 = arith.constant 0 : i32
        %dma_wait3A_524 = tpu.memref_slice %arg6[%add3A_229, %dma_wait3A, %dma_wait3A_523] : memref<64x640x1024xf32, #tpu.memory_space<hbm>> -> memref<1x16x1024xf32, #tpu.memory_space<hbm>>
        %dma_wait3A_525 = tpu.memref_squeeze %dma_wait3A_524 : memref<1x16x1024xf32, #tpu.memory_space<hbm>> -> memref<16x1024xf32, #tpu.memory_space<hbm>>
        %dma_wait3A_526 = arith.constant 0 : i32
        %dma_wait3A_527 = arith.constant 0 : i32
        %dma_wait3A_528 = tpu.memref_slice %arg6[%add3A_229, %dma_wait3A_526, %dma_wait3A_527] : memref<64x640x1024xf32, #tpu.memory_space<hbm>> -> memref<1x16x1024xf32, #tpu.memory_space<hbm>>
        %dma_wait3A_529 = tpu.memref_squeeze %dma_wait3A_528 : memref<1x16x1024xf32, #tpu.memory_space<hbm>> -> memref<16x1024xf32, #tpu.memory_space<hbm>>
        tpu.wait_dma2 semaphore(%arg46 : memref<!tpu.dma_semaphore, #tpu.memory_space<semaphore_mem>>) src(%arg28 : memref<16x1024xf32, #tpu.memory_space<vmem>>) dst(%dma_wait3A_529 : memref<16x1024xf32, #tpu.memory_space<hbm>>)
        %add3A_530 = arith.constant 2 : i32
        %add3A_531 = arith.addi %mul3A_438, %add3A_530 : i32
        %add3A_532 = arith.constant 6 : i32
        %add3A_533 = arith.addi %add3A_531, %add3A_532 : i32
        %mul3A_534 = arith.constant 16 : i32
        %mul3A_535 = arith.muli %add3A_533, %mul3A_534 : i32
        %multiple_of3A_536 = tpu.assume_multiple %mul3A_535, 8 : i32
        %add3A_537 = arith.constant 0 : i32
        %add3A_538 = arith.addi %multiple_of3A_536, %add3A_537 : i32
        %get3A = arith.index_cast %add3A_538 : i32 to index
        %get3A_539 = tpu.vector_load %arg16[%get3A] {strides = array<i32>} : memref<688xi32, #tpu.memory_space<vmem>>, vector<16xi32>,
        %min3A_540 = arith.constant 32767 : i32
        %min3A_541 = vector.broadcast %min3A_540 : i32 to vector<16xi32>
        %min3A_542 = arith.minsi %get3A_539, %min3A_541 : vector<16xi32>
        %max3A = arith.constant 0 : i32
        %max3A_543 = vector.broadcast %max3A : i32 to vector<16xi32>
        %max3A_544 = arith.maxsi %min3A_542, %max3A_543 : vector<16xi32>
        %swap3A_545 = arith.constant 0 : index
        %swap3A_546 = tpu.vector_load %arg22[%swap3A_545] {strides = array<i32>} : memref<16xi32, #tpu.memory_space<vmem>>, vector<16xi32>,
        tpu.vector_store %arg22[%swap3A_545], %max3A_544 {strides = array<i32>} : memref<16xi32, #tpu.memory_space<vmem>>, vector<16xi32>,
        %dma_start3A_547 = arith.constant 0 : i32
        %dma_start3A_548 = arith.constant 0 : i32
        %dma_start3A_549 = tpu.memref_slice %arg2[%dma_start3A_547, %dma_start3A_548] : memref<32768x1024xf32, #tpu.memory_space<hbm>> -> memref<32768x1024xf32, #tpu.memory_space<hbm>>
        tpu.enqueue_indirect_dma source(%dma_start3A_549 : memref<32768x1024xf32, #tpu.memory_space<hbm>>) target(%arg28 : memref<16x1024xf32, #tpu.memory_space<vmem>>) offsets(%arg22 : memref<16xi32, #tpu.memory_space<vmem>>) semaphore(%arg40 : memref<!tpu.dma_semaphore, #tpu.memory_space<semaphore_mem>>)
      } else {
      }
      %add3A_498 = arith.constant 3 : i32
      %add3A_499 = arith.addi %mul3A_438, %add3A_498 : i32
      %add3A_500 = arith.constant 6 : i32
      %add3A_501 = arith.addi %add3A_499, %add3A_500 : i32
      %lt3A_502 = arith.cmpi slt, %add3A_501, %select_n3A_268 : i32
      %convert_element_type3A_503 = arith.extui %lt3A_502 : i1 to i32
      %cond3A_504 = arith.constant 0 : i32
      %cond3A_505 = arith.cmpi ne, %convert_element_type3A_503, %cond3A_504 : i32
      scf.if %cond3A_505 {
        %dma_wait3A = arith.constant 0 : i32
        %dma_wait3A_523 = arith.constant 0 : i32
        %dma_wait3A_524 = tpu.memref_slice %arg6[%add3A_229, %dma_wait3A, %dma_wait3A_523] : memref<64x640x1024xf32, #tpu.memory_space<hbm>> -> memref<1x16x1024xf32, #tpu.memory_space<hbm>>
        %dma_wait3A_525 = tpu.memref_squeeze %dma_wait3A_524 : memref<1x16x1024xf32, #tpu.memory_space<hbm>> -> memref<16x1024xf32, #tpu.memory_space<hbm>>
        %dma_wait3A_526 = arith.constant 0 : i32
        %dma_wait3A_527 = arith.constant 0 : i32
        %dma_wait3A_528 = tpu.memref_slice %arg6[%add3A_229, %dma_wait3A_526, %dma_wait3A_527] : memref<64x640x1024xf32, #tpu.memory_space<hbm>> -> memref<1x16x1024xf32, #tpu.memory_space<hbm>>
        %dma_wait3A_529 = tpu.memref_squeeze %dma_wait3A_528 : memref<1x16x1024xf32, #tpu.memory_space<hbm>> -> memref<16x1024xf32, #tpu.memory_space<hbm>>
        tpu.wait_dma2 semaphore(%arg47 : memref<!tpu.dma_semaphore, #tpu.memory_space<semaphore_mem>>) src(%arg29 : memref<16x1024xf32, #tpu.memory_space<vmem>>) dst(%dma_wait3A_529 : memref<16x1024xf32, #tpu.memory_space<hbm>>)
        %add3A_530 = arith.constant 3 : i32
        %add3A_531 = arith.addi %mul3A_438, %add3A_530 : i32
        %add3A_532 = arith.constant 6 : i32
        %add3A_533 = arith.addi %add3A_531, %add3A_532 : i32
        %mul3A_534 = arith.constant 16 : i32
        %mul3A_535 = arith.muli %add3A_533, %mul3A_534 : i32
        %multiple_of3A_536 = tpu.assume_multiple %mul3A_535, 8 : i32
        %add3A_537 = arith.constant 0 : i32
        %add3A_538 = arith.addi %multiple_of3A_536, %add3A_537 : i32
        %get3A = arith.index_cast %add3A_538 : i32 to index
        %get3A_539 = tpu.vector_load %arg16[%get3A] {strides = array<i32>} : memref<688xi32, #tpu.memory_space<vmem>>, vector<16xi32>,
        %min3A_540 = arith.constant 32767 : i32
        %min3A_541 = vector.broadcast %min3A_540 : i32 to vector<16xi32>
        %min3A_542 = arith.minsi %get3A_539, %min3A_541 : vector<16xi32>
        %max3A = arith.constant 0 : i32
        %max3A_543 = vector.broadcast %max3A : i32 to vector<16xi32>
        %max3A_544 = arith.maxsi %min3A_542, %max3A_543 : vector<16xi32>
        %swap3A_545 = arith.constant 0 : index
        %swap3A_546 = tpu.vector_load %arg23[%swap3A_545] {strides = array<i32>} : memref<16xi32, #tpu.memory_space<vmem>>, vector<16xi32>,
        tpu.vector_store %arg23[%swap3A_545], %max3A_544 {strides = array<i32>} : memref<16xi32, #tpu.memory_space<vmem>>, vector<16xi32>,
        %dma_start3A_547 = arith.constant 0 : i32
        %dma_start3A_548 = arith.constant 0 : i32
        %dma_start3A_549 = tpu.memref_slice %arg2[%dma_start3A_547, %dma_start3A_548] : memref<32768x1024xf32, #tpu.memory_space<hbm>> -> memref<32768x1024xf32, #tpu.memory_space<hbm>>
        tpu.enqueue_indirect_dma source(%dma_start3A_549 : memref<32768x1024xf32, #tpu.memory_space<hbm>>) target(%arg29 : memref<16x1024xf32, #tpu.memory_space<vmem>>) offsets(%arg23 : memref<16xi32, #tpu.memory_space<vmem>>) semaphore(%arg41 : memref<!tpu.dma_semaphore, #tpu.memory_space<semaphore_mem>>)
      } else {
      }
      %add3A_506 = arith.constant 4 : i32
      %add3A_507 = arith.addi %mul3A_438, %add3A_506 : i32
      %add3A_508 = arith.constant 6 : i32
      %add3A_509 = arith.addi %add3A_507, %add3A_508 : i32
      %lt3A_510 = arith.cmpi slt, %add3A_509, %select_n3A_268 : i32
      %convert_element_type3A_511 = arith.extui %lt3A_510 : i1 to i32
      %cond3A_512 = arith.constant 0 : i32
      %cond3A_513 = arith.cmpi ne, %convert_element_type3A_511, %cond3A_512 : i32
      scf.if %cond3A_513 {
        %dma_wait3A = arith.constant 0 : i32
        %dma_wait3A_523 = arith.constant 0 : i32
        %dma_wait3A_524 = tpu.memref_slice %arg6[%add3A_229, %dma_wait3A, %dma_wait3A_523] : memref<64x640x1024xf32, #tpu.memory_space<hbm>> -> memref<1x16x1024xf32, #tpu.memory_space<hbm>>
        %dma_wait3A_525 = tpu.memref_squeeze %dma_wait3A_524 : memref<1x16x1024xf32, #tpu.memory_space<hbm>> -> memref<16x1024xf32, #tpu.memory_space<hbm>>
        %dma_wait3A_526 = arith.constant 0 : i32
        %dma_wait3A_527 = arith.constant 0 : i32
        %dma_wait3A_528 = tpu.memref_slice %arg6[%add3A_229, %dma_wait3A_526, %dma_wait3A_527] : memref<64x640x1024xf32, #tpu.memory_space<hbm>> -> memref<1x16x1024xf32, #tpu.memory_space<hbm>>
        %dma_wait3A_529 = tpu.memref_squeeze %dma_wait3A_528 : memref<1x16x1024xf32, #tpu.memory_space<hbm>> -> memref<16x1024xf32, #tpu.memory_space<hbm>>
        tpu.wait_dma2 semaphore(%arg48 : memref<!tpu.dma_semaphore, #tpu.memory_space<semaphore_mem>>) src(%arg30 : memref<16x1024xf32, #tpu.memory_space<vmem>>) dst(%dma_wait3A_529 : memref<16x1024xf32, #tpu.memory_space<hbm>>)
        %add3A_530 = arith.constant 4 : i32
        %add3A_531 = arith.addi %mul3A_438, %add3A_530 : i32
        %add3A_532 = arith.constant 6 : i32
        %add3A_533 = arith.addi %add3A_531, %add3A_532 : i32
        %mul3A_534 = arith.constant 16 : i32
        %mul3A_535 = arith.muli %add3A_533, %mul3A_534 : i32
        %multiple_of3A_536 = tpu.assume_multiple %mul3A_535, 8 : i32
        %add3A_537 = arith.constant 0 : i32
        %add3A_538 = arith.addi %multiple_of3A_536, %add3A_537 : i32
        %get3A = arith.index_cast %add3A_538 : i32 to index
        %get3A_539 = tpu.vector_load %arg16[%get3A] {strides = array<i32>} : memref<688xi32, #tpu.memory_space<vmem>>, vector<16xi32>,
        %min3A_540 = arith.constant 32767 : i32
        %min3A_541 = vector.broadcast %min3A_540 : i32 to vector<16xi32>
        %min3A_542 = arith.minsi %get3A_539, %min3A_541 : vector<16xi32>
        %max3A = arith.constant 0 : i32
        %max3A_543 = vector.broadcast %max3A : i32 to vector<16xi32>
        %max3A_544 = arith.maxsi %min3A_542, %max3A_543 : vector<16xi32>
        %swap3A_545 = arith.constant 0 : index
        %swap3A_546 = tpu.vector_load %arg24[%swap3A_545] {strides = array<i32>} : memref<16xi32, #tpu.memory_space<vmem>>, vector<16xi32>,
        tpu.vector_store %arg24[%swap3A_545], %max3A_544 {strides = array<i32>} : memref<16xi32, #tpu.memory_space<vmem>>, vector<16xi32>,
        %dma_start3A_547 = arith.constant 0 : i32
        %dma_start3A_548 = arith.constant 0 : i32
        %dma_start3A_549 = tpu.memref_slice %arg2[%dma_start3A_547, %dma_start3A_548] : memref<32768x1024xf32, #tpu.memory_space<hbm>> -> memref<32768x1024xf32, #tpu.memory_space<hbm>>
        tpu.enqueue_indirect_dma source(%dma_start3A_549 : memref<32768x1024xf32, #tpu.memory_space<hbm>>) target(%arg30 : memref<16x1024xf32, #tpu.memory_space<vmem>>) offsets(%arg24 : memref<16xi32, #tpu.memory_space<vmem>>) semaphore(%arg42 : memref<!tpu.dma_semaphore, #tpu.memory_space<semaphore_mem>>)
      } else {
      }
      %add3A_514 = arith.constant 5 : i32
      %add3A_515 = arith.addi %mul3A_438, %add3A_514 : i32
      %add3A_516 = arith.constant 6 : i32
      %add3A_517 = arith.addi %add3A_515, %add3A_516 : i32
      %lt3A_518 = arith.cmpi slt, %add3A_517, %select_n3A_268 : i32
      %convert_element_type3A_519 = arith.extui %lt3A_518 : i1 to i32
      %cond3A_520 = arith.constant 0 : i32
      %cond3A_521 = arith.cmpi ne, %convert_element_type3A_519, %cond3A_520 : i32
      scf.if %cond3A_521 {
        %dma_wait3A = arith.constant 0 : i32
        %dma_wait3A_523 = arith.constant 0 : i32
        %dma_wait3A_524 = tpu.memref_slice %arg6[%add3A_229, %dma_wait3A, %dma_wait3A_523] : memref<64x640x1024xf32, #tpu.memory_space<hbm>> -> memref<1x16x1024xf32, #tpu.memory_space<hbm>>
        %dma_wait3A_525 = tpu.memref_squeeze %dma_wait3A_524 : memref<1x16x1024xf32, #tpu.memory_space<hbm>> -> memref<16x1024xf32, #tpu.memory_space<hbm>>
        %dma_wait3A_526 = arith.constant 0 : i32
        %dma_wait3A_527 = arith.constant 0 : i32
        %dma_wait3A_528 = tpu.memref_slice %arg6[%add3A_229, %dma_wait3A_526, %dma_wait3A_527] : memref<64x640x1024xf32, #tpu.memory_space<hbm>> -> memref<1x16x1024xf32, #tpu.memory_space<hbm>>
        %dma_wait3A_529 = tpu.memref_squeeze %dma_wait3A_528 : memref<1x16x1024xf32, #tpu.memory_space<hbm>> -> memref<16x1024xf32, #tpu.memory_space<hbm>>
        tpu.wait_dma2 semaphore(%arg49 : memref<!tpu.dma_semaphore, #tpu.memory_space<semaphore_mem>>) src(%arg31 : memref<16x1024xf32, #tpu.memory_space<vmem>>) dst(%dma_wait3A_529 : memref<16x1024xf32, #tpu.memory_space<hbm>>)
        %add3A_530 = arith.constant 5 : i32
        %add3A_531 = arith.addi %mul3A_438, %add3A_530 : i32
        %add3A_532 = arith.constant 6 : i32
        %add3A_533 = arith.addi %add3A_531, %add3A_532 : i32
        %mul3A_534 = arith.constant 16 : i32
        %mul3A_535 = arith.muli %add3A_533, %mul3A_534 : i32
        %multiple_of3A_536 = tpu.assume_multiple %mul3A_535, 8 : i32
        %add3A_537 = arith.constant 0 : i32
        %add3A_538 = arith.addi %multiple_of3A_536, %add3A_537 : i32
        %get3A = arith.index_cast %add3A_538 : i32 to index
        %get3A_539 = tpu.vector_load %arg16[%get3A] {strides = array<i32>} : memref<688xi32, #tpu.memory_space<vmem>>, vector<16xi32>,
        %min3A_540 = arith.constant 32767 : i32
        %min3A_541 = vector.broadcast %min3A_540 : i32 to vector<16xi32>
        %min3A_542 = arith.minsi %get3A_539, %min3A_541 : vector<16xi32>
        %max3A = arith.constant 0 : i32
        %max3A_543 = vector.broadcast %max3A : i32 to vector<16xi32>
        %max3A_544 = arith.maxsi %min3A_542, %max3A_543 : vector<16xi32>
        %swap3A_545 = arith.constant 0 : index
        %swap3A_546 = tpu.vector_load %arg25[%swap3A_545] {strides = array<i32>} : memref<16xi32, #tpu.memory_space<vmem>>, vector<16xi32>,
        tpu.vector_store %arg25[%swap3A_545], %max3A_544 {strides = array<i32>} : memref<16xi32, #tpu.memory_space<vmem>>, vector<16xi32>,
        %dma_start3A_547 = arith.constant 0 : i32
        %dma_start3A_548 = arith.constant 0 : i32
        %dma_start3A_549 = tpu.memref_slice %arg2[%dma_start3A_547, %dma_start3A_548] : memref<32768x1024xf32, #tpu.memory_space<hbm>> -> memref<32768x1024xf32, #tpu.memory_space<hbm>>
        tpu.enqueue_indirect_dma source(%dma_start3A_549 : memref<32768x1024xf32, #tpu.memory_space<hbm>>) target(%arg31 : memref<16x1024xf32, #tpu.memory_space<vmem>>) offsets(%arg25 : memref<16xi32, #tpu.memory_space<vmem>>) semaphore(%arg43 : memref<!tpu.dma_semaphore, #tpu.memory_space<semaphore_mem>>)
      } else {
      }
      %while3A_522 = arith.constant 0 : i32
      scf.yield %while3A_522 : i32
    }
    %gt3A_388 = arith.constant 0 : i32
    %gt3A_389 = arith.cmpi sgt, %select_n3A_268, %gt3A_388 : i32
    %convert_element_type3A_390 = arith.extui %gt3A_389 : i1 to i32
    %cond3A_391 = arith.constant 0 : i32
    %cond3A_392 = arith.cmpi ne, %convert_element_type3A_390, %cond3A_391 : i32
    scf.if %cond3A_392 {
      %dma_wait3A = arith.constant 0 : i32
      %dma_wait3A_435 = arith.constant 0 : i32
      %dma_wait3A_436 = tpu.memref_slice %arg6[%add3A_229, %dma_wait3A, %dma_wait3A_435] : memref<64x640x1024xf32, #tpu.memory_space<hbm>> -> memref<1x16x1024xf32, #tpu.memory_space<hbm>>
      %dma_wait3A_437 = tpu.memref_squeeze %dma_wait3A_436 : memref<1x16x1024xf32, #tpu.memory_space<hbm>> -> memref<16x1024xf32, #tpu.memory_space<hbm>>
      %dma_wait3A_438 = arith.constant 0 : i32
      %dma_wait3A_439 = arith.constant 0 : i32
      %dma_wait3A_440 = tpu.memref_slice %arg6[%add3A_229, %dma_wait3A_438, %dma_wait3A_439] : memref<64x640x1024xf32, #tpu.memory_space<hbm>> -> memref<1x16x1024xf32, #tpu.memory_space<hbm>>
      %dma_wait3A_441 = tpu.memref_squeeze %dma_wait3A_440 : memref<1x16x1024xf32, #tpu.memory_space<hbm>> -> memref<16x1024xf32, #tpu.memory_space<hbm>>
      tpu.wait_dma2 semaphore(%arg44 : memref<!tpu.dma_semaphore, #tpu.memory_space<semaphore_mem>>) src(%arg26 : memref<16x1024xf32, #tpu.memory_space<vmem>>) dst(%dma_wait3A_441 : memref<16x1024xf32, #tpu.memory_space<hbm>>)
    } else {
    }
    %gt3A_393 = arith.constant 1 : i32
    %gt3A_394 = arith.cmpi sgt, %select_n3A_268, %gt3A_393 : i32
    %convert_element_type3A_395 = arith.extui %gt3A_394 : i1 to i32
    %cond3A_396 = arith.constant 0 : i32
    %cond3A_397 = arith.cmpi ne, %convert_element_type3A_395, %cond3A_396 : i32
    scf.if %cond3A_397 {
      %dma_wait3A = arith.constant 0 : i32
      %dma_wait3A_435 = arith.constant 0 : i32
      %dma_wait3A_436 = tpu.memref_slice %arg6[%add3A_229, %dma_wait3A, %dma_wait3A_435] : memref<64x640x1024xf32, #tpu.memory_space<hbm>> -> memref<1x16x1024xf32, #tpu.memory_space<hbm>>
      %dma_wait3A_437 = tpu.memref_squeeze %dma_wait3A_436 : memref<1x16x1024xf32, #tpu.memory_space<hbm>> -> memref<16x1024xf32, #tpu.memory_space<hbm>>
      %dma_wait3A_438 = arith.constant 0 : i32
      %dma_wait3A_439 = arith.constant 0 : i32
      %dma_wait3A_440 = tpu.memref_slice %arg6[%add3A_229, %dma_wait3A_438, %dma_wait3A_439] : memref<64x640x1024xf32, #tpu.memory_space<hbm>> -> memref<1x16x1024xf32, #tpu.memory_space<hbm>>
      %dma_wait3A_441 = tpu.memref_squeeze %dma_wait3A_440 : memref<1x16x1024xf32, #tpu.memory_space<hbm>> -> memref<16x1024xf32, #tpu.memory_space<hbm>>
      tpu.wait_dma2 semaphore(%arg45 : memref<!tpu.dma_semaphore, #tpu.memory_space<semaphore_mem>>) src(%arg27 : memref<16x1024xf32, #tpu.memory_space<vmem>>) dst(%dma_wait3A_441 : memref<16x1024xf32, #tpu.memory_space<hbm>>)
    } else {
    }
    %gt3A_398 = arith.constant 2 : i32
    %gt3A_399 = arith.cmpi sgt, %select_n3A_268, %gt3A_398 : i32
    %convert_element_type3A_400 = arith.extui %gt3A_399 : i1 to i32
    %cond3A_401 = arith.constant 0 : i32
    %cond3A_402 = arith.cmpi ne, %convert_element_type3A_400, %cond3A_401 : i32
    scf.if %cond3A_402 {
      %dma_wait3A = arith.constant 0 : i32
      %dma_wait3A_435 = arith.constant 0 : i32
      %dma_wait3A_436 = tpu.memref_slice %arg6[%add3A_229, %dma_wait3A, %dma_wait3A_435] : memref<64x640x1024xf32, #tpu.memory_space<hbm>> -> memref<1x16x1024xf32, #tpu.memory_space<hbm>>
      %dma_wait3A_437 = tpu.memref_squeeze %dma_wait3A_436 : memref<1x16x1024xf32, #tpu.memory_space<hbm>> -> memref<16x1024xf32, #tpu.memory_space<hbm>>
      %dma_wait3A_438 = arith.constant 0 : i32
      %dma_wait3A_439 = arith.constant 0 : i32
      %dma_wait3A_440 = tpu.memref_slice %arg6[%add3A_229, %dma_wait3A_438, %dma_wait3A_439] : memref<64x640x1024xf32, #tpu.memory_space<hbm>> -> memref<1x16x1024xf32, #tpu.memory_space<hbm>>
      %dma_wait3A_441 = tpu.memref_squeeze %dma_wait3A_440 : memref<1x16x1024xf32, #tpu.memory_space<hbm>> -> memref<16x1024xf32, #tpu.memory_space<hbm>>
      tpu.wait_dma2 semaphore(%arg46 : memref<!tpu.dma_semaphore, #tpu.memory_space<semaphore_mem>>) src(%arg28 : memref<16x1024xf32, #tpu.memory_space<vmem>>) dst(%dma_wait3A_441 : memref<16x1024xf32, #tpu.memory_space<hbm>>)
    } else {
    }
    %gt3A_403 = arith.constant 3 : i32
    %gt3A_404 = arith.cmpi sgt, %select_n3A_268, %gt3A_403 : i32
    %convert_element_type3A_405 = arith.extui %gt3A_404 : i1 to i32
    %cond3A_406 = arith.constant 0 : i32
    %cond3A_407 = arith.cmpi ne, %convert_element_type3A_405, %cond3A_406 : i32
    scf.if %cond3A_407 {
      %dma_wait3A = arith.constant 0 : i32
      %dma_wait3A_435 = arith.constant 0 : i32
      %dma_wait3A_436 = tpu.memref_slice %arg6[%add3A_229, %dma_wait3A, %dma_wait3A_435] : memref<64x640x1024xf32, #tpu.memory_space<hbm>> -> memref<1x16x1024xf32, #tpu.memory_space<hbm>>
      %dma_wait3A_437 = tpu.memref_squeeze %dma_wait3A_436 : memref<1x16x1024xf32, #tpu.memory_space<hbm>> -> memref<16x1024xf32, #tpu.memory_space<hbm>>
      %dma_wait3A_438 = arith.constant 0 : i32
      %dma_wait3A_439 = arith.constant 0 : i32
      %dma_wait3A_440 = tpu.memref_slice %arg6[%add3A_229, %dma_wait3A_438, %dma_wait3A_439] : memref<64x640x1024xf32, #tpu.memory_space<hbm>> -> memref<1x16x1024xf32, #tpu.memory_space<hbm>>
      %dma_wait3A_441 = tpu.memref_squeeze %dma_wait3A_440 : memref<1x16x1024xf32, #tpu.memory_space<hbm>> -> memref<16x1024xf32, #tpu.memory_space<hbm>>
      tpu.wait_dma2 semaphore(%arg47 : memref<!tpu.dma_semaphore, #tpu.memory_space<semaphore_mem>>) src(%arg29 : memref<16x1024xf32, #tpu.memory_space<vmem>>) dst(%dma_wait3A_441 : memref<16x1024xf32, #tpu.memory_space<hbm>>)
    } else {
    }
    %gt3A_408 = arith.constant 4 : i32
    %gt3A_409 = arith.cmpi sgt, %select_n3A_268, %gt3A_408 : i32
    %convert_element_type3A_410 = arith.extui %gt3A_409 : i1 to i32
    %cond3A_411 = arith.constant 0 : i32
    %cond3A_412 = arith.cmpi ne, %convert_element_type3A_410, %cond3A_411 : i32
    scf.if %cond3A_412 {
      %dma_wait3A = arith.constant 0 : i32
      %dma_wait3A_435 = arith.constant 0 : i32
      %dma_wait3A_436 = tpu.memref_slice %arg6[%add3A_229, %dma_wait3A, %dma_wait3A_435] : memref<64x640x1024xf32, #tpu.memory_space<hbm>> -> memref<1x16x1024xf32, #tpu.memory_space<hbm>>
      %dma_wait3A_437 = tpu.memref_squeeze %dma_wait3A_436 : memref<1x16x1024xf32, #tpu.memory_space<hbm>> -> memref<16x1024xf32, #tpu.memory_space<hbm>>
      %dma_wait3A_438 = arith.constant 0 : i32
      %dma_wait3A_439 = arith.constant 0 : i32
      %dma_wait3A_440 = tpu.memref_slice %arg6[%add3A_229, %dma_wait3A_438, %dma_wait3A_439] : memref<64x640x1024xf32, #tpu.memory_space<hbm>> -> memref<1x16x1024xf32, #tpu.memory_space<hbm>>
      %dma_wait3A_441 = tpu.memref_squeeze %dma_wait3A_440 : memref<1x16x1024xf32, #tpu.memory_space<hbm>> -> memref<16x1024xf32, #tpu.memory_space<hbm>>
      tpu.wait_dma2 semaphore(%arg48 : memref<!tpu.dma_semaphore, #tpu.memory_space<semaphore_mem>>) src(%arg30 : memref<16x1024xf32, #tpu.memory_space<vmem>>) dst(%dma_wait3A_441 : memref<16x1024xf32, #tpu.memory_space<hbm>>)
    } else {
    }
    %gt3A_413 = arith.constant 5 : i32
    %gt3A_414 = arith.cmpi sgt, %select_n3A_268, %gt3A_413 : i32
    %convert_element_type3A_415 = arith.extui %gt3A_414 : i1 to i32
    %cond3A_416 = arith.constant 0 : i32
    %cond3A_417 = arith.cmpi ne, %convert_element_type3A_415, %cond3A_416 : i32
    scf.if %cond3A_417 {
      %dma_wait3A = arith.constant 0 : i32
      %dma_wait3A_435 = arith.constant 0 : i32
      %dma_wait3A_436 = tpu.memref_slice %arg6[%add3A_229, %dma_wait3A, %dma_wait3A_435] : memref<64x640x1024xf32, #tpu.memory_space<hbm>> -> memref<1x16x1024xf32, #tpu.memory_space<hbm>>
      %dma_wait3A_437 = tpu.memref_squeeze %dma_wait3A_436 : memref<1x16x1024xf32, #tpu.memory_space<hbm>> -> memref<16x1024xf32, #tpu.memory_space<hbm>>
      %dma_wait3A_438 = arith.constant 0 : i32
      %dma_wait3A_439 = arith.constant 0 : i32
      %dma_wait3A_440 = tpu.memref_slice %arg6[%add3A_229, %dma_wait3A_438, %dma_wait3A_439] : memref<64x640x1024xf32, #tpu.memory_space<hbm>> -> memref<1x16x1024xf32, #tpu.memory_space<hbm>>
      %dma_wait3A_441 = tpu.memref_squeeze %dma_wait3A_440 : memref<1x16x1024xf32, #tpu.memory_space<hbm>> -> memref<16x1024xf32, #tpu.memory_space<hbm>>
      tpu.wait_dma2 semaphore(%arg49 : memref<!tpu.dma_semaphore, #tpu.memory_space<semaphore_mem>>) src(%arg31 : memref<16x1024xf32, #tpu.memory_space<vmem>>) dst(%dma_wait3A_441 : memref<16x1024xf32, #tpu.memory_space<hbm>>)
    } else {
    }
    %gt3A_418 = arith.constant 0 : i32
    %gt3A_419 = arith.cmpi sgt, %sub3A_271, %gt3A_418 : i32
    %convert_element_type3A_420 = arith.extui %gt3A_419 : i1 to i32
    %cond3A_421 = arith.constant 0 : i32
    %cond3A_422 = arith.cmpi ne, %convert_element_type3A_420, %cond3A_421 : i32
    scf.if %cond3A_422 {
      %add3A_435 = arith.constant 0 : i32
      %add3A_436 = arith.addi %multiple_of3A_274, %add3A_435 : i32
      %add3A_437 = vector.broadcast %add3A_436 : i32 to vector<16xi32>
      %add3A_438 = arith.addi %add3A_437, %iota3A : vector<16xi32>
      %add3A_439 = arith.constant 0 : i32
      %add3A_440 = arith.addi %multiple_of3A_274, %add3A_439 : i32
      %get3A = arith.index_cast %add3A_440 : i32 to index
      %get3A_441 = tpu.vector_load %arg16[%get3A] {strides = array<i32>} : memref<688xi32, #tpu.memory_space<vmem>>, vector<16xi32>,
      %lt3A = vector.broadcast %min3A_231 : i32 to vector<16xi32>
      %lt3A_442 = arith.cmpi slt, %add3A_438, %lt3A : vector<16xi32>
      %jit3A_443 = arith.constant 0 : i32
      %broadcast_in_dim3A_444 = vector.broadcast %jit3A_443 : i32 to vector<16xi32>
      %select_n3A_445 = arith.select %lt3A_442, %get3A_441, %broadcast_in_dim3A_444 : vector<16xi1>, vector<16xi32>
      %min3A_446 = arith.constant 32767 : i32
      %min3A_447 = vector.broadcast %min3A_446 : i32 to vector<16xi32>
      %min3A_448 = arith.minsi %select_n3A_445, %min3A_447 : vector<16xi32>
      %max3A = arith.constant 0 : i32
      %max3A_449 = vector.broadcast %max3A : i32 to vector<16xi32>
      %max3A_450 = arith.maxsi %min3A_448, %max3A_449 : vector<16xi32>
      %swap3A_451 = arith.constant 0 : index
      %swap3A_452 = tpu.vector_load %arg20[%swap3A_451] {strides = array<i32>} : memref<16xi32, #tpu.memory_space<vmem>>, vector<16xi32>,
      tpu.vector_store %arg20[%swap3A_451], %max3A_450 {strides = array<i32>} : memref<16xi32, #tpu.memory_space<vmem>>, vector<16xi32>,
      "tpu.region"() ({
        %run_scoped3A = tpu.sem_alloc : memref<!tpu.dma_semaphore, #tpu.memory_space<semaphore_mem>>
        %dma_start3A_465 = arith.constant 0 : i32
        %dma_start3A_466 = arith.constant 0 : i32
        %dma_start3A_467 = tpu.memref_slice %arg2[%dma_start3A_465, %dma_start3A_466] : memref<32768x1024xf32, #tpu.memory_space<hbm>> -> memref<32768x1024xf32, #tpu.memory_space<hbm>>
        tpu.enqueue_indirect_dma source(%dma_start3A_467 : memref<32768x1024xf32, #tpu.memory_space<hbm>>) target(%arg26 : memref<16x1024xf32, #tpu.memory_space<vmem>>) offsets(%arg20 : memref<16xi32, #tpu.memory_space<vmem>>) semaphore(%run_scoped3A : memref<!tpu.dma_semaphore, #tpu.memory_space<semaphore_mem>>)
        %dma_wait3A = arith.constant 0 : i32
        %dma_wait3A_468 = arith.constant 0 : i32
        %dma_wait3A_469 = tpu.memref_slice %arg2[%dma_wait3A, %dma_wait3A_468] : memref<32768x1024xf32, #tpu.memory_space<hbm>> -> memref<32768x1024xf32, #tpu.memory_space<hbm>>
        tpu.wait_indirect_dma semaphore(%run_scoped3A : memref<!tpu.dma_semaphore, #tpu.memory_space<semaphore_mem>>) src(%dma_wait3A_469 : memref<32768x1024xf32, #tpu.memory_space<hbm>>) dst(%arg26 : memref<16x1024xf32, #tpu.memory_space<vmem>>)
        tpu.yield
      }) : () -> ()
      %while3A_453 = arith.constant 16 : i32
      %while3A_454 = arith.constant 0 : i32
      %while3A_455 = arith.subi %while3A_453, %sub3A_271 : i32
      %while3A_456 = arith.addi %sub3A_271, %while3A_455 : i32
      %while3A_457 = arith.constant 1 : i32
      %while3A_458 = arith.divsi %while3A_455, %while3A_457 : i32
      %while3A_459 = arith.muli %while3A_458, %while3A_457 : i32
      %while3A_460 = arith.addi %sub3A_271, %while3A_459 : i32
      %while3A_461 = arith.constant 1 : i32
      %while3A_462 = scf.for %while3A_465 = %sub3A_271 to %while3A_460 step %while3A_461 iter_args(%while3A_466 = %while3A_454) -> (i32)  : i32 {
        %scan3A_467 = arith.constant 0 : i32
        %scan3A_468 = arith.constant 0 : i32
        %scan3A_469 = arith.constant 64 : i32
        %scan3A_470 = arith.addi %scan3A_468, %scan3A_469 : i32
        %scan3A_471 = arith.constant 1 : i32
        %scan3A_472 = scf.for %scan3A_475 = %scan3A_468 to %scan3A_470 step %scan3A_471 iter_args(%scan3A_476 = %scan3A_467) -> (i32)  : i32 {
          %broadcast_in_dim3A_477 = arith.constant 0.000000e+00 : f32
          %broadcast_in_dim3A_478 = vector.broadcast %broadcast_in_dim3A_477 : f32 to vector<16xf32>
          %mul3A_479 = arith.constant 16 : i32
          %mul3A_480 = arith.muli %scan3A_475, %mul3A_479 : i32
          %swap3A_481 = arith.index_cast %while3A_465 : i32 to index
          %swap3A_482 = arith.index_cast %mul3A_480 : i32 to index
          %swap3A_483 = tpu.vector_load %arg26[%swap3A_481, %swap3A_482] {strides = array<i32>} : memref<16x1024xf32, #tpu.memory_space<vmem>>, vector<16xf32>,
          tpu.vector_store %arg26[%swap3A_481, %swap3A_482], %broadcast_in_dim3A_478 {strides = array<i32>} : memref<16x1024xf32, #tpu.memory_space<vmem>>, vector<16xf32>,
          %scan3A_484 = arith.constant 0 : i32
          scf.yield %scan3A_484 : i32
        }
        %scan3A_473 = arith.constant 64 : i32
        %while3A_474 = arith.constant 0 : i32
        scf.yield %while3A_474 : i32
      }
      %while3A_463 = arith.constant 1 : i32
      %while3A_464 = scf.for %while3A_465 = %while3A_460 to %while3A_456 step %while3A_463 iter_args(%while3A_466 = %while3A_462) -> (i32)  : i32 {
        %scan3A_467 = arith.constant 0 : i32
        %scan3A_468 = arith.constant 0 : i32
        %scan3A_469 = arith.constant 64 : i32
        %scan3A_470 = arith.addi %scan3A_468, %scan3A_469 : i32
        %scan3A_471 = arith.constant 1 : i32
        %scan3A_472 = scf.for %scan3A_475 = %scan3A_468 to %scan3A_470 step %scan3A_471 iter_args(%scan3A_476 = %scan3A_467) -> (i32)  : i32 {
          %broadcast_in_dim3A_477 = arith.constant 0.000000e+00 : f32
          %broadcast_in_dim3A_478 = vector.broadcast %broadcast_in_dim3A_477 : f32 to vector<16xf32>
          %mul3A_479 = arith.constant 16 : i32
          %mul3A_480 = arith.muli %scan3A_475, %mul3A_479 : i32
          %swap3A_481 = arith.index_cast %while3A_465 : i32 to index
          %swap3A_482 = arith.index_cast %mul3A_480 : i32 to index
          %swap3A_483 = tpu.vector_load %arg26[%swap3A_481, %swap3A_482] {strides = array<i32>} : memref<16x1024xf32, #tpu.memory_space<vmem>>, vector<16xf32>,
          tpu.vector_store %arg26[%swap3A_481, %swap3A_482], %broadcast_in_dim3A_478 {strides = array<i32>} : memref<16x1024xf32, #tpu.memory_space<vmem>>, vector<16xf32>,
          %scan3A_484 = arith.constant 0 : i32
          scf.yield %scan3A_484 : i32
        }
        %scan3A_473 = arith.constant 64 : i32
        %while3A_474 = arith.constant 0 : i32
        scf.yield %while3A_474 : i32
      }
      "tpu.region"() ({
        %run_scoped3A = tpu.sem_alloc : memref<!tpu.dma_semaphore, #tpu.memory_space<semaphore_mem>>
        %dma_start3A_465 = arith.constant 0 : i32
        %dma_start3A_466 = tpu.memref_slice %arg6[%add3A_229, %multiple_of3A_274, %dma_start3A_465] : memref<64x640x1024xf32, #tpu.memory_space<hbm>> -> memref<1x16x1024xf32, #tpu.memory_space<hbm>>
        %dma_start3A_467 = tpu.memref_squeeze %dma_start3A_466 : memref<1x16x1024xf32, #tpu.memory_space<hbm>> -> memref<16x1024xf32, #tpu.memory_space<hbm>>
        %dma_start3A_468 = arith.constant 0 : i32
        %dma_start3A_469 = tpu.memref_slice %arg6[%add3A_229, %multiple_of3A_274, %dma_start3A_468] : memref<64x640x1024xf32, #tpu.memory_space<hbm>> -> memref<1x16x1024xf32, #tpu.memory_space<hbm>>
        %dma_start3A_470 = tpu.memref_squeeze %dma_start3A_469 : memref<1x16x1024xf32, #tpu.memory_space<hbm>> -> memref<16x1024xf32, #tpu.memory_space<hbm>>
        tpu.enqueue_dma source(%arg26 : memref<16x1024xf32, #tpu.memory_space<vmem>>) target(%dma_start3A_470 : memref<16x1024xf32, #tpu.memory_space<hbm>>) target_semaphore(%run_scoped3A : memref<!tpu.dma_semaphore, #tpu.memory_space<semaphore_mem>>)
        %dma_wait3A = arith.constant 0 : i32
        %dma_wait3A_471 = tpu.memref_slice %arg6[%add3A_229, %multiple_of3A_274, %dma_wait3A] : memref<64x640x1024xf32, #tpu.memory_space<hbm>> -> memref<1x16x1024xf32, #tpu.memory_space<hbm>>
        %dma_wait3A_472 = tpu.memref_squeeze %dma_wait3A_471 : memref<1x16x1024xf32, #tpu.memory_space<hbm>> -> memref<16x1024xf32, #tpu.memory_space<hbm>>
        %dma_wait3A_473 = arith.constant 0 : i32
        %dma_wait3A_474 = tpu.memref_slice %arg6[%add3A_229, %multiple_of3A_274, %dma_wait3A_473] : memref<64x640x1024xf32, #tpu.memory_space<hbm>> -> memref<1x16x1024xf32, #tpu.memory_space<hbm>>
        %dma_wait3A_475 = tpu.memref_squeeze %dma_wait3A_474 : memref<1x16x1024xf32, #tpu.memory_space<hbm>> -> memref<16x1024xf32, #tpu.memory_space<hbm>>
        tpu.wait_dma2 semaphore(%run_scoped3A : memref<!tpu.dma_semaphore, #tpu.memory_space<semaphore_mem>>) src(%arg26 : memref<16x1024xf32, #tpu.memory_space<vmem>>) dst(%dma_wait3A_475 : memref<16x1024xf32, #tpu.memory_space<hbm>>)
        tpu.yield
      }) : () -> ()
    } else {
    }
    %while3A_423 = arith.constant 0 : i32
    %while3A_424 = arith.constant 0 : i32
    %while3A_425 = arith.subi %select_n3A_305, %while3A_423 : i32
    %while3A_426 = arith.addi %while3A_423, %while3A_425 : i32
    %while3A_427 = arith.constant 1 : i32
    %while3A_428 = arith.divsi %while3A_425, %while3A_427 : i32
    %while3A_429 = arith.muli %while3A_428, %while3A_427 : i32
    %while3A_430 = arith.addi %while3A_423, %while3A_429 : i32
    %while3A_431 = arith.constant 1 : i32
    %while3A_432 = scf.for %while3A_435 = %while3A_423 to %while3A_430 step %while3A_431 iter_args(%while3A_436 = %while3A_424) -> (i32)  : i32 {
      %dma_wait3A = arith.constant 0 : i32
      %dma_wait3A_437 = arith.constant 0 : i32
      %dma_wait3A_438 = tpu.memref_slice %arg6[%add3A_229, %dma_wait3A, %dma_wait3A_437] : memref<64x640x1024xf32, #tpu.memory_space<hbm>> -> memref<1x16x1024xf32, #tpu.memory_space<hbm>>
      %dma_wait3A_439 = tpu.memref_squeeze %dma_wait3A_438 : memref<1x16x1024xf32, #tpu.memory_space<hbm>> -> memref<16x1024xf32, #tpu.memory_space<hbm>>
      %dma_wait3A_440 = arith.constant 0 : i32
      %dma_wait3A_441 = arith.constant 0 : i32
      %dma_wait3A_442 = tpu.memref_slice %arg6[%add3A_229, %dma_wait3A_440, %dma_wait3A_441] : memref<64x640x1024xf32, #tpu.memory_space<hbm>> -> memref<1x16x1024xf32, #tpu.memory_space<hbm>>
      %dma_wait3A_443 = tpu.memref_squeeze %dma_wait3A_442 : memref<1x16x1024xf32, #tpu.memory_space<hbm>> -> memref<16x1024xf32, #tpu.memory_space<hbm>>
      tpu.wait_dma2 semaphore(%arg50 : memref<!tpu.dma_semaphore, #tpu.memory_space<semaphore_mem>>) src(%arg32 : memref<16x1024xf32, #tpu.memory_space<vmem>>) dst(%dma_wait3A_443 : memref<16x1024xf32, #tpu.memory_space<hbm>>)
      %while3A_444 = arith.constant 0 : i32
      scf.yield %while3A_444 : i32
    }
    %while3A_433 = arith.constant 1 : i32
    %while3A_434 = scf.for %while3A_435 = %while3A_430 to %while3A_426 step %while3A_433 iter_args(%while3A_436 = %while3A_432) -> (i32)  : i32 {
      %dma_wait3A = arith.constant 0 : i32
      %dma_wait3A_437 = arith.constant 0 : i32
      %dma_wait3A_438 = tpu.memref_slice %arg6[%add3A_229, %dma_wait3A, %dma_wait3A_437] : memref<64x640x1024xf32, #tpu.memory_space<hbm>> -> memref<1x16x1024xf32, #tpu.memory_space<hbm>>
      %dma_wait3A_439 = tpu.memref_squeeze %dma_wait3A_438 : memref<1x16x1024xf32, #tpu.memory_space<hbm>> -> memref<16x1024xf32, #tpu.memory_space<hbm>>
      %dma_wait3A_440 = arith.constant 0 : i32
      %dma_wait3A_441 = arith.constant 0 : i32
      %dma_wait3A_442 = tpu.memref_slice %arg6[%add3A_229, %dma_wait3A_440, %dma_wait3A_441] : memref<64x640x1024xf32, #tpu.memory_space<hbm>> -> memref<1x16x1024xf32, #tpu.memory_space<hbm>>
      %dma_wait3A_443 = tpu.memref_squeeze %dma_wait3A_442 : memref<1x16x1024xf32, #tpu.memory_space<hbm>> -> memref<16x1024xf32, #tpu.memory_space<hbm>>
      tpu.wait_dma2 semaphore(%arg50 : memref<!tpu.dma_semaphore, #tpu.memory_space<semaphore_mem>>) src(%arg32 : memref<16x1024xf32, #tpu.memory_space<vmem>>) dst(%dma_wait3A_443 : memref<16x1024xf32, #tpu.memory_space<hbm>>)
      %while3A_444 = arith.constant 0 : i32
      scf.yield %while3A_444 : i32
    }
    return
  }
}

</mosaic_0001>

<sc_bundles>
// kernel: kernel.4.cloned.1.call-start
scs
__scs_entry_jumppad:
0x0: {  	(pc) =	sbr.rel $0x88, $3  }
0x1: {  	(tag) =	ssettag $0x0;
	lr =	simm.s32 $0x1  }
0x2: {  	[smem:$0x3F9E] =	sst lr;
	_ =	strace $0xD0000000  }
0x3: {  	_ = 	snop  }
0x4: {  	_ = 	snop  }
0x5: {  	_ = 	snop  }
0x6: {  	_ = 	snop  }
0x7: {  	_ = 	snop  }
__scs_overlays_trampoline_lowered:
0x8: {  	[smem:$0x3FAD] =	sst s0  }
0x9: {  	[smem:$0x3FAE] =	sst s1  }
0xa: {  	[smem:$0x3FAF] =	sst s2  }
0xb: {  	[smem:$0x3FB0] =	sst s3  }
0xc: {  	[smem:$0x3FB1] =	sst s4  }
0xd: {  	[smem:$0x3FB2] =	sst s5  }
0xe: {  	[smem:$0x3FB3] =	sst s6  }
0xf: {  	[smem:$0x3FB4] =	sst s7  }
0x10: {  	[smem:$0x3FB5] =	sst s8  }
0x11: {  	[smem:$0x3FB6] =	sst s9;
	s0 =	simm.s32 @!p0 $0x0  }
0x12: {  	s1 =	sld [smem:$0x3F9C];
	s0 =	simm.s32 @p0 $0x1  }
0x13: {  	[smem:$0x3FB7] =	sst s0;
	s0 =	simm.s32 @!p1 $0x0  }
0x14: {  	s2 =	sld [smem:$0x3F9B];
	s0 =	simm.s32 @p1 $0x1  }
0x15: {  	[smem:$0x3FB8] =	sst s0;
	s0 =	simm.s32 @!p2 $0x0  }
0x16: {  	s3 =	sld [smem:$0x3FDB];
	s0 =	simm.s32 @p2 $0x1  }
0x17: {  	s4 =	simm.s32 $0x1BF5;
	[smem:$0x3FBA] =	sst s0  }
0x18: {  	s0 =	sld [smem:$0x3F9D];
	_ =	swait.ge [sflag:s4], $0x0  }
0x19: {  	s7 =	sld [smem:$0x3F9E]  }
0x1a: {  	s8 =	sadd.s32 $0xFFFFE003, lr  }
0x1b: {  	s9 =	sadd.s32 $0xFFFFFEF7, lr;
	s5 =	simm.s32 $0xFFFFFFFF;
	p2 =	slt.u32 s8, $0xFFFFF086  }
0x1c: {  	p1 =	slt.u32 s9, $0xF7A;
	s5 =	simm.s32 @!p2 $0x0  }
0x1d: {  	s5 =	simm.s32 @p1 $0x1;
	p0 =	seq.s32 s7, s2  }
0x1e: {  	s7 =	smul.u32 @!p0 $0xF7A, s2;
	p2 =	seq.s32 @!p0 s5, $0x0  }
0x1f: {  	s9 =	smul.u32 $0xF7A, s1;
	s8 =	simm.s32 @!p0 $0x1BF5;
	p2 =	por !p2, p0  }
0x20: {  	[sflag:s8] =	ssyncset.s32 @!p0 $0xFFFFF086;
	s6 =	sadd.s32 @!p0 s3, s7;
	s7 =	simm.s32 @!p0 $0x108  }
0x21: {  	s3 =	sadd.s32 s3, s9;
	s6 =	sadd.s32 @!p0 $0x88, s6;
	s7 =	simm.s32 @p2 $0x1082  }
0x22: {  	[simem:s7], [sflag:s8] =	dma.local @!p0 [hbm:s6], $0xF7A  }
0x23: {  	s9 =	sor.u32 $0xD0000000, s2;
	s6 =	simm.s32 $0x108;
	_ =	swait.ge @!p0 [sflag:s8], $0x0  }
0x24: {  	s3 =	sadd.s32 $0x88, s3;
	s6 =	simm.s32 @!p1 $0x1082;
	[sflag:s4] =	ssyncset.s32 $0xFFFFF086  }
0x25: {  	[simem:s6], [sflag:s4] =	dma.local [hbm:s3], $0xF7A  }
0x26: {  	[smem:$0x3F9E] =	sst s1;
	(tag) =	ssettag s2;
	_ =	strace s9  }
0x27: {  	s1 =	sld [smem:$0x3FAE]  }
0x28: {  	s2 =	sld [smem:$0x3FAF]  }
0x29: {  	s4 =	sld [smem:$0x3FB1]  }
0x2a: {  	p0 =	seq.s32 s5, $0x0;
	s5 =	sld [smem:$0x3FB2]  }
0x2b: {  	s6 =	sld [smem:$0x3FB3]  }
0x2c: {  	s7 =	sld [smem:$0x3FB4]  }
0x2d: {  	s3 =	simm.s32 $0x108;
	s8 =	sld [smem:$0x3FB5]  }
0x2e: {  	s3 =	simm.s32 @!p0 $0x1082;
	s9 =	sld [smem:$0x3FB6]  }
0x2f: {  	lr =	sadd.s32 s0, s3;
	s0 =	sld [smem:$0x3FAD]  }
0x30: {  	s3 =	sld [smem:$0x3FB0]  }
0x31: {  	[smem:$0x3FB9] =	sst s10  }
0x32: {  	s10 =	sld [smem:$0x3FB7];
	_ =	sdelay $0x3  }
0x33: {  	p0 =	seq.s32 s10, $0x1;
	s10 =	sld [smem:$0x3FB9];
	_ =	sdelay $0x3  }
0x34: {  	[smem:$0x3FB9] =	sst s10  }
0x35: {  	s10 =	sld [smem:$0x3FB8];
	_ =	sdelay $0x3  }
0x36: {  	p1 =	seq.s32 s10, $0x1;
	s10 =	sld [smem:$0x3FB9];
	_ =	sdelay $0x3  }
0x37: {  	[smem:$0x3FB9] =	sst s10  }
0x38: {  	s10 =	sld [smem:$0x3FBA]  }
0x39: {  	_ = 	snop;
	(pc) =	sbr.ind lr, $3  }
0x3a: {  	_ = 	snop  }
0x3b: {  	_ = 	snop  }
0x3c: {  	p2 =	seq.s32 s10, $0x1;
	s10 =	sld [smem:$0x3FB9]  }
0x3d: {  	_ =	shalt  }
0x3e: {  	_ =	shalt  }
0x3f: {  	_ =	shalt  }
0x40: {  	_ =	shalt  }
0x41: {  	_ =	shalt  }
0x42: {  	_ =	shalt  }
0x43: {  	_ =	shalt  }
0x44: {  	_ =	shalt  }
0x45: {  	_ =	shalt  }
0x46: {  	_ =	shalt  }
0x47: {  	_ =	shalt  }
0x48: {  	_ =	shalt  }
0x49: {  	_ =	shalt  }
0x4a: {  	_ =	shalt  }
0x4b: {  	_ =	shalt  }
0x4c: {  	_ =	shalt  }
0x4d: {  	_ =	shalt  }
0x4e: {  	_ =	shalt  }
0x4f: {  	_ =	shalt  }
0x50: {  	_ =	shalt  }
0x51: {  	_ =	shalt  }
0x52: {  	_ =	shalt  }
0x53: {  	_ =	shalt  }
0x54: {  	_ =	shalt  }
0x55: {  	_ =	shalt  }
0x56: {  	_ =	shalt  }
0x57: {  	_ =	shalt  }
0x58: {  	_ =	shalt  }
0x59: {  	_ =	shalt  }
0x5a: {  	_ =	shalt  }
0x5b: {  	_ =	shalt  }
0x5c: {  	_ =	shalt  }
0x5d: {  	_ =	shalt  }
0x5e: {  	_ =	shalt  }
0x5f: {  	_ =	shalt  }
0x60: {  	_ =	shalt  }
0x61: {  	_ =	shalt  }
0x62: {  	_ =	shalt  }
0x63: {  	_ =	shalt  }
0x64: {  	_ =	shalt  }
0x65: {  	_ =	shalt  }
0x66: {  	_ =	shalt  }
0x67: {  	_ =	shalt  }
0x68: {  	_ =	shalt  }
0x69: {  	_ =	shalt  }
0x6a: {  	_ =	shalt  }
0x6b: {  	_ =	shalt  }
0x6c: {  	_ =	shalt  }
0x6d: {  	_ =	shalt  }
0x6e: {  	_ =	shalt  }
0x6f: {  	_ =	shalt  }
0x70: {  	_ =	shalt  }
0x71: {  	_ =	shalt  }
0x72: {  	_ =	shalt  }
0x73: {  	_ =	shalt  }
0x74: {  	_ =	shalt  }
0x75: {  	_ =	shalt  }
0x76: {  	_ =	shalt  }
0x77: {  	_ =	shalt  }
0x78: {  	_ =	shalt  }
0x79: {  	_ =	shalt  }
0x7a: {  	_ =	shalt  }
0x7b: {  	_ =	shalt  }
0x7c: {  	_ =	shalt  }
0x7d: {  	_ =	shalt  }
0x7e: {  	_ =	shalt  }
0x7f: {  	_ =	shalt  }
0x80: {  	_ =	shalt  }
0x81: {  	_ =	shalt  }
0x82: {  	_ =	shalt  }
0x83: {  	_ =	shalt  }
0x84: {  	_ =	shalt  }
0x85: {  	_ =	shalt  }
0x86: {  	_ =	shalt  }
0x87: {  	_ =	shalt  }
.Lfunc_end0:
.L_simem_size_0:
called_computation_lowered:
.L_overlay_start_0:
0x88: {  	s2 =	sld [smem:$0x3FD9]  }
0x89: {  	s3 =	sld [smem:$0x3FFE];
	_ =	sdelay $0x1  }
0x8a: {  	s1 =	srdreg.scid  }
0x8b: {  	s0 =	sand.u32 $0x1, s1  }
0x8c: {  	s14 =	sshll.u32 s0, $0xA;
	s2 =	sadd.s32 s3, s2  }
0x8d: {  	s2 =	sadd.s32 s2, s14  }
0x8e: {  	[smem:$0x3FC5] =	sst s2  }
0x8f: {  	_ = 	snop  }
0x90: {  	s2 =	sld [smem:$0x3FD0]  }
0x91: {  	s15 =	sld [smem:$0x3FC9]  }
0x92: {  	s4 =	sld [smem:$0x3FC8]  }
0x93: {  	s6 =	simm.s32 $0xA;
	s7 =	simm.s32 $0x10;
	s5 =	sld [smem:$0x3FC7]  }
0x94: {  	[smem:s7], [sflag:s6] =	dma.local [hbm:s2], $0x1  }
0x95: {  	_ =	swait.eq [sflag:s6], $0x1  }
0x96: {  	s16 =	sld [smem:$0x10];
	[sflag:s6] =	ssyncset.done $0x0  }
0x97: {  	s17 =	sld [smem:$0x11];
	[sflag:s6] =	ssyncadd.s32 $0xFFFFFFFF  }
0x98: {  	s18 =	sld [smem:$0x12];
	(tm) =	ssettm $0x1  }
0x99: {  	s8 =	sld [smem:$0x3FFB];
	_ =	sdelay $0x3  }
0x9a: {  	_ =	strace s8  }
0x9b: {  	s8 =	sld [smem:$0x3FFC];
	_ =	sdelay $0x3  }
0x9c: {  	_ =	strace s8  }
0x9d: {  	s8 =	sld [smem:$0x3FFD];
	_ =	sdelay $0x3  }
0x9e: {  	_ =	strace s8  }
0x9f: {  	_ =	strace $0x8FFFFFFF  }
0xa0: {  	s19 =	sld [smem:$0x3FDB];
	_ =	sdelay $0x1  }
0xa1: {  	s9 =	simm.s32 $_scs_section_size  }
0xa2: {  	s10 =	simm.s32 $_size__tile_overlayer_lowered;
	s11 =	simm.s32 $_tile_overlayer_lowered  }
0xa3: {  	s22 =	simm.s32 $0x1BFF;
	s21 =	sshll.u32 s11, $0x1;
	s8 =	sadd.s32 s9, s19  }
0xa4: {  	s12 =	simm.s32 $0x0;
	s20 =	sshll.u32 s10, $0x1;
	s10 =	sadd.s32 s21, s8  }
0xa5: {  	[timem:s12], [sflag:s22] =	dma.local [hbm:s10], s20  }
0xa6: {  	_ =	swait.ge [sflag:s22], s20  }
0xa7: {  	s9 =	ssub.s32 $0x0, s20;
	[sflag:s22] =	ssyncset.done $0x0  }
0xa8: {  	[sflag:s22] =	ssyncadd.s32 s9;
	_ =	sdelay $0x1  }
0xa9: {  	s23 =	simm.s32 $0x1B8B  }
0xaa: {  	_ =	swait.ge [sflag:s23], $0x1  }
0xab: {  	[sflag:s23] =	ssyncset.done $0x0  }
0xac: {  	s25 =	simm.s32 $0x1B8E;
	s24 =	sld [smem:$0x3FFE];
	[sflag:s23] =	ssyncadd.s32 $0xFFFFFFFF  }
0xad: {  	s26 =	simm.s32 $execute0_lowered;
	[smem:$0x3FD2] =	sst s25  }
0xae: {  	s10 =	sshll.u32 s26, $0x1;
	_ =	strace $0x80000046;
	[dreg:$0x1] =	wrdreg $0xFFFFFFFF  }
0xaf: {  	s28 =	simm.s32 $_size_execute0_lowered;
	s8 =	sadd.s32 s8, s10;
	[dreg:$0x0] =	wrdreg $0x0  }
0xb0: {  	s10 =	sshll.u32 s28, $0x1;
	[dreg:$0x2] =	wrdreg s8  }
0xb1: {  	[dreg:$0x3] =	wrdreg s10  }
0xb2: {  	[dreg:$0x4] =	wrdreg $0xC0  }
0xb3: {  	_ =	task [dreg:s12], $0x5FFFF  }
0xb4: {  	[dreg:$0x1] =	wrdreg $0xFFFFFFFF  }
0xb5: {  	[dreg:$0x0] =	wrdreg $0x60  }
0xb6: {  	[dreg:$0x2] =	wrdreg s15  }
0xb7: {  	[dreg:$0x3] =	wrdreg s4  }
0xb8: {  	[dreg:$0x4] =	wrdreg s5  }
0xb9: {  	[dreg:$0x5] =	wrdreg s17  }
0xba: {  	[dreg:$0x6] =	wrdreg s16  }
0xbb: {  	[dreg:$0x7] =	wrdreg s18  }
0xbc: {  	[dreg:$0x8] =	wrdreg s24  }
0xbd: {  	[dreg:$0x9] =	wrdreg $0x9  }
0xbe: {  	_ =	task.clear_ibuf [dreg:s12], $0xAFFFF;
	_ =	strace $0x90000046  }
0xbf: {  	s29 =	simm.s32 $0x9;
	_ =	strace $0x80000048  }
0xc0: {  	_ =	swait.ge [sflag:s29], $0x1  }
0xc1: {  	[sflag:s29] =	ssyncadd.s32 $0xFFFFFFFF  }
0xc2: {  	_ =	strace $0x90000048  }
0xc3: {  	_ =	sfence  }
0xc4: {  	s30 =	sld [smem:$0x0];
	_ =	sdelay $0x2  }
0xc5: {  	s31 =	sshll.u32 s1, $0xD;
	s1 =	sshrl.u32 s1, $0x2  }
0xc6: {  	s3 =	sand.u32 $0x4000, s31;
	s1 =	sadd.s32 s1, s30  }
0xc7: {  	s0 =	sor.u32 s3, s0;
	s1 =	sshll.u32 s1, $0x11  }
0xc8: {  	s0 =	sor.u32 s1, s0  }
0xc9: {  	s0 =	sadd.s32 $0x8F2B, s0  }
0xca: {  	[sflag:s0] =	ssyncadd.remote.s32 $0x1  }
0xcb: {  	_ =	sfence.sel $0xFFFF  }
0xcc: {  	[dreg:$0x0] =	wrdreg $0xFFFFFFFF;
	(pc) =	sbr.abs _section_cstart, $3  }
0xcd: {  	[dreg:$0x1] =	wrdreg $0xFFFFFFFF  }
0xce: {  	_ =	task.clear_ibuf [dreg:s12], $0x2FFFF;
	_ =	strace $0x9FFFFFFF  }
0xcf: {  	(tm) =	ssettm $0x7FFFFFFF  }
tec
execute0_lowered:
.L_overlay_start_1:
0x0: {  	(tag) =	ssettag $0x1  }
0x1: {  	s0 =	rddreg [dreg:$0x0]  }
0x2: {  	s2 =	rddreg [dreg:$0x1]  }
0x3: {  	s3 =	rddreg [dreg:$0x2]  }
0x4: {  	s5 =	rddreg [dreg:$0x4]  }
0x5: {  	s1 =	rddreg [dreg:$0x5]  }
0x6: {  	s4 =	rddreg [dreg:$0x6];
	s7 =	simm.s32 $0x0;
	s6 =	srdreg.scid  }
0x7: {  	s14 =	stileid.u32;
	s28 =	simm.s32 $0x3;
	s29 =	simm.s32 $0x2  }
0x8: {  	s30 =	simm.s32 $0x4;
	s31 =	simm.s32 $0x2C00;
	[smem:$0x7FF] =	sst s7  }
0x9: {  	s6 =	sand.u32 $0x1, s6;
	s8 =	sshll.u32 s14, $0x1;
	s22 =	smul.u32 $0x280000, s14  }
0xa: {  	s8 =	sor.u32 s6, s8;
	s12 =	ssub.s32 $0x2, s6;
	s6 =	smul.u32 $0x140000, s6  }
0xb: {  	s9 =	sadd.s32 $0xC00, s4;
	s14 =	sadd.s32 $0x300, s0;
	s11 =	smul.u32 $0xA0, s8  }
0xc: {  	_ =	strace $0x80000047;
	s10 =	sshll.u32 s8, $0x1;
	s13 =	smul.u32 $0x140000, s8  }
0xd: {  	s8 =	sshllo.u32 s8, $0x1;
	s21 =	sshrl.u32 s12, $0x1;
	s4 =	sadd.s32 s10, s4  }
0xe: {  	s15 =	smul.u32 $0x50, s8;
	s17 =	ssub.s32 s12, s21;
	s12 =	sadd.s32 $0x100, s0  }
0xf: {  	s16 =	sadd.s32 s6, s22;
	[dreg:$0x8] =	wrdreg s13;
	s4 =	sadd.s32 $0x2000, s4  }
0x10: {  	s24 =	smul.u32 $0xA0000, s8;
	s23 =	sadd.s32 s9, s11;
	[dreg:$0x9] =	wrdreg s4  }
0x11: {  	s21 =	simm.s32 $0x1B400;
	s11 =	sadd.s32 s1, s11;
	[dreg:$0xa] =	wrdreg s23  }
0x12: {  	s22 =	simm.s32 $0x12;
	s8 =	simm.s32 $0x0;
	[dreg:$0xb] =	wrdreg s11  }
.Ltmp0:
0x13: {  	s25 =	smax.u32 s17, $0x1;
	[dreg:$0xe] =	wrdreg s24;
	(pc) =	sbr.rel .LBB2_1-.Ltmp0, $4  }
0x14: {  	v1 =	vlaneseq.u32;
	vm0 =	vcmask $0x300;
	s13 =	sadd.s32 $0x200, s0;
	s26 =	sadd.s32 $0xA0000, s16;
	[dreg:$0xf] =	wrdreg s25  }
0x15: {  	vm1 =	vcmask $0x704;
	vm2 =	vmmov $0xffff;
	v6 =	vimm.f32 $0.0e+00;
	s9 =	sadd.s32 s9, s15;
	s1 =	sadd.s32 s1, s15;
	[dreg:$0x10] =	wrdreg s26  }
0x16: {  	v4 =	vshrl.u32 v1, $0x3;
	v3 =	vand.u32 $0x7, v1;
	v0 =	vmov s10;
	s24 =	simm.s32 $0x800;
	s25 =	simm.s32 $0x1800;
	[dreg:$0xc] =	wrdreg s9  }
0x17: {  	v5 =	vor.u32 $0x8, v1;
	v4 =	vmul.u32 $0x8, v4;
	v2 =	vor.u32 $0x1, v0;
	s26 =	simm.s32 $0x1;
	s4 =	simm.s32 $0x11;
	[dreg:$0xd] =	wrdreg s1  }
.LBB2_50:
0x18: {  	[sflag:s4] =	ssyncadd.s32 $0xFFFFC000  }
.LBB2_51:
0x19: {  	s8 =	sadd.s32 $0x1, s8;
	s1 =	rddreg [dreg:$0xf]  }
0x1a: {  	p0 =	sne.s32 s8, s1  }
.Ltmp1:
0x1b: {  	_ = 	snop;
	(pc) =	sbr.rel @!p0 .LBB2_52-.Ltmp1, $1  }
0x1c: {  	_ =	sdelay $0x3  }
.LBB2_1:
0x1d: {  	s1 =	rddreg [dreg:$0x3]  }
0x1e: {  	[tilespmem:s21], [sflag:$0x12] =	stream.linear.gather [hbm4b:s1+s7], $0x4000, $0x38;
	[tilespmem:$0x1F480] =	vst v63  }
0x1f: {  	_ =	swait.ge [sflag:s22], $0x4000  }
0x20: {  	[sflag:s22] =	ssyncset.done $0x0  }
0x21: {  	[sflag:s22] =	ssyncadd.s32 $0xFFFFC000  }
0x22: {  	[tilespmem:s7], [sflag:$0x1] =	stream.linear.gather [hbm4b:s2+s7], $0x800, $0x38;
	[tilespmem:$0x1F480] =	vst v63  }
0x23: {  	s23 =	simm.s32 $0x1000;
	s6 =	simm.s32 $0x0;
	s10 =	simm.s32 $0x0  }
0x24: {  	[tilespmem:s23], [sflag:$0x3] =	stream.linear.gather [hbm4b:s3+s7], $0x800, $0x38;
	[tilespmem:$0x1F480] =	vst v63  }
0x25: {  	s9 =	simm.s32 $0x0;
	s1 =	simm.s32 $0x800;
	s23 =	simm.s32 $0x0  }
.LBB2_2:
0x26: {  	s11 =	sshll.u32 s9, $0x9  }
0x27: {  	s11 =	sand.u32 $0x1FFFFE00, s11  }
0x28: {  	s11 =	sor.u32 $0x100, s11  }
0x29: {  	s17 =	simm.s32 $0x0;
	s15 =	sadd.s32 s2, s11  }
0x2a: {  	[tilespmem:s24], [sflag:$0x2] =	stream.linear.gather [hbm4b:s15+s17], $0x800, $0x38;
	[tilespmem:$0x1F480] =	vst v63  }
0x2b: {  	s11 =	sadd.s32 s3, s11  }
0x2c: {  	[tilespmem:s25], [sflag:$0x4] =	stream.linear.gather [hbm4b:s11+s17], $0x800, $0x38;
	[tilespmem:$0x1F480] =	vst v63  }
0x2d: {  	_ =	swait.ge [sflag:s26], $0x800  }
0x2e: {  	[sflag:s26] =	ssyncset.done $0x0  }
0x2f: {  	[sflag:s26] =	ssyncadd.s32 $0xFFFFF800  }
0x30: {  	_ =	swait.ge [sflag:s28], $0x800  }
0x31: {  	[sflag:s28] =	ssyncset.done $0x0  }
0x32: {  	s19 =	simm.s32 $0x0;
	[sflag:s28] =	ssyncadd.s32 $0xFFFFF800  }
0x33: {  	v7 =	vld [tilespmem:s19+$0x0];
	_ =	sdelay $0x4  }
0x34: {  	vm3 =	veq.s32 v7, v0  }
0x35: {  	v8 =	vmpcnt.ones.xlane vm3;
	_ =	sdelay $0x1  }
0x36: {  	(v2sf) =	vpush v8, $0x0;
	v8 =	vld [tilespmem:s19+$0x1000];
	_ =	sdelay $0x1  }
0x37: {  	p0 =	slt.s32 s10, $0x2A0;
	s11 =	smov.u32 s10  }
0x38: {  	v9 =	vor.u32 s6, v1;
	s11 =	simm.s32 @!p0 $0x2A0  }
0x39: {  	s15 =	smov.u32 s23;
	p0 =	slt.s32 s23, $0x2A0;
	[tilespmem:s11+$0x2000] =	vst.msk vm3, v9  }
0x3a: {  	s15 =	simm.s32 @!p0 $0x2A0;
	vm4 =	veq.s32 v7, v2;
	[tilespmem:s11+$0x2300] =	vst.msk vm3, v8  }
0x3b: {  	[tilespmem:s15+$0x2600] =	vst.msk vm4, v9  }
0x3c: {  	[tilespmem:s15+$0x2900] =	vst.msk vm4, v8;
	v8 =	vmpcnt.ones.xlane vm4;
	_ =	sdelay $0x1  }
0x3d: {  	(v2sf) =	vpush v8, $0x0;
	_ =	sdelay $0x6  }
0x3e: {  	s20 =	simm.s32 $0x10  }
0x3f: {  	v7 =	vld [tilespmem:s20+$0x0];
	_ =	sdelay $0x4  }
0x40: {  	vm4 =	veq.s32 v7, v0;
	vm3 =	veq.s32 v7, v2  }
0x41: {  	s11 =	sadd.s32 $0x10, s6;
	s15 =	simm.s32 $0x80;
	v7 =	vld [tilespmem:s20+$0x1000];
	v9 =	vmpcnt.ones.xlane vm4;
	v8 =	vmpcnt.ones.xlane vm3;
	s17 =	spop (v2sf)  }
.LBB2_3:
0x42: {  	s10 =	sadd.s32 s10, s17;
	s17 =	spop (v2sf)  }
0x43: {  	(v2sf) =	vpush v9, $0x0;
	s18 =	smov.u32 s15;
	s19 =	sadd.s32 $0x40, s15;
	p0 =	sne.s32 s15, $0x1FC0  }
0x44: {  	p1 =	slt.s32 s10, $0x2A0;
	(v2sf) =	vpush v8, $0x0;
	s23 =	sadd.s32 s23, s17;
	s15 =	smov.u32 s10  }
0x45: {  	v8 =	vor.u32 s11, v1;
	s15 =	simm.s32 @!p1 $0x2A0;
	p1 =	slt.s32 s23, $0x2A0  }
0x46: {  	[tilespmem:s15+$0x2000] =	vst.msk vm4, v8  }
0x47: {  	[tilespmem:s15+$0x2300] =	vst.msk vm4, v7;
	s15 =	smov.u32 s23  }
0x48: {  	s15 =	simm.s32 @!p1 $0x2A0  }
0x49: {  	[tilespmem:s15+$0x2600] =	vst.msk vm3, v8  }
0x4a: {  	[tilespmem:s15+$0x2900] =	vst.msk vm3, v7  }
0x4b: {  	s15 =	sshra.s32 s18, $0x2  }
0x4c: {  	v7 =	vld [tilespmem:s15+$0x0];
	_ =	sdelay $0x2  }
.Ltmp2:
0x4d: {  	(pc) =	sbr.rel @p0 .LBB2_3-.Ltmp2, $4  }
0x4e: {  	_ = 	snop  }
0x4f: {  	vm4 =	veq.s32 v7, v0;
	vm3 =	veq.s32 v7, v2  }
0x50: {  	v9 =	vmpcnt.ones.xlane vm4;
	v8 =	vmpcnt.ones.xlane vm3  }
0x51: {  	s11 =	sadd.s32 $0x10, s11;
	v7 =	vld [tilespmem:s15+$0x1000];
	s17 =	spop (v2sf);
	s15 =	smov.u32 s19  }
0x52: {  	(v2sf) =	vpush v9, $0x0  }
0x53: {  	(v2sf) =	vpush v8, $0x0;
	_ =	sdelay $0x3  }
0x54: {  	s10 =	sadd.s32 s10, s17  }
0x55: {  	s15 =	spop (v2sf);
	p0 =	slt.s32 s10, $0x2A0;
	s17 =	smov.u32 s10  }
0x56: {  	s15 =	sadd.s32 s23, s15;
	v8 =	vor.u32 s11, v1;
	s17 =	simm.s32 @!p0 $0x2A0  }
0x57: {  	p1 =	seq.s32 s9, $0x7;
	p0 =	slt.s32 s15, $0x2A0;
	s11 =	smov.u32 s15;
	[tilespmem:s17+$0x2000] =	vst.msk vm4, v8  }
0x58: {  	s11 =	simm.s32 @!p0 $0x2A0;
	[tilespmem:s17+$0x2300] =	vst.msk vm4, v7;
	s17 =	sshll.u32 @!p1 s9, $0x9  }
0x59: {  	[tilespmem:s11+$0x2600] =	vst.msk vm3, v8;
	s17 =	sadd.s32 @!p1 $0x200, s17  }
0x5a: {  	s18 =	simm.s32 @!p1 $0x0;
	[tilespmem:s11+$0x2900] =	vst.msk vm3, v7;
	s11 =	sadd.s32 @!p1 s2, s17  }
0x5b: {  	[tilespmem:s18], [sflag:$0x1] =	stream.linear.gather @!p1 [hbm4b:s11+s18], $0x800, $0x38;
	[tilespmem:$0x1F480] =	vst v63  }
0x5c: {  	s11 =	sadd.s32 @!p1 s3, s17;
	s17 =	simm.s32 @!p1 $0x1000  }
0x5d: {  	[tilespmem:s17], [sflag:$0x3] =	stream.linear.gather @!p1 [hbm4b:s11+s18], $0x800, $0x38;
	[tilespmem:$0x1F480] =	vst v63  }
0x5e: {  	s17 =	spop (v2sf)  }
0x5f: {  	s19 =	spop (v2sf)  }
0x60: {  	_ =	swait.ge [sflag:s29], $0x800  }
0x61: {  	[sflag:s29] =	ssyncset.done $0x0  }
0x62: {  	[sflag:s29] =	ssyncadd.s32 $0xFFFFF800  }
0x63: {  	_ =	swait.ge [sflag:s30], $0x800  }
0x64: {  	[sflag:s30] =	ssyncset.done $0x0  }
0x65: {  	s20 =	simm.s32 $0x0;
	[sflag:s30] =	ssyncadd.s32 $0xFFFFF800  }
0x66: {  	v7 =	vld [tilespmem:s20+$0x800];
	_ =	sdelay $0x4  }
0x67: {  	vm3 =	veq.s32 v7, v0  }
0x68: {  	v8 =	vmpcnt.ones.xlane vm3;
	_ =	sdelay $0x1  }
0x69: {  	(v2sf) =	vpush v8, $0x0;
	v8 =	vld [tilespmem:s20+$0x1800]  }
0x6a: {  	s11 =	sadd.s32 s10, s17  }
0x6b: {  	p0 =	slt.s32 s11, $0x2A0;
	s18 =	smov.u32 s11  }
0x6c: {  	v9 =	vor.u32 s1, v1;
	s10 =	sadd.s32 s15, s19;
	s18 =	simm.s32 @!p0 $0x2A0  }
0x6d: {  	p0 =	slt.s32 s10, $0x2A0;
	s15 =	smov.u32 s10;
	[tilespmem:s18+$0x2000] =	vst.msk vm3, v9  }
0x6e: {  	s15 =	simm.s32 @!p0 $0x2A0;
	vm4 =	veq.s32 v7, v2;
	[tilespmem:s18+$0x2300] =	vst.msk vm3, v8  }
0x6f: {  	[tilespmem:s15+$0x2600] =	vst.msk vm4, v9  }
0x70: {  	[tilespmem:s15+$0x2900] =	vst.msk vm4, v8;
	v8 =	vmpcnt.ones.xlane vm4;
	_ =	sdelay $0x1  }
0x71: {  	(v2sf) =	vpush v8, $0x0;
	_ =	sdelay $0x6  }
0x72: {  	s23 =	simm.s32 $0x10  }
0x73: {  	v7 =	vld [tilespmem:s23+$0x800];
	_ =	sdelay $0x4  }
0x74: {  	vm4 =	veq.s32 v7, v0;
	vm3 =	veq.s32 v7, v2  }
0x75: {  	s17 =	simm.s32 $0x80;
	s15 =	sadd.s32 $0x10, s1;
	v7 =	vld [tilespmem:s23+$0x1800];
	v9 =	vmpcnt.ones.xlane vm4;
	v8 =	vmpcnt.ones.xlane vm3;
	s18 =	spop (v2sf)  }
.LBB2_5:
0x76: {  	s11 =	sadd.s32 s11, s18;
	s18 =	spop (v2sf)  }
0x77: {  	(v2sf) =	vpush v9, $0x0;
	s19 =	smov.u32 s17;
	s23 =	sadd.s32 $0x40, s17;
	p0 =	sne.s32 s17, $0x1FC0  }
0x78: {  	p1 =	slt.s32 s11, $0x2A0;
	(v2sf) =	vpush v8, $0x0;
	s10 =	sadd.s32 s10, s18;
	s17 =	smov.u32 s11  }
0x79: {  	v8 =	vor.u32 s15, v1;
	s17 =	simm.s32 @!p1 $0x2A0;
	p1 =	slt.s32 s10, $0x2A0  }
0x7a: {  	[tilespmem:s17+$0x2000] =	vst.msk vm4, v8  }
0x7b: {  	[tilespmem:s17+$0x2300] =	vst.msk vm4, v7;
	s17 =	smov.u32 s10  }
0x7c: {  	s17 =	simm.s32 @!p1 $0x2A0  }
0x7d: {  	[tilespmem:s17+$0x2600] =	vst.msk vm3, v8  }
0x7e: {  	[tilespmem:s17+$0x2900] =	vst.msk vm3, v7  }
0x7f: {  	s17 =	sshra.s32 s19, $0x2  }
0x80: {  	v7 =	vld [tilespmem:s17+$0x800];
	_ =	sdelay $0x2  }
.Ltmp3:
0x81: {  	(pc) =	sbr.rel @p0 .LBB2_5-.Ltmp3, $4  }
0x82: {  	_ = 	snop  }
0x83: {  	vm4 =	veq.s32 v7, v0;
	vm3 =	veq.s32 v7, v2  }
0x84: {  	v9 =	vmpcnt.ones.xlane vm4;
	v8 =	vmpcnt.ones.xlane vm3  }
0x85: {  	s15 =	sadd.s32 $0x10, s15;
	v7 =	vld [tilespmem:s17+$0x1800];
	s18 =	spop (v2sf);
	s17 =	smov.u32 s23  }
0x86: {  	(v2sf) =	vpush v9, $0x0  }
0x87: {  	(v2sf) =	vpush v8, $0x0;
	_ =	sdelay $0x7  }
0x88: {  	s11 =	sadd.s32 s11, s18;
	s17 =	spop (v2sf);
	s9 =	sadd.s32 $0x1, s9  }
0x89: {  	p0 =	slt.s32 s11, $0x2A0;
	s18 =	smov.u32 s11;
	s17 =	sadd.s32 s10, s17  }
0x8a: {  	v8 =	vor.u32 s15, v1;
	s18 =	simm.s32 @!p0 $0x2A0;
	p0 =	slt.s32 s17, $0x2A0;
	s15 =	smov.u32 s17  }
0x8b: {  	s15 =	simm.s32 @!p0 $0x2A0;
	p0 =	sne.s32 s9, $0x8  }
.Ltmp4:
0x8c: {  	_ = 	snop;
	(pc) =	sbr.rel @p0 .LBB2_2-.Ltmp4, $4  }
0x8d: {  	[tilespmem:s18+$0x2000] =	vst.msk vm4, v8  }
0x8e: {  	[tilespmem:s18+$0x2300] =	vst.msk vm4, v7;
	s20 =	spop (v2sf)  }
0x8f: {  	s6 =	sadd.s32 $0x1000, s6;
	[tilespmem:s15+$0x2600] =	vst.msk vm3, v8;
	s23 =	spop (v2sf)  }
0x90: {  	s1 =	sadd.s32 $0x1000, s1;
	[tilespmem:s15+$0x2900] =	vst.msk vm3, v7;
	s10 =	sadd.s32 s11, s20;
	s23 =	sadd.s32 s17, s23  }
0x91: {  	v7 =	vmov s10  }
0x92: {  	v7 =	vnsel vm0, $0x0, v7  }
0x93: {  	v7 =	vsel vm1, s23, v7  }
0x94: {  	s9 =	simm.s32 $0x0;
	s1 =	rddreg [dreg:$0x9];
	s6 =	simm.s32 $0x1F400;
	[tilespmem:$0x1F400] =	vst v7  }
0x95: {  	[hbm4b:s1+s9] =	stream.linear.scatter [tilespmem:s6], [sflag:$0x12], $0x10, $0x38;
	[tilespmem:$0x1F480] =	vst v63  }
0x96: {  	_ =	swait.ge [sflag:s22], $0x10  }
0x97: {  	[sflag:s22] =	ssyncset.done $0x0  }
0x98: {  	s1 =	simm.s32 $0x2000;
	[sflag:s22] =	ssyncadd.s32 $0xFFFFFFF0  }
0x99: {  	v8 =	vld [tilespmem:s1+$0x0]  }
0x9a: {  	p0 =	slt.s32 s10, $0x280;
	s6 =	smov.u32 s10  }
0x9b: {  	s6 =	simm.s32 @!p0 $0x280  }
0x9c: {  	v9 =	vor.u32 s9, v1;
	v7 =	vmov s6  }
0x9d: {  	vm3 =	vlt.s32 v9, v7  }
0x9e: {  	s9 =	simm.s32 $0x2C00;
	v8 =	vnsel vm3, $0xFFFFFFFF, v8  }
0x9f: {  	s11 =	simm.s32 $0x2300;
	[tilespmem:s9+$0x0] =	vst v8  }
0xa0: {  	v8 =	vld [tilespmem:s11+$0x0];
	_ =	sdelay $0x4  }
0xa1: {  	s18 =	simm.s32 $0x2E80;
	s15 =	simm.s32 $0x10;
	s17 =	simm.s32 $0x2E90;
	v8 =	vnsel vm3, $0x0, v8  }
.LBB2_8:
0xa2: {  	[tilespmem:s18+$0x0] =	vst v8;
	s1 =	sadd.s32 $0x10, s1;
	s9 =	sadd.s32 $0x10, s9;
	s11 =	sadd.s32 $0x10, s11  }
0xa3: {  	p0 =	sne.s32 s15, $0x270;
	s19 =	smov.u32 s15;
	s15 =	sadd.s32 $0x10, s15;
	v8 =	vld [tilespmem:s1+$0x0]  }
0xa4: {  	s18 =	smov.u32 s17;
	_ =	sdelay $0x1  }
0xa5: {  	v9 =	vor.u32 s19, v1  }
0xa6: {  	vm3 =	vlt.s32 v9, v7  }
0xa7: {  	v8 =	vnsel vm3, $0xFFFFFFFF, v8  }
0xa8: {  	[tilespmem:s9+$0x0] =	vst v8  }
0xa9: {  	v8 =	vld [tilespmem:s11+$0x0]  }
.Ltmp5:
0xaa: {  	(pc) =	sbr.rel @p0 .LBB2_8-.Ltmp5, $2  }
0xab: {  	_ =	sdelay $0x2  }
0xac: {  	s17 =	sadd.s32 $0x10, s17;
	v8 =	vnsel vm3, $0x0, v8  }
0xad: {  	[tilespmem:s18+$0x0] =	vst v8;
	s1 =	rddreg [dreg:$0xa];
	s9 =	simm.s32 $0x2E80;
	s18 =	sand.u32 $0xF, s6  }
0xae: {  	[hbm4b:s1+s7] =	stream.linear.scatter [tilespmem:s31], [sflag:$0x12], $0x280, $0x38;
	[tilespmem:$0x1F480] =	vst v63  }
0xaf: {  	s19 =	sshra.s32 s6, $0x1F;
	p0 =	slt.s32 s10, $0x1;
	_ =	swait.ge [sflag:s22], $0x280  }
0xb0: {  	p1 =	sne.s32 s18, $0x0;
	s20 =	sshrl.u32 s19, $0x1C;
	[sflag:s22] =	ssyncset.done $0x0  }
0xb1: {  	p0 =	por !p0, !p1;
	s17 =	rddreg [dreg:$0xb];
	[sflag:s22] =	ssyncadd.s32 $0xFFFFFD80  }
0xb2: {  	[hbm4b:s17+s7] =	stream.linear.scatter [tilespmem:s9], [sflag:$0x12], $0x280, $0x38;
	[tilespmem:$0x1F480] =	vst v63  }
0xb3: {  	s1 =	sadd.s32 s20, s6;
	p0 =	por !p0, !p0;
	s9 =	simm.s32 $0x1  }
0xb4: {  	s1 =	sshra.s32 s1, $0x4;
	s9 =	simm.s32 @!p0 $0x0  }
0xb5: {  	s1 =	ssub.s32 s1, s9  }
0xb6: {  	s9 =	sshll.u32 s1, $0x4  }
0xb7: {  	s6 =	ssub.s32 s6, s9  }
0xb8: {  	p0 =	slt.s32 s6, $0x1;
	s10 =	smov.u32 s6  }
0xb9: {  	s10 =	simm.s32 @!p0 $0x1  }
0xba: {  	s11 =	simm.s32 @!p0 $0x0;
	s10 =	sadd.s32 s1, s10  }
0xbb: {  	s11 =	simm.s32 @p0 $0x1;
	s31 =	sshll.u32 s10, $0x4  }
0xbc: {  	[smem:$0x7FC] =	sst s11;
	s11 =	ssub.s32 $0x280, s31  }
0xbd: {  	s18 =	sshra.s32 s11, $0x4  }
0xbe: {  	p0 =	slt.s32 s18, $0x1  }
.Ltmp6:
0xbf: {  	_ = 	snop;
	(pc) =	sbr.rel @p0 .LBB2_13-.Ltmp6, $4  }
0xc0: {  	_ = 	snop  }
0xc1: {  	_ =	swait.ge [sflag:s22], $0x280;
	s11 =	simm.s32 @!p0 $0x0  }
0xc2: {  	[sflag:s22] =	ssyncset.done $0x0;
	s11 =	simm.s32 @p0 $0x1  }
0xc3: {  	[sflag:s22] =	ssyncadd.s32 $0xFFFFFD80;
	[smem:$0x7FD] =	sst s11  }
0xc4: {  	p0 =	sne.s32 s18, $0x1  }
.Ltmp7:
0xc5: {  	_ = 	snop;
	(pc) =	sbr.rel @!p0 .LBB2_12-.Ltmp7, $4  }
0xc6: {  	s10 =	sshll.u32 s10, $0xE  }
0xc7: {  	s11 =	sadd.s32 s10, s16  }
0xc8: {  	s15 =	sshrl.u32 s11, $0x3  }
0xc9: {  	s10 =	sadd.s32 $0xFFFFFFFF, s18;
	s11 =	sadd.s32 $0x4000, s11;
	s15 =	sadd.s32 s5, s15  }
.LBB2_11:
0xca: {  	[hbm4b:s15+s7] =	stream.linear.scatter [tilespmem:s21], [sflag:$0x11], $0x4000, $0x38;
	[tilespmem:$0x1F480] =	vst v63  }
0xcb: {  	p0 =	sne.s32 s10, $0x1  }
.Ltmp8:
0xcc: {  	s10 =	sadd.s32 $0xFFFFFFFF, s10;
	(pc) =	sbr.rel @p0 .LBB2_11-.Ltmp8, $3  }
0xcd: {  	_ =	sdelay $0x1  }
0xce: {  	s15 =	sshrl.u32 s11, $0x3  }
0xcf: {  	s11 =	sadd.s32 $0x4000, s11;
	s15 =	sadd.s32 s5, s15  }
.LBB2_12:
0xd0: {  	[hbm4b:s15+s7] =	stream.linear.scatter [tilespmem:s21], [sflag:$0x11], $0x4000, $0x38;
	[tilespmem:$0x1F480] =	vst v63  }
.LBB2_13:
0xd1: {  	p2 =	slt.s32 s1, $0x1  }
0xd2: {  	v8 =	vld @!p2 [tilespmem:$0x2000];
	_ =	sdelay $0x4  }
0xd3: {  	vm3 =	vgt.s32 @!p2 v8, $0x0  }
0xd4: {  	v8 =	vnsel @!p2 vm3, $0x0, v8  }
0xd5: {  	v8 =	vmin.u32 @!p2 v8, $0x7FFF  }
0xd6: {  	v9 =	vshll.u32 @!p2 v8, $0x3  }
0xd7: {  	v11 =	vlaneseq.u32 @!p2;
	v10 =	vand.u32 @!p2 $0x7, v8;
	v9 =	vand.u32 @!p2 $0x3FFC0, v9  }
0xd8: {  	v12 =	vshrl.u32 @!p2 v11, $0x3;
	v9 =	vor.u32 @!p2 v10, v9;
	v10 =	vand.u32 @!p2 $0x7, v11  }
0xd9: {  	v12 =	vmul.u32 @!p2 $0x8, v12;
	v10 =	vperm.xlane @!p2 v9, v10;
	_ =	sdelay $0x1  }
0xda: {  	v10 =	vadd.s32 @!p2 v12, v10;
	_ =	sdelay $0x3  }
0xdb: {  	s10 =	simm.s32 @!p2 $0x0;
	s11 =	simm.s32 @!p2 $0x3400;
	vm3 =	vmmov @!p2 $0xffff;
	[tilespmem:$0x3100] =	vst @!p2 v8  }
0xdc: {  	v8 =	vor.u32 @!p2 $0x8, v11;
	[tilespmem:s11], [sflag:$0x5] =	stream.indirect_vreg.gather @!p2 [hbm4b:s0+s10], $0x80, v10, vm3, $0xb8;
	[tilespmem:$0x1F480] =	vst v63  }
0xdd: {  	v8 =	vperm.xlane @!p2 v9, v8;
	s11 =	simm.s32 @!p2 $0x3C00  }
0xde: {  	[tilespmem:s11], [sflag:$0x5] =	stream.indirect_vreg.gather @!p2 [hbm4b:s12+s10], $0x80, v10, vm3, $0xb8;
	[tilespmem:$0x1F480] =	vst v63  }
0xdf: {  	v8 =	vadd.s32 @!p2 v12, v8;
	s11 =	simm.s32 @!p2 $0x4400  }
0xe0: {  	[tilespmem:s11], [sflag:$0x5] =	stream.indirect_vreg.gather @!p2 [hbm4b:s13+s10], $0x80, v10, vm3, $0xb8;
	[tilespmem:$0x1F480] =	vst v63  }
0xe1: {  	s11 =	simm.s32 @!p2 $0x4C00  }
0xe2: {  	[tilespmem:s11], [sflag:$0x5] =	stream.indirect_vreg.gather @!p2 [hbm4b:s14+s10], $0x80, v10, vm3, $0xb8;
	[tilespmem:$0x1F480] =	vst v63  }
0xe3: {  	s11 =	simm.s32 @!p2 $0x5400  }
0xe4: {  	[tilespmem:s11], [sflag:$0x5] =	stream.indirect_vreg.gather @!p2 [hbm4b:s0+s10], $0x80, v8, vm3, $0xb8;
	[tilespmem:$0x1F480] =	vst v63  }
0xe5: {  	s11 =	simm.s32 @!p2 $0x5C00  }
0xe6: {  	[tilespmem:s11], [sflag:$0x5] =	stream.indirect_vreg.gather @!p2 [hbm4b:s12+s10], $0x80, v8, vm3, $0xb8;
	[tilespmem:$0x1F480] =	vst v63  }
0xe7: {  	p0 =	seq.s32 @!p2 s1, $0x1;
	s11 =	simm.s32 @!p2 $0x6400  }
0xe8: {  	[tilespmem:s11], [sflag:$0x5] =	stream.indirect_vreg.gather @!p2 [hbm4b:s13+s10], $0x80, v8, vm3, $0xb8;
	[tilespmem:$0x1F480] =	vst v63  }
0xe9: {  	p0 =	por p2, p0;
	s11 =	simm.s32 @!p2 $0x6C00  }
0xea: {  	[tilespmem:s11], [sflag:$0x5] =	stream.indirect_vreg.gather @!p2 [hbm4b:s14+s10], $0x80, v8, vm3, $0xb8;
	[tilespmem:$0x1F480] =	vst v63  }
0xeb: {  	v8 =	vld @!p0 [tilespmem:$0x2010];
	_ =	sdelay $0x4  }
0xec: {  	vm3 =	vgt.s32 @!p0 v8, $0x0  }
0xed: {  	v8 =	vnsel @!p0 vm3, $0x0, v8  }
0xee: {  	v8 =	vmin.u32 @!p0 v8, $0x7FFF  }
0xef: {  	v9 =	vshll.u32 @!p0 v8, $0x3  }
0xf0: {  	v11 =	vlaneseq.u32 @!p0;
	v10 =	vand.u32 @!p0 $0x7, v8;
	v9 =	vand.u32 @!p0 $0x3FFC0, v9  }
0xf1: {  	v12 =	vshrl.u32 @!p0 v11, $0x3;
	v9 =	vor.u32 @!p0 v10, v9;
	v10 =	vand.u32 @!p0 $0x7, v11  }
0xf2: {  	v12 =	vmul.u32 @!p0 $0x8, v12;
	v10 =	vperm.xlane @!p0 v9, v10;
	_ =	sdelay $0x1  }
0xf3: {  	v10 =	vadd.s32 @!p0 v12, v10;
	_ =	sdelay $0x3  }
0xf4: {  	s10 =	simm.s32 @!p0 $0x0;
	s11 =	simm.s32 @!p0 $0x7400;
	vm3 =	vmmov @!p0 $0xffff;
	[tilespmem:$0x3180] =	vst @!p0 v8  }
0xf5: {  	v8 =	vor.u32 @!p0 $0x8, v11;
	[tilespmem:s11], [sflag:$0x6] =	stream.indirect_vreg.gather @!p0 [hbm4b:s0+s10], $0x80, v10, vm3, $0xb8;
	[tilespmem:$0x1F480] =	vst v63  }
0xf6: {  	v8 =	vperm.xlane @!p0 v9, v8;
	s11 =	simm.s32 @!p0 $0x7C00  }
0xf7: {  	[tilespmem:s11], [sflag:$0x6] =	stream.indirect_vreg.gather @!p0 [hbm4b:s12+s10], $0x80, v10, vm3, $0xb8;
	[tilespmem:$0x1F480] =	vst v63  }
0xf8: {  	v8 =	vadd.s32 @!p0 v12, v8;
	s11 =	simm.s32 @!p0 $0x8400  }
0xf9: {  	[tilespmem:s11], [sflag:$0x6] =	stream.indirect_vreg.gather @!p0 [hbm4b:s13+s10], $0x80, v10, vm3, $0xb8;
	[tilespmem:$0x1F480] =	vst v63  }
0xfa: {  	s11 =	simm.s32 @!p0 $0x8C00  }
0xfb: {  	[tilespmem:s11], [sflag:$0x6] =	stream.indirect_vreg.gather @!p0 [hbm4b:s14+s10], $0x80, v10, vm3, $0xb8;
	[tilespmem:$0x1F480] =	vst v63  }
0xfc: {  	s11 =	simm.s32 @!p0 $0x9400  }
0xfd: {  	[tilespmem:s11], [sflag:$0x6] =	stream.indirect_vreg.gather @!p0 [hbm4b:s0+s10], $0x80, v8, vm3, $0xb8;
	[tilespmem:$0x1F480] =	vst v63  }
0xfe: {  	s11 =	simm.s32 @!p0 $0x9C00  }
0xff: {  	[tilespmem:s11], [sflag:$0x6] =	stream.indirect_vreg.gather @!p0 [hbm4b:s12+s10], $0x80, v8, vm3, $0xb8;
	[tilespmem:$0x1F480] =	vst v63  }
0x100: {  	p1 =	slt.u32 @!p0 s1, $0x3;
	s11 =	simm.s32 @!p0 $0xA400  }
0x101: {  	[tilespmem:s11], [sflag:$0x6] =	stream.indirect_vreg.gather @!p0 [hbm4b:s13+s10], $0x80, v8, vm3, $0xb8;
	[tilespmem:$0x1F480] =	vst v63  }
0x102: {  	p4 =	por p0, p1;
	s11 =	simm.s32 @!p0 $0xAC00  }
0x103: {  	[tilespmem:s11], [sflag:$0x6] =	stream.indirect_vreg.gather @!p0 [hbm4b:s14+s10], $0x80, v8, vm3, $0xb8;
	[tilespmem:$0x1F480] =	vst v63  }
0x104: {  	v8 =	vld @!p4 [tilespmem:$0x2020];
	_ =	sdelay $0x4  }
0x105: {  	vm3 =	vgt.s32 @!p4 v8, $0x0  }
0x106: {  	v8 =	vnsel @!p4 vm3, $0x0, v8  }
0x107: {  	v8 =	vmin.u32 @!p4 v8, $0x7FFF  }
0x108: {  	v9 =	vshll.u32 @!p4 v8, $0x3  }
0x109: {  	v11 =	vlaneseq.u32 @!p4;
	v10 =	vand.u32 @!p4 $0x7, v8;
	v9 =	vand.u32 @!p4 $0x3FFC0, v9  }
0x10a: {  	v12 =	vshrl.u32 @!p4 v11, $0x3;
	v9 =	vor.u32 @!p4 v10, v9;
	v10 =	vand.u32 @!p4 $0x7, v11  }
0x10b: {  	v12 =	vmul.u32 @!p4 $0x8, v12;
	v10 =	vperm.xlane @!p4 v9, v10;
	_ =	sdelay $0x1  }
0x10c: {  	v10 =	vadd.s32 @!p4 v12, v10;
	_ =	sdelay $0x3  }
0x10d: {  	s10 =	simm.s32 @!p4 $0x0;
	s11 =	simm.s32 @!p4 $0xB400;
	vm3 =	vmmov @!p4 $0xffff;
	[tilespmem:$0x3200] =	vst @!p4 v8  }
0x10e: {  	v8 =	vor.u32 @!p4 $0x8, v11;
	[tilespmem:s11], [sflag:$0x7] =	stream.indirect_vreg.gather @!p4 [hbm4b:s0+s10], $0x80, v10, vm3, $0xb8;
	[tilespmem:$0x1F480] =	vst v63  }
0x10f: {  	v8 =	vperm.xlane @!p4 v9, v8;
	s11 =	simm.s32 @!p4 $0xBC00  }
0x110: {  	[tilespmem:s11], [sflag:$0x7] =	stream.indirect_vreg.gather @!p4 [hbm4b:s12+s10], $0x80, v10, vm3, $0xb8;
	[tilespmem:$0x1F480] =	vst v63  }
0x111: {  	v8 =	vadd.s32 @!p4 v12, v8;
	s11 =	simm.s32 @!p4 $0xC400  }
0x112: {  	[tilespmem:s11], [sflag:$0x7] =	stream.indirect_vreg.gather @!p4 [hbm4b:s13+s10], $0x80, v10, vm3, $0xb8;
	[tilespmem:$0x1F480] =	vst v63  }
0x113: {  	s11 =	simm.s32 @!p4 $0xCC00  }
0x114: {  	[tilespmem:s11], [sflag:$0x7] =	stream.indirect_vreg.gather @!p4 [hbm4b:s14+s10], $0x80, v10, vm3, $0xb8;
	[tilespmem:$0x1F480] =	vst v63  }
0x115: {  	s11 =	simm.s32 @!p4 $0xD400  }
0x116: {  	[tilespmem:s11], [sflag:$0x7] =	stream.indirect_vreg.gather @!p4 [hbm4b:s0+s10], $0x80, v8, vm3, $0xb8;
	[tilespmem:$0x1F480] =	vst v63  }
0x117: {  	s11 =	simm.s32 @!p4 $0xDC00  }
0x118: {  	[tilespmem:s11], [sflag:$0x7] =	stream.indirect_vreg.gather @!p4 [hbm4b:s12+s10], $0x80, v8, vm3, $0xb8;
	[tilespmem:$0x1F480] =	vst v63  }
0x119: {  	p1 =	seq.s32 @!p4 s1, $0x3;
	s11 =	simm.s32 @!p4 $0xE400  }
0x11a: {  	[tilespmem:s11], [sflag:$0x7] =	stream.indirect_vreg.gather @!p4 [hbm4b:s13+s10], $0x80, v8, vm3, $0xb8;
	[tilespmem:$0x1F480] =	vst v63  }
0x11b: {  	p1 =	por p4, p1;
	s11 =	simm.s32 @!p4 $0xEC00  }
0x11c: {  	[tilespmem:s11], [sflag:$0x7] =	stream.indirect_vreg.gather @!p4 [hbm4b:s14+s10], $0x80, v8, vm3, $0xb8;
	[tilespmem:$0x1F480] =	vst v63  }
0x11d: {  	v8 =	vld @!p1 [tilespmem:$0x2030];
	_ =	sdelay $0x4  }
0x11e: {  	vm3 =	vgt.s32 @!p1 v8, $0x0  }
0x11f: {  	v8 =	vnsel @!p1 vm3, $0x0, v8  }
0x120: {  	v8 =	vmin.u32 @!p1 v8, $0x7FFF  }
0x121: {  	v9 =	vshll.u32 @!p1 v8, $0x3  }
0x122: {  	v11 =	vlaneseq.u32 @!p1;
	v10 =	vand.u32 @!p1 $0x7, v8;
	v9 =	vand.u32 @!p1 $0x3FFC0, v9  }
0x123: {  	v12 =	vshrl.u32 @!p1 v11, $0x3;
	v9 =	vor.u32 @!p1 v10, v9;
	v10 =	vand.u32 @!p1 $0x7, v11  }
0x124: {  	v12 =	vmul.u32 @!p1 $0x8, v12;
	v10 =	vperm.xlane @!p1 v9, v10;
	_ =	sdelay $0x1  }
0x125: {  	v10 =	vadd.s32 @!p1 v12, v10;
	_ =	sdelay $0x3  }
0x126: {  	s10 =	simm.s32 @!p1 $0x0;
	s11 =	simm.s32 @!p1 $0xF400;
	vm3 =	vmmov @!p1 $0xffff;
	[tilespmem:$0x3280] =	vst @!p1 v8  }
0x127: {  	v8 =	vor.u32 @!p1 $0x8, v11;
	[tilespmem:s11], [sflag:$0x8] =	stream.indirect_vreg.gather @!p1 [hbm4b:s0+s10], $0x80, v10, vm3, $0xb8;
	[tilespmem:$0x1F480] =	vst v63  }
0x128: {  	v8 =	vperm.xlane @!p1 v9, v8;
	s11 =	simm.s32 @!p1 $0xFC00  }
0x129: {  	[tilespmem:s11], [sflag:$0x8] =	stream.indirect_vreg.gather @!p1 [hbm4b:s12+s10], $0x80, v10, vm3, $0xb8;
	[tilespmem:$0x1F480] =	vst v63  }
0x12a: {  	v8 =	vadd.s32 @!p1 v12, v8;
	s11 =	simm.s32 @!p1 $0x10400  }
0x12b: {  	[tilespmem:s11], [sflag:$0x8] =	stream.indirect_vreg.gather @!p1 [hbm4b:s13+s10], $0x80, v10, vm3, $0xb8;
	[tilespmem:$0x1F480] =	vst v63  }
0x12c: {  	s11 =	simm.s32 @!p1 $0x10C00  }
0x12d: {  	[tilespmem:s11], [sflag:$0x8] =	stream.indirect_vreg.gather @!p1 [hbm4b:s14+s10], $0x80, v10, vm3, $0xb8;
	[tilespmem:$0x1F480] =	vst v63  }
0x12e: {  	s11 =	simm.s32 @!p1 $0x11400  }
0x12f: {  	[tilespmem:s11], [sflag:$0x8] =	stream.indirect_vreg.gather @!p1 [hbm4b:s0+s10], $0x80, v8, vm3, $0xb8;
	[tilespmem:$0x1F480] =	vst v63  }
0x130: {  	p3 =	slt.u32 @!p1 s1, $0x5;
	s11 =	simm.s32 @!p1 $0x11C00  }
0x131: {  	[tilespmem:s11], [sflag:$0x8] =	stream.indirect_vreg.gather @!p1 [hbm4b:s12+s10], $0x80, v8, vm3, $0xb8;
	[tilespmem:$0x1F480] =	vst v63  }
0x132: {  	p3 =	por p1, p3;
	s11 =	simm.s32 @!p1 $0x12400  }
0x133: {  	[tilespmem:s11], [sflag:$0x8] =	stream.indirect_vreg.gather @!p1 [hbm4b:s13+s10], $0x80, v8, vm3, $0xb8;
	[tilespmem:$0x1F480] =	vst v63  }
.Ltmp9:
0x134: {  	s11 =	simm.s32 @!p1 $0x12C00;
	(pc) =	sbr.rel @p3 .LBB2_14-.Ltmp9, $4  }
0x135: {  	[tilespmem:s11], [sflag:$0x8] =	stream.indirect_vreg.gather @!p1 [hbm4b:s14+s10], $0x80, v8, vm3, $0xb8;
	[tilespmem:$0x1F480] =	vst v63  }
0x136: {  	s10 =	simm.s32 @!p2 $0x0  }
0x137: {  	s10 =	simm.s32 @p2 $0x1  }
0x138: {  	[smem:$0x7FB] =	sst s10  }
0x139: {  	v8 =	vld [tilespmem:$0x2040];
	_ =	sdelay $0x4  }
0x13a: {  	vm3 =	vgt.s32 v8, $0x0  }
0x13b: {  	v8 =	vnsel vm3, $0x0, v8  }
0x13c: {  	v8 =	vmin.u32 v8, $0x7FFF  }
0x13d: {  	v9 =	vshll.u32 v8, $0x3  }
0x13e: {  	v10 =	vand.u32 $0x7, v8;
	v9 =	vand.u32 $0x3FFC0, v9  }
0x13f: {  	v9 =	vor.u32 v10, v9  }
0x140: {  	v10 =	vperm.xlane v9, v3;
	_ =	sdelay $0x1  }
0x141: {  	v10 =	vadd.s32 v4, v10;
	_ =	sdelay $0x3  }
0x142: {  	s10 =	simm.s32 $0x13400;
	[tilespmem:$0x3300] =	vst v8  }
0x143: {  	[tilespmem:s10], [sflag:$0x9] =	stream.indirect_vreg.gather [hbm4b:s0+s7], $0x80, v10, vm2, $0xb8;
	[tilespmem:$0x1F480] =	vst v63  }
0x144: {  	s31 =	simm.s32 $0x13C00;
	v8 =	vperm.xlane v9, v5  }
0x145: {  	[tilespmem:s31], [sflag:$0x9] =	stream.indirect_vreg.gather [hbm4b:s12+s7], $0x80, v10, vm2, $0xb8;
	[tilespmem:$0x1F480] =	vst v63  }
0x146: {  	s11 =	simm.s32 $0x14400;
	v8 =	vadd.s32 v4, v8  }
0x147: {  	[tilespmem:s11], [sflag:$0x9] =	stream.indirect_vreg.gather [hbm4b:s13+s7], $0x80, v10, vm2, $0xb8;
	[tilespmem:$0x1F480] =	vst v63  }
0x148: {  	s15 =	simm.s32 $0x14C00  }
0x149: {  	[tilespmem:s15], [sflag:$0x9] =	stream.indirect_vreg.gather [hbm4b:s14+s7], $0x80, v10, vm2, $0xb8;
	[tilespmem:$0x1F480] =	vst v63  }
0x14a: {  	s17 =	simm.s32 $0x15400  }
0x14b: {  	[tilespmem:s17], [sflag:$0x9] =	stream.indirect_vreg.gather [hbm4b:s0+s7], $0x80, v8, vm2, $0xb8;
	[tilespmem:$0x1F480] =	vst v63  }
0x14c: {  	s19 =	simm.s32 $0x15C00  }
0x14d: {  	[tilespmem:s19], [sflag:$0x9] =	stream.indirect_vreg.gather [hbm4b:s12+s7], $0x80, v8, vm2, $0xb8;
	[tilespmem:$0x1F480] =	vst v63  }
0x14e: {  	s20 =	simm.s32 $0x16400  }
0x14f: {  	[tilespmem:s20], [sflag:$0x9] =	stream.indirect_vreg.gather [hbm4b:s13+s7], $0x80, v8, vm2, $0xb8;
	[tilespmem:$0x1F480] =	vst v63  }
0x150: {  	p1 =	seq.s32 s1, $0x5;
	s31 =	simm.s32 $0x16C00  }
0x151: {  	[tilespmem:s31], [sflag:$0x9] =	stream.indirect_vreg.gather [hbm4b:s14+s7], $0x80, v8, vm2, $0xb8;
	[tilespmem:$0x1F480] =	vst v63  }
0x152: {  	v8 =	vld @!p1 [tilespmem:$0x2050];
	_ =	sdelay $0x4  }
0x153: {  	vm3 =	vgt.s32 @!p1 v8, $0x0  }
0x154: {  	v8 =	vnsel @!p1 vm3, $0x0, v8  }
0x155: {  	v8 =	vmin.u32 @!p1 v8, $0x7FFF  }
0x156: {  	v9 =	vshll.u32 @!p1 v8, $0x3  }
0x157: {  	v11 =	vlaneseq.u32 @!p1;
	v10 =	vand.u32 @!p1 $0x7, v8;
	v9 =	vand.u32 @!p1 $0x3FFC0, v9  }
0x158: {  	v12 =	vshrl.u32 @!p1 v11, $0x3;
	v9 =	vor.u32 @!p1 v10, v9;
	v10 =	vand.u32 @!p1 $0x7, v11  }
0x159: {  	v12 =	vmul.u32 @!p1 $0x8, v12;
	v10 =	vperm.xlane @!p1 v9, v10;
	_ =	sdelay $0x1  }
0x15a: {  	v10 =	vadd.s32 @!p1 v12, v10;
	_ =	sdelay $0x3  }
0x15b: {  	s10 =	simm.s32 @!p1 $0x0;
	s11 =	simm.s32 @!p1 $0x17400;
	vm3 =	vmmov @!p1 $0xffff;
	[tilespmem:$0x3380] =	vst @!p1 v8  }
0x15c: {  	v8 =	vor.u32 @!p1 $0x8, v11;
	[tilespmem:s11], [sflag:$0xA] =	stream.indirect_vreg.gather @!p1 [hbm4b:s0+s10], $0x80, v10, vm3, $0xb8;
	[tilespmem:$0x1F480] =	vst v63  }
0x15d: {  	v8 =	vperm.xlane @!p1 v9, v8;
	s11 =	simm.s32 @!p1 $0x17C00  }
0x15e: {  	[tilespmem:s11], [sflag:$0xA] =	stream.indirect_vreg.gather @!p1 [hbm4b:s12+s10], $0x80, v10, vm3, $0xb8;
	[tilespmem:$0x1F480] =	vst v63  }
0x15f: {  	v8 =	vadd.s32 @!p1 v12, v8;
	s11 =	simm.s32 @!p1 $0x18400  }
0x160: {  	[tilespmem:s11], [sflag:$0xA] =	stream.indirect_vreg.gather @!p1 [hbm4b:s13+s10], $0x80, v10, vm3, $0xb8;
	[tilespmem:$0x1F480] =	vst v63  }
0x161: {  	s11 =	simm.s32 @!p1 $0x18C00  }
0x162: {  	[tilespmem:s11], [sflag:$0xA] =	stream.indirect_vreg.gather @!p1 [hbm4b:s14+s10], $0x80, v10, vm3, $0xb8;
	[tilespmem:$0x1F480] =	vst v63  }
0x163: {  	s11 =	simm.s32 @!p1 $0x19400  }
0x164: {  	[tilespmem:s11], [sflag:$0xA] =	stream.indirect_vreg.gather @!p1 [hbm4b:s0+s10], $0x80, v8, vm3, $0xb8;
	[tilespmem:$0x1F480] =	vst v63  }
0x165: {  	p4 =	por $0x0, $0x0;
	p3 =	por $0x1, $0x1;
	s11 =	simm.s32 @!p1 $0x19C00  }
0x166: {  	[tilespmem:s11], [sflag:$0xA] =	stream.indirect_vreg.gather @!p1 [hbm4b:s12+s10], $0x80, v8, vm3, $0xb8;
	[tilespmem:$0x1F480] =	vst v63  }
0x167: {  	p5 =	por $0x1, $0x1;
	p0 =	por @!p1 $0x1, $0x1;
	s11 =	simm.s32 @!p1 $0x1A400  }
0x168: {  	[tilespmem:s11], [sflag:$0xA] =	stream.indirect_vreg.gather @!p1 [hbm4b:s13+s10], $0x80, v8, vm3, $0xb8;
	[tilespmem:$0x1F480] =	vst v63  }
.Ltmp10:
0x169: {  	p3 =	por @!p1 p0, p0;
	s11 =	simm.s32 @!p1 $0x1AC00;
	(pc) =	sbr.rel .LBB2_16-.Ltmp10, $4  }
0x16a: {  	[tilespmem:s11], [sflag:$0xA] =	stream.indirect_vreg.gather @!p1 [hbm4b:s14+s10], $0x80, v8, vm3, $0xb8;
	[tilespmem:$0x1F480] =	vst v63  }
0x16b: {  	p6 =	por $0x1, $0x1;
	p4 =	por @!p1 p0, p0;
	s10 =	simm.s32 @!p3 $0x0  }
0x16c: {  	p5 =	por @!p1 p0, p0;
	s10 =	simm.s32 @p3 $0x1;
	p3 =	por $0x1, $0x1  }
0x16d: {  	p6 =	por @!p1 p0, p0;
	[smem:$0x7FA] =	sst s10;
	p3 =	por @!p1 p0, p0  }
.LBB2_14:
0x16e: {  	p3 =	por @!p2 $0x0, $0x0;
	p5 =	por $0x0, $0x0  }
0x16f: {  	p5 =	por @!p2 p3, p3  }
0x170: {  	p3 =	por @!p0 $0x0, $0x0;
	p6 =	por p5, p5  }
0x171: {  	p6 =	por @!p0 p3, p3  }
0x172: {  	s10 =	simm.s32 @!p6 $0x0  }
0x173: {  	s10 =	simm.s32 @p6 $0x1  }
0x174: {  	[smem:$0x7F9] =	sst s10  }
0x175: {  	s10 =	sld [smem:$0x7F9];
	_ =	sdelay $0x1  }
0x176: {  	p2 =	por @!p4 $0x1, $0x1;
	p3 =	por @!p0 $0x1, $0x1  }
0x177: {  	p5 =	por @!p0 p3, p3;
	p0 =	por @!p4 $0x0, $0x0;
	p3 =	seq.s32 s10, $0x1  }
0x178: {  	p6 =	por @!p4 p2, p2;
	p3 =	por @!p4 p0, p0;
	p0 =	por @!p4 $0x1, $0x1  }
0x179: {  	p5 =	por @!p4 p0, p0;
	p0 =	por p3, p3;
	p4 =	por @!p1 $0x1, $0x1  }
0x17a: {  	p0 =	por @!p1 p4, p4  }
0x17b: {  	s10 =	simm.s32 @!p0 $0x0  }
0x17c: {  	p4 =	por @!p1 $0x0, $0x0;
	s10 =	simm.s32 @p0 $0x1;
	p0 =	por @!p1 $0x1, $0x1  }
0x17d: {  	p5 =	por @!p1 p0, p0;
	p6 =	por @!p1 p0, p0;
	p0 =	por p3, p3  }
0x17e: {  	p0 =	por @!p1 p4, p4  }
0x17f: {  	[smem:$0x7FA] =	sst s10;
	p3 =	por @!p1 p4, p4;
	p4 =	por p0, p0  }
.LBB2_16:
0x180: {  	s10 =	sadd.s32 $0x5, s1  }
0x181: {  	s11 =	smulhi.u32 $0x2AAAAAAB, s10;
	s10 =	sshra.s32 s10, $0x1F  }
0x182: {  	s10 =	smul.u32 $0x2AAAAAAB, s10;
	_ =	sdelay $0x1  }
0x183: {  	s10 =	sadd.s32 s10, s11  }
0x184: {  	s11 =	sshrl.u32 s10, $0x1F  }
0x185: {  	s10 =	sadd.s32 s11, s10  }
0x186: {  	s11 =	smul.u32 $0xFFFFFFFA, s10  }
0x187: {  	s15 =	ssub.s32 $0xFFFFFFFB, s1  }
0x188: {  	p0 =	slt.s32 s1, $0xFFFFFFFC;
	p1 =	sne.s32 s11, s15  }
0x189: {  	p0 =	por !p0, !p1  }
0x18a: {  	s11 =	simm.s32 $0x1;
	p0 =	por !p0, !p0  }
0x18b: {  	s11 =	simm.s32 @!p0 $0x0  }
0x18c: {  	s10 =	ssub.s32 s10, s11  }
0x18d: {  	p0 =	slt.s32 s10, $0x1  }
.Ltmp11:
0x18e: {  	_ = 	snop;
	(pc) =	sbr.rel @p0 .LBB2_19-.Ltmp11, $1  }
0x18f: {  	_ =	sdelay $0x3  }
0x190: {  	s11 =	simm.s32 $0xB;
	s15 =	simm.s32 $0x20B0;
	s17 =	smov.u32 s16  }
.LBB2_18:
0x191: {  	s19 =	sadd.s32 $0xFFFFFFF5, s11  }
0x192: {  	p0 =	sge.s32 s19, s1  }
0x193: {  	s19 =	simm.s32 @!p0 $0x5  }
0x194: {  	_ =	swait.ge @!p0 [sflag:s19], $0x4000  }
0x195: {  	[sflag:s19] =	ssyncset.done @!p0 $0x0  }
0x196: {  	[sflag:s19] =	ssyncadd.s32 @!p0 $0xFFFFC000;
	s19 =	sshrl.u32 @!p0 s17, $0x3  }
0x197: {  	s31 =	simm.s32 @!p0 $0x0;
	s20 =	simm.s32 @!p0 $0x3400;
	s19 =	sadd.s32 @!p0 s5, s19  }
0x198: {  	[hbm4b:s19+s31] =	stream.linear.scatter @!p0 [tilespmem:s20], [sflag:$0xB], $0x4000, $0x38;
	[tilespmem:$0x1F480] =	vst v63  }
0x199: {  	s20 =	sadd.s32 $0xFFFFFFF6, s11  }
0x19a: {  	p0 =	sge.s32 s20, s1  }
0x19b: {  	s19 =	simm.s32 @!p0 $0x6  }
0x19c: {  	_ =	swait.ge @!p0 [sflag:s19], $0x4000  }
0x19d: {  	s20 =	sadd.s32 @!p0 $0x4000, s17;
	[sflag:s19] =	ssyncset.done @!p0 $0x0  }
0x19e: {  	[sflag:s19] =	ssyncadd.s32 @!p0 $0xFFFFC000;
	s19 =	sshrl.u32 @!p0 s20, $0x3  }
0x19f: {  	s31 =	simm.s32 @!p0 $0x7400;
	s20 =	simm.s32 @!p0 $0x0;
	s19 =	sadd.s32 @!p0 s5, s19  }
0x1a0: {  	[hbm4b:s19+s20] =	stream.linear.scatter @!p0 [tilespmem:s31], [sflag:$0xC], $0x4000, $0x38;
	[tilespmem:$0x1F480] =	vst v63  }
0x1a1: {  	s31 =	sadd.s32 $0xFFFFFFF7, s11  }
0x1a2: {  	p0 =	sge.s32 s31, s1  }
0x1a3: {  	s19 =	simm.s32 @!p0 $0x7  }
0x1a4: {  	_ =	swait.ge @!p0 [sflag:s19], $0x4000  }
0x1a5: {  	s20 =	sadd.s32 @!p0 $0x8000, s17;
	[sflag:s19] =	ssyncset.done @!p0 $0x0  }
0x1a6: {  	[sflag:s19] =	ssyncadd.s32 @!p0 $0xFFFFC000;
	s19 =	sshrl.u32 @!p0 s20, $0x3  }
0x1a7: {  	s31 =	simm.s32 @!p0 $0xB400;
	s20 =	simm.s32 @!p0 $0x0;
	s19 =	sadd.s32 @!p0 s5, s19  }
0x1a8: {  	[hbm4b:s19+s20] =	stream.linear.scatter @!p0 [tilespmem:s31], [sflag:$0xD], $0x4000, $0x38;
	[tilespmem:$0x1F480] =	vst v63  }
0x1a9: {  	s20 =	sadd.s32 $0xFFFFFFF8, s11  }
0x1aa: {  	p0 =	sge.s32 s20, s1  }
0x1ab: {  	s19 =	simm.s32 @!p0 $0x8  }
0x1ac: {  	_ =	swait.ge @!p0 [sflag:s19], $0x4000  }
0x1ad: {  	s20 =	sadd.s32 @!p0 $0xC000, s17;
	[sflag:s19] =	ssyncset.done @!p0 $0x0  }
0x1ae: {  	[sflag:s19] =	ssyncadd.s32 @!p0 $0xFFFFC000;
	s19 =	sshrl.u32 @!p0 s20, $0x3  }
0x1af: {  	s31 =	simm.s32 @!p0 $0xF400;
	s20 =	simm.s32 @!p0 $0x0;
	s19 =	sadd.s32 @!p0 s5, s19  }
0x1b0: {  	[hbm4b:s19+s20] =	stream.linear.scatter @!p0 [tilespmem:s31], [sflag:$0xE], $0x4000, $0x38;
	[tilespmem:$0x1F480] =	vst v63  }
0x1b1: {  	s31 =	sadd.s32 $0xFFFFFFF9, s11  }
0x1b2: {  	p0 =	sge.s32 s31, s1  }
0x1b3: {  	s19 =	simm.s32 @!p0 $0x9  }
0x1b4: {  	_ =	swait.ge @!p0 [sflag:s19], $0x4000  }
0x1b5: {  	s20 =	sadd.s32 @!p0 $0x10000, s17;
	[sflag:s19] =	ssyncset.done @!p0 $0x0  }
0x1b6: {  	[sflag:s19] =	ssyncadd.s32 @!p0 $0xFFFFC000;
	s19 =	sshrl.u32 @!p0 s20, $0x3  }
0x1b7: {  	s31 =	simm.s32 @!p0 $0x13400;
	s20 =	simm.s32 @!p0 $0x0;
	s19 =	sadd.s32 @!p0 s5, s19  }
0x1b8: {  	[hbm4b:s19+s20] =	stream.linear.scatter @!p0 [tilespmem:s31], [sflag:$0xF], $0x4000, $0x38;
	[tilespmem:$0x1F480] =	vst v63  }
0x1b9: {  	s20 =	sadd.s32 $0xFFFFFFFA, s11  }
0x1ba: {  	p0 =	sge.s32 s20, s1  }
0x1bb: {  	s19 =	simm.s32 @!p0 $0xA  }
0x1bc: {  	_ =	swait.ge @!p0 [sflag:s19], $0x4000  }
0x1bd: {  	s20 =	sadd.s32 @!p0 $0x14000, s17;
	[sflag:s19] =	ssyncset.done @!p0 $0x0  }
0x1be: {  	[sflag:s19] =	ssyncadd.s32 @!p0 $0xFFFFC000;
	s19 =	sshrl.u32 @!p0 s20, $0x3  }
0x1bf: {  	s31 =	simm.s32 @!p0 $0x17400;
	s20 =	simm.s32 @!p0 $0x0;
	s19 =	sadd.s32 @!p0 s5, s19  }
0x1c0: {  	[hbm4b:s19+s20] =	stream.linear.scatter @!p0 [tilespmem:s31], [sflag:$0x10], $0x4000, $0x38;
	[tilespmem:$0x1F480] =	vst v63  }
0x1c1: {  	s31 =	sadd.s32 $0xFFFFFFFB, s11  }
0x1c2: {  	p1 =	sge.s32 s31, s1  }
0x1c3: {  	s19 =	simm.s32 @!p1 $0xB  }
0x1c4: {  	_ =	swait.ge @!p1 [sflag:s19], $0x4000  }
0x1c5: {  	[sflag:s19] =	ssyncset.done @!p1 $0x0  }
0x1c6: {  	[sflag:s19] =	ssyncadd.s32 @!p1 $0xFFFFC000  }
0x1c7: {  	v8 =	vld @!p1 [tilespmem:s15+$0xFFFFFFB0];
	_ =	sdelay $0x4  }
0x1c8: {  	vm3 =	vgt.s32 @!p1 v8, $0x0  }
0x1c9: {  	v8 =	vnsel @!p1 vm3, $0x0, v8  }
0x1ca: {  	v8 =	vmin.u32 @!p1 v8, $0x7FFF  }
0x1cb: {  	v9 =	vshll.u32 @!p1 v8, $0x3  }
0x1cc: {  	v11 =	vlaneseq.u32 @!p1;
	v10 =	vand.u32 @!p1 $0x7, v8;
	v9 =	vand.u32 @!p1 $0x3FFC0, v9  }
0x1cd: {  	v12 =	vshrl.u32 @!p1 v11, $0x3;
	v9 =	vor.u32 @!p1 v10, v9;
	v10 =	vand.u32 @!p1 $0x7, v11  }
0x1ce: {  	v12 =	vmul.u32 @!p1 $0x8, v12;
	v10 =	vperm.xlane @!p1 v9, v10;
	_ =	sdelay $0x1  }
0x1cf: {  	v10 =	vadd.s32 @!p1 v12, v10;
	_ =	sdelay $0x3  }
0x1d0: {  	s20 =	simm.s32 @!p1 $0x3400;
	s19 =	simm.s32 @!p1 $0x0;
	vm3 =	vmmov @!p1 $0xffff;
	[tilespmem:$0x3100] =	vst @!p1 v8  }
0x1d1: {  	v8 =	vor.u32 @!p1 $0x8, v11;
	[tilespmem:s20], [sflag:$0x5] =	stream.indirect_vreg.gather @!p1 [hbm4b:s0+s19], $0x80, v10, vm3, $0xb8;
	[tilespmem:$0x1F480] =	vst v63  }
0x1d2: {  	v8 =	vperm.xlane @!p1 v9, v8;
	s20 =	simm.s32 @!p1 $0x3C00  }
0x1d3: {  	[tilespmem:s20], [sflag:$0x5] =	stream.indirect_vreg.gather @!p1 [hbm4b:s12+s19], $0x80, v10, vm3, $0xb8;
	[tilespmem:$0x1F480] =	vst v63  }
0x1d4: {  	v8 =	vadd.s32 @!p1 v12, v8;
	s20 =	simm.s32 @!p1 $0x4400  }
0x1d5: {  	[tilespmem:s20], [sflag:$0x5] =	stream.indirect_vreg.gather @!p1 [hbm4b:s13+s19], $0x80, v10, vm3, $0xb8;
	[tilespmem:$0x1F480] =	vst v63  }
0x1d6: {  	s20 =	simm.s32 @!p1 $0x4C00  }
0x1d7: {  	[tilespmem:s20], [sflag:$0x5] =	stream.indirect_vreg.gather @!p1 [hbm4b:s14+s19], $0x80, v10, vm3, $0xb8;
	[tilespmem:$0x1F480] =	vst v63  }
0x1d8: {  	s20 =	simm.s32 @!p1 $0x5400  }
0x1d9: {  	[tilespmem:s20], [sflag:$0x5] =	stream.indirect_vreg.gather @!p1 [hbm4b:s0+s19], $0x80, v8, vm3, $0xb8;
	[tilespmem:$0x1F480] =	vst v63  }
0x1da: {  	s20 =	simm.s32 @!p1 $0x5C00  }
0x1db: {  	[tilespmem:s20], [sflag:$0x5] =	stream.indirect_vreg.gather @!p1 [hbm4b:s12+s19], $0x80, v8, vm3, $0xb8;
	[tilespmem:$0x1F480] =	vst v63  }
0x1dc: {  	s20 =	simm.s32 @!p1 $0x6400  }
0x1dd: {  	[tilespmem:s20], [sflag:$0x5] =	stream.indirect_vreg.gather @!p1 [hbm4b:s13+s19], $0x80, v8, vm3, $0xb8;
	[tilespmem:$0x1F480] =	vst v63  }
0x1de: {  	s20 =	simm.s32 @!p1 $0x6C00  }
0x1df: {  	[tilespmem:s20], [sflag:$0x5] =	stream.indirect_vreg.gather @!p1 [hbm4b:s14+s19], $0x80, v8, vm3, $0xb8;
	[tilespmem:$0x1F480] =	vst v63  }
0x1e0: {  	s20 =	sadd.s32 $0xFFFFFFFC, s11  }
0x1e1: {  	p1 =	sge.s32 s20, s1  }
0x1e2: {  	s19 =	simm.s32 @!p1 $0xC  }
0x1e3: {  	_ =	swait.ge @!p1 [sflag:s19], $0x4000  }
0x1e4: {  	[sflag:s19] =	ssyncset.done @!p1 $0x0  }
0x1e5: {  	[sflag:s19] =	ssyncadd.s32 @!p1 $0xFFFFC000  }
0x1e6: {  	v8 =	vld @!p1 [tilespmem:s15+$0xFFFFFFC0];
	_ =	sdelay $0x4  }
0x1e7: {  	vm3 =	vgt.s32 @!p1 v8, $0x0  }
0x1e8: {  	v8 =	vnsel @!p1 vm3, $0x0, v8  }
0x1e9: {  	v8 =	vmin.u32 @!p1 v8, $0x7FFF  }
0x1ea: {  	v9 =	vshll.u32 @!p1 v8, $0x3  }
0x1eb: {  	v11 =	vlaneseq.u32 @!p1;
	v10 =	vand.u32 @!p1 $0x7, v8;
	v9 =	vand.u32 @!p1 $0x3FFC0, v9  }
0x1ec: {  	v12 =	vshrl.u32 @!p1 v11, $0x3;
	v9 =	vor.u32 @!p1 v10, v9;
	v10 =	vand.u32 @!p1 $0x7, v11  }
0x1ed: {  	v12 =	vmul.u32 @!p1 $0x8, v12;
	v10 =	vperm.xlane @!p1 v9, v10;
	_ =	sdelay $0x1  }
0x1ee: {  	v10 =	vadd.s32 @!p1 v12, v10;
	_ =	sdelay $0x3  }
0x1ef: {  	s20 =	simm.s32 @!p1 $0x7400;
	s19 =	simm.s32 @!p1 $0x0;
	vm3 =	vmmov @!p1 $0xffff;
	[tilespmem:$0x3180] =	vst @!p1 v8  }
0x1f0: {  	v8 =	vor.u32 @!p1 $0x8, v11;
	[tilespmem:s20], [sflag:$0x6] =	stream.indirect_vreg.gather @!p1 [hbm4b:s0+s19], $0x80, v10, vm3, $0xb8;
	[tilespmem:$0x1F480] =	vst v63  }
0x1f1: {  	v8 =	vperm.xlane @!p1 v9, v8;
	s20 =	simm.s32 @!p1 $0x7C00  }
0x1f2: {  	[tilespmem:s20], [sflag:$0x6] =	stream.indirect_vreg.gather @!p1 [hbm4b:s12+s19], $0x80, v10, vm3, $0xb8;
	[tilespmem:$0x1F480] =	vst v63  }
0x1f3: {  	v8 =	vadd.s32 @!p1 v12, v8;
	s20 =	simm.s32 @!p1 $0x8400  }
0x1f4: {  	[tilespmem:s20], [sflag:$0x6] =	stream.indirect_vreg.gather @!p1 [hbm4b:s13+s19], $0x80, v10, vm3, $0xb8;
	[tilespmem:$0x1F480] =	vst v63  }
0x1f5: {  	s20 =	simm.s32 @!p1 $0x8C00  }
0x1f6: {  	[tilespmem:s20], [sflag:$0x6] =	stream.indirect_vreg.gather @!p1 [hbm4b:s14+s19], $0x80, v10, vm3, $0xb8;
	[tilespmem:$0x1F480] =	vst v63  }
0x1f7: {  	s20 =	simm.s32 @!p1 $0x9400  }
0x1f8: {  	[tilespmem:s20], [sflag:$0x6] =	stream.indirect_vreg.gather @!p1 [hbm4b:s0+s19], $0x80, v8, vm3, $0xb8;
	[tilespmem:$0x1F480] =	vst v63  }
0x1f9: {  	s20 =	simm.s32 @!p1 $0x9C00  }
0x1fa: {  	[tilespmem:s20], [sflag:$0x6] =	stream.indirect_vreg.gather @!p1 [hbm4b:s12+s19], $0x80, v8, vm3, $0xb8;
	[tilespmem:$0x1F480] =	vst v63  }
0x1fb: {  	s20 =	simm.s32 @!p1 $0xA400  }
0x1fc: {  	[tilespmem:s20], [sflag:$0x6] =	stream.indirect_vreg.gather @!p1 [hbm4b:s13+s19], $0x80, v8, vm3, $0xb8;
	[tilespmem:$0x1F480] =	vst v63  }
0x1fd: {  	s31 =	sadd.s32 $0xFFFFFFFD, s11;
	s20 =	simm.s32 @!p1 $0xAC00  }
0x1fe: {  	[tilespmem:s20], [sflag:$0x6] =	stream.indirect_vreg.gather @!p1 [hbm4b:s14+s19], $0x80, v8, vm3, $0xb8;
	[tilespmem:$0x1F480] =	vst v63  }
0x1ff: {  	p1 =	sge.s32 s31, s1  }
0x200: {  	s19 =	simm.s32 @!p1 $0xD  }
0x201: {  	_ =	swait.ge @!p1 [sflag:s19], $0x4000  }
0x202: {  	[sflag:s19] =	ssyncset.done @!p1 $0x0  }
0x203: {  	[sflag:s19] =	ssyncadd.s32 @!p1 $0xFFFFC000  }
0x204: {  	v8 =	vld @!p1 [tilespmem:s15+$0xFFFFFFD0];
	_ =	sdelay $0x4  }
0x205: {  	vm3 =	vgt.s32 @!p1 v8, $0x0  }
0x206: {  	v8 =	vnsel @!p1 vm3, $0x0, v8  }
0x207: {  	v8 =	vmin.u32 @!p1 v8, $0x7FFF  }
0x208: {  	v9 =	vshll.u32 @!p1 v8, $0x3  }
0x209: {  	v11 =	vlaneseq.u32 @!p1;
	v10 =	vand.u32 @!p1 $0x7, v8;
	v9 =	vand.u32 @!p1 $0x3FFC0, v9  }
0x20a: {  	v12 =	vshrl.u32 @!p1 v11, $0x3;
	v9 =	vor.u32 @!p1 v10, v9;
	v10 =	vand.u32 @!p1 $0x7, v11  }
0x20b: {  	v12 =	vmul.u32 @!p1 $0x8, v12;
	v10 =	vperm.xlane @!p1 v9, v10;
	_ =	sdelay $0x1  }
0x20c: {  	v10 =	vadd.s32 @!p1 v12, v10;
	_ =	sdelay $0x3  }
0x20d: {  	s20 =	simm.s32 @!p1 $0xB400;
	s19 =	simm.s32 @!p1 $0x0;
	vm3 =	vmmov @!p1 $0xffff;
	[tilespmem:$0x3200] =	vst @!p1 v8  }
0x20e: {  	v8 =	vor.u32 @!p1 $0x8, v11;
	[tilespmem:s20], [sflag:$0x7] =	stream.indirect_vreg.gather @!p1 [hbm4b:s0+s19], $0x80, v10, vm3, $0xb8;
	[tilespmem:$0x1F480] =	vst v63  }
0x20f: {  	v8 =	vperm.xlane @!p1 v9, v8;
	s20 =	simm.s32 @!p1 $0xBC00  }
0x210: {  	[tilespmem:s20], [sflag:$0x7] =	stream.indirect_vreg.gather @!p1 [hbm4b:s12+s19], $0x80, v10, vm3, $0xb8;
	[tilespmem:$0x1F480] =	vst v63  }
0x211: {  	v8 =	vadd.s32 @!p1 v12, v8;
	s20 =	simm.s32 @!p1 $0xC400  }
0x212: {  	[tilespmem:s20], [sflag:$0x7] =	stream.indirect_vreg.gather @!p1 [hbm4b:s13+s19], $0x80, v10, vm3, $0xb8;
	[tilespmem:$0x1F480] =	vst v63  }
0x213: {  	s20 =	simm.s32 @!p1 $0xCC00  }
0x214: {  	[tilespmem:s20], [sflag:$0x7] =	stream.indirect_vreg.gather @!p1 [hbm4b:s14+s19], $0x80, v10, vm3, $0xb8;
	[tilespmem:$0x1F480] =	vst v63  }
0x215: {  	s20 =	simm.s32 @!p1 $0xD400  }
0x216: {  	[tilespmem:s20], [sflag:$0x7] =	stream.indirect_vreg.gather @!p1 [hbm4b:s0+s19], $0x80, v8, vm3, $0xb8;
	[tilespmem:$0x1F480] =	vst v63  }
0x217: {  	s20 =	simm.s32 @!p1 $0xDC00  }
0x218: {  	[tilespmem:s20], [sflag:$0x7] =	stream.indirect_vreg.gather @!p1 [hbm4b:s12+s19], $0x80, v8, vm3, $0xb8;
	[tilespmem:$0x1F480] =	vst v63  }
0x219: {  	s20 =	simm.s32 @!p1 $0xE400  }
0x21a: {  	[tilespmem:s20], [sflag:$0x7] =	stream.indirect_vreg.gather @!p1 [hbm4b:s13+s19], $0x80, v8, vm3, $0xb8;
	[tilespmem:$0x1F480] =	vst v63  }
0x21b: {  	s20 =	simm.s32 @!p1 $0xEC00  }
0x21c: {  	[tilespmem:s20], [sflag:$0x7] =	stream.indirect_vreg.gather @!p1 [hbm4b:s14+s19], $0x80, v8, vm3, $0xb8;
	[tilespmem:$0x1F480] =	vst v63  }
0x21d: {  	s20 =	sadd.s32 $0xFFFFFFFE, s11  }
0x21e: {  	p1 =	sge.s32 s20, s1  }
0x21f: {  	s19 =	simm.s32 @!p1 $0xE  }
0x220: {  	_ =	swait.ge @!p1 [sflag:s19], $0x4000  }
0x221: {  	[sflag:s19] =	ssyncset.done @!p1 $0x0  }
0x222: {  	[sflag:s19] =	ssyncadd.s32 @!p1 $0xFFFFC000  }
0x223: {  	v8 =	vld @!p1 [tilespmem:s15+$0xFFFFFFE0];
	_ =	sdelay $0x4  }
0x224: {  	vm3 =	vgt.s32 @!p1 v8, $0x0  }
0x225: {  	v8 =	vnsel @!p1 vm3, $0x0, v8  }
0x226: {  	v8 =	vmin.u32 @!p1 v8, $0x7FFF  }
0x227: {  	v9 =	vshll.u32 @!p1 v8, $0x3  }
0x228: {  	v11 =	vlaneseq.u32 @!p1;
	v10 =	vand.u32 @!p1 $0x7, v8;
	v9 =	vand.u32 @!p1 $0x3FFC0, v9  }
0x229: {  	v12 =	vshrl.u32 @!p1 v11, $0x3;
	v9 =	vor.u32 @!p1 v10, v9;
	v10 =	vand.u32 @!p1 $0x7, v11  }
0x22a: {  	v12 =	vmul.u32 @!p1 $0x8, v12;
	v10 =	vperm.xlane @!p1 v9, v10;
	_ =	sdelay $0x1  }
0x22b: {  	v10 =	vadd.s32 @!p1 v12, v10;
	_ =	sdelay $0x3  }
0x22c: {  	s20 =	simm.s32 @!p1 $0xF400;
	s19 =	simm.s32 @!p1 $0x0;
	vm3 =	vmmov @!p1 $0xffff;
	[tilespmem:$0x3280] =	vst @!p1 v8  }
0x22d: {  	v8 =	vor.u32 @!p1 $0x8, v11;
	[tilespmem:s20], [sflag:$0x8] =	stream.indirect_vreg.gather @!p1 [hbm4b:s0+s19], $0x80, v10, vm3, $0xb8;
	[tilespmem:$0x1F480] =	vst v63  }
0x22e: {  	v8 =	vperm.xlane @!p1 v9, v8;
	s20 =	simm.s32 @!p1 $0xFC00  }
0x22f: {  	[tilespmem:s20], [sflag:$0x8] =	stream.indirect_vreg.gather @!p1 [hbm4b:s12+s19], $0x80, v10, vm3, $0xb8;
	[tilespmem:$0x1F480] =	vst v63  }
0x230: {  	v8 =	vadd.s32 @!p1 v12, v8;
	s20 =	simm.s32 @!p1 $0x10400  }
0x231: {  	[tilespmem:s20], [sflag:$0x8] =	stream.indirect_vreg.gather @!p1 [hbm4b:s13+s19], $0x80, v10, vm3, $0xb8;
	[tilespmem:$0x1F480] =	vst v63  }
0x232: {  	s20 =	simm.s32 @!p1 $0x10C00  }
0x233: {  	[tilespmem:s20], [sflag:$0x8] =	stream.indirect_vreg.gather @!p1 [hbm4b:s14+s19], $0x80, v10, vm3, $0xb8;
	[tilespmem:$0x1F480] =	vst v63  }
0x234: {  	s20 =	simm.s32 @!p1 $0x11400  }
0x235: {  	[tilespmem:s20], [sflag:$0x8] =	stream.indirect_vreg.gather @!p1 [hbm4b:s0+s19], $0x80, v8, vm3, $0xb8;
	[tilespmem:$0x1F480] =	vst v63  }
0x236: {  	s20 =	simm.s32 @!p1 $0x11C00  }
0x237: {  	[tilespmem:s20], [sflag:$0x8] =	stream.indirect_vreg.gather @!p1 [hbm4b:s12+s19], $0x80, v8, vm3, $0xb8;
	[tilespmem:$0x1F480] =	vst v63  }
0x238: {  	s20 =	simm.s32 @!p1 $0x12400  }
0x239: {  	[tilespmem:s20], [sflag:$0x8] =	stream.indirect_vreg.gather @!p1 [hbm4b:s13+s19], $0x80, v8, vm3, $0xb8;
	[tilespmem:$0x1F480] =	vst v63  }
0x23a: {  	s31 =	sadd.s32 $0xFFFFFFFF, s11;
	s20 =	simm.s32 @!p1 $0x12C00  }
0x23b: {  	[tilespmem:s20], [sflag:$0x8] =	stream.indirect_vreg.gather @!p1 [hbm4b:s14+s19], $0x80, v8, vm3, $0xb8;
	[tilespmem:$0x1F480] =	vst v63  }
0x23c: {  	p1 =	sge.s32 s31, s1  }
0x23d: {  	s19 =	simm.s32 @!p1 $0xF  }
0x23e: {  	_ =	swait.ge @!p1 [sflag:s19], $0x4000  }
0x23f: {  	[sflag:s19] =	ssyncset.done @!p1 $0x0  }
0x240: {  	[sflag:s19] =	ssyncadd.s32 @!p1 $0xFFFFC000  }
0x241: {  	v8 =	vld @!p1 [tilespmem:s15+$0xFFFFFFF0];
	_ =	sdelay $0x4  }
0x242: {  	vm3 =	vgt.s32 @!p1 v8, $0x0  }
0x243: {  	v8 =	vnsel @!p1 vm3, $0x0, v8  }
0x244: {  	v8 =	vmin.u32 @!p1 v8, $0x7FFF  }
0x245: {  	v9 =	vshll.u32 @!p1 v8, $0x3  }
0x246: {  	v11 =	vlaneseq.u32 @!p1;
	v10 =	vand.u32 @!p1 $0x7, v8;
	v9 =	vand.u32 @!p1 $0x3FFC0, v9  }
0x247: {  	v12 =	vshrl.u32 @!p1 v11, $0x3;
	v9 =	vor.u32 @!p1 v10, v9;
	v10 =	vand.u32 @!p1 $0x7, v11  }
0x248: {  	v12 =	vmul.u32 @!p1 $0x8, v12;
	v10 =	vperm.xlane @!p1 v9, v10;
	_ =	sdelay $0x1  }
0x249: {  	v10 =	vadd.s32 @!p1 v12, v10;
	_ =	sdelay $0x3  }
0x24a: {  	s20 =	simm.s32 @!p1 $0x13400;
	s19 =	simm.s32 @!p1 $0x0;
	vm3 =	vmmov @!p1 $0xffff;
	[tilespmem:$0x3300] =	vst @!p1 v8  }
0x24b: {  	v8 =	vor.u32 @!p1 $0x8, v11;
	[tilespmem:s20], [sflag:$0x9] =	stream.indirect_vreg.gather @!p1 [hbm4b:s0+s19], $0x80, v10, vm3, $0xb8;
	[tilespmem:$0x1F480] =	vst v63  }
0x24c: {  	v8 =	vperm.xlane @!p1 v9, v8;
	s20 =	simm.s32 @!p1 $0x13C00  }
0x24d: {  	[tilespmem:s20], [sflag:$0x9] =	stream.indirect_vreg.gather @!p1 [hbm4b:s12+s19], $0x80, v10, vm3, $0xb8;
	[tilespmem:$0x1F480] =	vst v63  }
0x24e: {  	v8 =	vadd.s32 @!p1 v12, v8;
	s20 =	simm.s32 @!p1 $0x14400  }
0x24f: {  	[tilespmem:s20], [sflag:$0x9] =	stream.indirect_vreg.gather @!p1 [hbm4b:s13+s19], $0x80, v10, vm3, $0xb8;
	[tilespmem:$0x1F480] =	vst v63  }
0x250: {  	s20 =	simm.s32 @!p1 $0x14C00  }
0x251: {  	[tilespmem:s20], [sflag:$0x9] =	stream.indirect_vreg.gather @!p1 [hbm4b:s14+s19], $0x80, v10, vm3, $0xb8;
	[tilespmem:$0x1F480] =	vst v63  }
0x252: {  	s20 =	simm.s32 @!p1 $0x15400  }
0x253: {  	[tilespmem:s20], [sflag:$0x9] =	stream.indirect_vreg.gather @!p1 [hbm4b:s0+s19], $0x80, v8, vm3, $0xb8;
	[tilespmem:$0x1F480] =	vst v63  }
0x254: {  	s20 =	simm.s32 @!p1 $0x15C00  }
0x255: {  	[tilespmem:s20], [sflag:$0x9] =	stream.indirect_vreg.gather @!p1 [hbm4b:s12+s19], $0x80, v8, vm3, $0xb8;
	[tilespmem:$0x1F480] =	vst v63  }
0x256: {  	s20 =	simm.s32 @!p1 $0x16400  }
0x257: {  	[tilespmem:s20], [sflag:$0x9] =	stream.indirect_vreg.gather @!p1 [hbm4b:s13+s19], $0x80, v8, vm3, $0xb8;
	[tilespmem:$0x1F480] =	vst v63  }
0x258: {  	s20 =	simm.s32 @!p1 $0x16C00  }
0x259: {  	[tilespmem:s20], [sflag:$0x9] =	stream.indirect_vreg.gather @!p1 [hbm4b:s14+s19], $0x80, v8, vm3, $0xb8;
	[tilespmem:$0x1F480] =	vst v63  }
0x25a: {  	p1 =	sge.s32 s11, s1  }
0x25b: {  	s19 =	simm.s32 @!p1 $0x10  }
0x25c: {  	_ =	swait.ge @!p1 [sflag:s19], $0x4000  }
0x25d: {  	[sflag:s19] =	ssyncset.done @!p1 $0x0  }
0x25e: {  	[sflag:s19] =	ssyncadd.s32 @!p1 $0xFFFFC000  }
0x25f: {  	v8 =	vld @!p1 [tilespmem:s15+$0x0];
	_ =	sdelay $0x4  }
0x260: {  	vm3 =	vgt.s32 @!p1 v8, $0x0  }
0x261: {  	v8 =	vnsel @!p1 vm3, $0x0, v8  }
0x262: {  	v8 =	vmin.u32 @!p1 v8, $0x7FFF  }
0x263: {  	v9 =	vshll.u32 @!p1 v8, $0x3  }
0x264: {  	v11 =	vlaneseq.u32 @!p1;
	v10 =	vand.u32 @!p1 $0x7, v8;
	v9 =	vand.u32 @!p1 $0x3FFC0, v9  }
0x265: {  	v12 =	vshrl.u32 @!p1 v11, $0x3;
	v9 =	vor.u32 @!p1 v10, v9;
	v10 =	vand.u32 @!p1 $0x7, v11  }
0x266: {  	v12 =	vmul.u32 @!p1 $0x8, v12;
	v10 =	vperm.xlane @!p1 v9, v10;
	_ =	sdelay $0x1  }
0x267: {  	v10 =	vadd.s32 @!p1 v12, v10;
	_ =	sdelay $0x3  }
0x268: {  	s20 =	simm.s32 @!p1 $0x17400;
	s19 =	simm.s32 @!p1 $0x0;
	vm3 =	vmmov @!p1 $0xffff;
	[tilespmem:$0x3380] =	vst @!p1 v8  }
0x269: {  	v8 =	vor.u32 @!p1 $0x8, v11;
	[tilespmem:s20], [sflag:$0xA] =	stream.indirect_vreg.gather @!p1 [hbm4b:s0+s19], $0x80, v10, vm3, $0xb8;
	[tilespmem:$0x1F480] =	vst v63  }
0x26a: {  	v8 =	vperm.xlane @!p1 v9, v8;
	s20 =	simm.s32 @!p1 $0x17C00  }
0x26b: {  	[tilespmem:s20], [sflag:$0xA] =	stream.indirect_vreg.gather @!p1 [hbm4b:s12+s19], $0x80, v10, vm3, $0xb8;
	[tilespmem:$0x1F480] =	vst v63  }
0x26c: {  	v8 =	vadd.s32 @!p1 v12, v8;
	s20 =	simm.s32 @!p1 $0x18400  }
0x26d: {  	[tilespmem:s20], [sflag:$0xA] =	stream.indirect_vreg.gather @!p1 [hbm4b:s13+s19], $0x80, v10, vm3, $0xb8;
	[tilespmem:$0x1F480] =	vst v63  }
0x26e: {  	s20 =	simm.s32 @!p1 $0x18C00  }
0x26f: {  	[tilespmem:s20], [sflag:$0xA] =	stream.indirect_vreg.gather @!p1 [hbm4b:s14+s19], $0x80, v10, vm3, $0xb8;
	[tilespmem:$0x1F480] =	vst v63  }
0x270: {  	s10 =	sadd.s32 $0xFFFFFFFF, s10;
	s20 =	simm.s32 @!p1 $0x19400  }
0x271: {  	[tilespmem:s20], [sflag:$0xA] =	stream.indirect_vreg.gather @!p1 [hbm4b:s0+s19], $0x80, v8, vm3, $0xb8;
	[tilespmem:$0x1F480] =	vst v63  }
0x272: {  	p0 =	sne.s32 s10, $0x0;
	s20 =	simm.s32 @!p1 $0x19C00  }
0x273: {  	[tilespmem:s20], [sflag:$0xA] =	stream.indirect_vreg.gather @!p1 [hbm4b:s12+s19], $0x80, v8, vm3, $0xb8;
	[tilespmem:$0x1F480] =	vst v63  }
.Ltmp12:
0x274: {  	_ = 	snop;
	(pc) =	sbr.rel @p0 .LBB2_18-.Ltmp12, $4  }
0x275: {  	s17 =	sadd.s32 $0x18000, s17;
	s20 =	simm.s32 @!p1 $0x1A400  }
0x276: {  	[tilespmem:s20], [sflag:$0xA] =	stream.indirect_vreg.gather @!p1 [hbm4b:s13+s19], $0x80, v8, vm3, $0xb8;
	[tilespmem:$0x1F480] =	vst v63  }
0x277: {  	s11 =	sadd.s32 $0x6, s11;
	s15 =	sadd.s32 $0x60, s15;
	s20 =	simm.s32 @!p1 $0x1AC00  }
0x278: {  	[tilespmem:s20], [sflag:$0xA] =	stream.indirect_vreg.gather @!p1 [hbm4b:s14+s19], $0x80, v8, vm3, $0xb8;
	[tilespmem:$0x1F480] =	vst v63  }
.LBB2_19:
0x279: {  	s10 =	sld [smem:$0x7FB];
	_ =	sdelay $0x2  }
0x27a: {  	p0 =	seq.s32 s10, $0x1  }
0x27b: {  	s10 =	simm.s32 @!p0 $0xB  }
0x27c: {  	_ =	swait.ge @!p0 [sflag:s10], $0x4000  }
0x27d: {  	[sflag:s10] =	ssyncset.done @!p0 $0x0  }
0x27e: {  	[sflag:s10] =	ssyncadd.s32 @!p0 $0xFFFFC000;
	s10 =	simm.s32 @p5 $0xC  }
0x27f: {  	_ =	swait.ge @p5 [sflag:s10], $0x4000  }
0x280: {  	[sflag:s10] =	ssyncset.done @p5 $0x0  }
0x281: {  	[sflag:s10] =	ssyncadd.s32 @p5 $0xFFFFC000;
	s10 =	simm.s32 @p6 $0xD  }
0x282: {  	_ =	swait.ge @p6 [sflag:s10], $0x4000  }
0x283: {  	s19 =	sld [smem:$0x7FA];
	_ =	sdelay $0x2  }
0x284: {  	[sflag:s10] =	ssyncset.done @p6 $0x0;
	p0 =	seq.s32 s19, $0x1  }
0x285: {  	[sflag:s10] =	ssyncadd.s32 @p6 $0xFFFFC000;
	s10 =	simm.s32 @p0 $0xE  }
0x286: {  	_ =	swait.ge @p0 [sflag:s10], $0x4000  }
0x287: {  	[sflag:s10] =	ssyncset.done @p0 $0x0  }
0x288: {  	[sflag:s10] =	ssyncadd.s32 @p0 $0xFFFFC000;
	s10 =	simm.s32 @p3 $0xF  }
0x289: {  	_ =	swait.ge @p3 [sflag:s10], $0x4000  }
0x28a: {  	[sflag:s10] =	ssyncset.done @p3 $0x0  }
0x28b: {  	[sflag:s10] =	ssyncadd.s32 @p3 $0xFFFFC000;
	s10 =	simm.s32 @p4 $0x10  }
0x28c: {  	_ =	swait.ge @p4 [sflag:s10], $0x4000  }
0x28d: {  	s20 =	sld [smem:$0x7FC];
	_ =	sdelay $0x2  }
0x28e: {  	p0 =	seq.s32 s20, $0x1  }
.Ltmp13:
0x28f: {  	_ = 	snop;
	(pc) =	sbr.rel @p0 .LBB2_25-.Ltmp13, $3  }
0x290: {  	_ =	sdelay $0x1  }
0x291: {  	[sflag:s10] =	ssyncset.done @p4 $0x0  }
0x292: {  	s31 =	simm.s32 $0x2C00;
	[sflag:s10] =	ssyncadd.s32 @p4 $0xFFFFC000  }
0x293: {  	v8 =	vld [tilespmem:s9+$0x2000];
	_ =	sdelay $0x4  }
0x294: {  	vm3 =	vgt.s32 v8, $0x0  }
0x295: {  	v9 =	vor.u32 s9, v1;
	v8 =	vnsel vm3, $0x0, v8  }
0x296: {  	vm3 =	vlt.s32 v9, v7;
	v7 =	vmin.u32 v8, $0x7FFF  }
0x297: {  	v7 =	vnsel vm3, $0x0, v7  }
0x298: {  	v8 =	vshll.u32 v7, $0x3  }
0x299: {  	v63 =	vand.u32 $0x7, v7;
	v8 =	vand.u32 $0x3FFC0, v8  }
0x29a: {  	v8 =	vor.u32 v63, v8  }
0x29b: {  	v9 =	vperm.xlane v8, v3;
	_ =	sdelay $0x1  }
0x29c: {  	v9 =	vadd.s32 v4, v9;
	_ =	sdelay $0x3  }
0x29d: {  	s19 =	simm.s32 $0x3400;
	[tilespmem:$0x3100] =	vst v7  }
0x29e: {  	[tilespmem:s19], [sflag:$0x12] =	stream.indirect_vreg.gather [hbm4b:s0+s7], $0x80, v9, vm2, $0xb8;
	[tilespmem:$0x1F480] =	vst v63  }
0x29f: {  	s20 =	simm.s32 $0x3C00;
	v7 =	vperm.xlane v8, v5  }
0x2a0: {  	[tilespmem:s20], [sflag:$0x12] =	stream.indirect_vreg.gather [hbm4b:s12+s7], $0x80, v9, vm2, $0xb8;
	[tilespmem:$0x1F480] =	vst v63  }
0x2a1: {  	s10 =	simm.s32 $0x4400;
	v7 =	vadd.s32 v4, v7  }
0x2a2: {  	[tilespmem:s10], [sflag:$0x12] =	stream.indirect_vreg.gather [hbm4b:s13+s7], $0x80, v9, vm2, $0xb8;
	[tilespmem:$0x1F480] =	vst v63  }
0x2a3: {  	s11 =	simm.s32 $0x4C00  }
0x2a4: {  	[tilespmem:s11], [sflag:$0x12] =	stream.indirect_vreg.gather [hbm4b:s14+s7], $0x80, v9, vm2, $0xb8;
	[tilespmem:$0x1F480] =	vst v63  }
0x2a5: {  	s15 =	simm.s32 $0x5400  }
0x2a6: {  	[tilespmem:s15], [sflag:$0x12] =	stream.indirect_vreg.gather [hbm4b:s0+s7], $0x80, v7, vm2, $0xb8;
	[tilespmem:$0x1F480] =	vst v63  }
0x2a7: {  	s17 =	simm.s32 $0x5C00  }
0x2a8: {  	[tilespmem:s17], [sflag:$0x12] =	stream.indirect_vreg.gather [hbm4b:s12+s7], $0x80, v7, vm2, $0xb8;
	[tilespmem:$0x1F480] =	vst v63  }
0x2a9: {  	p0 =	sgt.u32 s6, $0xF;
	s19 =	simm.s32 $0x6400  }
0x2aa: {  	[tilespmem:s19], [sflag:$0x12] =	stream.indirect_vreg.gather [hbm4b:s13+s7], $0x80, v7, vm2, $0xb8;
	[tilespmem:$0x1F480] =	vst v63  }
.Ltmp14:
0x2ab: {  	s20 =	simm.s32 $0x6C00;
	(pc) =	sbr.rel @p0 .LBB2_24-.Ltmp14, $4  }
0x2ac: {  	[tilespmem:s20], [sflag:$0x12] =	stream.indirect_vreg.gather [hbm4b:s14+s7], $0x80, v7, vm2, $0xb8;
	[tilespmem:$0x1F480] =	vst v63  }
0x2ad: {  	_ =	swait.ge [sflag:s22], $0x4000  }
0x2ae: {  	[sflag:s22] =	ssyncset.done $0x0  }
0x2af: {  	[sflag:s22] =	ssyncadd.s32 $0xFFFFC000  }
.LBB2_21:
0x2b0: {  	s9 =	sshll.u32 s6, $0xA;
	s10 =	sshll.u32 s6, $0x7  }
0x2b1: {  	s9 =	sand.u32 $0x7FFFE000, s9;
	s10 =	sand.u32 $0x380, s10  }
0x2b2: {  	s10 =	sor.u32 s10, s9;
	s9 =	simm.s32 $0x0  }
0x2b3: {  	s10 =	sadd.s32 $0x3400, s10;
	s11 =	sand.u32 $0x1C00, s9  }
0x2b4: {  	s15 =	sand.u32 $0x70, s9;
	s17 =	sadd.s32 s11, s10  }
0x2b5: {  	s11 =	simm.s32 $0x10;
	s15 =	sadd.s32 s15, s17  }
.LBB2_22:
0x2b6: {  	p0 =	sne.s32 s11, $0x3F0  }
0x2b7: {  	[tilespmem:s15+$0x0] =	vst v6;
	s9 =	sadd.s32 $0x80, s9;
	s15 =	smov.u32 s11;
	s11 =	sadd.s32 $0x10, s11  }
.Ltmp15:
0x2b8: {  	(pc) =	sbr.rel @p0 .LBB2_22-.Ltmp15, $4  }
0x2b9: {  	_ = 	snop  }
0x2ba: {  	s17 =	sand.u32 $0x1C00, s9  }
0x2bb: {  	s15 =	sand.u32 $0x70, s15;
	s17 =	sadd.s32 s17, s10  }
0x2bc: {  	s15 =	sadd.s32 s15, s17  }
0x2bd: {  	s6 =	sadd.s32 $0x1, s6  }
0x2be: {  	p0 =	sne.s32 s6, $0x10  }
.Ltmp16:
0x2bf: {  	_ = 	snop;
	(pc) =	sbr.rel @p0 .LBB2_21-.Ltmp16, $2  }
0x2c0: {  	_ =	sdelay $0x2  }
0x2c1: {  	[tilespmem:s15+$0x0] =	vst v6  }
.LBB2_24:
0x2c2: {  	s1 =	sshll.u32 s1, $0xE;
	s6 =	rddreg [dreg:$0x8]  }
0x2c3: {  	s1 =	sadd.s32 s6, s1  }
0x2c4: {  	s1 =	sshrl.u32 s1, $0x3  }
0x2c5: {  	s20 =	simm.s32 $0x3400;
	s1 =	sadd.s32 s5, s1  }
0x2c6: {  	[hbm4b:s1+s7] =	stream.linear.scatter [tilespmem:s20], [sflag:$0x12], $0x4000, $0x38;
	[tilespmem:$0x1F480] =	vst v63  }
0x2c7: {  	_ =	swait.ge [sflag:s22], $0x4000  }
0x2c8: {  	[sflag:s22] =	ssyncset.done $0x0  }
0x2c9: {  	[sflag:s22] =	ssyncadd.s32 $0xFFFFC000  }
.LBB2_25:
0x2ca: {  	s1 =	sld [smem:$0x7FD];
	_ =	sdelay $0x2  }
0x2cb: {  	p0 =	seq.s32 s1, $0x1  }
.Ltmp17:
0x2cc: {  	_ = 	snop;
	(pc) =	sbr.rel @p0 .LBB2_29-.Ltmp17, $1  }
0x2cd: {  	_ =	sdelay $0x3  }
0x2ce: {  	p0 =	sne.s32 s18, $0x1  }
.Ltmp18:
0x2cf: {  	_ = 	snop;
	(pc) =	sbr.rel @!p0 .LBB2_28-.Ltmp18, $3  }
0x2d0: {  	_ =	sdelay $0x1  }
0x2d1: {  	_ =	swait.ge [sflag:s4], $0x4000  }
0x2d2: {  	s1 =	sadd.s32 $0xFFFFFFFF, s18;
	[sflag:s4] =	ssyncset.done $0x0  }
.LBB2_27:
0x2d3: {  	p0 =	sne.s32 s1, $0x1;
	s1 =	sadd.s32 $0xFFFFFFFF, s1;
	[sflag:s4] =	ssyncadd.s32 $0xFFFFC000  }
.Ltmp19:
0x2d4: {  	(pc) =	sbr.rel @p0 .LBB2_27-.Ltmp19, $3  }
0x2d5: {  	_ =	sdelay $0x1  }
0x2d6: {  	_ =	swait.ge [sflag:s4], $0x4000  }
0x2d7: {  	[sflag:s4] =	ssyncset.done $0x0  }
.LBB2_28:
0x2d8: {  	[sflag:s4] =	ssyncadd.s32 $0xFFFFC000  }
.LBB2_29:
0x2d9: {  	s1 =	simm.s32 $0x2600  }
0x2da: {  	v8 =	vld [tilespmem:s1+$0x0]  }
0x2db: {  	p0 =	slt.s32 s23, $0x280;
	s6 =	smov.u32 s23  }
0x2dc: {  	s9 =	simm.s32 $0x0;
	s6 =	simm.s32 @!p0 $0x280  }
0x2dd: {  	v9 =	vor.u32 s9, v1;
	v7 =	vmov s6  }
0x2de: {  	vm3 =	vlt.s32 v9, v7  }
0x2df: {  	s9 =	simm.s32 $0x2C00;
	v8 =	vnsel vm3, $0xFFFFFFFF, v8  }
0x2e0: {  	s10 =	simm.s32 $0x2900;
	[tilespmem:s9+$0x0] =	vst v8  }
0x2e1: {  	v8 =	vld [tilespmem:s10+$0x0];
	_ =	sdelay $0x4  }
0x2e2: {  	s17 =	simm.s32 $0x2E80;
	s11 =	simm.s32 $0x10;
	s15 =	simm.s32 $0x2E90;
	v8 =	vnsel vm3, $0x0, v8  }
.LBB2_30:
0x2e3: {  	[tilespmem:s17+$0x0] =	vst v8;
	s1 =	sadd.s32 $0x10, s1;
	s9 =	sadd.s32 $0x10, s9;
	s10 =	sadd.s32 $0x10, s10  }
0x2e4: {  	p0 =	sne.s32 s11, $0x270;
	s18 =	smov.u32 s11;
	s11 =	sadd.s32 $0x10, s11;
	v8 =	vld [tilespmem:s1+$0x0]  }
0x2e5: {  	s17 =	smov.u32 s15;
	_ =	sdelay $0x1  }
0x2e6: {  	v9 =	vor.u32 s18, v1  }
0x2e7: {  	vm3 =	vlt.s32 v9, v7  }
0x2e8: {  	v8 =	vnsel vm3, $0xFFFFFFFF, v8  }
0x2e9: {  	[tilespmem:s9+$0x0] =	vst v8  }
0x2ea: {  	v8 =	vld [tilespmem:s10+$0x0]  }
.Ltmp20:
0x2eb: {  	(pc) =	sbr.rel @p0 .LBB2_30-.Ltmp20, $2  }
0x2ec: {  	_ =	sdelay $0x2  }
0x2ed: {  	s15 =	sadd.s32 $0x10, s15;
	v8 =	vnsel vm3, $0x0, v8  }
0x2ee: {  	[tilespmem:s17+$0x0] =	vst v8;
	s1 =	rddreg [dreg:$0xc];
	s9 =	simm.s32 $0x2E80;
	s18 =	sand.u32 $0xF, s6  }
0x2ef: {  	[hbm4b:s1+s7] =	stream.linear.scatter [tilespmem:s31], [sflag:$0x12], $0x280, $0x38;
	[tilespmem:$0x1F480] =	vst v63  }
0x2f0: {  	s19 =	sshra.s32 s6, $0x1F;
	p0 =	slt.s32 s23, $0x1;
	_ =	swait.ge [sflag:s22], $0x280  }
0x2f1: {  	p1 =	sne.s32 s18, $0x0;
	s20 =	sshrl.u32 s19, $0x1C;
	[sflag:s22] =	ssyncset.done $0x0  }
0x2f2: {  	p0 =	por !p0, !p1;
	s17 =	rddreg [dreg:$0xd];
	[sflag:s22] =	ssyncadd.s32 $0xFFFFFD80  }
0x2f3: {  	[hbm4b:s17+s7] =	stream.linear.scatter [tilespmem:s9], [sflag:$0x12], $0x280, $0x38;
	[tilespmem:$0x1F480] =	vst v63  }
0x2f4: {  	s1 =	sadd.s32 s20, s6;
	p0 =	por !p0, !p0;
	s9 =	simm.s32 $0x1  }
0x2f5: {  	s1 =	sshra.s32 s1, $0x4;
	s9 =	simm.s32 @!p0 $0x0  }
0x2f6: {  	s1 =	ssub.s32 s1, s9  }
0x2f7: {  	s9 =	sshll.u32 s1, $0x4  }
0x2f8: {  	s6 =	ssub.s32 s6, s9  }
0x2f9: {  	p0 =	slt.s32 s6, $0x1;
	s10 =	smov.u32 s6  }
0x2fa: {  	s10 =	simm.s32 @!p0 $0x1  }
0x2fb: {  	s11 =	simm.s32 @!p0 $0x0;
	s10 =	sadd.s32 s1, s10  }
0x2fc: {  	s11 =	simm.s32 @p0 $0x1;
	s23 =	sshll.u32 s10, $0x4  }
0x2fd: {  	[smem:$0x7F7] =	sst s11;
	s11 =	ssub.s32 $0x280, s23  }
0x2fe: {  	s18 =	sshra.s32 s11, $0x4  }
0x2ff: {  	p0 =	slt.s32 s18, $0x1  }
.Ltmp21:
0x300: {  	_ = 	snop;
	(pc) =	sbr.rel @p0 .LBB2_35-.Ltmp21, $4  }
0x301: {  	_ = 	snop  }
0x302: {  	_ =	swait.ge [sflag:s22], $0x280;
	s11 =	simm.s32 @!p0 $0x0  }
0x303: {  	[sflag:s22] =	ssyncset.done $0x0;
	s11 =	simm.s32 @p0 $0x1  }
0x304: {  	[sflag:s22] =	ssyncadd.s32 $0xFFFFFD80;
	[smem:$0x7F8] =	sst s11  }
0x305: {  	p0 =	sne.s32 s18, $0x1  }
.Ltmp22:
0x306: {  	_ = 	snop;
	(pc) =	sbr.rel @!p0 .LBB2_34-.Ltmp22, $4  }
0x307: {  	s10 =	sshll.u32 s10, $0xE;
	s11 =	rddreg [dreg:$0x10]  }
0x308: {  	s11 =	sadd.s32 s10, s11  }
0x309: {  	s15 =	sshrl.u32 s11, $0x3  }
0x30a: {  	s10 =	sadd.s32 $0xFFFFFFFF, s18;
	s11 =	sadd.s32 $0x4000, s11;
	s15 =	sadd.s32 s5, s15  }
.LBB2_33:
0x30b: {  	[hbm4b:s15+s7] =	stream.linear.scatter [tilespmem:s21], [sflag:$0x11], $0x4000, $0x38;
	[tilespmem:$0x1F480] =	vst v63  }
0x30c: {  	p0 =	sne.s32 s10, $0x1  }
.Ltmp23:
0x30d: {  	s10 =	sadd.s32 $0xFFFFFFFF, s10;
	(pc) =	sbr.rel @p0 .LBB2_33-.Ltmp23, $3  }
0x30e: {  	_ =	sdelay $0x1  }
0x30f: {  	s15 =	sshrl.u32 s11, $0x3  }
0x310: {  	s11 =	sadd.s32 $0x4000, s11;
	s15 =	sadd.s32 s5, s15  }
.LBB2_34:
0x311: {  	[hbm4b:s15+s7] =	stream.linear.scatter [tilespmem:s21], [sflag:$0x11], $0x4000, $0x38;
	[tilespmem:$0x1F480] =	vst v63  }
.LBB2_35:
0x312: {  	p2 =	slt.s32 s1, $0x1  }
0x313: {  	v8 =	vld @!p2 [tilespmem:$0x2600];
	_ =	sdelay $0x4  }
0x314: {  	vm3 =	vgt.s32 @!p2 v8, $0x0  }
0x315: {  	v8 =	vnsel @!p2 vm3, $0x0, v8  }
0x316: {  	v8 =	vmin.u32 @!p2 v8, $0x7FFF  }
0x317: {  	v9 =	vshll.u32 @!p2 v8, $0x3  }
0x318: {  	v11 =	vlaneseq.u32 @!p2;
	v10 =	vand.u32 @!p2 $0x7, v8;
	v9 =	vand.u32 @!p2 $0x3FFC0, v9  }
0x319: {  	v12 =	vshrl.u32 @!p2 v11, $0x3;
	v9 =	vor.u32 @!p2 v10, v9;
	v10 =	vand.u32 @!p2 $0x7, v11  }
0x31a: {  	v12 =	vmul.u32 @!p2 $0x8, v12;
	v10 =	vperm.xlane @!p2 v9, v10;
	_ =	sdelay $0x1  }
0x31b: {  	v10 =	vadd.s32 @!p2 v12, v10;
	_ =	sdelay $0x3  }
0x31c: {  	s10 =	simm.s32 @!p2 $0x0;
	s11 =	simm.s32 @!p2 $0x3400;
	vm3 =	vmmov @!p2 $0xffff;
	[tilespmem:$0x3100] =	vst @!p2 v8  }
0x31d: {  	v8 =	vor.u32 @!p2 $0x8, v11;
	[tilespmem:s11], [sflag:$0x5] =	stream.indirect_vreg.gather @!p2 [hbm4b:s0+s10], $0x80, v10, vm3, $0xb8;
	[tilespmem:$0x1F480] =	vst v63  }
0x31e: {  	v8 =	vperm.xlane @!p2 v9, v8;
	s11 =	simm.s32 @!p2 $0x3C00  }
0x31f: {  	[tilespmem:s11], [sflag:$0x5] =	stream.indirect_vreg.gather @!p2 [hbm4b:s12+s10], $0x80, v10, vm3, $0xb8;
	[tilespmem:$0x1F480] =	vst v63  }
0x320: {  	v8 =	vadd.s32 @!p2 v12, v8;
	s11 =	simm.s32 @!p2 $0x4400  }
0x321: {  	[tilespmem:s11], [sflag:$0x5] =	stream.indirect_vreg.gather @!p2 [hbm4b:s13+s10], $0x80, v10, vm3, $0xb8;
	[tilespmem:$0x1F480] =	vst v63  }
0x322: {  	s11 =	simm.s32 @!p2 $0x4C00  }
0x323: {  	[tilespmem:s11], [sflag:$0x5] =	stream.indirect_vreg.gather @!p2 [hbm4b:s14+s10], $0x80, v10, vm3, $0xb8;
	[tilespmem:$0x1F480] =	vst v63  }
0x324: {  	s11 =	simm.s32 @!p2 $0x5400  }
0x325: {  	[tilespmem:s11], [sflag:$0x5] =	stream.indirect_vreg.gather @!p2 [hbm4b:s0+s10], $0x80, v8, vm3, $0xb8;
	[tilespmem:$0x1F480] =	vst v63  }
0x326: {  	s11 =	simm.s32 @!p2 $0x5C00  }
0x327: {  	[tilespmem:s11], [sflag:$0x5] =	stream.indirect_vreg.gather @!p2 [hbm4b:s12+s10], $0x80, v8, vm3, $0xb8;
	[tilespmem:$0x1F480] =	vst v63  }
0x328: {  	p0 =	seq.s32 @!p2 s1, $0x1;
	s11 =	simm.s32 @!p2 $0x6400  }
0x329: {  	[tilespmem:s11], [sflag:$0x5] =	stream.indirect_vreg.gather @!p2 [hbm4b:s13+s10], $0x80, v8, vm3, $0xb8;
	[tilespmem:$0x1F480] =	vst v63  }
0x32a: {  	p0 =	por p2, p0;
	s11 =	simm.s32 @!p2 $0x6C00  }
0x32b: {  	[tilespmem:s11], [sflag:$0x5] =	stream.indirect_vreg.gather @!p2 [hbm4b:s14+s10], $0x80, v8, vm3, $0xb8;
	[tilespmem:$0x1F480] =	vst v63  }
0x32c: {  	v8 =	vld @!p0 [tilespmem:$0x2610];
	_ =	sdelay $0x4  }
0x32d: {  	vm3 =	vgt.s32 @!p0 v8, $0x0  }
0x32e: {  	v8 =	vnsel @!p0 vm3, $0x0, v8  }
0x32f: {  	v8 =	vmin.u32 @!p0 v8, $0x7FFF  }
0x330: {  	v9 =	vshll.u32 @!p0 v8, $0x3  }
0x331: {  	v11 =	vlaneseq.u32 @!p0;
	v10 =	vand.u32 @!p0 $0x7, v8;
	v9 =	vand.u32 @!p0 $0x3FFC0, v9  }
0x332: {  	v12 =	vshrl.u32 @!p0 v11, $0x3;
	v9 =	vor.u32 @!p0 v10, v9;
	v10 =	vand.u32 @!p0 $0x7, v11  }
0x333: {  	v12 =	vmul.u32 @!p0 $0x8, v12;
	v10 =	vperm.xlane @!p0 v9, v10;
	_ =	sdelay $0x1  }
0x334: {  	v10 =	vadd.s32 @!p0 v12, v10;
	_ =	sdelay $0x3  }
0x335: {  	s10 =	simm.s32 @!p0 $0x0;
	s11 =	simm.s32 @!p0 $0x7400;
	vm3 =	vmmov @!p0 $0xffff;
	[tilespmem:$0x3180] =	vst @!p0 v8  }
0x336: {  	v8 =	vor.u32 @!p0 $0x8, v11;
	[tilespmem:s11], [sflag:$0x6] =	stream.indirect_vreg.gather @!p0 [hbm4b:s0+s10], $0x80, v10, vm3, $0xb8;
	[tilespmem:$0x1F480] =	vst v63  }
0x337: {  	v8 =	vperm.xlane @!p0 v9, v8;
	s11 =	simm.s32 @!p0 $0x7C00  }
0x338: {  	[tilespmem:s11], [sflag:$0x6] =	stream.indirect_vreg.gather @!p0 [hbm4b:s12+s10], $0x80, v10, vm3, $0xb8;
	[tilespmem:$0x1F480] =	vst v63  }
0x339: {  	v8 =	vadd.s32 @!p0 v12, v8;
	s11 =	simm.s32 @!p0 $0x8400  }
0x33a: {  	[tilespmem:s11], [sflag:$0x6] =	stream.indirect_vreg.gather @!p0 [hbm4b:s13+s10], $0x80, v10, vm3, $0xb8;
	[tilespmem:$0x1F480] =	vst v63  }
0x33b: {  	s11 =	simm.s32 @!p0 $0x8C00  }
0x33c: {  	[tilespmem:s11], [sflag:$0x6] =	stream.indirect_vreg.gather @!p0 [hbm4b:s14+s10], $0x80, v10, vm3, $0xb8;
	[tilespmem:$0x1F480] =	vst v63  }
0x33d: {  	s11 =	simm.s32 @!p0 $0x9400  }
0x33e: {  	[tilespmem:s11], [sflag:$0x6] =	stream.indirect_vreg.gather @!p0 [hbm4b:s0+s10], $0x80, v8, vm3, $0xb8;
	[tilespmem:$0x1F480] =	vst v63  }
0x33f: {  	s11 =	simm.s32 @!p0 $0x9C00  }
0x340: {  	[tilespmem:s11], [sflag:$0x6] =	stream.indirect_vreg.gather @!p0 [hbm4b:s12+s10], $0x80, v8, vm3, $0xb8;
	[tilespmem:$0x1F480] =	vst v63  }
0x341: {  	p1 =	slt.u32 @!p0 s1, $0x3;
	s11 =	simm.s32 @!p0 $0xA400  }
0x342: {  	[tilespmem:s11], [sflag:$0x6] =	stream.indirect_vreg.gather @!p0 [hbm4b:s13+s10], $0x80, v8, vm3, $0xb8;
	[tilespmem:$0x1F480] =	vst v63  }
0x343: {  	p4 =	por p0, p1;
	s11 =	simm.s32 @!p0 $0xAC00  }
0x344: {  	[tilespmem:s11], [sflag:$0x6] =	stream.indirect_vreg.gather @!p0 [hbm4b:s14+s10], $0x80, v8, vm3, $0xb8;
	[tilespmem:$0x1F480] =	vst v63  }
0x345: {  	v8 =	vld @!p4 [tilespmem:$0x2620];
	_ =	sdelay $0x4  }
0x346: {  	vm3 =	vgt.s32 @!p4 v8, $0x0  }
0x347: {  	v8 =	vnsel @!p4 vm3, $0x0, v8  }
0x348: {  	v8 =	vmin.u32 @!p4 v8, $0x7FFF  }
0x349: {  	v9 =	vshll.u32 @!p4 v8, $0x3  }
0x34a: {  	v11 =	vlaneseq.u32 @!p4;
	v10 =	vand.u32 @!p4 $0x7, v8;
	v9 =	vand.u32 @!p4 $0x3FFC0, v9  }
0x34b: {  	v12 =	vshrl.u32 @!p4 v11, $0x3;
	v9 =	vor.u32 @!p4 v10, v9;
	v10 =	vand.u32 @!p4 $0x7, v11  }
0x34c: {  	v12 =	vmul.u32 @!p4 $0x8, v12;
	v10 =	vperm.xlane @!p4 v9, v10;
	_ =	sdelay $0x1  }
0x34d: {  	v10 =	vadd.s32 @!p4 v12, v10;
	_ =	sdelay $0x3  }
0x34e: {  	s10 =	simm.s32 @!p4 $0x0;
	s11 =	simm.s32 @!p4 $0xB400;
	vm3 =	vmmov @!p4 $0xffff;
	[tilespmem:$0x3200] =	vst @!p4 v8  }
0x34f: {  	v8 =	vor.u32 @!p4 $0x8, v11;
	[tilespmem:s11], [sflag:$0x7] =	stream.indirect_vreg.gather @!p4 [hbm4b:s0+s10], $0x80, v10, vm3, $0xb8;
	[tilespmem:$0x1F480] =	vst v63  }
0x350: {  	v8 =	vperm.xlane @!p4 v9, v8;
	s11 =	simm.s32 @!p4 $0xBC00  }
0x351: {  	[tilespmem:s11], [sflag:$0x7] =	stream.indirect_vreg.gather @!p4 [hbm4b:s12+s10], $0x80, v10, vm3, $0xb8;
	[tilespmem:$0x1F480] =	vst v63  }
0x352: {  	v8 =	vadd.s32 @!p4 v12, v8;
	s11 =	simm.s32 @!p4 $0xC400  }
0x353: {  	[tilespmem:s11], [sflag:$0x7] =	stream.indirect_vreg.gather @!p4 [hbm4b:s13+s10], $0x80, v10, vm3, $0xb8;
	[tilespmem:$0x1F480] =	vst v63  }
0x354: {  	s11 =	simm.s32 @!p4 $0xCC00  }
0x355: {  	[tilespmem:s11], [sflag:$0x7] =	stream.indirect_vreg.gather @!p4 [hbm4b:s14+s10], $0x80, v10, vm3, $0xb8;
	[tilespmem:$0x1F480] =	vst v63  }
0x356: {  	s11 =	simm.s32 @!p4 $0xD400  }
0x357: {  	[tilespmem:s11], [sflag:$0x7] =	stream.indirect_vreg.gather @!p4 [hbm4b:s0+s10], $0x80, v8, vm3, $0xb8;
	[tilespmem:$0x1F480] =	vst v63  }
0x358: {  	s11 =	simm.s32 @!p4 $0xDC00  }
0x359: {  	[tilespmem:s11], [sflag:$0x7] =	stream.indirect_vreg.gather @!p4 [hbm4b:s12+s10], $0x80, v8, vm3, $0xb8;
	[tilespmem:$0x1F480] =	vst v63  }
0x35a: {  	p1 =	seq.s32 @!p4 s1, $0x3;
	s11 =	simm.s32 @!p4 $0xE400  }
0x35b: {  	[tilespmem:s11], [sflag:$0x7] =	stream.indirect_vreg.gather @!p4 [hbm4b:s13+s10], $0x80, v8, vm3, $0xb8;
	[tilespmem:$0x1F480] =	vst v63  }
0x35c: {  	p1 =	por p4, p1;
	s11 =	simm.s32 @!p4 $0xEC00  }
0x35d: {  	[tilespmem:s11], [sflag:$0x7] =	stream.indirect_vreg.gather @!p4 [hbm4b:s14+s10], $0x80, v8, vm3, $0xb8;
	[tilespmem:$0x1F480] =	vst v63  }
0x35e: {  	v8 =	vld @!p1 [tilespmem:$0x2630];
	_ =	sdelay $0x4  }
0x35f: {  	vm3 =	vgt.s32 @!p1 v8, $0x0  }
0x360: {  	v8 =	vnsel @!p1 vm3, $0x0, v8  }
0x361: {  	v8 =	vmin.u32 @!p1 v8, $0x7FFF  }
0x362: {  	v9 =	vshll.u32 @!p1 v8, $0x3  }
0x363: {  	v11 =	vlaneseq.u32 @!p1;
	v10 =	vand.u32 @!p1 $0x7, v8;
	v9 =	vand.u32 @!p1 $0x3FFC0, v9  }
0x364: {  	v12 =	vshrl.u32 @!p1 v11, $0x3;
	v9 =	vor.u32 @!p1 v10, v9;
	v10 =	vand.u32 @!p1 $0x7, v11  }
0x365: {  	v12 =	vmul.u32 @!p1 $0x8, v12;
	v10 =	vperm.xlane @!p1 v9, v10;
	_ =	sdelay $0x1  }
0x366: {  	v10 =	vadd.s32 @!p1 v12, v10;
	_ =	sdelay $0x3  }
0x367: {  	s10 =	simm.s32 @!p1 $0x0;
	s11 =	simm.s32 @!p1 $0xF400;
	vm3 =	vmmov @!p1 $0xffff;
	[tilespmem:$0x3280] =	vst @!p1 v8  }
0x368: {  	v8 =	vor.u32 @!p1 $0x8, v11;
	[tilespmem:s11], [sflag:$0x8] =	stream.indirect_vreg.gather @!p1 [hbm4b:s0+s10], $0x80, v10, vm3, $0xb8;
	[tilespmem:$0x1F480] =	vst v63  }
0x369: {  	v8 =	vperm.xlane @!p1 v9, v8;
	s11 =	simm.s32 @!p1 $0xFC00  }
0x36a: {  	[tilespmem:s11], [sflag:$0x8] =	stream.indirect_vreg.gather @!p1 [hbm4b:s12+s10], $0x80, v10, vm3, $0xb8;
	[tilespmem:$0x1F480] =	vst v63  }
0x36b: {  	v8 =	vadd.s32 @!p1 v12, v8;
	s11 =	simm.s32 @!p1 $0x10400  }
0x36c: {  	[tilespmem:s11], [sflag:$0x8] =	stream.indirect_vreg.gather @!p1 [hbm4b:s13+s10], $0x80, v10, vm3, $0xb8;
	[tilespmem:$0x1F480] =	vst v63  }
0x36d: {  	s11 =	simm.s32 @!p1 $0x10C00  }
0x36e: {  	[tilespmem:s11], [sflag:$0x8] =	stream.indirect_vreg.gather @!p1 [hbm4b:s14+s10], $0x80, v10, vm3, $0xb8;
	[tilespmem:$0x1F480] =	vst v63  }
0x36f: {  	s11 =	simm.s32 @!p1 $0x11400  }
0x370: {  	[tilespmem:s11], [sflag:$0x8] =	stream.indirect_vreg.gather @!p1 [hbm4b:s0+s10], $0x80, v8, vm3, $0xb8;
	[tilespmem:$0x1F480] =	vst v63  }
0x371: {  	p3 =	slt.u32 @!p1 s1, $0x5;
	s11 =	simm.s32 @!p1 $0x11C00  }
0x372: {  	[tilespmem:s11], [sflag:$0x8] =	stream.indirect_vreg.gather @!p1 [hbm4b:s12+s10], $0x80, v8, vm3, $0xb8;
	[tilespmem:$0x1F480] =	vst v63  }
0x373: {  	p3 =	por p1, p3;
	s11 =	simm.s32 @!p1 $0x12400  }
0x374: {  	[tilespmem:s11], [sflag:$0x8] =	stream.indirect_vreg.gather @!p1 [hbm4b:s13+s10], $0x80, v8, vm3, $0xb8;
	[tilespmem:$0x1F480] =	vst v63  }
.Ltmp24:
0x375: {  	s11 =	simm.s32 @!p1 $0x12C00;
	(pc) =	sbr.rel @p3 .LBB2_36-.Ltmp24, $4  }
0x376: {  	[tilespmem:s11], [sflag:$0x8] =	stream.indirect_vreg.gather @!p1 [hbm4b:s14+s10], $0x80, v8, vm3, $0xb8;
	[tilespmem:$0x1F480] =	vst v63  }
0x377: {  	s10 =	simm.s32 @!p2 $0x0  }
0x378: {  	s10 =	simm.s32 @p2 $0x1  }
0x379: {  	[smem:$0x7F6] =	sst s10  }
0x37a: {  	v8 =	vld [tilespmem:$0x2640];
	_ =	sdelay $0x4  }
0x37b: {  	vm3 =	vgt.s32 v8, $0x0  }
0x37c: {  	v8 =	vnsel vm3, $0x0, v8  }
0x37d: {  	v8 =	vmin.u32 v8, $0x7FFF  }
0x37e: {  	v9 =	vshll.u32 v8, $0x3  }
0x37f: {  	v10 =	vand.u32 $0x7, v8;
	v9 =	vand.u32 $0x3FFC0, v9  }
0x380: {  	v9 =	vor.u32 v10, v9  }
0x381: {  	v10 =	vperm.xlane v9, v3;
	_ =	sdelay $0x1  }
0x382: {  	v10 =	vadd.s32 v4, v10;
	_ =	sdelay $0x3  }
0x383: {  	s10 =	simm.s32 $0x13400;
	[tilespmem:$0x3300] =	vst v8  }
0x384: {  	[tilespmem:s10], [sflag:$0x9] =	stream.indirect_vreg.gather [hbm4b:s0+s7], $0x80, v10, vm2, $0xb8;
	[tilespmem:$0x1F480] =	vst v63  }
0x385: {  	s23 =	simm.s32 $0x13C00;
	v8 =	vperm.xlane v9, v5  }
0x386: {  	[tilespmem:s23], [sflag:$0x9] =	stream.indirect_vreg.gather [hbm4b:s12+s7], $0x80, v10, vm2, $0xb8;
	[tilespmem:$0x1F480] =	vst v63  }
0x387: {  	s11 =	simm.s32 $0x14400;
	v8 =	vadd.s32 v4, v8  }
0x388: {  	[tilespmem:s11], [sflag:$0x9] =	stream.indirect_vreg.gather [hbm4b:s13+s7], $0x80, v10, vm2, $0xb8;
	[tilespmem:$0x1F480] =	vst v63  }
0x389: {  	s15 =	simm.s32 $0x14C00  }
0x38a: {  	[tilespmem:s15], [sflag:$0x9] =	stream.indirect_vreg.gather [hbm4b:s14+s7], $0x80, v10, vm2, $0xb8;
	[tilespmem:$0x1F480] =	vst v63  }
0x38b: {  	s17 =	simm.s32 $0x15400  }
0x38c: {  	[tilespmem:s17], [sflag:$0x9] =	stream.indirect_vreg.gather [hbm4b:s0+s7], $0x80, v8, vm2, $0xb8;
	[tilespmem:$0x1F480] =	vst v63  }
0x38d: {  	s19 =	simm.s32 $0x15C00  }
0x38e: {  	[tilespmem:s19], [sflag:$0x9] =	stream.indirect_vreg.gather [hbm4b:s12+s7], $0x80, v8, vm2, $0xb8;
	[tilespmem:$0x1F480] =	vst v63  }
0x38f: {  	s20 =	simm.s32 $0x16400  }
0x390: {  	[tilespmem:s20], [sflag:$0x9] =	stream.indirect_vreg.gather [hbm4b:s13+s7], $0x80, v8, vm2, $0xb8;
	[tilespmem:$0x1F480] =	vst v63  }
0x391: {  	p1 =	seq.s32 s1, $0x5;
	s23 =	simm.s32 $0x16C00  }
0x392: {  	[tilespmem:s23], [sflag:$0x9] =	stream.indirect_vreg.gather [hbm4b:s14+s7], $0x80, v8, vm2, $0xb8;
	[tilespmem:$0x1F480] =	vst v63  }
0x393: {  	v8 =	vld @!p1 [tilespmem:$0x2650];
	_ =	sdelay $0x4  }
0x394: {  	vm3 =	vgt.s32 @!p1 v8, $0x0  }
0x395: {  	v8 =	vnsel @!p1 vm3, $0x0, v8  }
0x396: {  	v8 =	vmin.u32 @!p1 v8, $0x7FFF  }
0x397: {  	v9 =	vshll.u32 @!p1 v8, $0x3  }
0x398: {  	v11 =	vlaneseq.u32 @!p1;
	v10 =	vand.u32 @!p1 $0x7, v8;
	v9 =	vand.u32 @!p1 $0x3FFC0, v9  }
0x399: {  	v12 =	vshrl.u32 @!p1 v11, $0x3;
	v9 =	vor.u32 @!p1 v10, v9;
	v10 =	vand.u32 @!p1 $0x7, v11  }
0x39a: {  	v12 =	vmul.u32 @!p1 $0x8, v12;
	v10 =	vperm.xlane @!p1 v9, v10;
	_ =	sdelay $0x1  }
0x39b: {  	v10 =	vadd.s32 @!p1 v12, v10;
	_ =	sdelay $0x3  }
0x39c: {  	s10 =	simm.s32 @!p1 $0x0;
	s11 =	simm.s32 @!p1 $0x17400;
	vm3 =	vmmov @!p1 $0xffff;
	[tilespmem:$0x3380] =	vst @!p1 v8  }
0x39d: {  	v8 =	vor.u32 @!p1 $0x8, v11;
	[tilespmem:s11], [sflag:$0xA] =	stream.indirect_vreg.gather @!p1 [hbm4b:s0+s10], $0x80, v10, vm3, $0xb8;
	[tilespmem:$0x1F480] =	vst v63  }
0x39e: {  	v8 =	vperm.xlane @!p1 v9, v8;
	s11 =	simm.s32 @!p1 $0x17C00  }
0x39f: {  	[tilespmem:s11], [sflag:$0xA] =	stream.indirect_vreg.gather @!p1 [hbm4b:s12+s10], $0x80, v10, vm3, $0xb8;
	[tilespmem:$0x1F480] =	vst v63  }
0x3a0: {  	v8 =	vadd.s32 @!p1 v12, v8;
	s11 =	simm.s32 @!p1 $0x18400  }
0x3a1: {  	[tilespmem:s11], [sflag:$0xA] =	stream.indirect_vreg.gather @!p1 [hbm4b:s13+s10], $0x80, v10, vm3, $0xb8;
	[tilespmem:$0x1F480] =	vst v63  }
0x3a2: {  	s11 =	simm.s32 @!p1 $0x18C00  }
0x3a3: {  	[tilespmem:s11], [sflag:$0xA] =	stream.indirect_vreg.gather @!p1 [hbm4b:s14+s10], $0x80, v10, vm3, $0xb8;
	[tilespmem:$0x1F480] =	vst v63  }
0x3a4: {  	s11 =	simm.s32 @!p1 $0x19400  }
0x3a5: {  	[tilespmem:s11], [sflag:$0xA] =	stream.indirect_vreg.gather @!p1 [hbm4b:s0+s10], $0x80, v8, vm3, $0xb8;
	[tilespmem:$0x1F480] =	vst v63  }
0x3a6: {  	p4 =	por $0x0, $0x0;
	p3 =	por $0x1, $0x1;
	s11 =	simm.s32 @!p1 $0x19C00  }
0x3a7: {  	[tilespmem:s11], [sflag:$0xA] =	stream.indirect_vreg.gather @!p1 [hbm4b:s12+s10], $0x80, v8, vm3, $0xb8;
	[tilespmem:$0x1F480] =	vst v63  }
0x3a8: {  	p5 =	por $0x1, $0x1;
	p0 =	por @!p1 $0x1, $0x1;
	s11 =	simm.s32 @!p1 $0x1A400  }
0x3a9: {  	[tilespmem:s11], [sflag:$0xA] =	stream.indirect_vreg.gather @!p1 [hbm4b:s13+s10], $0x80, v8, vm3, $0xb8;
	[tilespmem:$0x1F480] =	vst v63  }
.Ltmp25:
0x3aa: {  	p3 =	por @!p1 p0, p0;
	s11 =	simm.s32 @!p1 $0x1AC00;
	(pc) =	sbr.rel .LBB2_38-.Ltmp25, $4  }
0x3ab: {  	[tilespmem:s11], [sflag:$0xA] =	stream.indirect_vreg.gather @!p1 [hbm4b:s14+s10], $0x80, v8, vm3, $0xb8;
	[tilespmem:$0x1F480] =	vst v63  }
0x3ac: {  	p6 =	por $0x1, $0x1;
	p4 =	por @!p1 p0, p0;
	s10 =	simm.s32 @!p3 $0x0  }
0x3ad: {  	p5 =	por @!p1 p0, p0;
	s10 =	simm.s32 @p3 $0x1;
	p3 =	por $0x1, $0x1  }
0x3ae: {  	p6 =	por @!p1 p0, p0;
	[smem:$0x7F5] =	sst s10;
	p3 =	por @!p1 p0, p0  }
.LBB2_36:
0x3af: {  	p3 =	por @!p2 $0x0, $0x0;
	p5 =	por $0x0, $0x0  }
0x3b0: {  	p5 =	por @!p2 p3, p3  }
0x3b1: {  	p3 =	por @!p0 $0x0, $0x0;
	p6 =	por p5, p5  }
0x3b2: {  	p6 =	por @!p0 p3, p3  }
0x3b3: {  	s10 =	simm.s32 @!p6 $0x0  }
0x3b4: {  	s10 =	simm.s32 @p6 $0x1  }
0x3b5: {  	[smem:$0x7F4] =	sst s10  }
0x3b6: {  	s10 =	sld [smem:$0x7F4];
	_ =	sdelay $0x1  }
0x3b7: {  	p2 =	por @!p4 $0x1, $0x1;
	p3 =	por @!p0 $0x1, $0x1  }
0x3b8: {  	p5 =	por @!p0 p3, p3;
	p0 =	por @!p4 $0x0, $0x0;
	p3 =	seq.s32 s10, $0x1  }
0x3b9: {  	p6 =	por @!p4 p2, p2;
	p3 =	por @!p4 p0, p0;
	p0 =	por @!p4 $0x1, $0x1  }
0x3ba: {  	p5 =	por @!p4 p0, p0;
	p0 =	por p3, p3;
	p4 =	por @!p1 $0x1, $0x1  }
0x3bb: {  	p0 =	por @!p1 p4, p4  }
0x3bc: {  	s10 =	simm.s32 @!p0 $0x0  }
0x3bd: {  	p4 =	por @!p1 $0x0, $0x0;
	s10 =	simm.s32 @p0 $0x1;
	p0 =	por @!p1 $0x1, $0x1  }
0x3be: {  	p5 =	por @!p1 p0, p0;
	p6 =	por @!p1 p0, p0;
	p0 =	por p3, p3  }
0x3bf: {  	p0 =	por @!p1 p4, p4  }
0x3c0: {  	[smem:$0x7F5] =	sst s10;
	p3 =	por @!p1 p4, p4;
	p4 =	por p0, p0  }
.LBB2_38:
0x3c1: {  	s10 =	sadd.s32 $0x5, s1  }
0x3c2: {  	s11 =	smulhi.u32 $0x2AAAAAAB, s10;
	s10 =	sshra.s32 s10, $0x1F  }
0x3c3: {  	s10 =	smul.u32 $0x2AAAAAAB, s10;
	_ =	sdelay $0x1  }
0x3c4: {  	s10 =	sadd.s32 s10, s11  }
0x3c5: {  	s11 =	sshrl.u32 s10, $0x1F  }
0x3c6: {  	s10 =	sadd.s32 s11, s10  }
0x3c7: {  	s11 =	smul.u32 $0xFFFFFFFA, s10  }
0x3c8: {  	s15 =	ssub.s32 $0xFFFFFFFB, s1  }
0x3c9: {  	p0 =	slt.s32 s1, $0xFFFFFFFC;
	p1 =	sne.s32 s11, s15  }
0x3ca: {  	p0 =	por !p0, !p1  }
0x3cb: {  	s11 =	simm.s32 $0x1;
	p0 =	por !p0, !p0  }
0x3cc: {  	s11 =	simm.s32 @!p0 $0x0  }
0x3cd: {  	s10 =	ssub.s32 s10, s11  }
0x3ce: {  	p0 =	slt.s32 s10, $0x1  }
.Ltmp26:
0x3cf: {  	_ = 	snop;
	(pc) =	sbr.rel @p0 .LBB2_41-.Ltmp26, $1  }
0x3d0: {  	_ =	sdelay $0x3  }
0x3d1: {  	s11 =	simm.s32 $0xB;
	s15 =	simm.s32 $0x26B0;
	s17 =	rddreg [dreg:$0x10]  }
.LBB2_40:
0x3d2: {  	s19 =	sadd.s32 $0xFFFFFFF5, s11  }
0x3d3: {  	p0 =	sge.s32 s19, s1  }
0x3d4: {  	s19 =	simm.s32 @!p0 $0x5  }
0x3d5: {  	_ =	swait.ge @!p0 [sflag:s19], $0x4000  }
0x3d6: {  	[sflag:s19] =	ssyncset.done @!p0 $0x0  }
0x3d7: {  	[sflag:s19] =	ssyncadd.s32 @!p0 $0xFFFFC000;
	s19 =	sshrl.u32 @!p0 s17, $0x3  }
0x3d8: {  	s20 =	simm.s32 @!p0 $0x0;
	s23 =	simm.s32 @!p0 $0x3400;
	s19 =	sadd.s32 @!p0 s5, s19  }
0x3d9: {  	[hbm4b:s19+s20] =	stream.linear.scatter @!p0 [tilespmem:s23], [sflag:$0xB], $0x4000, $0x38;
	[tilespmem:$0x1F480] =	vst v63  }
0x3da: {  	s20 =	sadd.s32 $0xFFFFFFF6, s11  }
0x3db: {  	p0 =	sge.s32 s20, s1  }
0x3dc: {  	s19 =	simm.s32 @!p0 $0x6  }
0x3dd: {  	_ =	swait.ge @!p0 [sflag:s19], $0x4000  }
0x3de: {  	s20 =	sadd.s32 @!p0 $0x4000, s17;
	[sflag:s19] =	ssyncset.done @!p0 $0x0  }
0x3df: {  	[sflag:s19] =	ssyncadd.s32 @!p0 $0xFFFFC000;
	s19 =	sshrl.u32 @!p0 s20, $0x3  }
0x3e0: {  	s23 =	simm.s32 @!p0 $0x7400;
	s20 =	simm.s32 @!p0 $0x0;
	s19 =	sadd.s32 @!p0 s5, s19  }
0x3e1: {  	[hbm4b:s19+s20] =	stream.linear.scatter @!p0 [tilespmem:s23], [sflag:$0xC], $0x4000, $0x38;
	[tilespmem:$0x1F480] =	vst v63  }
0x3e2: {  	s23 =	sadd.s32 $0xFFFFFFF7, s11  }
0x3e3: {  	p0 =	sge.s32 s23, s1  }
0x3e4: {  	s19 =	simm.s32 @!p0 $0x7  }
0x3e5: {  	_ =	swait.ge @!p0 [sflag:s19], $0x4000  }
0x3e6: {  	s20 =	sadd.s32 @!p0 $0x8000, s17;
	[sflag:s19] =	ssyncset.done @!p0 $0x0  }
0x3e7: {  	[sflag:s19] =	ssyncadd.s32 @!p0 $0xFFFFC000;
	s19 =	sshrl.u32 @!p0 s20, $0x3  }
0x3e8: {  	s23 =	simm.s32 @!p0 $0xB400;
	s20 =	simm.s32 @!p0 $0x0;
	s19 =	sadd.s32 @!p0 s5, s19  }
0x3e9: {  	[hbm4b:s19+s20] =	stream.linear.scatter @!p0 [tilespmem:s23], [sflag:$0xD], $0x4000, $0x38;
	[tilespmem:$0x1F480] =	vst v63  }
0x3ea: {  	s20 =	sadd.s32 $0xFFFFFFF8, s11  }
0x3eb: {  	p0 =	sge.s32 s20, s1  }
0x3ec: {  	s19 =	simm.s32 @!p0 $0x8  }
0x3ed: {  	_ =	swait.ge @!p0 [sflag:s19], $0x4000  }
0x3ee: {  	s20 =	sadd.s32 @!p0 $0xC000, s17;
	[sflag:s19] =	ssyncset.done @!p0 $0x0  }
0x3ef: {  	[sflag:s19] =	ssyncadd.s32 @!p0 $0xFFFFC000;
	s19 =	sshrl.u32 @!p0 s20, $0x3  }
0x3f0: {  	s23 =	simm.s32 @!p0 $0xF400;
	s20 =	simm.s32 @!p0 $0x0;
	s19 =	sadd.s32 @!p0 s5, s19  }
0x3f1: {  	[hbm4b:s19+s20] =	stream.linear.scatter @!p0 [tilespmem:s23], [sflag:$0xE], $0x4000, $0x38;
	[tilespmem:$0x1F480] =	vst v63  }
0x3f2: {  	s23 =	sadd.s32 $0xFFFFFFF9, s11  }
0x3f3: {  	p0 =	sge.s32 s23, s1  }
0x3f4: {  	s19 =	simm.s32 @!p0 $0x9  }
0x3f5: {  	_ =	swait.ge @!p0 [sflag:s19], $0x4000  }
0x3f6: {  	s20 =	sadd.s32 @!p0 $0x10000, s17;
	[sflag:s19] =	ssyncset.done @!p0 $0x0  }
0x3f7: {  	[sflag:s19] =	ssyncadd.s32 @!p0 $0xFFFFC000;
	s19 =	sshrl.u32 @!p0 s20, $0x3  }
0x3f8: {  	s23 =	simm.s32 @!p0 $0x13400;
	s20 =	simm.s32 @!p0 $0x0;
	s19 =	sadd.s32 @!p0 s5, s19  }
0x3f9: {  	[hbm4b:s19+s20] =	stream.linear.scatter @!p0 [tilespmem:s23], [sflag:$0xF], $0x4000, $0x38;
	[tilespmem:$0x1F480] =	vst v63  }
0x3fa: {  	s20 =	sadd.s32 $0xFFFFFFFA, s11  }
0x3fb: {  	p0 =	sge.s32 s20, s1  }
0x3fc: {  	s19 =	simm.s32 @!p0 $0xA  }
0x3fd: {  	_ =	swait.ge @!p0 [sflag:s19], $0x4000  }
0x3fe: {  	s20 =	sadd.s32 @!p0 $0x14000, s17;
	[sflag:s19] =	ssyncset.done @!p0 $0x0  }
0x3ff: {  	[sflag:s19] =	ssyncadd.s32 @!p0 $0xFFFFC000;
	s19 =	sshrl.u32 @!p0 s20, $0x3  }
0x400: {  	s23 =	simm.s32 @!p0 $0x17400;
	s20 =	simm.s32 @!p0 $0x0;
	s19 =	sadd.s32 @!p0 s5, s19  }
0x401: {  	[hbm4b:s19+s20] =	stream.linear.scatter @!p0 [tilespmem:s23], [sflag:$0x10], $0x4000, $0x38;
	[tilespmem:$0x1F480] =	vst v63  }
0x402: {  	s23 =	sadd.s32 $0xFFFFFFFB, s11  }
0x403: {  	p1 =	sge.s32 s23, s1  }
0x404: {  	s19 =	simm.s32 @!p1 $0xB  }
0x405: {  	_ =	swait.ge @!p1 [sflag:s19], $0x4000  }
0x406: {  	[sflag:s19] =	ssyncset.done @!p1 $0x0  }
0x407: {  	[sflag:s19] =	ssyncadd.s32 @!p1 $0xFFFFC000  }
0x408: {  	v8 =	vld @!p1 [tilespmem:s15+$0xFFFFFFB0];
	_ =	sdelay $0x4  }
0x409: {  	vm3 =	vgt.s32 @!p1 v8, $0x0  }
0x40a: {  	v8 =	vnsel @!p1 vm3, $0x0, v8  }
0x40b: {  	v8 =	vmin.u32 @!p1 v8, $0x7FFF  }
0x40c: {  	v9 =	vshll.u32 @!p1 v8, $0x3  }
0x40d: {  	v11 =	vlaneseq.u32 @!p1;
	v10 =	vand.u32 @!p1 $0x7, v8;
	v9 =	vand.u32 @!p1 $0x3FFC0, v9  }
0x40e: {  	v12 =	vshrl.u32 @!p1 v11, $0x3;
	v9 =	vor.u32 @!p1 v10, v9;
	v10 =	vand.u32 @!p1 $0x7, v11  }
0x40f: {  	v12 =	vmul.u32 @!p1 $0x8, v12;
	v10 =	vperm.xlane @!p1 v9, v10;
	_ =	sdelay $0x1  }
0x410: {  	v10 =	vadd.s32 @!p1 v12, v10;
	_ =	sdelay $0x3  }
0x411: {  	s20 =	simm.s32 @!p1 $0x3400;
	s19 =	simm.s32 @!p1 $0x0;
	vm3 =	vmmov @!p1 $0xffff;
	[tilespmem:$0x3100] =	vst @!p1 v8  }
0x412: {  	v8 =	vor.u32 @!p1 $0x8, v11;
	[tilespmem:s20], [sflag:$0x5] =	stream.indirect_vreg.gather @!p1 [hbm4b:s0+s19], $0x80, v10, vm3, $0xb8;
	[tilespmem:$0x1F480] =	vst v63  }
0x413: {  	v8 =	vperm.xlane @!p1 v9, v8;
	s20 =	simm.s32 @!p1 $0x3C00  }
0x414: {  	[tilespmem:s20], [sflag:$0x5] =	stream.indirect_vreg.gather @!p1 [hbm4b:s12+s19], $0x80, v10, vm3, $0xb8;
	[tilespmem:$0x1F480] =	vst v63  }
0x415: {  	v8 =	vadd.s32 @!p1 v12, v8;
	s20 =	simm.s32 @!p1 $0x4400  }
0x416: {  	[tilespmem:s20], [sflag:$0x5] =	stream.indirect_vreg.gather @!p1 [hbm4b:s13+s19], $0x80, v10, vm3, $0xb8;
	[tilespmem:$0x1F480] =	vst v63  }
0x417: {  	s20 =	simm.s32 @!p1 $0x4C00  }
0x418: {  	[tilespmem:s20], [sflag:$0x5] =	stream.indirect_vreg.gather @!p1 [hbm4b:s14+s19], $0x80, v10, vm3, $0xb8;
	[tilespmem:$0x1F480] =	vst v63  }
0x419: {  	s20 =	simm.s32 @!p1 $0x5400  }
0x41a: {  	[tilespmem:s20], [sflag:$0x5] =	stream.indirect_vreg.gather @!p1 [hbm4b:s0+s19], $0x80, v8, vm3, $0xb8;
	[tilespmem:$0x1F480] =	vst v63  }
0x41b: {  	s20 =	simm.s32 @!p1 $0x5C00  }
0x41c: {  	[tilespmem:s20], [sflag:$0x5] =	stream.indirect_vreg.gather @!p1 [hbm4b:s12+s19], $0x80, v8, vm3, $0xb8;
	[tilespmem:$0x1F480] =	vst v63  }
0x41d: {  	s20 =	simm.s32 @!p1 $0x6400  }
0x41e: {  	[tilespmem:s20], [sflag:$0x5] =	stream.indirect_vreg.gather @!p1 [hbm4b:s13+s19], $0x80, v8, vm3, $0xb8;
	[tilespmem:$0x1F480] =	vst v63  }
0x41f: {  	s20 =	simm.s32 @!p1 $0x6C00  }
0x420: {  	[tilespmem:s20], [sflag:$0x5] =	stream.indirect_vreg.gather @!p1 [hbm4b:s14+s19], $0x80, v8, vm3, $0xb8;
	[tilespmem:$0x1F480] =	vst v63  }
0x421: {  	s20 =	sadd.s32 $0xFFFFFFFC, s11  }
0x422: {  	p1 =	sge.s32 s20, s1  }
0x423: {  	s19 =	simm.s32 @!p1 $0xC  }
0x424: {  	_ =	swait.ge @!p1 [sflag:s19], $0x4000  }
0x425: {  	[sflag:s19] =	ssyncset.done @!p1 $0x0  }
0x426: {  	[sflag:s19] =	ssyncadd.s32 @!p1 $0xFFFFC000  }
0x427: {  	v8 =	vld @!p1 [tilespmem:s15+$0xFFFFFFC0];
	_ =	sdelay $0x4  }
0x428: {  	vm3 =	vgt.s32 @!p1 v8, $0x0  }
0x429: {  	v8 =	vnsel @!p1 vm3, $0x0, v8  }
0x42a: {  	v8 =	vmin.u32 @!p1 v8, $0x7FFF  }
0x42b: {  	v9 =	vshll.u32 @!p1 v8, $0x3  }
0x42c: {  	v11 =	vlaneseq.u32 @!p1;
	v10 =	vand.u32 @!p1 $0x7, v8;
	v9 =	vand.u32 @!p1 $0x3FFC0, v9  }
0x42d: {  	v12 =	vshrl.u32 @!p1 v11, $0x3;
	v9 =	vor.u32 @!p1 v10, v9;
	v10 =	vand.u32 @!p1 $0x7, v11  }
0x42e: {  	v12 =	vmul.u32 @!p1 $0x8, v12;
	v10 =	vperm.xlane @!p1 v9, v10;
	_ =	sdelay $0x1  }
0x42f: {  	v10 =	vadd.s32 @!p1 v12, v10;
	_ =	sdelay $0x3  }
0x430: {  	s20 =	simm.s32 @!p1 $0x7400;
	s19 =	simm.s32 @!p1 $0x0;
	vm3 =	vmmov @!p1 $0xffff;
	[tilespmem:$0x3180] =	vst @!p1 v8  }
0x431: {  	v8 =	vor.u32 @!p1 $0x8, v11;
	[tilespmem:s20], [sflag:$0x6] =	stream.indirect_vreg.gather @!p1 [hbm4b:s0+s19], $0x80, v10, vm3, $0xb8;
	[tilespmem:$0x1F480] =	vst v63  }
0x432: {  	v8 =	vperm.xlane @!p1 v9, v8;
	s20 =	simm.s32 @!p1 $0x7C00  }
0x433: {  	[tilespmem:s20], [sflag:$0x6] =	stream.indirect_vreg.gather @!p1 [hbm4b:s12+s19], $0x80, v10, vm3, $0xb8;
	[tilespmem:$0x1F480] =	vst v63  }
0x434: {  	v8 =	vadd.s32 @!p1 v12, v8;
	s20 =	simm.s32 @!p1 $0x8400  }
0x435: {  	[tilespmem:s20], [sflag:$0x6] =	stream.indirect_vreg.gather @!p1 [hbm4b:s13+s19], $0x80, v10, vm3, $0xb8;
	[tilespmem:$0x1F480] =	vst v63  }
0x436: {  	s20 =	simm.s32 @!p1 $0x8C00  }
0x437: {  	[tilespmem:s20], [sflag:$0x6] =	stream.indirect_vreg.gather @!p1 [hbm4b:s14+s19], $0x80, v10, vm3, $0xb8;
	[tilespmem:$0x1F480] =	vst v63  }
0x438: {  	s20 =	simm.s32 @!p1 $0x9400  }
0x439: {  	[tilespmem:s20], [sflag:$0x6] =	stream.indirect_vreg.gather @!p1 [hbm4b:s0+s19], $0x80, v8, vm3, $0xb8;
	[tilespmem:$0x1F480] =	vst v63  }
0x43a: {  	s20 =	simm.s32 @!p1 $0x9C00  }
0x43b: {  	[tilespmem:s20], [sflag:$0x6] =	stream.indirect_vreg.gather @!p1 [hbm4b:s12+s19], $0x80, v8, vm3, $0xb8;
	[tilespmem:$0x1F480] =	vst v63  }
0x43c: {  	s20 =	simm.s32 @!p1 $0xA400  }
0x43d: {  	[tilespmem:s20], [sflag:$0x6] =	stream.indirect_vreg.gather @!p1 [hbm4b:s13+s19], $0x80, v8, vm3, $0xb8;
	[tilespmem:$0x1F480] =	vst v63  }
0x43e: {  	s23 =	sadd.s32 $0xFFFFFFFD, s11;
	s20 =	simm.s32 @!p1 $0xAC00  }
0x43f: {  	[tilespmem:s20], [sflag:$0x6] =	stream.indirect_vreg.gather @!p1 [hbm4b:s14+s19], $0x80, v8, vm3, $0xb8;
	[tilespmem:$0x1F480] =	vst v63  }
0x440: {  	p1 =	sge.s32 s23, s1  }
0x441: {  	s19 =	simm.s32 @!p1 $0xD  }
0x442: {  	_ =	swait.ge @!p1 [sflag:s19], $0x4000  }
0x443: {  	[sflag:s19] =	ssyncset.done @!p1 $0x0  }
0x444: {  	[sflag:s19] =	ssyncadd.s32 @!p1 $0xFFFFC000  }
0x445: {  	v8 =	vld @!p1 [tilespmem:s15+$0xFFFFFFD0];
	_ =	sdelay $0x4  }
0x446: {  	vm3 =	vgt.s32 @!p1 v8, $0x0  }
0x447: {  	v8 =	vnsel @!p1 vm3, $0x0, v8  }
0x448: {  	v8 =	vmin.u32 @!p1 v8, $0x7FFF  }
0x449: {  	v9 =	vshll.u32 @!p1 v8, $0x3  }
0x44a: {  	v11 =	vlaneseq.u32 @!p1;
	v10 =	vand.u32 @!p1 $0x7, v8;
	v9 =	vand.u32 @!p1 $0x3FFC0, v9  }
0x44b: {  	v12 =	vshrl.u32 @!p1 v11, $0x3;
	v9 =	vor.u32 @!p1 v10, v9;
	v10 =	vand.u32 @!p1 $0x7, v11  }
0x44c: {  	v12 =	vmul.u32 @!p1 $0x8, v12;
	v10 =	vperm.xlane @!p1 v9, v10;
	_ =	sdelay $0x1  }
0x44d: {  	v10 =	vadd.s32 @!p1 v12, v10;
	_ =	sdelay $0x3  }
0x44e: {  	s20 =	simm.s32 @!p1 $0xB400;
	s19 =	simm.s32 @!p1 $0x0;
	vm3 =	vmmov @!p1 $0xffff;
	[tilespmem:$0x3200] =	vst @!p1 v8  }
0x44f: {  	v8 =	vor.u32 @!p1 $0x8, v11;
	[tilespmem:s20], [sflag:$0x7] =	stream.indirect_vreg.gather @!p1 [hbm4b:s0+s19], $0x80, v10, vm3, $0xb8;
	[tilespmem:$0x1F480] =	vst v63  }
0x450: {  	v8 =	vperm.xlane @!p1 v9, v8;
	s20 =	simm.s32 @!p1 $0xBC00  }
0x451: {  	[tilespmem:s20], [sflag:$0x7] =	stream.indirect_vreg.gather @!p1 [hbm4b:s12+s19], $0x80, v10, vm3, $0xb8;
	[tilespmem:$0x1F480] =	vst v63  }
0x452: {  	v8 =	vadd.s32 @!p1 v12, v8;
	s20 =	simm.s32 @!p1 $0xC400  }
0x453: {  	[tilespmem:s20], [sflag:$0x7] =	stream.indirect_vreg.gather @!p1 [hbm4b:s13+s19], $0x80, v10, vm3, $0xb8;
	[tilespmem:$0x1F480] =	vst v63  }
0x454: {  	s20 =	simm.s32 @!p1 $0xCC00  }
0x455: {  	[tilespmem:s20], [sflag:$0x7] =	stream.indirect_vreg.gather @!p1 [hbm4b:s14+s19], $0x80, v10, vm3, $0xb8;
	[tilespmem:$0x1F480] =	vst v63  }
0x456: {  	s20 =	simm.s32 @!p1 $0xD400  }
0x457: {  	[tilespmem:s20], [sflag:$0x7] =	stream.indirect_vreg.gather @!p1 [hbm4b:s0+s19], $0x80, v8, vm3, $0xb8;
	[tilespmem:$0x1F480] =	vst v63  }
0x458: {  	s20 =	simm.s32 @!p1 $0xDC00  }
0x459: {  	[tilespmem:s20], [sflag:$0x7] =	stream.indirect_vreg.gather @!p1 [hbm4b:s12+s19], $0x80, v8, vm3, $0xb8;
	[tilespmem:$0x1F480] =	vst v63  }
0x45a: {  	s20 =	simm.s32 @!p1 $0xE400  }
0x45b: {  	[tilespmem:s20], [sflag:$0x7] =	stream.indirect_vreg.gather @!p1 [hbm4b:s13+s19], $0x80, v8, vm3, $0xb8;
	[tilespmem:$0x1F480] =	vst v63  }
0x45c: {  	s20 =	simm.s32 @!p1 $0xEC00  }
0x45d: {  	[tilespmem:s20], [sflag:$0x7] =	stream.indirect_vreg.gather @!p1 [hbm4b:s14+s19], $0x80, v8, vm3, $0xb8;
	[tilespmem:$0x1F480] =	vst v63  }
0x45e: {  	s20 =	sadd.s32 $0xFFFFFFFE, s11  }
0x45f: {  	p1 =	sge.s32 s20, s1  }
0x460: {  	s19 =	simm.s32 @!p1 $0xE  }
0x461: {  	_ =	swait.ge @!p1 [sflag:s19], $0x4000  }
0x462: {  	[sflag:s19] =	ssyncset.done @!p1 $0x0  }
0x463: {  	[sflag:s19] =	ssyncadd.s32 @!p1 $0xFFFFC000  }
0x464: {  	v8 =	vld @!p1 [tilespmem:s15+$0xFFFFFFE0];
	_ =	sdelay $0x4  }
0x465: {  	vm3 =	vgt.s32 @!p1 v8, $0x0  }
0x466: {  	v8 =	vnsel @!p1 vm3, $0x0, v8  }
0x467: {  	v8 =	vmin.u32 @!p1 v8, $0x7FFF  }
0x468: {  	v9 =	vshll.u32 @!p1 v8, $0x3  }
0x469: {  	v11 =	vlaneseq.u32 @!p1;
	v10 =	vand.u32 @!p1 $0x7, v8;
	v9 =	vand.u32 @!p1 $0x3FFC0, v9  }
0x46a: {  	v12 =	vshrl.u32 @!p1 v11, $0x3;
	v9 =	vor.u32 @!p1 v10, v9;
	v10 =	vand.u32 @!p1 $0x7, v11  }
0x46b: {  	v12 =	vmul.u32 @!p1 $0x8, v12;
	v10 =	vperm.xlane @!p1 v9, v10;
	_ =	sdelay $0x1  }
0x46c: {  	v10 =	vadd.s32 @!p1 v12, v10;
	_ =	sdelay $0x3  }
0x46d: {  	s20 =	simm.s32 @!p1 $0xF400;
	s19 =	simm.s32 @!p1 $0x0;
	vm3 =	vmmov @!p1 $0xffff;
	[tilespmem:$0x3280] =	vst @!p1 v8  }
0x46e: {  	v8 =	vor.u32 @!p1 $0x8, v11;
	[tilespmem:s20], [sflag:$0x8] =	stream.indirect_vreg.gather @!p1 [hbm4b:s0+s19], $0x80, v10, vm3, $0xb8;
	[tilespmem:$0x1F480] =	vst v63  }
0x46f: {  	v8 =	vperm.xlane @!p1 v9, v8;
	s20 =	simm.s32 @!p1 $0xFC00  }
0x470: {  	[tilespmem:s20], [sflag:$0x8] =	stream.indirect_vreg.gather @!p1 [hbm4b:s12+s19], $0x80, v10, vm3, $0xb8;
	[tilespmem:$0x1F480] =	vst v63  }
0x471: {  	v8 =	vadd.s32 @!p1 v12, v8;
	s20 =	simm.s32 @!p1 $0x10400  }
0x472: {  	[tilespmem:s20], [sflag:$0x8] =	stream.indirect_vreg.gather @!p1 [hbm4b:s13+s19], $0x80, v10, vm3, $0xb8;
	[tilespmem:$0x1F480] =	vst v63  }
0x473: {  	s20 =	simm.s32 @!p1 $0x10C00  }
0x474: {  	[tilespmem:s20], [sflag:$0x8] =	stream.indirect_vreg.gather @!p1 [hbm4b:s14+s19], $0x80, v10, vm3, $0xb8;
	[tilespmem:$0x1F480] =	vst v63  }
0x475: {  	s20 =	simm.s32 @!p1 $0x11400  }
0x476: {  	[tilespmem:s20], [sflag:$0x8] =	stream.indirect_vreg.gather @!p1 [hbm4b:s0+s19], $0x80, v8, vm3, $0xb8;
	[tilespmem:$0x1F480] =	vst v63  }
0x477: {  	s20 =	simm.s32 @!p1 $0x11C00  }
0x478: {  	[tilespmem:s20], [sflag:$0x8] =	stream.indirect_vreg.gather @!p1 [hbm4b:s12+s19], $0x80, v8, vm3, $0xb8;
	[tilespmem:$0x1F480] =	vst v63  }
0x479: {  	s20 =	simm.s32 @!p1 $0x12400  }
0x47a: {  	[tilespmem:s20], [sflag:$0x8] =	stream.indirect_vreg.gather @!p1 [hbm4b:s13+s19], $0x80, v8, vm3, $0xb8;
	[tilespmem:$0x1F480] =	vst v63  }
0x47b: {  	s23 =	sadd.s32 $0xFFFFFFFF, s11;
	s20 =	simm.s32 @!p1 $0x12C00  }
0x47c: {  	[tilespmem:s20], [sflag:$0x8] =	stream.indirect_vreg.gather @!p1 [hbm4b:s14+s19], $0x80, v8, vm3, $0xb8;
	[tilespmem:$0x1F480] =	vst v63  }
0x47d: {  	p1 =	sge.s32 s23, s1  }
0x47e: {  	s19 =	simm.s32 @!p1 $0xF  }
0x47f: {  	_ =	swait.ge @!p1 [sflag:s19], $0x4000  }
0x480: {  	[sflag:s19] =	ssyncset.done @!p1 $0x0  }
0x481: {  	[sflag:s19] =	ssyncadd.s32 @!p1 $0xFFFFC000  }
0x482: {  	v8 =	vld @!p1 [tilespmem:s15+$0xFFFFFFF0];
	_ =	sdelay $0x4  }
0x483: {  	vm3 =	vgt.s32 @!p1 v8, $0x0  }
0x484: {  	v8 =	vnsel @!p1 vm3, $0x0, v8  }
0x485: {  	v8 =	vmin.u32 @!p1 v8, $0x7FFF  }
0x486: {  	v9 =	vshll.u32 @!p1 v8, $0x3  }
0x487: {  	v11 =	vlaneseq.u32 @!p1;
	v10 =	vand.u32 @!p1 $0x7, v8;
	v9 =	vand.u32 @!p1 $0x3FFC0, v9  }
0x488: {  	v12 =	vshrl.u32 @!p1 v11, $0x3;
	v9 =	vor.u32 @!p1 v10, v9;
	v10 =	vand.u32 @!p1 $0x7, v11  }
0x489: {  	v12 =	vmul.u32 @!p1 $0x8, v12;
	v10 =	vperm.xlane @!p1 v9, v10;
	_ =	sdelay $0x1  }
0x48a: {  	v10 =	vadd.s32 @!p1 v12, v10;
	_ =	sdelay $0x3  }
0x48b: {  	s20 =	simm.s32 @!p1 $0x13400;
	s19 =	simm.s32 @!p1 $0x0;
	vm3 =	vmmov @!p1 $0xffff;
	[tilespmem:$0x3300] =	vst @!p1 v8  }
0x48c: {  	v8 =	vor.u32 @!p1 $0x8, v11;
	[tilespmem:s20], [sflag:$0x9] =	stream.indirect_vreg.gather @!p1 [hbm4b:s0+s19], $0x80, v10, vm3, $0xb8;
	[tilespmem:$0x1F480] =	vst v63  }
0x48d: {  	v8 =	vperm.xlane @!p1 v9, v8;
	s20 =	simm.s32 @!p1 $0x13C00  }
0x48e: {  	[tilespmem:s20], [sflag:$0x9] =	stream.indirect_vreg.gather @!p1 [hbm4b:s12+s19], $0x80, v10, vm3, $0xb8;
	[tilespmem:$0x1F480] =	vst v63  }
0x48f: {  	v8 =	vadd.s32 @!p1 v12, v8;
	s20 =	simm.s32 @!p1 $0x14400  }
0x490: {  	[tilespmem:s20], [sflag:$0x9] =	stream.indirect_vreg.gather @!p1 [hbm4b:s13+s19], $0x80, v10, vm3, $0xb8;
	[tilespmem:$0x1F480] =	vst v63  }
0x491: {  	s20 =	simm.s32 @!p1 $0x14C00  }
0x492: {  	[tilespmem:s20], [sflag:$0x9] =	stream.indirect_vreg.gather @!p1 [hbm4b:s14+s19], $0x80, v10, vm3, $0xb8;
	[tilespmem:$0x1F480] =	vst v63  }
0x493: {  	s20 =	simm.s32 @!p1 $0x15400  }
0x494: {  	[tilespmem:s20], [sflag:$0x9] =	stream.indirect_vreg.gather @!p1 [hbm4b:s0+s19], $0x80, v8, vm3, $0xb8;
	[tilespmem:$0x1F480] =	vst v63  }
0x495: {  	s20 =	simm.s32 @!p1 $0x15C00  }
0x496: {  	[tilespmem:s20], [sflag:$0x9] =	stream.indirect_vreg.gather @!p1 [hbm4b:s12+s19], $0x80, v8, vm3, $0xb8;
	[tilespmem:$0x1F480] =	vst v63  }
0x497: {  	s20 =	simm.s32 @!p1 $0x16400  }
0x498: {  	[tilespmem:s20], [sflag:$0x9] =	stream.indirect_vreg.gather @!p1 [hbm4b:s13+s19], $0x80, v8, vm3, $0xb8;
	[tilespmem:$0x1F480] =	vst v63  }
0x499: {  	s20 =	simm.s32 @!p1 $0x16C00  }
0x49a: {  	[tilespmem:s20], [sflag:$0x9] =	stream.indirect_vreg.gather @!p1 [hbm4b:s14+s19], $0x80, v8, vm3, $0xb8;
	[tilespmem:$0x1F480] =	vst v63  }
0x49b: {  	p1 =	sge.s32 s11, s1  }
0x49c: {  	s19 =	simm.s32 @!p1 $0x10  }
0x49d: {  	_ =	swait.ge @!p1 [sflag:s19], $0x4000  }
0x49e: {  	[sflag:s19] =	ssyncset.done @!p1 $0x0  }
0x49f: {  	[sflag:s19] =	ssyncadd.s32 @!p1 $0xFFFFC000  }
0x4a0: {  	v8 =	vld @!p1 [tilespmem:s15+$0x0];
	_ =	sdelay $0x4  }
0x4a1: {  	vm3 =	vgt.s32 @!p1 v8, $0x0  }
0x4a2: {  	v8 =	vnsel @!p1 vm3, $0x0, v8  }
0x4a3: {  	v8 =	vmin.u32 @!p1 v8, $0x7FFF  }
0x4a4: {  	v9 =	vshll.u32 @!p1 v8, $0x3  }
0x4a5: {  	v11 =	vlaneseq.u32 @!p1;
	v10 =	vand.u32 @!p1 $0x7, v8;
	v9 =	vand.u32 @!p1 $0x3FFC0, v9  }
0x4a6: {  	v12 =	vshrl.u32 @!p1 v11, $0x3;
	v9 =	vor.u32 @!p1 v10, v9;
	v10 =	vand.u32 @!p1 $0x7, v11  }
0x4a7: {  	v12 =	vmul.u32 @!p1 $0x8, v12;
	v10 =	vperm.xlane @!p1 v9, v10;
	_ =	sdelay $0x1  }
0x4a8: {  	v10 =	vadd.s32 @!p1 v12, v10;
	_ =	sdelay $0x3  }
0x4a9: {  	s20 =	simm.s32 @!p1 $0x17400;
	s19 =	simm.s32 @!p1 $0x0;
	vm3 =	vmmov @!p1 $0xffff;
	[tilespmem:$0x3380] =	vst @!p1 v8  }
0x4aa: {  	v8 =	vor.u32 @!p1 $0x8, v11;
	[tilespmem:s20], [sflag:$0xA] =	stream.indirect_vreg.gather @!p1 [hbm4b:s0+s19], $0x80, v10, vm3, $0xb8;
	[tilespmem:$0x1F480] =	vst v63  }
0x4ab: {  	v8 =	vperm.xlane @!p1 v9, v8;
	s20 =	simm.s32 @!p1 $0x17C00  }
0x4ac: {  	[tilespmem:s20], [sflag:$0xA] =	stream.indirect_vreg.gather @!p1 [hbm4b:s12+s19], $0x80, v10, vm3, $0xb8;
	[tilespmem:$0x1F480] =	vst v63  }
0x4ad: {  	v8 =	vadd.s32 @!p1 v12, v8;
	s20 =	simm.s32 @!p1 $0x18400  }
0x4ae: {  	[tilespmem:s20], [sflag:$0xA] =	stream.indirect_vreg.gather @!p1 [hbm4b:s13+s19], $0x80, v10, vm3, $0xb8;
	[tilespmem:$0x1F480] =	vst v63  }
0x4af: {  	s20 =	simm.s32 @!p1 $0x18C00  }
0x4b0: {  	[tilespmem:s20], [sflag:$0xA] =	stream.indirect_vreg.gather @!p1 [hbm4b:s14+s19], $0x80, v10, vm3, $0xb8;
	[tilespmem:$0x1F480] =	vst v63  }
0x4b1: {  	s10 =	sadd.s32 $0xFFFFFFFF, s10;
	s20 =	simm.s32 @!p1 $0x19400  }
0x4b2: {  	[tilespmem:s20], [sflag:$0xA] =	stream.indirect_vreg.gather @!p1 [hbm4b:s0+s19], $0x80, v8, vm3, $0xb8;
	[tilespmem:$0x1F480] =	vst v63  }
0x4b3: {  	p0 =	sne.s32 s10, $0x0;
	s20 =	simm.s32 @!p1 $0x19C00  }
0x4b4: {  	[tilespmem:s20], [sflag:$0xA] =	stream.indirect_vreg.gather @!p1 [hbm4b:s12+s19], $0x80, v8, vm3, $0xb8;
	[tilespmem:$0x1F480] =	vst v63  }
.Ltmp27:
0x4b5: {  	_ = 	snop;
	(pc) =	sbr.rel @p0 .LBB2_40-.Ltmp27, $4  }
0x4b6: {  	s17 =	sadd.s32 $0x18000, s17;
	s20 =	simm.s32 @!p1 $0x1A400  }
0x4b7: {  	[tilespmem:s20], [sflag:$0xA] =	stream.indirect_vreg.gather @!p1 [hbm4b:s13+s19], $0x80, v8, vm3, $0xb8;
	[tilespmem:$0x1F480] =	vst v63  }
0x4b8: {  	s11 =	sadd.s32 $0x6, s11;
	s15 =	sadd.s32 $0x60, s15;
	s20 =	simm.s32 @!p1 $0x1AC00  }
0x4b9: {  	[tilespmem:s20], [sflag:$0xA] =	stream.indirect_vreg.gather @!p1 [hbm4b:s14+s19], $0x80, v8, vm3, $0xb8;
	[tilespmem:$0x1F480] =	vst v63  }
.LBB2_41:
0x4ba: {  	s10 =	sld [smem:$0x7F6];
	_ =	sdelay $0x2  }
0x4bb: {  	p0 =	seq.s32 s10, $0x1  }
0x4bc: {  	s10 =	simm.s32 @!p0 $0xB  }
0x4bd: {  	_ =	swait.ge @!p0 [sflag:s10], $0x4000  }
0x4be: {  	[sflag:s10] =	ssyncset.done @!p0 $0x0  }
0x4bf: {  	[sflag:s10] =	ssyncadd.s32 @!p0 $0xFFFFC000;
	s10 =	simm.s32 @p5 $0xC  }
0x4c0: {  	_ =	swait.ge @p5 [sflag:s10], $0x4000  }
0x4c1: {  	[sflag:s10] =	ssyncset.done @p5 $0x0  }
0x4c2: {  	[sflag:s10] =	ssyncadd.s32 @p5 $0xFFFFC000;
	s10 =	simm.s32 @p6 $0xD  }
0x4c3: {  	_ =	swait.ge @p6 [sflag:s10], $0x4000  }
0x4c4: {  	s20 =	sld [smem:$0x7F5];
	_ =	sdelay $0x2  }
0x4c5: {  	[sflag:s10] =	ssyncset.done @p6 $0x0;
	p0 =	seq.s32 s20, $0x1  }
0x4c6: {  	[sflag:s10] =	ssyncadd.s32 @p6 $0xFFFFC000;
	s10 =	simm.s32 @p0 $0xE  }
0x4c7: {  	_ =	swait.ge @p0 [sflag:s10], $0x4000  }
0x4c8: {  	[sflag:s10] =	ssyncset.done @p0 $0x0  }
0x4c9: {  	[sflag:s10] =	ssyncadd.s32 @p0 $0xFFFFC000;
	s10 =	simm.s32 @p3 $0xF  }
0x4ca: {  	_ =	swait.ge @p3 [sflag:s10], $0x4000  }
0x4cb: {  	[sflag:s10] =	ssyncset.done @p3 $0x0  }
0x4cc: {  	[sflag:s10] =	ssyncadd.s32 @p3 $0xFFFFC000;
	s10 =	simm.s32 @p4 $0x10  }
0x4cd: {  	_ =	swait.ge @p4 [sflag:s10], $0x4000  }
0x4ce: {  	s23 =	sld [smem:$0x7F7];
	_ =	sdelay $0x2  }
0x4cf: {  	p0 =	seq.s32 s23, $0x1  }
.Ltmp28:
0x4d0: {  	_ = 	snop;
	(pc) =	sbr.rel @p0 .LBB2_47-.Ltmp28, $3  }
0x4d1: {  	_ =	sdelay $0x1  }
0x4d2: {  	[sflag:s10] =	ssyncset.done @p4 $0x0  }
0x4d3: {  	[sflag:s10] =	ssyncadd.s32 @p4 $0xFFFFC000  }
0x4d4: {  	v8 =	vld [tilespmem:s9+$0x2600];
	_ =	sdelay $0x4  }
0x4d5: {  	vm3 =	vgt.s32 v8, $0x0  }
0x4d6: {  	v9 =	vor.u32 s9, v1;
	v8 =	vnsel vm3, $0x0, v8  }
0x4d7: {  	vm3 =	vlt.s32 v9, v7;
	v7 =	vmin.u32 v8, $0x7FFF  }
0x4d8: {  	v7 =	vnsel vm3, $0x0, v7  }
0x4d9: {  	v8 =	vshll.u32 v7, $0x3  }
0x4da: {  	v63 =	vand.u32 $0x7, v7;
	v8 =	vand.u32 $0x3FFC0, v8  }
0x4db: {  	v8 =	vor.u32 v63, v8  }
0x4dc: {  	v9 =	vperm.xlane v8, v3;
	_ =	sdelay $0x1  }
0x4dd: {  	v9 =	vadd.s32 v4, v9;
	_ =	sdelay $0x3  }
0x4de: {  	s23 =	simm.s32 $0x3400;
	[tilespmem:$0x3100] =	vst v7  }
0x4df: {  	[tilespmem:s23], [sflag:$0x12] =	stream.indirect_vreg.gather [hbm4b:s0+s7], $0x80, v9, vm2, $0xb8;
	[tilespmem:$0x1F480] =	vst v63  }
0x4e0: {  	s10 =	simm.s32 $0x3C00;
	v7 =	vperm.xlane v8, v5  }
0x4e1: {  	[tilespmem:s10], [sflag:$0x12] =	stream.indirect_vreg.gather [hbm4b:s12+s7], $0x80, v9, vm2, $0xb8;
	[tilespmem:$0x1F480] =	vst v63  }
0x4e2: {  	s11 =	simm.s32 $0x4400;
	v7 =	vadd.s32 v4, v7  }
0x4e3: {  	[tilespmem:s11], [sflag:$0x12] =	stream.indirect_vreg.gather [hbm4b:s13+s7], $0x80, v9, vm2, $0xb8;
	[tilespmem:$0x1F480] =	vst v63  }
0x4e4: {  	s15 =	simm.s32 $0x4C00  }
0x4e5: {  	[tilespmem:s15], [sflag:$0x12] =	stream.indirect_vreg.gather [hbm4b:s14+s7], $0x80, v9, vm2, $0xb8;
	[tilespmem:$0x1F480] =	vst v63  }
0x4e6: {  	s17 =	simm.s32 $0x5400  }
0x4e7: {  	[tilespmem:s17], [sflag:$0x12] =	stream.indirect_vreg.gather [hbm4b:s0+s7], $0x80, v7, vm2, $0xb8;
	[tilespmem:$0x1F480] =	vst v63  }
0x4e8: {  	s19 =	simm.s32 $0x5C00  }
0x4e9: {  	[tilespmem:s19], [sflag:$0x12] =	stream.indirect_vreg.gather [hbm4b:s12+s7], $0x80, v7, vm2, $0xb8;
	[tilespmem:$0x1F480] =	vst v63  }
0x4ea: {  	s20 =	simm.s32 $0x6400;
	p0 =	sgt.u32 s6, $0xF  }
0x4eb: {  	[tilespmem:s20], [sflag:$0x12] =	stream.indirect_vreg.gather [hbm4b:s13+s7], $0x80, v7, vm2, $0xb8;
	[tilespmem:$0x1F480] =	vst v63  }
.Ltmp29:
0x4ec: {  	s23 =	simm.s32 $0x6C00;
	(pc) =	sbr.rel @p0 .LBB2_46-.Ltmp29, $4  }
0x4ed: {  	[tilespmem:s23], [sflag:$0x12] =	stream.indirect_vreg.gather [hbm4b:s14+s7], $0x80, v7, vm2, $0xb8;
	[tilespmem:$0x1F480] =	vst v63  }
0x4ee: {  	_ =	swait.ge [sflag:s22], $0x4000  }
0x4ef: {  	[sflag:s22] =	ssyncset.done $0x0  }
0x4f0: {  	[sflag:s22] =	ssyncadd.s32 $0xFFFFC000  }
.LBB2_43:
0x4f1: {  	s9 =	sshll.u32 s6, $0xA;
	s10 =	sshll.u32 s6, $0x7  }
0x4f2: {  	s9 =	sand.u32 $0x7FFFE000, s9;
	s10 =	sand.u32 $0x380, s10  }
0x4f3: {  	s10 =	sor.u32 s10, s9;
	s9 =	simm.s32 $0x0  }
0x4f4: {  	s10 =	sadd.s32 $0x3400, s10;
	s11 =	sand.u32 $0x1C00, s9  }
0x4f5: {  	s15 =	sand.u32 $0x70, s9;
	s17 =	sadd.s32 s11, s10  }
0x4f6: {  	s11 =	simm.s32 $0x10;
	s15 =	sadd.s32 s15, s17  }
.LBB2_44:
0x4f7: {  	p0 =	sne.s32 s11, $0x3F0  }
0x4f8: {  	[tilespmem:s15+$0x0] =	vst v6;
	s9 =	sadd.s32 $0x80, s9;
	s15 =	smov.u32 s11;
	s11 =	sadd.s32 $0x10, s11  }
.Ltmp30:
0x4f9: {  	(pc) =	sbr.rel @p0 .LBB2_44-.Ltmp30, $4  }
0x4fa: {  	_ = 	snop  }
0x4fb: {  	s17 =	sand.u32 $0x1C00, s9  }
0x4fc: {  	s15 =	sand.u32 $0x70, s15;
	s17 =	sadd.s32 s17, s10  }
0x4fd: {  	s15 =	sadd.s32 s15, s17  }
0x4fe: {  	s6 =	sadd.s32 $0x1, s6  }
0x4ff: {  	p0 =	sne.s32 s6, $0x10  }
.Ltmp31:
0x500: {  	_ = 	snop;
	(pc) =	sbr.rel @p0 .LBB2_43-.Ltmp31, $2  }
0x501: {  	_ =	sdelay $0x2  }
0x502: {  	[tilespmem:s15+$0x0] =	vst v6  }
.LBB2_46:
0x503: {  	s1 =	sshll.u32 s1, $0xE;
	s6 =	rddreg [dreg:$0xe]  }
0x504: {  	s1 =	sadd.s32 s6, s1  }
0x505: {  	s1 =	sshrl.u32 s1, $0x3  }
0x506: {  	s23 =	simm.s32 $0x3400;
	s1 =	sadd.s32 s5, s1  }
0x507: {  	[hbm4b:s1+s7] =	stream.linear.scatter [tilespmem:s23], [sflag:$0x12], $0x4000, $0x38;
	[tilespmem:$0x1F480] =	vst v63  }
0x508: {  	_ =	swait.ge [sflag:s22], $0x4000  }
0x509: {  	[sflag:s22] =	ssyncset.done $0x0  }
0x50a: {  	[sflag:s22] =	ssyncadd.s32 $0xFFFFC000  }
.LBB2_47:
0x50b: {  	s1 =	sld [smem:$0x7F8];
	_ =	sdelay $0x2  }
0x50c: {  	p0 =	seq.s32 s1, $0x1  }
.Ltmp32:
0x50d: {  	_ = 	snop;
	(pc) =	sbr.rel @p0 .LBB2_51-.Ltmp32, $1  }
0x50e: {  	_ =	sdelay $0x3  }
0x50f: {  	p0 =	sne.s32 s18, $0x1  }
.Ltmp33:
0x510: {  	_ = 	snop;
	(pc) =	sbr.rel @!p0 .LBB2_50-.Ltmp33, $3  }
0x511: {  	_ =	sdelay $0x1  }
0x512: {  	_ =	swait.ge [sflag:s4], $0x4000  }
0x513: {  	s1 =	sadd.s32 $0xFFFFFFFF, s18;
	[sflag:s4] =	ssyncset.done $0x0  }
.LBB2_49:
0x514: {  	p0 =	sne.s32 s1, $0x1;
	s1 =	sadd.s32 $0xFFFFFFFF, s1;
	[sflag:s4] =	ssyncadd.s32 $0xFFFFC000  }
.Ltmp34:
0x515: {  	(pc) =	sbr.rel @p0 .LBB2_49-.Ltmp34, $3  }
0x516: {  	_ =	sdelay $0x1  }
0x517: {  	_ =	swait.ge [sflag:s4], $0x4000  }
0x518: {  	[sflag:s4] =	ssyncset.done $0x0  }
.Ltmp35:
0x519: {  	_ = 	snop;
	(pc) =	sbr.rel .LBB2_50-.Ltmp35, $1  }
0x51a: {  	_ =	sdelay $0x3  }
.LBB2_52:
0x51b: {  	_ =	sfence.sel $0x180000  }
0x51c: {  	[bflag:$0x0] =	sbarrier.arrive $0xFFFF  }
0x51d: {  	_ =	strace $0x90000047  }
0x51e: {  	s0 =	stileid.u32;
	[bflag:$0x2] =	sbarrier.arrive $0xFFFF  }
0x51f: {  	p0 =	sne.s32 s0, $0x0;
	s0 =	rddreg [dreg:$0x7]  }
0x520: {  	s0 =	sadd.s32 @!p0 $0x100000, s0  }
0x521: {  	[sflag:s0] =	ssyncadd.tile.s32 @!p0 $0x1;
	_ =	shalt  }
.Lfunc_end2:
_tile_overlayer_lowered:
.L_overlay_start_2:
0x522: {  	(tag) =	ssettag $0x2  }
0x523: {  	s0 =	rddreg [dreg:$0x0];
	s2 =	stileid.u32  }
0x524: {  	s1 =	rddreg [dreg:$0x1];
	p0 =	sne.s32 s2, $0x0  }
0x525: {  	s3 =	rddreg [dreg:$0x2];
	[bflag:$0x3] =	sbarrier.arrive $0xFFFF;
	s2 =	simm.s32 @!p0 $0x1C12  }
0x526: {  	[timem:s3], [sflag:s2] =	dma.local @!p0 [hbm:s0], s1  }
0x527: {  	s0 =	simm.s32 @!p0 $0x12  }
0x528: {  	_ =	swait.ge @!p0 [sflag:s0], s1  }
0x529: {  	s1 =	ssub.s32 @!p0 $0x0, s1;
	[sflag:s0] =	ssyncset.done @!p0 $0x0  }
0x52a: {  	[sflag:s0] =	ssyncadd.s32 @!p0 s1  }
0x52b: {  	[bflag:$0x3] =	sbarrier.arrive $0xFFFF  }
0x52c: {  	_ =	shalt  }

// kernel: kernel.7.cloned.1.call-start
scs
__scs_entry_jumppad:
0x0: {  	(pc) =	sbr.rel $0x88, $3  }
0x1: {  	(tag) =	ssettag $0x0;
	lr =	simm.s32 $0x1  }
0x2: {  	[smem:$0x3F9E] =	sst lr;
	_ =	strace $0xD0000000  }
0x3: {  	_ = 	snop  }
0x4: {  	_ = 	snop  }
0x5: {  	_ = 	snop  }
0x6: {  	_ = 	snop  }
0x7: {  	_ = 	snop  }
__scs_overlays_trampoline_lowered:
0x8: {  	[smem:$0x3FAD] =	sst s0  }
0x9: {  	[smem:$0x3FAE] =	sst s1  }
0xa: {  	[smem:$0x3FAF] =	sst s2  }
0xb: {  	[smem:$0x3FB0] =	sst s3  }
0xc: {  	[smem:$0x3FB1] =	sst s4  }
0xd: {  	[smem:$0x3FB2] =	sst s5  }
0xe: {  	[smem:$0x3FB3] =	sst s6  }
0xf: {  	[smem:$0x3FB4] =	sst s7  }
0x10: {  	[smem:$0x3FB5] =	sst s8  }
0x11: {  	[smem:$0x3FB6] =	sst s9;
	s0 =	simm.s32 @!p0 $0x0  }
0x12: {  	s1 =	sld [smem:$0x3F9C];
	s0 =	simm.s32 @p0 $0x1  }
0x13: {  	[smem:$0x3FB7] =	sst s0;
	s0 =	simm.s32 @!p1 $0x0  }
0x14: {  	s2 =	sld [smem:$0x3F9B];
	s0 =	simm.s32 @p1 $0x1  }
0x15: {  	[smem:$0x3FB8] =	sst s0;
	s0 =	simm.s32 @!p2 $0x0  }
0x16: {  	s3 =	sld [smem:$0x3FDB];
	s0 =	simm.s32 @p2 $0x1  }
0x17: {  	s4 =	simm.s32 $0x1BF5;
	[smem:$0x3FBA] =	sst s0  }
0x18: {  	s0 =	sld [smem:$0x3F9D];
	_ =	swait.ge [sflag:s4], $0x0  }
0x19: {  	s7 =	sld [smem:$0x3F9E]  }
0x1a: {  	s8 =	sadd.s32 $0xFFFFE003, lr  }
0x1b: {  	s9 =	sadd.s32 $0xFFFFFEF7, lr;
	s5 =	simm.s32 $0xFFFFFFFF;
	p2 =	slt.u32 s8, $0xFFFFF086  }
0x1c: {  	p1 =	slt.u32 s9, $0xF7A;
	s5 =	simm.s32 @!p2 $0x0  }
0x1d: {  	s5 =	simm.s32 @p1 $0x1;
	p0 =	seq.s32 s7, s2  }
0x1e: {  	s7 =	smul.u32 @!p0 $0xF7A, s2;
	p2 =	seq.s32 @!p0 s5, $0x0  }
0x1f: {  	s9 =	smul.u32 $0xF7A, s1;
	s8 =	simm.s32 @!p0 $0x1BF5;
	p2 =	por !p2, p0  }
0x20: {  	[sflag:s8] =	ssyncset.s32 @!p0 $0xFFFFF086;
	s6 =	sadd.s32 @!p0 s3, s7;
	s7 =	simm.s32 @!p0 $0x108  }
0x21: {  	s3 =	sadd.s32 s3, s9;
	s6 =	sadd.s32 @!p0 $0x88, s6;
	s7 =	simm.s32 @p2 $0x1082  }
0x22: {  	[simem:s7], [sflag:s8] =	dma.local @!p0 [hbm:s6], $0xF7A  }
0x23: {  	s9 =	sor.u32 $0xD0000000, s2;
	s6 =	simm.s32 $0x108;
	_ =	swait.ge @!p0 [sflag:s8], $0x0  }
0x24: {  	s3 =	sadd.s32 $0x88, s3;
	s6 =	simm.s32 @!p1 $0x1082;
	[sflag:s4] =	ssyncset.s32 $0xFFFFF086  }
0x25: {  	[simem:s6], [sflag:s4] =	dma.local [hbm:s3], $0xF7A  }
0x26: {  	[smem:$0x3F9E] =	sst s1;
	(tag) =	ssettag s2;
	_ =	strace s9  }
0x27: {  	s1 =	sld [smem:$0x3FAE]  }
0x28: {  	s2 =	sld [smem:$0x3FAF]  }
0x29: {  	s4 =	sld [smem:$0x3FB1]  }
0x2a: {  	p0 =	seq.s32 s5, $0x0;
	s5 =	sld [smem:$0x3FB2]  }
0x2b: {  	s6 =	sld [smem:$0x3FB3]  }
0x2c: {  	s7 =	sld [smem:$0x3FB4]  }
0x2d: {  	s3 =	simm.s32 $0x108;
	s8 =	sld [smem:$0x3FB5]  }
0x2e: {  	s3 =	simm.s32 @!p0 $0x1082;
	s9 =	sld [smem:$0x3FB6]  }
0x2f: {  	lr =	sadd.s32 s0, s3;
	s0 =	sld [smem:$0x3FAD]  }
0x30: {  	s3 =	sld [smem:$0x3FB0]  }
0x31: {  	[smem:$0x3FB9] =	sst s10  }
0x32: {  	s10 =	sld [smem:$0x3FB7];
	_ =	sdelay $0x3  }
0x33: {  	p0 =	seq.s32 s10, $0x1;
	s10 =	sld [smem:$0x3FB9];
	_ =	sdelay $0x3  }
0x34: {  	[smem:$0x3FB9] =	sst s10  }
0x35: {  	s10 =	sld [smem:$0x3FB8];
	_ =	sdelay $0x3  }
0x36: {  	p1 =	seq.s32 s10, $0x1;
	s10 =	sld [smem:$0x3FB9];
	_ =	sdelay $0x3  }
0x37: {  	[smem:$0x3FB9] =	sst s10  }
0x38: {  	s10 =	sld [smem:$0x3FBA]  }
0x39: {  	_ = 	snop;
	(pc) =	sbr.ind lr, $3  }
0x3a: {  	_ = 	snop  }
0x3b: {  	_ = 	snop  }
0x3c: {  	p2 =	seq.s32 s10, $0x1;
	s10 =	sld [smem:$0x3FB9]  }
0x3d: {  	_ =	shalt  }
0x3e: {  	_ =	shalt  }
0x3f: {  	_ =	shalt  }
0x40: {  	_ =	shalt  }
0x41: {  	_ =	shalt  }
0x42: {  	_ =	shalt  }
0x43: {  	_ =	shalt  }
0x44: {  	_ =	shalt  }
0x45: {  	_ =	shalt  }
0x46: {  	_ =	shalt  }
0x47: {  	_ =	shalt  }
0x48: {  	_ =	shalt  }
0x49: {  	_ =	shalt  }
0x4a: {  	_ =	shalt  }
0x4b: {  	_ =	shalt  }
0x4c: {  	_ =	shalt  }
0x4d: {  	_ =	shalt  }
0x4e: {  	_ =	shalt  }
0x4f: {  	_ =	shalt  }
0x50: {  	_ =	shalt  }
0x51: {  	_ =	shalt  }
0x52: {  	_ =	shalt  }
0x53: {  	_ =	shalt  }
0x54: {  	_ =	shalt  }
0x55: {  	_ =	shalt  }
0x56: {  	_ =	shalt  }
0x57: {  	_ =	shalt  }
0x58: {  	_ =	shalt  }
0x59: {  	_ =	shalt  }
0x5a: {  	_ =	shalt  }
0x5b: {  	_ =	shalt  }
0x5c: {  	_ =	shalt  }
0x5d: {  	_ =	shalt  }
0x5e: {  	_ =	shalt  }
0x5f: {  	_ =	shalt  }
0x60: {  	_ =	shalt  }
0x61: {  	_ =	shalt  }
0x62: {  	_ =	shalt  }
0x63: {  	_ =	shalt  }
0x64: {  	_ =	shalt  }
0x65: {  	_ =	shalt  }
0x66: {  	_ =	shalt  }
0x67: {  	_ =	shalt  }
0x68: {  	_ =	shalt  }
0x69: {  	_ =	shalt  }
0x6a: {  	_ =	shalt  }
0x6b: {  	_ =	shalt  }
0x6c: {  	_ =	shalt  }
0x6d: {  	_ =	shalt  }
0x6e: {  	_ =	shalt  }
0x6f: {  	_ =	shalt  }
0x70: {  	_ =	shalt  }
0x71: {  	_ =	shalt  }
0x72: {  	_ =	shalt  }
0x73: {  	_ =	shalt  }
0x74: {  	_ =	shalt  }
0x75: {  	_ =	shalt  }
0x76: {  	_ =	shalt  }
0x77: {  	_ =	shalt  }
0x78: {  	_ =	shalt  }
0x79: {  	_ =	shalt  }
0x7a: {  	_ =	shalt  }
0x7b: {  	_ =	shalt  }
0x7c: {  	_ =	shalt  }
0x7d: {  	_ =	shalt  }
0x7e: {  	_ =	shalt  }
0x7f: {  	_ =	shalt  }
0x80: {  	_ =	shalt  }
0x81: {  	_ =	shalt  }
0x82: {  	_ =	shalt  }
0x83: {  	_ =	shalt  }
0x84: {  	_ =	shalt  }
0x85: {  	_ =	shalt  }
0x86: {  	_ =	shalt  }
0x87: {  	_ =	shalt  }
.Lfunc_end0:
.L_simem_size_0:
called_computation.1_lowered:
.L_overlay_start_0:
0x88: {  	s2 =	sld [smem:$0x3FD9]  }
0x89: {  	s3 =	sld [smem:$0x3FFE];
	_ =	sdelay $0x1  }
0x8a: {  	s1 =	srdreg.scid  }
0x8b: {  	s0 =	sand.u32 $0x1, s1  }
0x8c: {  	s14 =	sshll.u32 s0, $0xA;
	s2 =	sadd.s32 s3, s2  }
0x8d: {  	s2 =	sadd.s32 s2, s14  }
0x8e: {  	[smem:$0x3FC5] =	sst s2  }
0x8f: {  	_ = 	snop  }
0x90: {  	s2 =	sld [smem:$0x3FD0];
	_ =	sdelay $0x2  }
0x91: {  	s15 =	simm.s32 $0xA;
	s4 =	simm.s32 $0x10  }
0x92: {  	[smem:s4], [sflag:s15] =	dma.local [hbm:s2], $0x1  }
0x93: {  	_ =	swait.eq [sflag:s15], $0x1  }
0x94: {  	[sflag:s15] =	ssyncset.done $0x0  }
0x95: {  	[sflag:s15] =	ssyncadd.s32 $0xFFFFFFFF  }
0x96: {  	s16 =	sld [smem:$0x13];
	(tm) =	ssettm $0x1  }
0x97: {  	s17 =	sld [smem:$0x3FFB];
	_ =	sdelay $0x3  }
0x98: {  	_ =	strace s17  }
0x99: {  	s3 =	sld [smem:$0x3FFC];
	_ =	sdelay $0x3  }
0x9a: {  	_ =	strace s3  }
0x9b: {  	s3 =	sld [smem:$0x3FFD];
	_ =	sdelay $0x3  }
0x9c: {  	_ =	strace s3  }
0x9d: {  	_ =	strace $0x8FFFFFFF  }
0x9e: {  	s18 =	sld [smem:$0x3FDB];
	_ =	sdelay $0x1  }
0x9f: {  	s19 =	simm.s32 $_scs_section_size  }
0xa0: {  	s5 =	simm.s32 $_size__tile_overlayer_lowered;
	s6 =	simm.s32 $_tile_overlayer_lowered  }
0xa1: {  	s22 =	simm.s32 $0x1BFF;
	s21 =	sshll.u32 s6, $0x1;
	s3 =	sadd.s32 s19, s18  }
0xa2: {  	s7 =	simm.s32 $0x0;
	s20 =	sshll.u32 s5, $0x1;
	s5 =	sadd.s32 s21, s3  }
0xa3: {  	[timem:s7], [sflag:s22] =	dma.local [hbm:s5], s20  }
0xa4: {  	_ =	swait.ge [sflag:s22], s20  }
0xa5: {  	s4 =	ssub.s32 $0x0, s20;
	[sflag:s22] =	ssyncset.done $0x0  }
0xa6: {  	[sflag:s22] =	ssyncadd.s32 s4;
	_ =	sdelay $0x1  }
0xa7: {  	s23 =	simm.s32 $0x1B8B  }
0xa8: {  	_ =	swait.ge [sflag:s23], $0x1  }
0xa9: {  	[sflag:s23] =	ssyncset.done $0x0  }
0xaa: {  	s25 =	simm.s32 $0x1B8E;
	s24 =	sld [smem:$0x3FFE];
	[sflag:s23] =	ssyncadd.s32 $0xFFFFFFFF  }
0xab: {  	s26 =	simm.s32 $execute0_lowered;
	[smem:$0x3FD2] =	sst s25  }
0xac: {  	s5 =	sshll.u32 s26, $0x1;
	_ =	strace $0x80000049;
	[dreg:$0x1] =	wrdreg $0xFFFFFFFF  }
0xad: {  	s28 =	simm.s32 $_size_execute0_lowered;
	s3 =	sadd.s32 s3, s5;
	[dreg:$0x0] =	wrdreg $0x0  }
0xae: {  	s5 =	sshll.u32 s28, $0x1;
	[dreg:$0x2] =	wrdreg s3  }
0xaf: {  	[dreg:$0x3] =	wrdreg s5  }
0xb0: {  	[dreg:$0x4] =	wrdreg $0xC0  }
0xb1: {  	_ =	task [dreg:s7], $0x5FFFF  }
0xb2: {  	[dreg:$0x1] =	wrdreg $0xFFFFFFFF  }
0xb3: {  	[dreg:$0x0] =	wrdreg $0x60  }
0xb4: {  	[dreg:$0x2] =	wrdreg s24  }
0xb5: {  	[dreg:$0x3] =	wrdreg s16  }
0xb6: {  	[dreg:$0x4] =	wrdreg $0x9  }
0xb7: {  	_ =	task.clear_ibuf [dreg:s7], $0x5FFFF;
	_ =	strace $0x90000049  }
0xb8: {  	s29 =	simm.s32 $0x9;
	_ =	strace $0x8000004B  }
0xb9: {  	_ =	swait.ge [sflag:s29], $0x1  }
0xba: {  	[sflag:s29] =	ssyncadd.s32 $0xFFFFFFFF  }
0xbb: {  	_ =	strace $0x9000004B  }
0xbc: {  	_ =	sfence  }
0xbd: {  	s30 =	sld [smem:$0x0];
	_ =	sdelay $0x2  }
0xbe: {  	s31 =	sshll.u32 s1, $0xD;
	s1 =	sshrl.u32 s1, $0x2  }
0xbf: {  	s3 =	sand.u32 $0x4000, s31;
	s1 =	sadd.s32 s1, s30  }
0xc0: {  	s0 =	sor.u32 s3, s0;
	s1 =	sshll.u32 s1, $0x11  }
0xc1: {  	s0 =	sor.u32 s1, s0  }
0xc2: {  	s0 =	sadd.s32 $0x8F2B, s0  }
0xc3: {  	[sflag:s0] =	ssyncadd.remote.s32 $0x1  }
0xc4: {  	_ =	sfence.sel $0xFFFF  }
0xc5: {  	[dreg:$0x0] =	wrdreg $0xFFFFFFFF;
	(pc) =	sbr.abs _section_cstart, $3  }
0xc6: {  	[dreg:$0x1] =	wrdreg $0xFFFFFFFF  }
0xc7: {  	_ =	task.clear_ibuf [dreg:s7], $0x2FFFF;
	_ =	strace $0x9FFFFFFF  }
0xc8: {  	(tm) =	ssettm $0x7FFFFFFF  }
0xc9: {  	_ =	shalt  }
tec
execute0_lowered:
.L_overlay_start_1:
0x0: {  	(tag) =	ssettag $0x1  }
0x1: {  	s0 =	srdreg.scid  }
0x2: {  	s4 =	sand.u32 $0x1, s0;
	s0 =	stileid.u32  }
0x3: {  	s5 =	sshll.u32 s0, $0x1;
	s6 =	ssub.s32 $0x0, s4  }
0x4: {  	p0 =	sne.s32 s5, s6  }
.Ltmp0:
0x5: {  	_ = 	snop;
	(pc) =	sbr.rel @p0 .LBB2_5-.Ltmp0, $4  }
0x6: {  	_ = 	snop  }
0x7: {  	s3 =	rddreg [dreg:$0x0]  }
0x8: {  	s2 =	rddreg [dreg:$0x1]  }
0x9: {  	s1 =	rddreg [dreg:$0x2];
	_ =	strace $0x8000004A  }
0xa: {  	s4 =	ssub.s32 $0x2, s4  }
0xb: {  	s3 =	sadd.s32 $0x2000, s3;
	s5 =	sshrl.u32 s4, $0x1  }
0xc: {  	s6 =	simm.s32 $0x1;
	s7 =	simm.s32 $0x200;
	s4 =	ssub.s32 s4, s5  }
0xd: {  	vm0 =	vmmov $0x1;
	s8 =	simm.s32 $0x0;
	s5 =	simm.s32 $0x0;
	s4 =	smax.u32 s4, $0x1  }
.LBB2_2:
0xe: {  	[tilespmem:s5], [sflag:$0x1] =	stream.linear.gather [hbm4b:s3+s5], $0x200, $0x38;
	[tilespmem:$0x280] =	vst v63  }
0xf: {  	_ =	swait.ge [sflag:s6], $0x200  }
0x10: {  	[sflag:s6] =	ssyncset.done $0x0  }
0x11: {  	s10 =	simm.s32 $0x0;
	[sflag:s6] =	ssyncadd.s32 $0xFFFFFE00  }
0x12: {  	v0 =	vimm.s32 $0x0;
	s9 =	simm.s32 $0x40;
	v1 =	vld [tilespmem:s10+$0x0]  }
.LBB2_3:
0x13: {  	_ =	sdelay $0x1  }
0x14: {  	p0 =	sne.s32 s9, $0x7C0  }
.Ltmp1:
0x15: {  	_ = 	snop;
	(pc) =	sbr.rel @p0 .LBB2_3-.Ltmp1, $4  }
0x16: {  	v2 =	vadd.s32 $0xFFFFFD80, v1  }
0x17: {  	vm1 =	vgt.s32 v2, $0x0  }
0x18: {  	s10 =	sshra.s32 s9, $0x2;
	v2 =	vnsel vm1, $0x0, v2  }
0x19: {  	s9 =	sadd.s32 $0x40, s9;
	v1 =	vld [tilespmem:s10+$0x0];
	v0 =	vadd.s32 v0, v2  }
0x1a: {  	_ =	sdelay $0x3  }
0x1b: {  	v1 =	vadd.s32 $0xFFFFFD80, v1  }
0x1c: {  	vm1 =	vgt.s32 v1, $0x0  }
0x1d: {  	v1 =	vnsel vm1, $0x0, v1  }
0x1e: {  	v0 =	vadd.s32 v0, v1  }
0x1f: {  	(xrf0) =	vadd.scan.msk.s32 $0xffff, v0;
	_ =	sdelay $0x5  }
0x20: {  	v0, _, _ =	vpop (xrf0)  }
0x21: {  	v0 =	vbroadcast v0, $0xF  }
0x22: {  	s8 =	sadd.s32 $0x1, s8  }
0x23: {  	p0 =	sne.s32 s8, s4;
	v0 =	vnsel vm0, $0x0, v0  }
.Ltmp2:
0x24: {  	[tilespmem:$0x200] =	vst v0;
	(pc) =	sbr.rel @p0 .LBB2_2-.Ltmp2, $4  }
0x25: {  	[hbm4b:s2+s5] =	stream.linear.scatter [tilespmem:s7], [sflag:$0x1], $0x80, $0x38;
	[tilespmem:$0x280] =	vst v63  }
0x26: {  	_ =	swait.ge [sflag:s6], $0x80  }
0x27: {  	[sflag:s6] =	ssyncset.done $0x0  }
0x28: {  	[sflag:s6] =	ssyncadd.s32 $0xFFFFFF80  }
.LBB2_5:
0x29: {  	_ =	sfence.sel $0x180000  }
0x2a: {  	[bflag:$0x0] =	sbarrier.arrive $0xFFFF  }
0x2b: {  	p0 =	sne.s32 s0, $0x0;
	_ =	strace $0x9000004A  }
0x2c: {  	s0 =	sadd.s32 @!p0 $0x100000, s1;
	[bflag:$0x2] =	sbarrier.arrive $0xFFFF  }
0x2d: {  	[sflag:s0] =	ssyncadd.tile.s32 @!p0 $0x1;
	_ =	shalt  }
.Lfunc_end2:
_tile_overlayer_lowered:
.L_overlay_start_2:
0x2e: {  	(tag) =	ssettag $0x2  }
0x2f: {  	s0 =	rddreg [dreg:$0x0];
	s2 =	stileid.u32  }
0x30: {  	s1 =	rddreg [dreg:$0x1];
	p0 =	sne.s32 s2, $0x0  }
0x31: {  	s3 =	rddreg [dreg:$0x2];
	[bflag:$0x3] =	sbarrier.arrive $0xFFFF;
	s2 =	simm.s32 @!p0 $0x1C01  }
0x32: {  	[timem:s3], [sflag:s2] =	dma.local @!p0 [hbm:s0], s1  }
0x33: {  	s0 =	simm.s32 @!p0 $0x1  }
0x34: {  	_ =	swait.ge @!p0 [sflag:s0], s1  }
0x35: {  	s1 =	ssub.s32 @!p0 $0x0, s1;
	[sflag:s0] =	ssyncset.done @!p0 $0x0  }
0x36: {  	[sflag:s0] =	ssyncadd.s32 @!p0 s1  }
0x37: {  	[bflag:$0x3] =	sbarrier.arrive $0xFFFF  }
0x38: {  	_ =	shalt  }

</sc_bundles>
